<compile_context>
chip_gen: v7x
topology: tpu7x:2x2x1
jax: 0.10.2.dev20260603
libtpu: 0.0.44.dev20260713+nightly
codegen_flags: <defaults>
</compile_context>

<pallas_src>
import functools

import jax
import jax.numpy as jnp
from jax import lax
from jax.experimental import pallas as pl
from jax.experimental.pallas import tpu as pltpu
from jax.experimental.pallas import tpu_sc as plsc

_EPG = 3
_G = 5_094_400
_TOTAL = _G * _EPG

_ROWS = 39800
_COLS = 128
_BR = 200


def _sc_gather(table, idx):
    total = idx.shape[0]
    info = plsc.get_sparse_core_info()
    nc, ns = info.num_cores, info.num_subcores
    nw = nc * ns
    assert total % nw == 0
    per_w = total // nw
    ch = 16384
    n_main = per_w // ch
    tail = per_w - n_main * ch
    assert per_w % 8 == 0 and tail % 8 == 0
    mesh = plsc.VectorSubcoreMesh(core_axis_name="c", subcore_axis_name="s")

    @functools.partial(
        pl.kernel,
        mesh=mesh,
        out_type=jax.ShapeDtypeStruct((total,), table.dtype),
        scratch_types=[
            pltpu.VMEM((ch,), jnp.int32),
            pltpu.VMEM((ch,), table.dtype),
            pltpu.SemaphoreType.DMA,
        ],
    )
    def k(table_hbm, idx_hbm, out_hbm, idx_v, rows_v, sem):
        wid = lax.axis_index("s") * nc + lax.axis_index("c")
        base = wid * jnp.int32(per_w)

        for c in range(n_main):
            start = base + jnp.int32(c * ch)
            pltpu.sync_copy(idx_hbm.at[pl.ds(start, ch)], idx_v)
            pltpu.async_copy(table_hbm.at[idx_v], rows_v, sem).wait()
            pltpu.sync_copy(rows_v, out_hbm.at[pl.ds(start, ch)])
        if tail:
            start = base + jnp.int32(n_main * ch)
            iv = idx_v.at[pl.ds(0, tail)]
            rv = rows_v.at[pl.ds(0, tail)]
            pltpu.sync_copy(idx_hbm.at[pl.ds(start, tail)], iv)
            pltpu.async_copy(table_hbm.at[iv], rv, sem).wait()
            pltpu.sync_copy(rv, out_hbm.at[pl.ds(start, tail)])

    return k(table, idx)


def _winner_body(sp_ref, gu_ref, out_ref):
    s0 = jnp.log(jnp.maximum(sp_ref[0], 1e-20)) + gu_ref[0]
    s1 = jnp.log(jnp.maximum(sp_ref[1], 1e-20)) + gu_ref[1]
    s2 = jnp.log(jnp.maximum(sp_ref[2], 1e-20)) + gu_ref[2]
    amax = jnp.where(
        (s0 >= s1) & (s0 >= s2),
        jnp.int32(0),
        jnp.where(s1 >= s2, jnp.int32(1), jnp.int32(2)),
    )
    pid = pl.program_id(0)
    row = lax.broadcasted_iota(jnp.int32, (_BR, _COLS), 0)
    col = lax.broadcasted_iota(jnp.int32, (_BR, _COLS), 1)
    gidx = (pid * _BR + row) * _COLS + col
    out_ref[...] = amax * _G + gidx


def _select_winners(sp_t, gu_t):
    return pl.pallas_call(
        _winner_body,
        grid=(_ROWS // _BR,),
        in_specs=[
            pl.BlockSpec(
                (3, _BR, _COLS), lambda i: (jnp.int32(0), i, jnp.int32(0))
            ),
            pl.BlockSpec(
                (3, _BR, _COLS), lambda i: (jnp.int32(0), i, jnp.int32(0))
            ),
        ],
        out_specs=pl.BlockSpec((_BR, _COLS), lambda i: (i, jnp.int32(0))),
        out_shape=jax.ShapeDtypeStruct((_ROWS, _COLS), jnp.int32),
    )(sp_t, gu_t)


def kernel(probs, groups):
    probs = probs.astype(jnp.float32)
    g32 = groups.astype(jnp.int32)

    si = jnp.argsort(g32).astype(jnp.int32)
    idx_t = si.reshape(_G, _EPG).transpose(1, 0).reshape(-1)

    sp_t = _sc_gather(probs, idx_t).reshape(_EPG, _ROWS, _COLS)

    gu = jax.random.gumbel(jax.random.key(42), (_G, _EPG), dtype=jnp.float32)
    gu_t = gu.transpose(1, 0).reshape(_EPG, _ROWS, _COLS)

    sel = _select_winners(sp_t, gu_t).reshape(-1)

    wpos = _sc_gather(idx_t, sel)
    sampled = jnp.sort(wpos)

    sprobs = _sc_gather(probs, sampled)

    return sampled.astype(jnp.int64), sprobs

# --- scband reference (transcript-rebuilt; emitter-appended) ---
"""Pipeline reference for scband-cvrpmodel-83434034692207 (READ-ONLY COPY).

The authoritative reference and input builder live on the scoring server;
editing this copy changes nothing except your own understanding.
"""

import jax, jax.numpy as jnp
import numpy as np
jax.config.update('jax_enable_x64', True)

NUM_GROUPS = 5094400  # B=128 CVRP instances x N*(N-1)=39800 node-pair edges (N=200)
ELEMENTS_PER_GROUP = 3  # parallel edges per node pair (GREAT multi-edge graph)
TOTAL = NUM_GROUPS * ELEMENTS_PER_GROUP


def setup_inputs(seed: int = 0) -> dict:
    key = jax.random.key(seed)
    k1, k2 = jax.random.split(key)
    probs = jax.random.uniform(k1, (TOTAL,), dtype=jnp.float32)
    groups = jnp.repeat(jnp.arange(NUM_GROUPS, dtype=jnp.int64), ELEMENTS_PER_GROUP)
    # shuffle so parallel edges of a group are interleaved, as in the real edge layout
    perm = jax.random.permutation(k2, TOTAL)
    return {"probs": probs[perm], "groups": groups[perm]}


def reference(probs, groups):
    # Faithful jax port of CVRPModel.prune's sampling core: sample_indices(probs, groups)
    # -> sample one parallel edge per group proportional to its prob (torch.multinomial(1)),
    # then gather the selected probs (probs[selected_edges] in prune()).
    sorted_indices = jnp.argsort(groups)  # jax sort is stable
    sorted_probs = probs[sorted_indices]
    num_groups = probs.shape[0] // ELEMENTS_PER_GROUP
    reshaped_probs = sorted_probs.reshape(num_groups, ELEMENTS_PER_GROUP)
    # multinomial(1) over unnormalized nonneg weights == gumbel-argmax over log-weights
    key = jax.random.key(42)
    g = jax.random.gumbel(key, reshaped_probs.shape, dtype=jnp.float32)
    selected = jnp.argmax(jnp.log(jnp.maximum(reshaped_probs, 1e-20)) + g, axis=1)
    offsets = jnp.arange(num_groups, dtype=selected.dtype) * ELEMENTS_PER_GROUP
    selected = selected + offsets
    sampled_indices = jnp.sort(sorted_indices[selected])
    selected_probs = probs[sampled_indices]
    return sampled_indices, selected_probs

if __name__ == "__main__":
    import jax
    _d = setup_inputs()
    print(jax.jit(kernel)(*tuple(_d.values())))

</pallas_src>

<mosaic_0001>
#map = affine_map<(d0, d1) -> (0)>
module attributes {stable_mosaic.version = 14 : i64} {
  func.func @k(%arg0: i32, %arg1: i32, %arg2: memref<15283200xf32, #tpu.memory_space<hbm>>, %arg3: memref<15283200xi32, #tpu.memory_space<hbm>>, %arg4: memref<15283200xf32, #tpu.memory_space<hbm>>, %arg5: memref<16384xi32, #tpu.memory_space<vmem>>, %arg6: memref<16384xf32, #tpu.memory_space<vmem>>, %arg7: memref<!tpu.dma_semaphore, #tpu.memory_space<semaphore_mem>>) attributes {dimension_semantics = [#tpu.dimension_semantics<core_parallel>, #tpu.dimension_semantics<subcore_parallel>], iteration_bounds = array<i64: 2, 16>, scalar_prefetch = 0 : i64, scratch_operands = 3 : i64, tpu.core_type = #tpu.core_type<sc_vector_subcore>, window_params = [{transform_indices = #map}, {transform_indices = #map}, {transform_indices = #map}]} {
    %mul3A = arith.constant 2 : i32
    %mul3A_0 = arith.muli %arg1, %mul3A : i32
    %add3A = arith.addi %mul3A_0, %arg0 : i32
    %mul3A_1 = arith.constant 477600 : i32
    %mul3A_2 = arith.muli %add3A, %mul3A_1 : i32
    %add3A_3 = arith.constant 0 : i32
    %add3A_4 = arith.addi %mul3A_2, %add3A_3 : i32
    "tpu.region"() ({
      %run_scoped3A = tpu.sem_alloc : memref<!tpu.dma_semaphore, #tpu.memory_space<semaphore_mem>>
      %dma_start3A_189 = tpu.memref_slice %arg3[%add3A_4] : memref<15283200xi32, #tpu.memory_space<hbm>> -> memref<16384xi32, #tpu.memory_space<hbm>>
      %dma_start3A_190 = tpu.memref_slice %arg3[%add3A_4] : memref<15283200xi32, #tpu.memory_space<hbm>> -> memref<16384xi32, #tpu.memory_space<hbm>>
      tpu.enqueue_dma source(%dma_start3A_190 : memref<16384xi32, #tpu.memory_space<hbm>>) target(%arg5 : memref<16384xi32, #tpu.memory_space<vmem>>) target_semaphore(%run_scoped3A : memref<!tpu.dma_semaphore, #tpu.memory_space<semaphore_mem>>)
      %dma_wait3A_191 = tpu.memref_slice %arg3[%add3A_4] : memref<15283200xi32, #tpu.memory_space<hbm>> -> memref<16384xi32, #tpu.memory_space<hbm>>
      %dma_wait3A_192 = tpu.memref_slice %arg3[%add3A_4] : memref<15283200xi32, #tpu.memory_space<hbm>> -> memref<16384xi32, #tpu.memory_space<hbm>>
      tpu.wait_dma2 semaphore(%run_scoped3A : memref<!tpu.dma_semaphore, #tpu.memory_space<semaphore_mem>>) src(%dma_wait3A_192 : memref<16384xi32, #tpu.memory_space<hbm>>) dst(%arg5 : memref<16384xi32, #tpu.memory_space<vmem>>)
      tpu.yield
    }) : () -> ()
    %dma_start3A = arith.constant 0 : i32
    %dma_start3A_5 = tpu.memref_slice %arg2[%dma_start3A] : memref<15283200xf32, #tpu.memory_space<hbm>> -> memref<15283200xf32, #tpu.memory_space<hbm>>
    tpu.enqueue_indirect_dma source(%dma_start3A_5 : memref<15283200xf32, #tpu.memory_space<hbm>>) target(%arg6 : memref<16384xf32, #tpu.memory_space<vmem>>) offsets(%arg5 : memref<16384xi32, #tpu.memory_space<vmem>>) semaphore(%arg7 : memref<!tpu.dma_semaphore, #tpu.memory_space<semaphore_mem>>)
    %dma_wait3A = arith.constant 0 : i32
    %dma_wait3A_6 = tpu.memref_slice %arg2[%dma_wait3A] : memref<15283200xf32, #tpu.memory_space<hbm>> -> memref<15283200xf32, #tpu.memory_space<hbm>>
    tpu.wait_indirect_dma semaphore(%arg7 : memref<!tpu.dma_semaphore, #tpu.memory_space<semaphore_mem>>) src(%dma_wait3A_6 : memref<15283200xf32, #tpu.memory_space<hbm>>) dst(%arg6 : memref<16384xf32, #tpu.memory_space<vmem>>)
    "tpu.region"() ({
      %run_scoped3A = tpu.sem_alloc : memref<!tpu.dma_semaphore, #tpu.memory_space<semaphore_mem>>
      %dma_start3A_189 = tpu.memref_slice %arg4[%add3A_4] : memref<15283200xf32, #tpu.memory_space<hbm>> -> memref<16384xf32, #tpu.memory_space<hbm>>
      %dma_start3A_190 = tpu.memref_slice %arg4[%add3A_4] : memref<15283200xf32, #tpu.memory_space<hbm>> -> memref<16384xf32, #tpu.memory_space<hbm>>
      tpu.enqueue_dma source(%arg6 : memref<16384xf32, #tpu.memory_space<vmem>>) target(%dma_start3A_190 : memref<16384xf32, #tpu.memory_space<hbm>>) target_semaphore(%run_scoped3A : memref<!tpu.dma_semaphore, #tpu.memory_space<semaphore_mem>>)
      %dma_wait3A_191 = tpu.memref_slice %arg4[%add3A_4] : memref<15283200xf32, #tpu.memory_space<hbm>> -> memref<16384xf32, #tpu.memory_space<hbm>>
      %dma_wait3A_192 = tpu.memref_slice %arg4[%add3A_4] : memref<15283200xf32, #tpu.memory_space<hbm>> -> memref<16384xf32, #tpu.memory_space<hbm>>
      tpu.wait_dma2 semaphore(%run_scoped3A : memref<!tpu.dma_semaphore, #tpu.memory_space<semaphore_mem>>) src(%arg6 : memref<16384xf32, #tpu.memory_space<vmem>>) dst(%dma_wait3A_192 : memref<16384xf32, #tpu.memory_space<hbm>>)
      tpu.yield
    }) : () -> ()
    %add3A_7 = arith.constant 16384 : i32
    %add3A_8 = arith.addi %mul3A_2, %add3A_7 : i32
    "tpu.region"() ({
      %run_scoped3A = tpu.sem_alloc : memref<!tpu.dma_semaphore, #tpu.memory_space<semaphore_mem>>
      %dma_start3A_189 = tpu.memref_slice %arg3[%add3A_8] : memref<15283200xi32, #tpu.memory_space<hbm>> -> memref<16384xi32, #tpu.memory_space<hbm>>
      %dma_start3A_190 = tpu.memref_slice %arg3[%add3A_8] : memref<15283200xi32, #tpu.memory_space<hbm>> -> memref<16384xi32, #tpu.memory_space<hbm>>
      tpu.enqueue_dma source(%dma_start3A_190 : memref<16384xi32, #tpu.memory_space<hbm>>) target(%arg5 : memref<16384xi32, #tpu.memory_space<vmem>>) target_semaphore(%run_scoped3A : memref<!tpu.dma_semaphore, #tpu.memory_space<semaphore_mem>>)
      %dma_wait3A_191 = tpu.memref_slice %arg3[%add3A_8] : memref<15283200xi32, #tpu.memory_space<hbm>> -> memref<16384xi32, #tpu.memory_space<hbm>>
      %dma_wait3A_192 = tpu.memref_slice %arg3[%add3A_8] : memref<15283200xi32, #tpu.memory_space<hbm>> -> memref<16384xi32, #tpu.memory_space<hbm>>
      tpu.wait_dma2 semaphore(%run_scoped3A : memref<!tpu.dma_semaphore, #tpu.memory_space<semaphore_mem>>) src(%dma_wait3A_192 : memref<16384xi32, #tpu.memory_space<hbm>>) dst(%arg5 : memref<16384xi32, #tpu.memory_space<vmem>>)
      tpu.yield
    }) : () -> ()
    %dma_start3A_9 = arith.constant 0 : i32
    %dma_start3A_10 = tpu.memref_slice %arg2[%dma_start3A_9] : memref<15283200xf32, #tpu.memory_space<hbm>> -> memref<15283200xf32, #tpu.memory_space<hbm>>
    tpu.enqueue_indirect_dma source(%dma_start3A_10 : memref<15283200xf32, #tpu.memory_space<hbm>>) target(%arg6 : memref<16384xf32, #tpu.memory_space<vmem>>) offsets(%arg5 : memref<16384xi32, #tpu.memory_space<vmem>>) semaphore(%arg7 : memref<!tpu.dma_semaphore, #tpu.memory_space<semaphore_mem>>)
    %dma_wait3A_11 = arith.constant 0 : i32
    %dma_wait3A_12 = tpu.memref_slice %arg2[%dma_wait3A_11] : memref<15283200xf32, #tpu.memory_space<hbm>> -> memref<15283200xf32, #tpu.memory_space<hbm>>
    tpu.wait_indirect_dma semaphore(%arg7 : memref<!tpu.dma_semaphore, #tpu.memory_space<semaphore_mem>>) src(%dma_wait3A_12 : memref<15283200xf32, #tpu.memory_space<hbm>>) dst(%arg6 : memref<16384xf32, #tpu.memory_space<vmem>>)
    "tpu.region"() ({
      %run_scoped3A = tpu.sem_alloc : memref<!tpu.dma_semaphore, #tpu.memory_space<semaphore_mem>>
      %dma_start3A_189 = tpu.memref_slice %arg4[%add3A_8] : memref<15283200xf32, #tpu.memory_space<hbm>> -> memref<16384xf32, #tpu.memory_space<hbm>>
      %dma_start3A_190 = tpu.memref_slice %arg4[%add3A_8] : memref<15283200xf32, #tpu.memory_space<hbm>> -> memref<16384xf32, #tpu.memory_space<hbm>>
      tpu.enqueue_dma source(%arg6 : memref<16384xf32, #tpu.memory_space<vmem>>) target(%dma_start3A_190 : memref<16384xf32, #tpu.memory_space<hbm>>) target_semaphore(%run_scoped3A : memref<!tpu.dma_semaphore, #tpu.memory_space<semaphore_mem>>)
      %dma_wait3A_191 = tpu.memref_slice %arg4[%add3A_8] : memref<15283200xf32, #tpu.memory_space<hbm>> -> memref<16384xf32, #tpu.memory_space<hbm>>
      %dma_wait3A_192 = tpu.memref_slice %arg4[%add3A_8] : memref<15283200xf32, #tpu.memory_space<hbm>> -> memref<16384xf32, #tpu.memory_space<hbm>>
      tpu.wait_dma2 semaphore(%run_scoped3A : memref<!tpu.dma_semaphore, #tpu.memory_space<semaphore_mem>>) src(%arg6 : memref<16384xf32, #tpu.memory_space<vmem>>) dst(%dma_wait3A_192 : memref<16384xf32, #tpu.memory_space<hbm>>)
      tpu.yield
    }) : () -> ()
    %add3A_13 = arith.constant 32768 : i32
    %add3A_14 = arith.addi %mul3A_2, %add3A_13 : i32
    "tpu.region"() ({
      %run_scoped3A = tpu.sem_alloc : memref<!tpu.dma_semaphore, #tpu.memory_space<semaphore_mem>>
      %dma_start3A_189 = tpu.memref_slice %arg3[%add3A_14] : memref<15283200xi32, #tpu.memory_space<hbm>> -> memref<16384xi32, #tpu.memory_space<hbm>>
      %dma_start3A_190 = tpu.memref_slice %arg3[%add3A_14] : memref<15283200xi32, #tpu.memory_space<hbm>> -> memref<16384xi32, #tpu.memory_space<hbm>>
      tpu.enqueue_dma source(%dma_start3A_190 : memref<16384xi32, #tpu.memory_space<hbm>>) target(%arg5 : memref<16384xi32, #tpu.memory_space<vmem>>) target_semaphore(%run_scoped3A : memref<!tpu.dma_semaphore, #tpu.memory_space<semaphore_mem>>)
      %dma_wait3A_191 = tpu.memref_slice %arg3[%add3A_14] : memref<15283200xi32, #tpu.memory_space<hbm>> -> memref<16384xi32, #tpu.memory_space<hbm>>
      %dma_wait3A_192 = tpu.memref_slice %arg3[%add3A_14] : memref<15283200xi32, #tpu.memory_space<hbm>> -> memref<16384xi32, #tpu.memory_space<hbm>>
      tpu.wait_dma2 semaphore(%run_scoped3A : memref<!tpu.dma_semaphore, #tpu.memory_space<semaphore_mem>>) src(%dma_wait3A_192 : memref<16384xi32, #tpu.memory_space<hbm>>) dst(%arg5 : memref<16384xi32, #tpu.memory_space<vmem>>)
      tpu.yield
    }) : () -> ()
    %dma_start3A_15 = arith.constant 0 : i32
    %dma_start3A_16 = tpu.memref_slice %arg2[%dma_start3A_15] : memref<15283200xf32, #tpu.memory_space<hbm>> -> memref<15283200xf32, #tpu.memory_space<hbm>>
    tpu.enqueue_indirect_dma source(%dma_start3A_16 : memref<15283200xf32, #tpu.memory_space<hbm>>) target(%arg6 : memref<16384xf32, #tpu.memory_space<vmem>>) offsets(%arg5 : memref<16384xi32, #tpu.memory_space<vmem>>) semaphore(%arg7 : memref<!tpu.dma_semaphore, #tpu.memory_space<semaphore_mem>>)
    %dma_wait3A_17 = arith.constant 0 : i32
    %dma_wait3A_18 = tpu.memref_slice %arg2[%dma_wait3A_17] : memref<15283200xf32, #tpu.memory_space<hbm>> -> memref<15283200xf32, #tpu.memory_space<hbm>>
    tpu.wait_indirect_dma semaphore(%arg7 : memref<!tpu.dma_semaphore, #tpu.memory_space<semaphore_mem>>) src(%dma_wait3A_18 : memref<15283200xf32, #tpu.memory_space<hbm>>) dst(%arg6 : memref<16384xf32, #tpu.memory_space<vmem>>)
    "tpu.region"() ({
      %run_scoped3A = tpu.sem_alloc : memref<!tpu.dma_semaphore, #tpu.memory_space<semaphore_mem>>
      %dma_start3A_189 = tpu.memref_slice %arg4[%add3A_14] : memref<15283200xf32, #tpu.memory_space<hbm>> -> memref<16384xf32, #tpu.memory_space<hbm>>
      %dma_start3A_190 = tpu.memref_slice %arg4[%add3A_14] : memref<15283200xf32, #tpu.memory_space<hbm>> -> memref<16384xf32, #tpu.memory_space<hbm>>
      tpu.enqueue_dma source(%arg6 : memref<16384xf32, #tpu.memory_space<vmem>>) target(%dma_start3A_190 : memref<16384xf32, #tpu.memory_space<hbm>>) target_semaphore(%run_scoped3A : memref<!tpu.dma_semaphore, #tpu.memory_space<semaphore_mem>>)
      %dma_wait3A_191 = tpu.memref_slice %arg4[%add3A_14] : memref<15283200xf32, #tpu.memory_space<hbm>> -> memref<16384xf32, #tpu.memory_space<hbm>>
      %dma_wait3A_192 = tpu.memref_slice %arg4[%add3A_14] : memref<15283200xf32, #tpu.memory_space<hbm>> -> memref<16384xf32, #tpu.memory_space<hbm>>
      tpu.wait_dma2 semaphore(%run_scoped3A : memref<!tpu.dma_semaphore, #tpu.memory_space<semaphore_mem>>) src(%arg6 : memref<16384xf32, #tpu.memory_space<vmem>>) dst(%dma_wait3A_192 : memref<16384xf32, #tpu.memory_space<hbm>>)
      tpu.yield
    }) : () -> ()
    %add3A_19 = arith.constant 49152 : i32
    %add3A_20 = arith.addi %mul3A_2, %add3A_19 : i32
    "tpu.region"() ({
      %run_scoped3A = tpu.sem_alloc : memref<!tpu.dma_semaphore, #tpu.memory_space<semaphore_mem>>
      %dma_start3A_189 = tpu.memref_slice %arg3[%add3A_20] : memref<15283200xi32, #tpu.memory_space<hbm>> -> memref<16384xi32, #tpu.memory_space<hbm>>
      %dma_start3A_190 = tpu.memref_slice %arg3[%add3A_20] : memref<15283200xi32, #tpu.memory_space<hbm>> -> memref<16384xi32, #tpu.memory_space<hbm>>
      tpu.enqueue_dma source(%dma_start3A_190 : memref<16384xi32, #tpu.memory_space<hbm>>) target(%arg5 : memref<16384xi32, #tpu.memory_space<vmem>>) target_semaphore(%run_scoped3A : memref<!tpu.dma_semaphore, #tpu.memory_space<semaphore_mem>>)
      %dma_wait3A_191 = tpu.memref_slice %arg3[%add3A_20] : memref<15283200xi32, #tpu.memory_space<hbm>> -> memref<16384xi32, #tpu.memory_space<hbm>>
      %dma_wait3A_192 = tpu.memref_slice %arg3[%add3A_20] : memref<15283200xi32, #tpu.memory_space<hbm>> -> memref<16384xi32, #tpu.memory_space<hbm>>
      tpu.wait_dma2 semaphore(%run_scoped3A : memref<!tpu.dma_semaphore, #tpu.memory_space<semaphore_mem>>) src(%dma_wait3A_192 : memref<16384xi32, #tpu.memory_space<hbm>>) dst(%arg5 : memref<16384xi32, #tpu.memory_space<vmem>>)
      tpu.yield
    }) : () -> ()
    %dma_start3A_21 = arith.constant 0 : i32
    %dma_start3A_22 = tpu.memref_slice %arg2[%dma_start3A_21] : memref<15283200xf32, #tpu.memory_space<hbm>> -> memref<15283200xf32, #tpu.memory_space<hbm>>
    tpu.enqueue_indirect_dma source(%dma_start3A_22 : memref<15283200xf32, #tpu.memory_space<hbm>>) target(%arg6 : memref<16384xf32, #tpu.memory_space<vmem>>) offsets(%arg5 : memref<16384xi32, #tpu.memory_space<vmem>>) semaphore(%arg7 : memref<!tpu.dma_semaphore, #tpu.memory_space<semaphore_mem>>)
    %dma_wait3A_23 = arith.constant 0 : i32
    %dma_wait3A_24 = tpu.memref_slice %arg2[%dma_wait3A_23] : memref<15283200xf32, #tpu.memory_space<hbm>> -> memref<15283200xf32, #tpu.memory_space<hbm>>
    tpu.wait_indirect_dma semaphore(%arg7 : memref<!tpu.dma_semaphore, #tpu.memory_space<semaphore_mem>>) src(%dma_wait3A_24 : memref<15283200xf32, #tpu.memory_space<hbm>>) dst(%arg6 : memref<16384xf32, #tpu.memory_space<vmem>>)
    "tpu.region"() ({
      %run_scoped3A = tpu.sem_alloc : memref<!tpu.dma_semaphore, #tpu.memory_space<semaphore_mem>>
      %dma_start3A_189 = tpu.memref_slice %arg4[%add3A_20] : memref<15283200xf32, #tpu.memory_space<hbm>> -> memref<16384xf32, #tpu.memory_space<hbm>>
      %dma_start3A_190 = tpu.memref_slice %arg4[%add3A_20] : memref<15283200xf32, #tpu.memory_space<hbm>> -> memref<16384xf32, #tpu.memory_space<hbm>>
      tpu.enqueue_dma source(%arg6 : memref<16384xf32, #tpu.memory_space<vmem>>) target(%dma_start3A_190 : memref<16384xf32, #tpu.memory_space<hbm>>) target_semaphore(%run_scoped3A : memref<!tpu.dma_semaphore, #tpu.memory_space<semaphore_mem>>)
      %dma_wait3A_191 = tpu.memref_slice %arg4[%add3A_20] : memref<15283200xf32, #tpu.memory_space<hbm>> -> memref<16384xf32, #tpu.memory_space<hbm>>
      %dma_wait3A_192 = tpu.memref_slice %arg4[%add3A_20] : memref<15283200xf32, #tpu.memory_space<hbm>> -> memref<16384xf32, #tpu.memory_space<hbm>>
      tpu.wait_dma2 semaphore(%run_scoped3A : memref<!tpu.dma_semaphore, #tpu.memory_space<semaphore_mem>>) src(%arg6 : memref<16384xf32, #tpu.memory_space<vmem>>) dst(%dma_wait3A_192 : memref<16384xf32, #tpu.memory_space<hbm>>)
      tpu.yield
    }) : () -> ()
    %add3A_25 = arith.constant 65536 : i32
    %add3A_26 = arith.addi %mul3A_2, %add3A_25 : i32
    "tpu.region"() ({
      %run_scoped3A = tpu.sem_alloc : memref<!tpu.dma_semaphore, #tpu.memory_space<semaphore_mem>>
      %dma_start3A_189 = tpu.memref_slice %arg3[%add3A_26] : memref<15283200xi32, #tpu.memory_space<hbm>> -> memref<16384xi32, #tpu.memory_space<hbm>>
      %dma_start3A_190 = tpu.memref_slice %arg3[%add3A_26] : memref<15283200xi32, #tpu.memory_space<hbm>> -> memref<16384xi32, #tpu.memory_space<hbm>>
      tpu.enqueue_dma source(%dma_start3A_190 : memref<16384xi32, #tpu.memory_space<hbm>>) target(%arg5 : memref<16384xi32, #tpu.memory_space<vmem>>) target_semaphore(%run_scoped3A : memref<!tpu.dma_semaphore, #tpu.memory_space<semaphore_mem>>)
      %dma_wait3A_191 = tpu.memref_slice %arg3[%add3A_26] : memref<15283200xi32, #tpu.memory_space<hbm>> -> memref<16384xi32, #tpu.memory_space<hbm>>
      %dma_wait3A_192 = tpu.memref_slice %arg3[%add3A_26] : memref<15283200xi32, #tpu.memory_space<hbm>> -> memref<16384xi32, #tpu.memory_space<hbm>>
      tpu.wait_dma2 semaphore(%run_scoped3A : memref<!tpu.dma_semaphore, #tpu.memory_space<semaphore_mem>>) src(%dma_wait3A_192 : memref<16384xi32, #tpu.memory_space<hbm>>) dst(%arg5 : memref<16384xi32, #tpu.memory_space<vmem>>)
      tpu.yield
    }) : () -> ()
    %dma_start3A_27 = arith.constant 0 : i32
    %dma_start3A_28 = tpu.memref_slice %arg2[%dma_start3A_27] : memref<15283200xf32, #tpu.memory_space<hbm>> -> memref<15283200xf32, #tpu.memory_space<hbm>>
    tpu.enqueue_indirect_dma source(%dma_start3A_28 : memref<15283200xf32, #tpu.memory_space<hbm>>) target(%arg6 : memref<16384xf32, #tpu.memory_space<vmem>>) offsets(%arg5 : memref<16384xi32, #tpu.memory_space<vmem>>) semaphore(%arg7 : memref<!tpu.dma_semaphore, #tpu.memory_space<semaphore_mem>>)
    %dma_wait3A_29 = arith.constant 0 : i32
    %dma_wait3A_30 = tpu.memref_slice %arg2[%dma_wait3A_29] : memref<15283200xf32, #tpu.memory_space<hbm>> -> memref<15283200xf32, #tpu.memory_space<hbm>>
    tpu.wait_indirect_dma semaphore(%arg7 : memref<!tpu.dma_semaphore, #tpu.memory_space<semaphore_mem>>) src(%dma_wait3A_30 : memref<15283200xf32, #tpu.memory_space<hbm>>) dst(%arg6 : memref<16384xf32, #tpu.memory_space<vmem>>)
    "tpu.region"() ({
      %run_scoped3A = tpu.sem_alloc : memref<!tpu.dma_semaphore, #tpu.memory_space<semaphore_mem>>
      %dma_start3A_189 = tpu.memref_slice %arg4[%add3A_26] : memref<15283200xf32, #tpu.memory_space<hbm>> -> memref<16384xf32, #tpu.memory_space<hbm>>
      %dma_start3A_190 = tpu.memref_slice %arg4[%add3A_26] : memref<15283200xf32, #tpu.memory_space<hbm>> -> memref<16384xf32, #tpu.memory_space<hbm>>
      tpu.enqueue_dma source(%arg6 : memref<16384xf32, #tpu.memory_space<vmem>>) target(%dma_start3A_190 : memref<16384xf32, #tpu.memory_space<hbm>>) target_semaphore(%run_scoped3A : memref<!tpu.dma_semaphore, #tpu.memory_space<semaphore_mem>>)
      %dma_wait3A_191 = tpu.memref_slice %arg4[%add3A_26] : memref<15283200xf32, #tpu.memory_space<hbm>> -> memref<16384xf32, #tpu.memory_space<hbm>>
      %dma_wait3A_192 = tpu.memref_slice %arg4[%add3A_26] : memref<15283200xf32, #tpu.memory_space<hbm>> -> memref<16384xf32, #tpu.memory_space<hbm>>
      tpu.wait_dma2 semaphore(%run_scoped3A : memref<!tpu.dma_semaphore, #tpu.memory_space<semaphore_mem>>) src(%arg6 : memref<16384xf32, #tpu.memory_space<vmem>>) dst(%dma_wait3A_192 : memref<16384xf32, #tpu.memory_space<hbm>>)
      tpu.yield
    }) : () -> ()
    %add3A_31 = arith.constant 81920 : i32
    %add3A_32 = arith.addi %mul3A_2, %add3A_31 : i32
    "tpu.region"() ({
      %run_scoped3A = tpu.sem_alloc : memref<!tpu.dma_semaphore, #tpu.memory_space<semaphore_mem>>
      %dma_start3A_189 = tpu.memref_slice %arg3[%add3A_32] : memref<15283200xi32, #tpu.memory_space<hbm>> -> memref<16384xi32, #tpu.memory_space<hbm>>
      %dma_start3A_190 = tpu.memref_slice %arg3[%add3A_32] : memref<15283200xi32, #tpu.memory_space<hbm>> -> memref<16384xi32, #tpu.memory_space<hbm>>
      tpu.enqueue_dma source(%dma_start3A_190 : memref<16384xi32, #tpu.memory_space<hbm>>) target(%arg5 : memref<16384xi32, #tpu.memory_space<vmem>>) target_semaphore(%run_scoped3A : memref<!tpu.dma_semaphore, #tpu.memory_space<semaphore_mem>>)
      %dma_wait3A_191 = tpu.memref_slice %arg3[%add3A_32] : memref<15283200xi32, #tpu.memory_space<hbm>> -> memref<16384xi32, #tpu.memory_space<hbm>>
      %dma_wait3A_192 = tpu.memref_slice %arg3[%add3A_32] : memref<15283200xi32, #tpu.memory_space<hbm>> -> memref<16384xi32, #tpu.memory_space<hbm>>
      tpu.wait_dma2 semaphore(%run_scoped3A : memref<!tpu.dma_semaphore, #tpu.memory_space<semaphore_mem>>) src(%dma_wait3A_192 : memref<16384xi32, #tpu.memory_space<hbm>>) dst(%arg5 : memref<16384xi32, #tpu.memory_space<vmem>>)
      tpu.yield
    }) : () -> ()
    %dma_start3A_33 = arith.constant 0 : i32
    %dma_start3A_34 = tpu.memref_slice %arg2[%dma_start3A_33] : memref<15283200xf32, #tpu.memory_space<hbm>> -> memref<15283200xf32, #tpu.memory_space<hbm>>
    tpu.enqueue_indirect_dma source(%dma_start3A_34 : memref<15283200xf32, #tpu.memory_space<hbm>>) target(%arg6 : memref<16384xf32, #tpu.memory_space<vmem>>) offsets(%arg5 : memref<16384xi32, #tpu.memory_space<vmem>>) semaphore(%arg7 : memref<!tpu.dma_semaphore, #tpu.memory_space<semaphore_mem>>)
    %dma_wait3A_35 = arith.constant 0 : i32
    %dma_wait3A_36 = tpu.memref_slice %arg2[%dma_wait3A_35] : memref<15283200xf32, #tpu.memory_space<hbm>> -> memref<15283200xf32, #tpu.memory_space<hbm>>
    tpu.wait_indirect_dma semaphore(%arg7 : memref<!tpu.dma_semaphore, #tpu.memory_space<semaphore_mem>>) src(%dma_wait3A_36 : memref<15283200xf32, #tpu.memory_space<hbm>>) dst(%arg6 : memref<16384xf32, #tpu.memory_space<vmem>>)
    "tpu.region"() ({
      %run_scoped3A = tpu.sem_alloc : memref<!tpu.dma_semaphore, #tpu.memory_space<semaphore_mem>>
      %dma_start3A_189 = tpu.memref_slice %arg4[%add3A_32] : memref<15283200xf32, #tpu.memory_space<hbm>> -> memref<16384xf32, #tpu.memory_space<hbm>>
      %dma_start3A_190 = tpu.memref_slice %arg4[%add3A_32] : memref<15283200xf32, #tpu.memory_space<hbm>> -> memref<16384xf32, #tpu.memory_space<hbm>>
      tpu.enqueue_dma source(%arg6 : memref<16384xf32, #tpu.memory_space<vmem>>) target(%dma_start3A_190 : memref<16384xf32, #tpu.memory_space<hbm>>) target_semaphore(%run_scoped3A : memref<!tpu.dma_semaphore, #tpu.memory_space<semaphore_mem>>)
      %dma_wait3A_191 = tpu.memref_slice %arg4[%add3A_32] : memref<15283200xf32, #tpu.memory_space<hbm>> -> memref<16384xf32, #tpu.memory_space<hbm>>
      %dma_wait3A_192 = tpu.memref_slice %arg4[%add3A_32] : memref<15283200xf32, #tpu.memory_space<hbm>> -> memref<16384xf32, #tpu.memory_space<hbm>>
      tpu.wait_dma2 semaphore(%run_scoped3A : memref<!tpu.dma_semaphore, #tpu.memory_space<semaphore_mem>>) src(%arg6 : memref<16384xf32, #tpu.memory_space<vmem>>) dst(%dma_wait3A_192 : memref<16384xf32, #tpu.memory_space<hbm>>)
      tpu.yield
    }) : () -> ()
    %add3A_37 = arith.constant 98304 : i32
    %add3A_38 = arith.addi %mul3A_2, %add3A_37 : i32
    "tpu.region"() ({
      %run_scoped3A = tpu.sem_alloc : memref<!tpu.dma_semaphore, #tpu.memory_space<semaphore_mem>>
      %dma_start3A_189 = tpu.memref_slice %arg3[%add3A_38] : memref<15283200xi32, #tpu.memory_space<hbm>> -> memref<16384xi32, #tpu.memory_space<hbm>>
      %dma_start3A_190 = tpu.memref_slice %arg3[%add3A_38] : memref<15283200xi32, #tpu.memory_space<hbm>> -> memref<16384xi32, #tpu.memory_space<hbm>>
      tpu.enqueue_dma source(%dma_start3A_190 : memref<16384xi32, #tpu.memory_space<hbm>>) target(%arg5 : memref<16384xi32, #tpu.memory_space<vmem>>) target_semaphore(%run_scoped3A : memref<!tpu.dma_semaphore, #tpu.memory_space<semaphore_mem>>)
      %dma_wait3A_191 = tpu.memref_slice %arg3[%add3A_38] : memref<15283200xi32, #tpu.memory_space<hbm>> -> memref<16384xi32, #tpu.memory_space<hbm>>
      %dma_wait3A_192 = tpu.memref_slice %arg3[%add3A_38] : memref<15283200xi32, #tpu.memory_space<hbm>> -> memref<16384xi32, #tpu.memory_space<hbm>>
      tpu.wait_dma2 semaphore(%run_scoped3A : memref<!tpu.dma_semaphore, #tpu.memory_space<semaphore_mem>>) src(%dma_wait3A_192 : memref<16384xi32, #tpu.memory_space<hbm>>) dst(%arg5 : memref<16384xi32, #tpu.memory_space<vmem>>)
      tpu.yield
    }) : () -> ()
    %dma_start3A_39 = arith.constant 0 : i32
    %dma_start3A_40 = tpu.memref_slice %arg2[%dma_start3A_39] : memref<15283200xf32, #tpu.memory_space<hbm>> -> memref<15283200xf32, #tpu.memory_space<hbm>>
    tpu.enqueue_indirect_dma source(%dma_start3A_40 : memref<15283200xf32, #tpu.memory_space<hbm>>) target(%arg6 : memref<16384xf32, #tpu.memory_space<vmem>>) offsets(%arg5 : memref<16384xi32, #tpu.memory_space<vmem>>) semaphore(%arg7 : memref<!tpu.dma_semaphore, #tpu.memory_space<semaphore_mem>>)
    %dma_wait3A_41 = arith.constant 0 : i32
    %dma_wait3A_42 = tpu.memref_slice %arg2[%dma_wait3A_41] : memref<15283200xf32, #tpu.memory_space<hbm>> -> memref<15283200xf32, #tpu.memory_space<hbm>>
    tpu.wait_indirect_dma semaphore(%arg7 : memref<!tpu.dma_semaphore, #tpu.memory_space<semaphore_mem>>) src(%dma_wait3A_42 : memref<15283200xf32, #tpu.memory_space<hbm>>) dst(%arg6 : memref<16384xf32, #tpu.memory_space<vmem>>)
    "tpu.region"() ({
      %run_scoped3A = tpu.sem_alloc : memref<!tpu.dma_semaphore, #tpu.memory_space<semaphore_mem>>
      %dma_start3A_189 = tpu.memref_slice %arg4[%add3A_38] : memref<15283200xf32, #tpu.memory_space<hbm>> -> memref<16384xf32, #tpu.memory_space<hbm>>
      %dma_start3A_190 = tpu.memref_slice %arg4[%add3A_38] : memref<15283200xf32, #tpu.memory_space<hbm>> -> memref<16384xf32, #tpu.memory_space<hbm>>
      tpu.enqueue_dma source(%arg6 : memref<16384xf32, #tpu.memory_space<vmem>>) target(%dma_start3A_190 : memref<16384xf32, #tpu.memory_space<hbm>>) target_semaphore(%run_scoped3A : memref<!tpu.dma_semaphore, #tpu.memory_space<semaphore_mem>>)
      %dma_wait3A_191 = tpu.memref_slice %arg4[%add3A_38] : memref<15283200xf32, #tpu.memory_space<hbm>> -> memref<16384xf32, #tpu.memory_space<hbm>>
      %dma_wait3A_192 = tpu.memref_slice %arg4[%add3A_38] : memref<15283200xf32, #tpu.memory_space<hbm>> -> memref<16384xf32, #tpu.memory_space<hbm>>
      tpu.wait_dma2 semaphore(%run_scoped3A : memref<!tpu.dma_semaphore, #tpu.memory_space<semaphore_mem>>) src(%arg6 : memref<16384xf32, #tpu.memory_space<vmem>>) dst(%dma_wait3A_192 : memref<16384xf32, #tpu.memory_space<hbm>>)
      tpu.yield
    }) : () -> ()
    %add3A_43 = arith.constant 114688 : i32
    %add3A_44 = arith.addi %mul3A_2, %add3A_43 : i32
    "tpu.region"() ({
      %run_scoped3A = tpu.sem_alloc : memref<!tpu.dma_semaphore, #tpu.memory_space<semaphore_mem>>
      %dma_start3A_189 = tpu.memref_slice %arg3[%add3A_44] : memref<15283200xi32, #tpu.memory_space<hbm>> -> memref<16384xi32, #tpu.memory_space<hbm>>
      %dma_start3A_190 = tpu.memref_slice %arg3[%add3A_44] : memref<15283200xi32, #tpu.memory_space<hbm>> -> memref<16384xi32, #tpu.memory_space<hbm>>
      tpu.enqueue_dma source(%dma_start3A_190 : memref<16384xi32, #tpu.memory_space<hbm>>) target(%arg5 : memref<16384xi32, #tpu.memory_space<vmem>>) target_semaphore(%run_scoped3A : memref<!tpu.dma_semaphore, #tpu.memory_space<semaphore_mem>>)
      %dma_wait3A_191 = tpu.memref_slice %arg3[%add3A_44] : memref<15283200xi32, #tpu.memory_space<hbm>> -> memref<16384xi32, #tpu.memory_space<hbm>>
      %dma_wait3A_192 = tpu.memref_slice %arg3[%add3A_44] : memref<15283200xi32, #tpu.memory_space<hbm>> -> memref<16384xi32, #tpu.memory_space<hbm>>
      tpu.wait_dma2 semaphore(%run_scoped3A : memref<!tpu.dma_semaphore, #tpu.memory_space<semaphore_mem>>) src(%dma_wait3A_192 : memref<16384xi32, #tpu.memory_space<hbm>>) dst(%arg5 : memref<16384xi32, #tpu.memory_space<vmem>>)
      tpu.yield
    }) : () -> ()
    %dma_start3A_45 = arith.constant 0 : i32
    %dma_start3A_46 = tpu.memref_slice %arg2[%dma_start3A_45] : memref<15283200xf32, #tpu.memory_space<hbm>> -> memref<15283200xf32, #tpu.memory_space<hbm>>
    tpu.enqueue_indirect_dma source(%dma_start3A_46 : memref<15283200xf32, #tpu.memory_space<hbm>>) target(%arg6 : memref<16384xf32, #tpu.memory_space<vmem>>) offsets(%arg5 : memref<16384xi32, #tpu.memory_space<vmem>>) semaphore(%arg7 : memref<!tpu.dma_semaphore, #tpu.memory_space<semaphore_mem>>)
    %dma_wait3A_47 = arith.constant 0 : i32
    %dma_wait3A_48 = tpu.memref_slice %arg2[%dma_wait3A_47] : memref<15283200xf32, #tpu.memory_space<hbm>> -> memref<15283200xf32, #tpu.memory_space<hbm>>
    tpu.wait_indirect_dma semaphore(%arg7 : memref<!tpu.dma_semaphore, #tpu.memory_space<semaphore_mem>>) src(%dma_wait3A_48 : memref<15283200xf32, #tpu.memory_space<hbm>>) dst(%arg6 : memref<16384xf32, #tpu.memory_space<vmem>>)
    "tpu.region"() ({
      %run_scoped3A = tpu.sem_alloc : memref<!tpu.dma_semaphore, #tpu.memory_space<semaphore_mem>>
      %dma_start3A_189 = tpu.memref_slice %arg4[%add3A_44] : memref<15283200xf32, #tpu.memory_space<hbm>> -> memref<16384xf32, #tpu.memory_space<hbm>>
      %dma_start3A_190 = tpu.memref_slice %arg4[%add3A_44] : memref<15283200xf32, #tpu.memory_space<hbm>> -> memref<16384xf32, #tpu.memory_space<hbm>>
      tpu.enqueue_dma source(%arg6 : memref<16384xf32, #tpu.memory_space<vmem>>) target(%dma_start3A_190 : memref<16384xf32, #tpu.memory_space<hbm>>) target_semaphore(%run_scoped3A : memref<!tpu.dma_semaphore, #tpu.memory_space<semaphore_mem>>)
      %dma_wait3A_191 = tpu.memref_slice %arg4[%add3A_44] : memref<15283200xf32, #tpu.memory_space<hbm>> -> memref<16384xf32, #tpu.memory_space<hbm>>
      %dma_wait3A_192 = tpu.memref_slice %arg4[%add3A_44] : memref<15283200xf32, #tpu.memory_space<hbm>> -> memref<16384xf32, #tpu.memory_space<hbm>>
      tpu.wait_dma2 semaphore(%run_scoped3A : memref<!tpu.dma_semaphore, #tpu.memory_space<semaphore_mem>>) src(%arg6 : memref<16384xf32, #tpu.memory_space<vmem>>) dst(%dma_wait3A_192 : memref<16384xf32, #tpu.memory_space<hbm>>)
      tpu.yield
    }) : () -> ()
    %add3A_49 = arith.constant 131072 : i32
    %add3A_50 = arith.addi %mul3A_2, %add3A_49 : i32
    "tpu.region"() ({
      %run_scoped3A = tpu.sem_alloc : memref<!tpu.dma_semaphore, #tpu.memory_space<semaphore_mem>>
      %dma_start3A_189 = tpu.memref_slice %arg3[%add3A_50] : memref<15283200xi32, #tpu.memory_space<hbm>> -> memref<16384xi32, #tpu.memory_space<hbm>>
      %dma_start3A_190 = tpu.memref_slice %arg3[%add3A_50] : memref<15283200xi32, #tpu.memory_space<hbm>> -> memref<16384xi32, #tpu.memory_space<hbm>>
      tpu.enqueue_dma source(%dma_start3A_190 : memref<16384xi32, #tpu.memory_space<hbm>>) target(%arg5 : memref<16384xi32, #tpu.memory_space<vmem>>) target_semaphore(%run_scoped3A : memref<!tpu.dma_semaphore, #tpu.memory_space<semaphore_mem>>)
      %dma_wait3A_191 = tpu.memref_slice %arg3[%add3A_50] : memref<15283200xi32, #tpu.memory_space<hbm>> -> memref<16384xi32, #tpu.memory_space<hbm>>
      %dma_wait3A_192 = tpu.memref_slice %arg3[%add3A_50] : memref<15283200xi32, #tpu.memory_space<hbm>> -> memref<16384xi32, #tpu.memory_space<hbm>>
      tpu.wait_dma2 semaphore(%run_scoped3A : memref<!tpu.dma_semaphore, #tpu.memory_space<semaphore_mem>>) src(%dma_wait3A_192 : memref<16384xi32, #tpu.memory_space<hbm>>) dst(%arg5 : memref<16384xi32, #tpu.memory_space<vmem>>)
      tpu.yield
    }) : () -> ()
    %dma_start3A_51 = arith.constant 0 : i32
    %dma_start3A_52 = tpu.memref_slice %arg2[%dma_start3A_51] : memref<15283200xf32, #tpu.memory_space<hbm>> -> memref<15283200xf32, #tpu.memory_space<hbm>>
    tpu.enqueue_indirect_dma source(%dma_start3A_52 : memref<15283200xf32, #tpu.memory_space<hbm>>) target(%arg6 : memref<16384xf32, #tpu.memory_space<vmem>>) offsets(%arg5 : memref<16384xi32, #tpu.memory_space<vmem>>) semaphore(%arg7 : memref<!tpu.dma_semaphore, #tpu.memory_space<semaphore_mem>>)
    %dma_wait3A_53 = arith.constant 0 : i32
    %dma_wait3A_54 = tpu.memref_slice %arg2[%dma_wait3A_53] : memref<15283200xf32, #tpu.memory_space<hbm>> -> memref<15283200xf32, #tpu.memory_space<hbm>>
    tpu.wait_indirect_dma semaphore(%arg7 : memref<!tpu.dma_semaphore, #tpu.memory_space<semaphore_mem>>) src(%dma_wait3A_54 : memref<15283200xf32, #tpu.memory_space<hbm>>) dst(%arg6 : memref<16384xf32, #tpu.memory_space<vmem>>)
    "tpu.region"() ({
      %run_scoped3A = tpu.sem_alloc : memref<!tpu.dma_semaphore, #tpu.memory_space<semaphore_mem>>
      %dma_start3A_189 = tpu.memref_slice %arg4[%add3A_50] : memref<15283200xf32, #tpu.memory_space<hbm>> -> memref<16384xf32, #tpu.memory_space<hbm>>
      %dma_start3A_190 = tpu.memref_slice %arg4[%add3A_50] : memref<15283200xf32, #tpu.memory_space<hbm>> -> memref<16384xf32, #tpu.memory_space<hbm>>
      tpu.enqueue_dma source(%arg6 : memref<16384xf32, #tpu.memory_space<vmem>>) target(%dma_start3A_190 : memref<16384xf32, #tpu.memory_space<hbm>>) target_semaphore(%run_scoped3A : memref<!tpu.dma_semaphore, #tpu.memory_space<semaphore_mem>>)
      %dma_wait3A_191 = tpu.memref_slice %arg4[%add3A_50] : memref<15283200xf32, #tpu.memory_space<hbm>> -> memref<16384xf32, #tpu.memory_space<hbm>>
      %dma_wait3A_192 = tpu.memref_slice %arg4[%add3A_50] : memref<15283200xf32, #tpu.memory_space<hbm>> -> memref<16384xf32, #tpu.memory_space<hbm>>
      tpu.wait_dma2 semaphore(%run_scoped3A : memref<!tpu.dma_semaphore, #tpu.memory_space<semaphore_mem>>) src(%arg6 : memref<16384xf32, #tpu.memory_space<vmem>>) dst(%dma_wait3A_192 : memref<16384xf32, #tpu.memory_space<hbm>>)
      tpu.yield
    }) : () -> ()
    %add3A_55 = arith.constant 147456 : i32
    %add3A_56 = arith.addi %mul3A_2, %add3A_55 : i32
    "tpu.region"() ({
      %run_scoped3A = tpu.sem_alloc : memref<!tpu.dma_semaphore, #tpu.memory_space<semaphore_mem>>
      %dma_start3A_189 = tpu.memref_slice %arg3[%add3A_56] : memref<15283200xi32, #tpu.memory_space<hbm>> -> memref<16384xi32, #tpu.memory_space<hbm>>
      %dma_start3A_190 = tpu.memref_slice %arg3[%add3A_56] : memref<15283200xi32, #tpu.memory_space<hbm>> -> memref<16384xi32, #tpu.memory_space<hbm>>
      tpu.enqueue_dma source(%dma_start3A_190 : memref<16384xi32, #tpu.memory_space<hbm>>) target(%arg5 : memref<16384xi32, #tpu.memory_space<vmem>>) target_semaphore(%run_scoped3A : memref<!tpu.dma_semaphore, #tpu.memory_space<semaphore_mem>>)
      %dma_wait3A_191 = tpu.memref_slice %arg3[%add3A_56] : memref<15283200xi32, #tpu.memory_space<hbm>> -> memref<16384xi32, #tpu.memory_space<hbm>>
      %dma_wait3A_192 = tpu.memref_slice %arg3[%add3A_56] : memref<15283200xi32, #tpu.memory_space<hbm>> -> memref<16384xi32, #tpu.memory_space<hbm>>
      tpu.wait_dma2 semaphore(%run_scoped3A : memref<!tpu.dma_semaphore, #tpu.memory_space<semaphore_mem>>) src(%dma_wait3A_192 : memref<16384xi32, #tpu.memory_space<hbm>>) dst(%arg5 : memref<16384xi32, #tpu.memory_space<vmem>>)
      tpu.yield
    }) : () -> ()
    %dma_start3A_57 = arith.constant 0 : i32
    %dma_start3A_58 = tpu.memref_slice %arg2[%dma_start3A_57] : memref<15283200xf32, #tpu.memory_space<hbm>> -> memref<15283200xf32, #tpu.memory_space<hbm>>
    tpu.enqueue_indirect_dma source(%dma_start3A_58 : memref<15283200xf32, #tpu.memory_space<hbm>>) target(%arg6 : memref<16384xf32, #tpu.memory_space<vmem>>) offsets(%arg5 : memref<16384xi32, #tpu.memory_space<vmem>>) semaphore(%arg7 : memref<!tpu.dma_semaphore, #tpu.memory_space<semaphore_mem>>)
    %dma_wait3A_59 = arith.constant 0 : i32
    %dma_wait3A_60 = tpu.memref_slice %arg2[%dma_wait3A_59] : memref<15283200xf32, #tpu.memory_space<hbm>> -> memref<15283200xf32, #tpu.memory_space<hbm>>
    tpu.wait_indirect_dma semaphore(%arg7 : memref<!tpu.dma_semaphore, #tpu.memory_space<semaphore_mem>>) src(%dma_wait3A_60 : memref<15283200xf32, #tpu.memory_space<hbm>>) dst(%arg6 : memref<16384xf32, #tpu.memory_space<vmem>>)
    "tpu.region"() ({
      %run_scoped3A = tpu.sem_alloc : memref<!tpu.dma_semaphore, #tpu.memory_space<semaphore_mem>>
      %dma_start3A_189 = tpu.memref_slice %arg4[%add3A_56] : memref<15283200xf32, #tpu.memory_space<hbm>> -> memref<16384xf32, #tpu.memory_space<hbm>>
      %dma_start3A_190 = tpu.memref_slice %arg4[%add3A_56] : memref<15283200xf32, #tpu.memory_space<hbm>> -> memref<16384xf32, #tpu.memory_space<hbm>>
      tpu.enqueue_dma source(%arg6 : memref<16384xf32, #tpu.memory_space<vmem>>) target(%dma_start3A_190 : memref<16384xf32, #tpu.memory_space<hbm>>) target_semaphore(%run_scoped3A : memref<!tpu.dma_semaphore, #tpu.memory_space<semaphore_mem>>)
      %dma_wait3A_191 = tpu.memref_slice %arg4[%add3A_56] : memref<15283200xf32, #tpu.memory_space<hbm>> -> memref<16384xf32, #tpu.memory_space<hbm>>
      %dma_wait3A_192 = tpu.memref_slice %arg4[%add3A_56] : memref<15283200xf32, #tpu.memory_space<hbm>> -> memref<16384xf32, #tpu.memory_space<hbm>>
      tpu.wait_dma2 semaphore(%run_scoped3A : memref<!tpu.dma_semaphore, #tpu.memory_space<semaphore_mem>>) src(%arg6 : memref<16384xf32, #tpu.memory_space<vmem>>) dst(%dma_wait3A_192 : memref<16384xf32, #tpu.memory_space<hbm>>)
      tpu.yield
    }) : () -> ()
    %add3A_61 = arith.constant 163840 : i32
    %add3A_62 = arith.addi %mul3A_2, %add3A_61 : i32
    "tpu.region"() ({
      %run_scoped3A = tpu.sem_alloc : memref<!tpu.dma_semaphore, #tpu.memory_space<semaphore_mem>>
      %dma_start3A_189 = tpu.memref_slice %arg3[%add3A_62] : memref<15283200xi32, #tpu.memory_space<hbm>> -> memref<16384xi32, #tpu.memory_space<hbm>>
      %dma_start3A_190 = tpu.memref_slice %arg3[%add3A_62] : memref<15283200xi32, #tpu.memory_space<hbm>> -> memref<16384xi32, #tpu.memory_space<hbm>>
      tpu.enqueue_dma source(%dma_start3A_190 : memref<16384xi32, #tpu.memory_space<hbm>>) target(%arg5 : memref<16384xi32, #tpu.memory_space<vmem>>) target_semaphore(%run_scoped3A : memref<!tpu.dma_semaphore, #tpu.memory_space<semaphore_mem>>)
      %dma_wait3A_191 = tpu.memref_slice %arg3[%add3A_62] : memref<15283200xi32, #tpu.memory_space<hbm>> -> memref<16384xi32, #tpu.memory_space<hbm>>
      %dma_wait3A_192 = tpu.memref_slice %arg3[%add3A_62] : memref<15283200xi32, #tpu.memory_space<hbm>> -> memref<16384xi32, #tpu.memory_space<hbm>>
      tpu.wait_dma2 semaphore(%run_scoped3A : memref<!tpu.dma_semaphore, #tpu.memory_space<semaphore_mem>>) src(%dma_wait3A_192 : memref<16384xi32, #tpu.memory_space<hbm>>) dst(%arg5 : memref<16384xi32, #tpu.memory_space<vmem>>)
      tpu.yield
    }) : () -> ()
    %dma_start3A_63 = arith.constant 0 : i32
    %dma_start3A_64 = tpu.memref_slice %arg2[%dma_start3A_63] : memref<15283200xf32, #tpu.memory_space<hbm>> -> memref<15283200xf32, #tpu.memory_space<hbm>>
    tpu.enqueue_indirect_dma source(%dma_start3A_64 : memref<15283200xf32, #tpu.memory_space<hbm>>) target(%arg6 : memref<16384xf32, #tpu.memory_space<vmem>>) offsets(%arg5 : memref<16384xi32, #tpu.memory_space<vmem>>) semaphore(%arg7 : memref<!tpu.dma_semaphore, #tpu.memory_space<semaphore_mem>>)
    %dma_wait3A_65 = arith.constant 0 : i32
    %dma_wait3A_66 = tpu.memref_slice %arg2[%dma_wait3A_65] : memref<15283200xf32, #tpu.memory_space<hbm>> -> memref<15283200xf32, #tpu.memory_space<hbm>>
    tpu.wait_indirect_dma semaphore(%arg7 : memref<!tpu.dma_semaphore, #tpu.memory_space<semaphore_mem>>) src(%dma_wait3A_66 : memref<15283200xf32, #tpu.memory_space<hbm>>) dst(%arg6 : memref<16384xf32, #tpu.memory_space<vmem>>)
    "tpu.region"() ({
      %run_scoped3A = tpu.sem_alloc : memref<!tpu.dma_semaphore, #tpu.memory_space<semaphore_mem>>
      %dma_start3A_189 = tpu.memref_slice %arg4[%add3A_62] : memref<15283200xf32, #tpu.memory_space<hbm>> -> memref<16384xf32, #tpu.memory_space<hbm>>
      %dma_start3A_190 = tpu.memref_slice %arg4[%add3A_62] : memref<15283200xf32, #tpu.memory_space<hbm>> -> memref<16384xf32, #tpu.memory_space<hbm>>
      tpu.enqueue_dma source(%arg6 : memref<16384xf32, #tpu.memory_space<vmem>>) target(%dma_start3A_190 : memref<16384xf32, #tpu.memory_space<hbm>>) target_semaphore(%run_scoped3A : memref<!tpu.dma_semaphore, #tpu.memory_space<semaphore_mem>>)
      %dma_wait3A_191 = tpu.memref_slice %arg4[%add3A_62] : memref<15283200xf32, #tpu.memory_space<hbm>> -> memref<16384xf32, #tpu.memory_space<hbm>>
      %dma_wait3A_192 = tpu.memref_slice %arg4[%add3A_62] : memref<15283200xf32, #tpu.memory_space<hbm>> -> memref<16384xf32, #tpu.memory_space<hbm>>
      tpu.wait_dma2 semaphore(%run_scoped3A : memref<!tpu.dma_semaphore, #tpu.memory_space<semaphore_mem>>) src(%arg6 : memref<16384xf32, #tpu.memory_space<vmem>>) dst(%dma_wait3A_192 : memref<16384xf32, #tpu.memory_space<hbm>>)
      tpu.yield
    }) : () -> ()
    %add3A_67 = arith.constant 180224 : i32
    %add3A_68 = arith.addi %mul3A_2, %add3A_67 : i32
    "tpu.region"() ({
      %run_scoped3A = tpu.sem_alloc : memref<!tpu.dma_semaphore, #tpu.memory_space<semaphore_mem>>
      %dma_start3A_189 = tpu.memref_slice %arg3[%add3A_68] : memref<15283200xi32, #tpu.memory_space<hbm>> -> memref<16384xi32, #tpu.memory_space<hbm>>
      %dma_start3A_190 = tpu.memref_slice %arg3[%add3A_68] : memref<15283200xi32, #tpu.memory_space<hbm>> -> memref<16384xi32, #tpu.memory_space<hbm>>
      tpu.enqueue_dma source(%dma_start3A_190 : memref<16384xi32, #tpu.memory_space<hbm>>) target(%arg5 : memref<16384xi32, #tpu.memory_space<vmem>>) target_semaphore(%run_scoped3A : memref<!tpu.dma_semaphore, #tpu.memory_space<semaphore_mem>>)
      %dma_wait3A_191 = tpu.memref_slice %arg3[%add3A_68] : memref<15283200xi32, #tpu.memory_space<hbm>> -> memref<16384xi32, #tpu.memory_space<hbm>>
      %dma_wait3A_192 = tpu.memref_slice %arg3[%add3A_68] : memref<15283200xi32, #tpu.memory_space<hbm>> -> memref<16384xi32, #tpu.memory_space<hbm>>
      tpu.wait_dma2 semaphore(%run_scoped3A : memref<!tpu.dma_semaphore, #tpu.memory_space<semaphore_mem>>) src(%dma_wait3A_192 : memref<16384xi32, #tpu.memory_space<hbm>>) dst(%arg5 : memref<16384xi32, #tpu.memory_space<vmem>>)
      tpu.yield
    }) : () -> ()
    %dma_start3A_69 = arith.constant 0 : i32
    %dma_start3A_70 = tpu.memref_slice %arg2[%dma_start3A_69] : memref<15283200xf32, #tpu.memory_space<hbm>> -> memref<15283200xf32, #tpu.memory_space<hbm>>
    tpu.enqueue_indirect_dma source(%dma_start3A_70 : memref<15283200xf32, #tpu.memory_space<hbm>>) target(%arg6 : memref<16384xf32, #tpu.memory_space<vmem>>) offsets(%arg5 : memref<16384xi32, #tpu.memory_space<vmem>>) semaphore(%arg7 : memref<!tpu.dma_semaphore, #tpu.memory_space<semaphore_mem>>)
    %dma_wait3A_71 = arith.constant 0 : i32
    %dma_wait3A_72 = tpu.memref_slice %arg2[%dma_wait3A_71] : memref<15283200xf32, #tpu.memory_space<hbm>> -> memref<15283200xf32, #tpu.memory_space<hbm>>
    tpu.wait_indirect_dma semaphore(%arg7 : memref<!tpu.dma_semaphore, #tpu.memory_space<semaphore_mem>>) src(%dma_wait3A_72 : memref<15283200xf32, #tpu.memory_space<hbm>>) dst(%arg6 : memref<16384xf32, #tpu.memory_space<vmem>>)
    "tpu.region"() ({
      %run_scoped3A = tpu.sem_alloc : memref<!tpu.dma_semaphore, #tpu.memory_space<semaphore_mem>>
      %dma_start3A_189 = tpu.memref_slice %arg4[%add3A_68] : memref<15283200xf32, #tpu.memory_space<hbm>> -> memref<16384xf32, #tpu.memory_space<hbm>>
      %dma_start3A_190 = tpu.memref_slice %arg4[%add3A_68] : memref<15283200xf32, #tpu.memory_space<hbm>> -> memref<16384xf32, #tpu.memory_space<hbm>>
      tpu.enqueue_dma source(%arg6 : memref<16384xf32, #tpu.memory_space<vmem>>) target(%dma_start3A_190 : memref<16384xf32, #tpu.memory_space<hbm>>) target_semaphore(%run_scoped3A : memref<!tpu.dma_semaphore, #tpu.memory_space<semaphore_mem>>)
      %dma_wait3A_191 = tpu.memref_slice %arg4[%add3A_68] : memref<15283200xf32, #tpu.memory_space<hbm>> -> memref<16384xf32, #tpu.memory_space<hbm>>
      %dma_wait3A_192 = tpu.memref_slice %arg4[%add3A_68] : memref<15283200xf32, #tpu.memory_space<hbm>> -> memref<16384xf32, #tpu.memory_space<hbm>>
      tpu.wait_dma2 semaphore(%run_scoped3A : memref<!tpu.dma_semaphore, #tpu.memory_space<semaphore_mem>>) src(%arg6 : memref<16384xf32, #tpu.memory_space<vmem>>) dst(%dma_wait3A_192 : memref<16384xf32, #tpu.memory_space<hbm>>)
      tpu.yield
    }) : () -> ()
    %add3A_73 = arith.constant 196608 : i32
    %add3A_74 = arith.addi %mul3A_2, %add3A_73 : i32
    "tpu.region"() ({
      %run_scoped3A = tpu.sem_alloc : memref<!tpu.dma_semaphore, #tpu.memory_space<semaphore_mem>>
      %dma_start3A_189 = tpu.memref_slice %arg3[%add3A_74] : memref<15283200xi32, #tpu.memory_space<hbm>> -> memref<16384xi32, #tpu.memory_space<hbm>>
      %dma_start3A_190 = tpu.memref_slice %arg3[%add3A_74] : memref<15283200xi32, #tpu.memory_space<hbm>> -> memref<16384xi32, #tpu.memory_space<hbm>>
      tpu.enqueue_dma source(%dma_start3A_190 : memref<16384xi32, #tpu.memory_space<hbm>>) target(%arg5 : memref<16384xi32, #tpu.memory_space<vmem>>) target_semaphore(%run_scoped3A : memref<!tpu.dma_semaphore, #tpu.memory_space<semaphore_mem>>)
      %dma_wait3A_191 = tpu.memref_slice %arg3[%add3A_74] : memref<15283200xi32, #tpu.memory_space<hbm>> -> memref<16384xi32, #tpu.memory_space<hbm>>
      %dma_wait3A_192 = tpu.memref_slice %arg3[%add3A_74] : memref<15283200xi32, #tpu.memory_space<hbm>> -> memref<16384xi32, #tpu.memory_space<hbm>>
      tpu.wait_dma2 semaphore(%run_scoped3A : memref<!tpu.dma_semaphore, #tpu.memory_space<semaphore_mem>>) src(%dma_wait3A_192 : memref<16384xi32, #tpu.memory_space<hbm>>) dst(%arg5 : memref<16384xi32, #tpu.memory_space<vmem>>)
      tpu.yield
    }) : () -> ()
    %dma_start3A_75 = arith.constant 0 : i32
    %dma_start3A_76 = tpu.memref_slice %arg2[%dma_start3A_75] : memref<15283200xf32, #tpu.memory_space<hbm>> -> memref<15283200xf32, #tpu.memory_space<hbm>>
    tpu.enqueue_indirect_dma source(%dma_start3A_76 : memref<15283200xf32, #tpu.memory_space<hbm>>) target(%arg6 : memref<16384xf32, #tpu.memory_space<vmem>>) offsets(%arg5 : memref<16384xi32, #tpu.memory_space<vmem>>) semaphore(%arg7 : memref<!tpu.dma_semaphore, #tpu.memory_space<semaphore_mem>>)
    %dma_wait3A_77 = arith.constant 0 : i32
    %dma_wait3A_78 = tpu.memref_slice %arg2[%dma_wait3A_77] : memref<15283200xf32, #tpu.memory_space<hbm>> -> memref<15283200xf32, #tpu.memory_space<hbm>>
    tpu.wait_indirect_dma semaphore(%arg7 : memref<!tpu.dma_semaphore, #tpu.memory_space<semaphore_mem>>) src(%dma_wait3A_78 : memref<15283200xf32, #tpu.memory_space<hbm>>) dst(%arg6 : memref<16384xf32, #tpu.memory_space<vmem>>)
    "tpu.region"() ({
      %run_scoped3A = tpu.sem_alloc : memref<!tpu.dma_semaphore, #tpu.memory_space<semaphore_mem>>
      %dma_start3A_189 = tpu.memref_slice %arg4[%add3A_74] : memref<15283200xf32, #tpu.memory_space<hbm>> -> memref<16384xf32, #tpu.memory_space<hbm>>
      %dma_start3A_190 = tpu.memref_slice %arg4[%add3A_74] : memref<15283200xf32, #tpu.memory_space<hbm>> -> memref<16384xf32, #tpu.memory_space<hbm>>
      tpu.enqueue_dma source(%arg6 : memref<16384xf32, #tpu.memory_space<vmem>>) target(%dma_start3A_190 : memref<16384xf32, #tpu.memory_space<hbm>>) target_semaphore(%run_scoped3A : memref<!tpu.dma_semaphore, #tpu.memory_space<semaphore_mem>>)
      %dma_wait3A_191 = tpu.memref_slice %arg4[%add3A_74] : memref<15283200xf32, #tpu.memory_space<hbm>> -> memref<16384xf32, #tpu.memory_space<hbm>>
      %dma_wait3A_192 = tpu.memref_slice %arg4[%add3A_74] : memref<15283200xf32, #tpu.memory_space<hbm>> -> memref<16384xf32, #tpu.memory_space<hbm>>
      tpu.wait_dma2 semaphore(%run_scoped3A : memref<!tpu.dma_semaphore, #tpu.memory_space<semaphore_mem>>) src(%arg6 : memref<16384xf32, #tpu.memory_space<vmem>>) dst(%dma_wait3A_192 : memref<16384xf32, #tpu.memory_space<hbm>>)
      tpu.yield
    }) : () -> ()
    %add3A_79 = arith.constant 212992 : i32
    %add3A_80 = arith.addi %mul3A_2, %add3A_79 : i32
    "tpu.region"() ({
      %run_scoped3A = tpu.sem_alloc : memref<!tpu.dma_semaphore, #tpu.memory_space<semaphore_mem>>
      %dma_start3A_189 = tpu.memref_slice %arg3[%add3A_80] : memref<15283200xi32, #tpu.memory_space<hbm>> -> memref<16384xi32, #tpu.memory_space<hbm>>
      %dma_start3A_190 = tpu.memref_slice %arg3[%add3A_80] : memref<15283200xi32, #tpu.memory_space<hbm>> -> memref<16384xi32, #tpu.memory_space<hbm>>
      tpu.enqueue_dma source(%dma_start3A_190 : memref<16384xi32, #tpu.memory_space<hbm>>) target(%arg5 : memref<16384xi32, #tpu.memory_space<vmem>>) target_semaphore(%run_scoped3A : memref<!tpu.dma_semaphore, #tpu.memory_space<semaphore_mem>>)
      %dma_wait3A_191 = tpu.memref_slice %arg3[%add3A_80] : memref<15283200xi32, #tpu.memory_space<hbm>> -> memref<16384xi32, #tpu.memory_space<hbm>>
      %dma_wait3A_192 = tpu.memref_slice %arg3[%add3A_80] : memref<15283200xi32, #tpu.memory_space<hbm>> -> memref<16384xi32, #tpu.memory_space<hbm>>
      tpu.wait_dma2 semaphore(%run_scoped3A : memref<!tpu.dma_semaphore, #tpu.memory_space<semaphore_mem>>) src(%dma_wait3A_192 : memref<16384xi32, #tpu.memory_space<hbm>>) dst(%arg5 : memref<16384xi32, #tpu.memory_space<vmem>>)
      tpu.yield
    }) : () -> ()
    %dma_start3A_81 = arith.constant 0 : i32
    %dma_start3A_82 = tpu.memref_slice %arg2[%dma_start3A_81] : memref<15283200xf32, #tpu.memory_space<hbm>> -> memref<15283200xf32, #tpu.memory_space<hbm>>
    tpu.enqueue_indirect_dma source(%dma_start3A_82 : memref<15283200xf32, #tpu.memory_space<hbm>>) target(%arg6 : memref<16384xf32, #tpu.memory_space<vmem>>) offsets(%arg5 : memref<16384xi32, #tpu.memory_space<vmem>>) semaphore(%arg7 : memref<!tpu.dma_semaphore, #tpu.memory_space<semaphore_mem>>)
    %dma_wait3A_83 = arith.constant 0 : i32
    %dma_wait3A_84 = tpu.memref_slice %arg2[%dma_wait3A_83] : memref<15283200xf32, #tpu.memory_space<hbm>> -> memref<15283200xf32, #tpu.memory_space<hbm>>
    tpu.wait_indirect_dma semaphore(%arg7 : memref<!tpu.dma_semaphore, #tpu.memory_space<semaphore_mem>>) src(%dma_wait3A_84 : memref<15283200xf32, #tpu.memory_space<hbm>>) dst(%arg6 : memref<16384xf32, #tpu.memory_space<vmem>>)
    "tpu.region"() ({
      %run_scoped3A = tpu.sem_alloc : memref<!tpu.dma_semaphore, #tpu.memory_space<semaphore_mem>>
      %dma_start3A_189 = tpu.memref_slice %arg4[%add3A_80] : memref<15283200xf32, #tpu.memory_space<hbm>> -> memref<16384xf32, #tpu.memory_space<hbm>>
      %dma_start3A_190 = tpu.memref_slice %arg4[%add3A_80] : memref<15283200xf32, #tpu.memory_space<hbm>> -> memref<16384xf32, #tpu.memory_space<hbm>>
      tpu.enqueue_dma source(%arg6 : memref<16384xf32, #tpu.memory_space<vmem>>) target(%dma_start3A_190 : memref<16384xf32, #tpu.memory_space<hbm>>) target_semaphore(%run_scoped3A : memref<!tpu.dma_semaphore, #tpu.memory_space<semaphore_mem>>)
      %dma_wait3A_191 = tpu.memref_slice %arg4[%add3A_80] : memref<15283200xf32, #tpu.memory_space<hbm>> -> memref<16384xf32, #tpu.memory_space<hbm>>
      %dma_wait3A_192 = tpu.memref_slice %arg4[%add3A_80] : memref<15283200xf32, #tpu.memory_space<hbm>> -> memref<16384xf32, #tpu.memory_space<hbm>>
      tpu.wait_dma2 semaphore(%run_scoped3A : memref<!tpu.dma_semaphore, #tpu.memory_space<semaphore_mem>>) src(%arg6 : memref<16384xf32, #tpu.memory_space<vmem>>) dst(%dma_wait3A_192 : memref<16384xf32, #tpu.memory_space<hbm>>)
      tpu.yield
    }) : () -> ()
    %add3A_85 = arith.constant 229376 : i32
    %add3A_86 = arith.addi %mul3A_2, %add3A_85 : i32
    "tpu.region"() ({
      %run_scoped3A = tpu.sem_alloc : memref<!tpu.dma_semaphore, #tpu.memory_space<semaphore_mem>>
      %dma_start3A_189 = tpu.memref_slice %arg3[%add3A_86] : memref<15283200xi32, #tpu.memory_space<hbm>> -> memref<16384xi32, #tpu.memory_space<hbm>>
      %dma_start3A_190 = tpu.memref_slice %arg3[%add3A_86] : memref<15283200xi32, #tpu.memory_space<hbm>> -> memref<16384xi32, #tpu.memory_space<hbm>>
      tpu.enqueue_dma source(%dma_start3A_190 : memref<16384xi32, #tpu.memory_space<hbm>>) target(%arg5 : memref<16384xi32, #tpu.memory_space<vmem>>) target_semaphore(%run_scoped3A : memref<!tpu.dma_semaphore, #tpu.memory_space<semaphore_mem>>)
      %dma_wait3A_191 = tpu.memref_slice %arg3[%add3A_86] : memref<15283200xi32, #tpu.memory_space<hbm>> -> memref<16384xi32, #tpu.memory_space<hbm>>
      %dma_wait3A_192 = tpu.memref_slice %arg3[%add3A_86] : memref<15283200xi32, #tpu.memory_space<hbm>> -> memref<16384xi32, #tpu.memory_space<hbm>>
      tpu.wait_dma2 semaphore(%run_scoped3A : memref<!tpu.dma_semaphore, #tpu.memory_space<semaphore_mem>>) src(%dma_wait3A_192 : memref<16384xi32, #tpu.memory_space<hbm>>) dst(%arg5 : memref<16384xi32, #tpu.memory_space<vmem>>)
      tpu.yield
    }) : () -> ()
    %dma_start3A_87 = arith.constant 0 : i32
    %dma_start3A_88 = tpu.memref_slice %arg2[%dma_start3A_87] : memref<15283200xf32, #tpu.memory_space<hbm>> -> memref<15283200xf32, #tpu.memory_space<hbm>>
    tpu.enqueue_indirect_dma source(%dma_start3A_88 : memref<15283200xf32, #tpu.memory_space<hbm>>) target(%arg6 : memref<16384xf32, #tpu.memory_space<vmem>>) offsets(%arg5 : memref<16384xi32, #tpu.memory_space<vmem>>) semaphore(%arg7 : memref<!tpu.dma_semaphore, #tpu.memory_space<semaphore_mem>>)
    %dma_wait3A_89 = arith.constant 0 : i32
    %dma_wait3A_90 = tpu.memref_slice %arg2[%dma_wait3A_89] : memref<15283200xf32, #tpu.memory_space<hbm>> -> memref<15283200xf32, #tpu.memory_space<hbm>>
    tpu.wait_indirect_dma semaphore(%arg7 : memref<!tpu.dma_semaphore, #tpu.memory_space<semaphore_mem>>) src(%dma_wait3A_90 : memref<15283200xf32, #tpu.memory_space<hbm>>) dst(%arg6 : memref<16384xf32, #tpu.memory_space<vmem>>)
    "tpu.region"() ({
      %run_scoped3A = tpu.sem_alloc : memref<!tpu.dma_semaphore, #tpu.memory_space<semaphore_mem>>
      %dma_start3A_189 = tpu.memref_slice %arg4[%add3A_86] : memref<15283200xf32, #tpu.memory_space<hbm>> -> memref<16384xf32, #tpu.memory_space<hbm>>
      %dma_start3A_190 = tpu.memref_slice %arg4[%add3A_86] : memref<15283200xf32, #tpu.memory_space<hbm>> -> memref<16384xf32, #tpu.memory_space<hbm>>
      tpu.enqueue_dma source(%arg6 : memref<16384xf32, #tpu.memory_space<vmem>>) target(%dma_start3A_190 : memref<16384xf32, #tpu.memory_space<hbm>>) target_semaphore(%run_scoped3A : memref<!tpu.dma_semaphore, #tpu.memory_space<semaphore_mem>>)
      %dma_wait3A_191 = tpu.memref_slice %arg4[%add3A_86] : memref<15283200xf32, #tpu.memory_space<hbm>> -> memref<16384xf32, #tpu.memory_space<hbm>>
      %dma_wait3A_192 = tpu.memref_slice %arg4[%add3A_86] : memref<15283200xf32, #tpu.memory_space<hbm>> -> memref<16384xf32, #tpu.memory_space<hbm>>
      tpu.wait_dma2 semaphore(%run_scoped3A : memref<!tpu.dma_semaphore, #tpu.memory_space<semaphore_mem>>) src(%arg6 : memref<16384xf32, #tpu.memory_space<vmem>>) dst(%dma_wait3A_192 : memref<16384xf32, #tpu.memory_space<hbm>>)
      tpu.yield
    }) : () -> ()
    %add3A_91 = arith.constant 245760 : i32
    %add3A_92 = arith.addi %mul3A_2, %add3A_91 : i32
    "tpu.region"() ({
      %run_scoped3A = tpu.sem_alloc : memref<!tpu.dma_semaphore, #tpu.memory_space<semaphore_mem>>
      %dma_start3A_189 = tpu.memref_slice %arg3[%add3A_92] : memref<15283200xi32, #tpu.memory_space<hbm>> -> memref<16384xi32, #tpu.memory_space<hbm>>
      %dma_start3A_190 = tpu.memref_slice %arg3[%add3A_92] : memref<15283200xi32, #tpu.memory_space<hbm>> -> memref<16384xi32, #tpu.memory_space<hbm>>
      tpu.enqueue_dma source(%dma_start3A_190 : memref<16384xi32, #tpu.memory_space<hbm>>) target(%arg5 : memref<16384xi32, #tpu.memory_space<vmem>>) target_semaphore(%run_scoped3A : memref<!tpu.dma_semaphore, #tpu.memory_space<semaphore_mem>>)
      %dma_wait3A_191 = tpu.memref_slice %arg3[%add3A_92] : memref<15283200xi32, #tpu.memory_space<hbm>> -> memref<16384xi32, #tpu.memory_space<hbm>>
      %dma_wait3A_192 = tpu.memref_slice %arg3[%add3A_92] : memref<15283200xi32, #tpu.memory_space<hbm>> -> memref<16384xi32, #tpu.memory_space<hbm>>
      tpu.wait_dma2 semaphore(%run_scoped3A : memref<!tpu.dma_semaphore, #tpu.memory_space<semaphore_mem>>) src(%dma_wait3A_192 : memref<16384xi32, #tpu.memory_space<hbm>>) dst(%arg5 : memref<16384xi32, #tpu.memory_space<vmem>>)
      tpu.yield
    }) : () -> ()
    %dma_start3A_93 = arith.constant 0 : i32
    %dma_start3A_94 = tpu.memref_slice %arg2[%dma_start3A_93] : memref<15283200xf32, #tpu.memory_space<hbm>> -> memref<15283200xf32, #tpu.memory_space<hbm>>
    tpu.enqueue_indirect_dma source(%dma_start3A_94 : memref<15283200xf32, #tpu.memory_space<hbm>>) target(%arg6 : memref<16384xf32, #tpu.memory_space<vmem>>) offsets(%arg5 : memref<16384xi32, #tpu.memory_space<vmem>>) semaphore(%arg7 : memref<!tpu.dma_semaphore, #tpu.memory_space<semaphore_mem>>)
    %dma_wait3A_95 = arith.constant 0 : i32
    %dma_wait3A_96 = tpu.memref_slice %arg2[%dma_wait3A_95] : memref<15283200xf32, #tpu.memory_space<hbm>> -> memref<15283200xf32, #tpu.memory_space<hbm>>
    tpu.wait_indirect_dma semaphore(%arg7 : memref<!tpu.dma_semaphore, #tpu.memory_space<semaphore_mem>>) src(%dma_wait3A_96 : memref<15283200xf32, #tpu.memory_space<hbm>>) dst(%arg6 : memref<16384xf32, #tpu.memory_space<vmem>>)
    "tpu.region"() ({
      %run_scoped3A = tpu.sem_alloc : memref<!tpu.dma_semaphore, #tpu.memory_space<semaphore_mem>>
      %dma_start3A_189 = tpu.memref_slice %arg4[%add3A_92] : memref<15283200xf32, #tpu.memory_space<hbm>> -> memref<16384xf32, #tpu.memory_space<hbm>>
      %dma_start3A_190 = tpu.memref_slice %arg4[%add3A_92] : memref<15283200xf32, #tpu.memory_space<hbm>> -> memref<16384xf32, #tpu.memory_space<hbm>>
      tpu.enqueue_dma source(%arg6 : memref<16384xf32, #tpu.memory_space<vmem>>) target(%dma_start3A_190 : memref<16384xf32, #tpu.memory_space<hbm>>) target_semaphore(%run_scoped3A : memref<!tpu.dma_semaphore, #tpu.memory_space<semaphore_mem>>)
      %dma_wait3A_191 = tpu.memref_slice %arg4[%add3A_92] : memref<15283200xf32, #tpu.memory_space<hbm>> -> memref<16384xf32, #tpu.memory_space<hbm>>
      %dma_wait3A_192 = tpu.memref_slice %arg4[%add3A_92] : memref<15283200xf32, #tpu.memory_space<hbm>> -> memref<16384xf32, #tpu.memory_space<hbm>>
      tpu.wait_dma2 semaphore(%run_scoped3A : memref<!tpu.dma_semaphore, #tpu.memory_space<semaphore_mem>>) src(%arg6 : memref<16384xf32, #tpu.memory_space<vmem>>) dst(%dma_wait3A_192 : memref<16384xf32, #tpu.memory_space<hbm>>)
      tpu.yield
    }) : () -> ()
    %add3A_97 = arith.constant 262144 : i32
    %add3A_98 = arith.addi %mul3A_2, %add3A_97 : i32
    "tpu.region"() ({
      %run_scoped3A = tpu.sem_alloc : memref<!tpu.dma_semaphore, #tpu.memory_space<semaphore_mem>>
      %dma_start3A_189 = tpu.memref_slice %arg3[%add3A_98] : memref<15283200xi32, #tpu.memory_space<hbm>> -> memref<16384xi32, #tpu.memory_space<hbm>>
      %dma_start3A_190 = tpu.memref_slice %arg3[%add3A_98] : memref<15283200xi32, #tpu.memory_space<hbm>> -> memref<16384xi32, #tpu.memory_space<hbm>>
      tpu.enqueue_dma source(%dma_start3A_190 : memref<16384xi32, #tpu.memory_space<hbm>>) target(%arg5 : memref<16384xi32, #tpu.memory_space<vmem>>) target_semaphore(%run_scoped3A : memref<!tpu.dma_semaphore, #tpu.memory_space<semaphore_mem>>)
      %dma_wait3A_191 = tpu.memref_slice %arg3[%add3A_98] : memref<15283200xi32, #tpu.memory_space<hbm>> -> memref<16384xi32, #tpu.memory_space<hbm>>
      %dma_wait3A_192 = tpu.memref_slice %arg3[%add3A_98] : memref<15283200xi32, #tpu.memory_space<hbm>> -> memref<16384xi32, #tpu.memory_space<hbm>>
      tpu.wait_dma2 semaphore(%run_scoped3A : memref<!tpu.dma_semaphore, #tpu.memory_space<semaphore_mem>>) src(%dma_wait3A_192 : memref<16384xi32, #tpu.memory_space<hbm>>) dst(%arg5 : memref<16384xi32, #tpu.memory_space<vmem>>)
      tpu.yield
    }) : () -> ()
    %dma_start3A_99 = arith.constant 0 : i32
    %dma_start3A_100 = tpu.memref_slice %arg2[%dma_start3A_99] : memref<15283200xf32, #tpu.memory_space<hbm>> -> memref<15283200xf32, #tpu.memory_space<hbm>>
    tpu.enqueue_indirect_dma source(%dma_start3A_100 : memref<15283200xf32, #tpu.memory_space<hbm>>) target(%arg6 : memref<16384xf32, #tpu.memory_space<vmem>>) offsets(%arg5 : memref<16384xi32, #tpu.memory_space<vmem>>) semaphore(%arg7 : memref<!tpu.dma_semaphore, #tpu.memory_space<semaphore_mem>>)
    %dma_wait3A_101 = arith.constant 0 : i32
    %dma_wait3A_102 = tpu.memref_slice %arg2[%dma_wait3A_101] : memref<15283200xf32, #tpu.memory_space<hbm>> -> memref<15283200xf32, #tpu.memory_space<hbm>>
    tpu.wait_indirect_dma semaphore(%arg7 : memref<!tpu.dma_semaphore, #tpu.memory_space<semaphore_mem>>) src(%dma_wait3A_102 : memref<15283200xf32, #tpu.memory_space<hbm>>) dst(%arg6 : memref<16384xf32, #tpu.memory_space<vmem>>)
    "tpu.region"() ({
      %run_scoped3A = tpu.sem_alloc : memref<!tpu.dma_semaphore, #tpu.memory_space<semaphore_mem>>
      %dma_start3A_189 = tpu.memref_slice %arg4[%add3A_98] : memref<15283200xf32, #tpu.memory_space<hbm>> -> memref<16384xf32, #tpu.memory_space<hbm>>
      %dma_start3A_190 = tpu.memref_slice %arg4[%add3A_98] : memref<15283200xf32, #tpu.memory_space<hbm>> -> memref<16384xf32, #tpu.memory_space<hbm>>
      tpu.enqueue_dma source(%arg6 : memref<16384xf32, #tpu.memory_space<vmem>>) target(%dma_start3A_190 : memref<16384xf32, #tpu.memory_space<hbm>>) target_semaphore(%run_scoped3A : memref<!tpu.dma_semaphore, #tpu.memory_space<semaphore_mem>>)
      %dma_wait3A_191 = tpu.memref_slice %arg4[%add3A_98] : memref<15283200xf32, #tpu.memory_space<hbm>> -> memref<16384xf32, #tpu.memory_space<hbm>>
      %dma_wait3A_192 = tpu.memref_slice %arg4[%add3A_98] : memref<15283200xf32, #tpu.memory_space<hbm>> -> memref<16384xf32, #tpu.memory_space<hbm>>
      tpu.wait_dma2 semaphore(%run_scoped3A : memref<!tpu.dma_semaphore, #tpu.memory_space<semaphore_mem>>) src(%arg6 : memref<16384xf32, #tpu.memory_space<vmem>>) dst(%dma_wait3A_192 : memref<16384xf32, #tpu.memory_space<hbm>>)
      tpu.yield
    }) : () -> ()
    %add3A_103 = arith.constant 278528 : i32
    %add3A_104 = arith.addi %mul3A_2, %add3A_103 : i32
    "tpu.region"() ({
      %run_scoped3A = tpu.sem_alloc : memref<!tpu.dma_semaphore, #tpu.memory_space<semaphore_mem>>
      %dma_start3A_189 = tpu.memref_slice %arg3[%add3A_104] : memref<15283200xi32, #tpu.memory_space<hbm>> -> memref<16384xi32, #tpu.memory_space<hbm>>
      %dma_start3A_190 = tpu.memref_slice %arg3[%add3A_104] : memref<15283200xi32, #tpu.memory_space<hbm>> -> memref<16384xi32, #tpu.memory_space<hbm>>
      tpu.enqueue_dma source(%dma_start3A_190 : memref<16384xi32, #tpu.memory_space<hbm>>) target(%arg5 : memref<16384xi32, #tpu.memory_space<vmem>>) target_semaphore(%run_scoped3A : memref<!tpu.dma_semaphore, #tpu.memory_space<semaphore_mem>>)
      %dma_wait3A_191 = tpu.memref_slice %arg3[%add3A_104] : memref<15283200xi32, #tpu.memory_space<hbm>> -> memref<16384xi32, #tpu.memory_space<hbm>>
      %dma_wait3A_192 = tpu.memref_slice %arg3[%add3A_104] : memref<15283200xi32, #tpu.memory_space<hbm>> -> memref<16384xi32, #tpu.memory_space<hbm>>
      tpu.wait_dma2 semaphore(%run_scoped3A : memref<!tpu.dma_semaphore, #tpu.memory_space<semaphore_mem>>) src(%dma_wait3A_192 : memref<16384xi32, #tpu.memory_space<hbm>>) dst(%arg5 : memref<16384xi32, #tpu.memory_space<vmem>>)
      tpu.yield
    }) : () -> ()
    %dma_start3A_105 = arith.constant 0 : i32
    %dma_start3A_106 = tpu.memref_slice %arg2[%dma_start3A_105] : memref<15283200xf32, #tpu.memory_space<hbm>> -> memref<15283200xf32, #tpu.memory_space<hbm>>
    tpu.enqueue_indirect_dma source(%dma_start3A_106 : memref<15283200xf32, #tpu.memory_space<hbm>>) target(%arg6 : memref<16384xf32, #tpu.memory_space<vmem>>) offsets(%arg5 : memref<16384xi32, #tpu.memory_space<vmem>>) semaphore(%arg7 : memref<!tpu.dma_semaphore, #tpu.memory_space<semaphore_mem>>)
    %dma_wait3A_107 = arith.constant 0 : i32
    %dma_wait3A_108 = tpu.memref_slice %arg2[%dma_wait3A_107] : memref<15283200xf32, #tpu.memory_space<hbm>> -> memref<15283200xf32, #tpu.memory_space<hbm>>
    tpu.wait_indirect_dma semaphore(%arg7 : memref<!tpu.dma_semaphore, #tpu.memory_space<semaphore_mem>>) src(%dma_wait3A_108 : memref<15283200xf32, #tpu.memory_space<hbm>>) dst(%arg6 : memref<16384xf32, #tpu.memory_space<vmem>>)
    "tpu.region"() ({
      %run_scoped3A = tpu.sem_alloc : memref<!tpu.dma_semaphore, #tpu.memory_space<semaphore_mem>>
      %dma_start3A_189 = tpu.memref_slice %arg4[%add3A_104] : memref<15283200xf32, #tpu.memory_space<hbm>> -> memref<16384xf32, #tpu.memory_space<hbm>>
      %dma_start3A_190 = tpu.memref_slice %arg4[%add3A_104] : memref<15283200xf32, #tpu.memory_space<hbm>> -> memref<16384xf32, #tpu.memory_space<hbm>>
      tpu.enqueue_dma source(%arg6 : memref<16384xf32, #tpu.memory_space<vmem>>) target(%dma_start3A_190 : memref<16384xf32, #tpu.memory_space<hbm>>) target_semaphore(%run_scoped3A : memref<!tpu.dma_semaphore, #tpu.memory_space<semaphore_mem>>)
      %dma_wait3A_191 = tpu.memref_slice %arg4[%add3A_104] : memref<15283200xf32, #tpu.memory_space<hbm>> -> memref<16384xf32, #tpu.memory_space<hbm>>
      %dma_wait3A_192 = tpu.memref_slice %arg4[%add3A_104] : memref<15283200xf32, #tpu.memory_space<hbm>> -> memref<16384xf32, #tpu.memory_space<hbm>>
      tpu.wait_dma2 semaphore(%run_scoped3A : memref<!tpu.dma_semaphore, #tpu.memory_space<semaphore_mem>>) src(%arg6 : memref<16384xf32, #tpu.memory_space<vmem>>) dst(%dma_wait3A_192 : memref<16384xf32, #tpu.memory_space<hbm>>)
      tpu.yield
    }) : () -> ()
    %add3A_109 = arith.constant 294912 : i32
    %add3A_110 = arith.addi %mul3A_2, %add3A_109 : i32
    "tpu.region"() ({
      %run_scoped3A = tpu.sem_alloc : memref<!tpu.dma_semaphore, #tpu.memory_space<semaphore_mem>>
      %dma_start3A_189 = tpu.memref_slice %arg3[%add3A_110] : memref<15283200xi32, #tpu.memory_space<hbm>> -> memref<16384xi32, #tpu.memory_space<hbm>>
      %dma_start3A_190 = tpu.memref_slice %arg3[%add3A_110] : memref<15283200xi32, #tpu.memory_space<hbm>> -> memref<16384xi32, #tpu.memory_space<hbm>>
      tpu.enqueue_dma source(%dma_start3A_190 : memref<16384xi32, #tpu.memory_space<hbm>>) target(%arg5 : memref<16384xi32, #tpu.memory_space<vmem>>) target_semaphore(%run_scoped3A : memref<!tpu.dma_semaphore, #tpu.memory_space<semaphore_mem>>)
      %dma_wait3A_191 = tpu.memref_slice %arg3[%add3A_110] : memref<15283200xi32, #tpu.memory_space<hbm>> -> memref<16384xi32, #tpu.memory_space<hbm>>
      %dma_wait3A_192 = tpu.memref_slice %arg3[%add3A_110] : memref<15283200xi32, #tpu.memory_space<hbm>> -> memref<16384xi32, #tpu.memory_space<hbm>>
      tpu.wait_dma2 semaphore(%run_scoped3A : memref<!tpu.dma_semaphore, #tpu.memory_space<semaphore_mem>>) src(%dma_wait3A_192 : memref<16384xi32, #tpu.memory_space<hbm>>) dst(%arg5 : memref<16384xi32, #tpu.memory_space<vmem>>)
      tpu.yield
    }) : () -> ()
    %dma_start3A_111 = arith.constant 0 : i32
    %dma_start3A_112 = tpu.memref_slice %arg2[%dma_start3A_111] : memref<15283200xf32, #tpu.memory_space<hbm>> -> memref<15283200xf32, #tpu.memory_space<hbm>>
    tpu.enqueue_indirect_dma source(%dma_start3A_112 : memref<15283200xf32, #tpu.memory_space<hbm>>) target(%arg6 : memref<16384xf32, #tpu.memory_space<vmem>>) offsets(%arg5 : memref<16384xi32, #tpu.memory_space<vmem>>) semaphore(%arg7 : memref<!tpu.dma_semaphore, #tpu.memory_space<semaphore_mem>>)
    %dma_wait3A_113 = arith.constant 0 : i32
    %dma_wait3A_114 = tpu.memref_slice %arg2[%dma_wait3A_113] : memref<15283200xf32, #tpu.memory_space<hbm>> -> memref<15283200xf32, #tpu.memory_space<hbm>>
    tpu.wait_indirect_dma semaphore(%arg7 : memref<!tpu.dma_semaphore, #tpu.memory_space<semaphore_mem>>) src(%dma_wait3A_114 : memref<15283200xf32, #tpu.memory_space<hbm>>) dst(%arg6 : memref<16384xf32, #tpu.memory_space<vmem>>)
    "tpu.region"() ({
      %run_scoped3A = tpu.sem_alloc : memref<!tpu.dma_semaphore, #tpu.memory_space<semaphore_mem>>
      %dma_start3A_189 = tpu.memref_slice %arg4[%add3A_110] : memref<15283200xf32, #tpu.memory_space<hbm>> -> memref<16384xf32, #tpu.memory_space<hbm>>
      %dma_start3A_190 = tpu.memref_slice %arg4[%add3A_110] : memref<15283200xf32, #tpu.memory_space<hbm>> -> memref<16384xf32, #tpu.memory_space<hbm>>
      tpu.enqueue_dma source(%arg6 : memref<16384xf32, #tpu.memory_space<vmem>>) target(%dma_start3A_190 : memref<16384xf32, #tpu.memory_space<hbm>>) target_semaphore(%run_scoped3A : memref<!tpu.dma_semaphore, #tpu.memory_space<semaphore_mem>>)
      %dma_wait3A_191 = tpu.memref_slice %arg4[%add3A_110] : memref<15283200xf32, #tpu.memory_space<hbm>> -> memref<16384xf32, #tpu.memory_space<hbm>>
      %dma_wait3A_192 = tpu.memref_slice %arg4[%add3A_110] : memref<15283200xf32, #tpu.memory_space<hbm>> -> memref<16384xf32, #tpu.memory_space<hbm>>
      tpu.wait_dma2 semaphore(%run_scoped3A : memref<!tpu.dma_semaphore, #tpu.memory_space<semaphore_mem>>) src(%arg6 : memref<16384xf32, #tpu.memory_space<vmem>>) dst(%dma_wait3A_192 : memref<16384xf32, #tpu.memory_space<hbm>>)
      tpu.yield
    }) : () -> ()
    %add3A_115 = arith.constant 311296 : i32
    %add3A_116 = arith.addi %mul3A_2, %add3A_115 : i32
    "tpu.region"() ({
      %run_scoped3A = tpu.sem_alloc : memref<!tpu.dma_semaphore, #tpu.memory_space<semaphore_mem>>
      %dma_start3A_189 = tpu.memref_slice %arg3[%add3A_116] : memref<15283200xi32, #tpu.memory_space<hbm>> -> memref<16384xi32, #tpu.memory_space<hbm>>
      %dma_start3A_190 = tpu.memref_slice %arg3[%add3A_116] : memref<15283200xi32, #tpu.memory_space<hbm>> -> memref<16384xi32, #tpu.memory_space<hbm>>
      tpu.enqueue_dma source(%dma_start3A_190 : memref<16384xi32, #tpu.memory_space<hbm>>) target(%arg5 : memref<16384xi32, #tpu.memory_space<vmem>>) target_semaphore(%run_scoped3A : memref<!tpu.dma_semaphore, #tpu.memory_space<semaphore_mem>>)
      %dma_wait3A_191 = tpu.memref_slice %arg3[%add3A_116] : memref<15283200xi32, #tpu.memory_space<hbm>> -> memref<16384xi32, #tpu.memory_space<hbm>>
      %dma_wait3A_192 = tpu.memref_slice %arg3[%add3A_116] : memref<15283200xi32, #tpu.memory_space<hbm>> -> memref<16384xi32, #tpu.memory_space<hbm>>
      tpu.wait_dma2 semaphore(%run_scoped3A : memref<!tpu.dma_semaphore, #tpu.memory_space<semaphore_mem>>) src(%dma_wait3A_192 : memref<16384xi32, #tpu.memory_space<hbm>>) dst(%arg5 : memref<16384xi32, #tpu.memory_space<vmem>>)
      tpu.yield
    }) : () -> ()
    %dma_start3A_117 = arith.constant 0 : i32
    %dma_start3A_118 = tpu.memref_slice %arg2[%dma_start3A_117] : memref<15283200xf32, #tpu.memory_space<hbm>> -> memref<15283200xf32, #tpu.memory_space<hbm>>
    tpu.enqueue_indirect_dma source(%dma_start3A_118 : memref<15283200xf32, #tpu.memory_space<hbm>>) target(%arg6 : memref<16384xf32, #tpu.memory_space<vmem>>) offsets(%arg5 : memref<16384xi32, #tpu.memory_space<vmem>>) semaphore(%arg7 : memref<!tpu.dma_semaphore, #tpu.memory_space<semaphore_mem>>)
    %dma_wait3A_119 = arith.constant 0 : i32
    %dma_wait3A_120 = tpu.memref_slice %arg2[%dma_wait3A_119] : memref<15283200xf32, #tpu.memory_space<hbm>> -> memref<15283200xf32, #tpu.memory_space<hbm>>
    tpu.wait_indirect_dma semaphore(%arg7 : memref<!tpu.dma_semaphore, #tpu.memory_space<semaphore_mem>>) src(%dma_wait3A_120 : memref<15283200xf32, #tpu.memory_space<hbm>>) dst(%arg6 : memref<16384xf32, #tpu.memory_space<vmem>>)
    "tpu.region"() ({
      %run_scoped3A = tpu.sem_alloc : memref<!tpu.dma_semaphore, #tpu.memory_space<semaphore_mem>>
      %dma_start3A_189 = tpu.memref_slice %arg4[%add3A_116] : memref<15283200xf32, #tpu.memory_space<hbm>> -> memref<16384xf32, #tpu.memory_space<hbm>>
      %dma_start3A_190 = tpu.memref_slice %arg4[%add3A_116] : memref<15283200xf32, #tpu.memory_space<hbm>> -> memref<16384xf32, #tpu.memory_space<hbm>>
      tpu.enqueue_dma source(%arg6 : memref<16384xf32, #tpu.memory_space<vmem>>) target(%dma_start3A_190 : memref<16384xf32, #tpu.memory_space<hbm>>) target_semaphore(%run_scoped3A : memref<!tpu.dma_semaphore, #tpu.memory_space<semaphore_mem>>)
      %dma_wait3A_191 = tpu.memref_slice %arg4[%add3A_116] : memref<15283200xf32, #tpu.memory_space<hbm>> -> memref<16384xf32, #tpu.memory_space<hbm>>
      %dma_wait3A_192 = tpu.memref_slice %arg4[%add3A_116] : memref<15283200xf32, #tpu.memory_space<hbm>> -> memref<16384xf32, #tpu.memory_space<hbm>>
      tpu.wait_dma2 semaphore(%run_scoped3A : memref<!tpu.dma_semaphore, #tpu.memory_space<semaphore_mem>>) src(%arg6 : memref<16384xf32, #tpu.memory_space<vmem>>) dst(%dma_wait3A_192 : memref<16384xf32, #tpu.memory_space<hbm>>)
      tpu.yield
    }) : () -> ()
    %add3A_121 = arith.constant 327680 : i32
    %add3A_122 = arith.addi %mul3A_2, %add3A_121 : i32
    "tpu.region"() ({
      %run_scoped3A = tpu.sem_alloc : memref<!tpu.dma_semaphore, #tpu.memory_space<semaphore_mem>>
      %dma_start3A_189 = tpu.memref_slice %arg3[%add3A_122] : memref<15283200xi32, #tpu.memory_space<hbm>> -> memref<16384xi32, #tpu.memory_space<hbm>>
      %dma_start3A_190 = tpu.memref_slice %arg3[%add3A_122] : memref<15283200xi32, #tpu.memory_space<hbm>> -> memref<16384xi32, #tpu.memory_space<hbm>>
      tpu.enqueue_dma source(%dma_start3A_190 : memref<16384xi32, #tpu.memory_space<hbm>>) target(%arg5 : memref<16384xi32, #tpu.memory_space<vmem>>) target_semaphore(%run_scoped3A : memref<!tpu.dma_semaphore, #tpu.memory_space<semaphore_mem>>)
      %dma_wait3A_191 = tpu.memref_slice %arg3[%add3A_122] : memref<15283200xi32, #tpu.memory_space<hbm>> -> memref<16384xi32, #tpu.memory_space<hbm>>
      %dma_wait3A_192 = tpu.memref_slice %arg3[%add3A_122] : memref<15283200xi32, #tpu.memory_space<hbm>> -> memref<16384xi32, #tpu.memory_space<hbm>>
      tpu.wait_dma2 semaphore(%run_scoped3A : memref<!tpu.dma_semaphore, #tpu.memory_space<semaphore_mem>>) src(%dma_wait3A_192 : memref<16384xi32, #tpu.memory_space<hbm>>) dst(%arg5 : memref<16384xi32, #tpu.memory_space<vmem>>)
      tpu.yield
    }) : () -> ()
    %dma_start3A_123 = arith.constant 0 : i32
    %dma_start3A_124 = tpu.memref_slice %arg2[%dma_start3A_123] : memref<15283200xf32, #tpu.memory_space<hbm>> -> memref<15283200xf32, #tpu.memory_space<hbm>>
    tpu.enqueue_indirect_dma source(%dma_start3A_124 : memref<15283200xf32, #tpu.memory_space<hbm>>) target(%arg6 : memref<16384xf32, #tpu.memory_space<vmem>>) offsets(%arg5 : memref<16384xi32, #tpu.memory_space<vmem>>) semaphore(%arg7 : memref<!tpu.dma_semaphore, #tpu.memory_space<semaphore_mem>>)
    %dma_wait3A_125 = arith.constant 0 : i32
    %dma_wait3A_126 = tpu.memref_slice %arg2[%dma_wait3A_125] : memref<15283200xf32, #tpu.memory_space<hbm>> -> memref<15283200xf32, #tpu.memory_space<hbm>>
    tpu.wait_indirect_dma semaphore(%arg7 : memref<!tpu.dma_semaphore, #tpu.memory_space<semaphore_mem>>) src(%dma_wait3A_126 : memref<15283200xf32, #tpu.memory_space<hbm>>) dst(%arg6 : memref<16384xf32, #tpu.memory_space<vmem>>)
    "tpu.region"() ({
      %run_scoped3A = tpu.sem_alloc : memref<!tpu.dma_semaphore, #tpu.memory_space<semaphore_mem>>
      %dma_start3A_189 = tpu.memref_slice %arg4[%add3A_122] : memref<15283200xf32, #tpu.memory_space<hbm>> -> memref<16384xf32, #tpu.memory_space<hbm>>
      %dma_start3A_190 = tpu.memref_slice %arg4[%add3A_122] : memref<15283200xf32, #tpu.memory_space<hbm>> -> memref<16384xf32, #tpu.memory_space<hbm>>
      tpu.enqueue_dma source(%arg6 : memref<16384xf32, #tpu.memory_space<vmem>>) target(%dma_start3A_190 : memref<16384xf32, #tpu.memory_space<hbm>>) target_semaphore(%run_scoped3A : memref<!tpu.dma_semaphore, #tpu.memory_space<semaphore_mem>>)
      %dma_wait3A_191 = tpu.memref_slice %arg4[%add3A_122] : memref<15283200xf32, #tpu.memory_space<hbm>> -> memref<16384xf32, #tpu.memory_space<hbm>>
      %dma_wait3A_192 = tpu.memref_slice %arg4[%add3A_122] : memref<15283200xf32, #tpu.memory_space<hbm>> -> memref<16384xf32, #tpu.memory_space<hbm>>
      tpu.wait_dma2 semaphore(%run_scoped3A : memref<!tpu.dma_semaphore, #tpu.memory_space<semaphore_mem>>) src(%arg6 : memref<16384xf32, #tpu.memory_space<vmem>>) dst(%dma_wait3A_192 : memref<16384xf32, #tpu.memory_space<hbm>>)
      tpu.yield
    }) : () -> ()
    %add3A_127 = arith.constant 344064 : i32
    %add3A_128 = arith.addi %mul3A_2, %add3A_127 : i32
    "tpu.region"() ({
      %run_scoped3A = tpu.sem_alloc : memref<!tpu.dma_semaphore, #tpu.memory_space<semaphore_mem>>
      %dma_start3A_189 = tpu.memref_slice %arg3[%add3A_128] : memref<15283200xi32, #tpu.memory_space<hbm>> -> memref<16384xi32, #tpu.memory_space<hbm>>
      %dma_start3A_190 = tpu.memref_slice %arg3[%add3A_128] : memref<15283200xi32, #tpu.memory_space<hbm>> -> memref<16384xi32, #tpu.memory_space<hbm>>
      tpu.enqueue_dma source(%dma_start3A_190 : memref<16384xi32, #tpu.memory_space<hbm>>) target(%arg5 : memref<16384xi32, #tpu.memory_space<vmem>>) target_semaphore(%run_scoped3A : memref<!tpu.dma_semaphore, #tpu.memory_space<semaphore_mem>>)
      %dma_wait3A_191 = tpu.memref_slice %arg3[%add3A_128] : memref<15283200xi32, #tpu.memory_space<hbm>> -> memref<16384xi32, #tpu.memory_space<hbm>>
      %dma_wait3A_192 = tpu.memref_slice %arg3[%add3A_128] : memref<15283200xi32, #tpu.memory_space<hbm>> -> memref<16384xi32, #tpu.memory_space<hbm>>
      tpu.wait_dma2 semaphore(%run_scoped3A : memref<!tpu.dma_semaphore, #tpu.memory_space<semaphore_mem>>) src(%dma_wait3A_192 : memref<16384xi32, #tpu.memory_space<hbm>>) dst(%arg5 : memref<16384xi32, #tpu.memory_space<vmem>>)
      tpu.yield
    }) : () -> ()
    %dma_start3A_129 = arith.constant 0 : i32
    %dma_start3A_130 = tpu.memref_slice %arg2[%dma_start3A_129] : memref<15283200xf32, #tpu.memory_space<hbm>> -> memref<15283200xf32, #tpu.memory_space<hbm>>
    tpu.enqueue_indirect_dma source(%dma_start3A_130 : memref<15283200xf32, #tpu.memory_space<hbm>>) target(%arg6 : memref<16384xf32, #tpu.memory_space<vmem>>) offsets(%arg5 : memref<16384xi32, #tpu.memory_space<vmem>>) semaphore(%arg7 : memref<!tpu.dma_semaphore, #tpu.memory_space<semaphore_mem>>)
    %dma_wait3A_131 = arith.constant 0 : i32
    %dma_wait3A_132 = tpu.memref_slice %arg2[%dma_wait3A_131] : memref<15283200xf32, #tpu.memory_space<hbm>> -> memref<15283200xf32, #tpu.memory_space<hbm>>
    tpu.wait_indirect_dma semaphore(%arg7 : memref<!tpu.dma_semaphore, #tpu.memory_space<semaphore_mem>>) src(%dma_wait3A_132 : memref<15283200xf32, #tpu.memory_space<hbm>>) dst(%arg6 : memref<16384xf32, #tpu.memory_space<vmem>>)
    "tpu.region"() ({
      %run_scoped3A = tpu.sem_alloc : memref<!tpu.dma_semaphore, #tpu.memory_space<semaphore_mem>>
      %dma_start3A_189 = tpu.memref_slice %arg4[%add3A_128] : memref<15283200xf32, #tpu.memory_space<hbm>> -> memref<16384xf32, #tpu.memory_space<hbm>>
      %dma_start3A_190 = tpu.memref_slice %arg4[%add3A_128] : memref<15283200xf32, #tpu.memory_space<hbm>> -> memref<16384xf32, #tpu.memory_space<hbm>>
      tpu.enqueue_dma source(%arg6 : memref<16384xf32, #tpu.memory_space<vmem>>) target(%dma_start3A_190 : memref<16384xf32, #tpu.memory_space<hbm>>) target_semaphore(%run_scoped3A : memref<!tpu.dma_semaphore, #tpu.memory_space<semaphore_mem>>)
      %dma_wait3A_191 = tpu.memref_slice %arg4[%add3A_128] : memref<15283200xf32, #tpu.memory_space<hbm>> -> memref<16384xf32, #tpu.memory_space<hbm>>
      %dma_wait3A_192 = tpu.memref_slice %arg4[%add3A_128] : memref<15283200xf32, #tpu.memory_space<hbm>> -> memref<16384xf32, #tpu.memory_space<hbm>>
      tpu.wait_dma2 semaphore(%run_scoped3A : memref<!tpu.dma_semaphore, #tpu.memory_space<semaphore_mem>>) src(%arg6 : memref<16384xf32, #tpu.memory_space<vmem>>) dst(%dma_wait3A_192 : memref<16384xf32, #tpu.memory_space<hbm>>)
      tpu.yield
    }) : () -> ()
    %add3A_133 = arith.constant 360448 : i32
    %add3A_134 = arith.addi %mul3A_2, %add3A_133 : i32
    "tpu.region"() ({
      %run_scoped3A = tpu.sem_alloc : memref<!tpu.dma_semaphore, #tpu.memory_space<semaphore_mem>>
      %dma_start3A_189 = tpu.memref_slice %arg3[%add3A_134] : memref<15283200xi32, #tpu.memory_space<hbm>> -> memref<16384xi32, #tpu.memory_space<hbm>>
      %dma_start3A_190 = tpu.memref_slice %arg3[%add3A_134] : memref<15283200xi32, #tpu.memory_space<hbm>> -> memref<16384xi32, #tpu.memory_space<hbm>>
      tpu.enqueue_dma source(%dma_start3A_190 : memref<16384xi32, #tpu.memory_space<hbm>>) target(%arg5 : memref<16384xi32, #tpu.memory_space<vmem>>) target_semaphore(%run_scoped3A : memref<!tpu.dma_semaphore, #tpu.memory_space<semaphore_mem>>)
      %dma_wait3A_191 = tpu.memref_slice %arg3[%add3A_134] : memref<15283200xi32, #tpu.memory_space<hbm>> -> memref<16384xi32, #tpu.memory_space<hbm>>
      %dma_wait3A_192 = tpu.memref_slice %arg3[%add3A_134] : memref<15283200xi32, #tpu.memory_space<hbm>> -> memref<16384xi32, #tpu.memory_space<hbm>>
      tpu.wait_dma2 semaphore(%run_scoped3A : memref<!tpu.dma_semaphore, #tpu.memory_space<semaphore_mem>>) src(%dma_wait3A_192 : memref<16384xi32, #tpu.memory_space<hbm>>) dst(%arg5 : memref<16384xi32, #tpu.memory_space<vmem>>)
      tpu.yield
    }) : () -> ()
    %dma_start3A_135 = arith.constant 0 : i32
    %dma_start3A_136 = tpu.memref_slice %arg2[%dma_start3A_135] : memref<15283200xf32, #tpu.memory_space<hbm>> -> memref<15283200xf32, #tpu.memory_space<hbm>>
    tpu.enqueue_indirect_dma source(%dma_start3A_136 : memref<15283200xf32, #tpu.memory_space<hbm>>) target(%arg6 : memref<16384xf32, #tpu.memory_space<vmem>>) offsets(%arg5 : memref<16384xi32, #tpu.memory_space<vmem>>) semaphore(%arg7 : memref<!tpu.dma_semaphore, #tpu.memory_space<semaphore_mem>>)
    %dma_wait3A_137 = arith.constant 0 : i32
    %dma_wait3A_138 = tpu.memref_slice %arg2[%dma_wait3A_137] : memref<15283200xf32, #tpu.memory_space<hbm>> -> memref<15283200xf32, #tpu.memory_space<hbm>>
    tpu.wait_indirect_dma semaphore(%arg7 : memref<!tpu.dma_semaphore, #tpu.memory_space<semaphore_mem>>) src(%dma_wait3A_138 : memref<15283200xf32, #tpu.memory_space<hbm>>) dst(%arg6 : memref<16384xf32, #tpu.memory_space<vmem>>)
    "tpu.region"() ({
      %run_scoped3A = tpu.sem_alloc : memref<!tpu.dma_semaphore, #tpu.memory_space<semaphore_mem>>
      %dma_start3A_189 = tpu.memref_slice %arg4[%add3A_134] : memref<15283200xf32, #tpu.memory_space<hbm>> -> memref<16384xf32, #tpu.memory_space<hbm>>
      %dma_start3A_190 = tpu.memref_slice %arg4[%add3A_134] : memref<15283200xf32, #tpu.memory_space<hbm>> -> memref<16384xf32, #tpu.memory_space<hbm>>
      tpu.enqueue_dma source(%arg6 : memref<16384xf32, #tpu.memory_space<vmem>>) target(%dma_start3A_190 : memref<16384xf32, #tpu.memory_space<hbm>>) target_semaphore(%run_scoped3A : memref<!tpu.dma_semaphore, #tpu.memory_space<semaphore_mem>>)
      %dma_wait3A_191 = tpu.memref_slice %arg4[%add3A_134] : memref<15283200xf32, #tpu.memory_space<hbm>> -> memref<16384xf32, #tpu.memory_space<hbm>>
      %dma_wait3A_192 = tpu.memref_slice %arg4[%add3A_134] : memref<15283200xf32, #tpu.memory_space<hbm>> -> memref<16384xf32, #tpu.memory_space<hbm>>
      tpu.wait_dma2 semaphore(%run_scoped3A : memref<!tpu.dma_semaphore, #tpu.memory_space<semaphore_mem>>) src(%arg6 : memref<16384xf32, #tpu.memory_space<vmem>>) dst(%dma_wait3A_192 : memref<16384xf32, #tpu.memory_space<hbm>>)
      tpu.yield
    }) : () -> ()
    %add3A_139 = arith.constant 376832 : i32
    %add3A_140 = arith.addi %mul3A_2, %add3A_139 : i32
    "tpu.region"() ({
      %run_scoped3A = tpu.sem_alloc : memref<!tpu.dma_semaphore, #tpu.memory_space<semaphore_mem>>
      %dma_start3A_189 = tpu.memref_slice %arg3[%add3A_140] : memref<15283200xi32, #tpu.memory_space<hbm>> -> memref<16384xi32, #tpu.memory_space<hbm>>
      %dma_start3A_190 = tpu.memref_slice %arg3[%add3A_140] : memref<15283200xi32, #tpu.memory_space<hbm>> -> memref<16384xi32, #tpu.memory_space<hbm>>
      tpu.enqueue_dma source(%dma_start3A_190 : memref<16384xi32, #tpu.memory_space<hbm>>) target(%arg5 : memref<16384xi32, #tpu.memory_space<vmem>>) target_semaphore(%run_scoped3A : memref<!tpu.dma_semaphore, #tpu.memory_space<semaphore_mem>>)
      %dma_wait3A_191 = tpu.memref_slice %arg3[%add3A_140] : memref<15283200xi32, #tpu.memory_space<hbm>> -> memref<16384xi32, #tpu.memory_space<hbm>>
      %dma_wait3A_192 = tpu.memref_slice %arg3[%add3A_140] : memref<15283200xi32, #tpu.memory_space<hbm>> -> memref<16384xi32, #tpu.memory_space<hbm>>
      tpu.wait_dma2 semaphore(%run_scoped3A : memref<!tpu.dma_semaphore, #tpu.memory_space<semaphore_mem>>) src(%dma_wait3A_192 : memref<16384xi32, #tpu.memory_space<hbm>>) dst(%arg5 : memref<16384xi32, #tpu.memory_space<vmem>>)
      tpu.yield
    }) : () -> ()
    %dma_start3A_141 = arith.constant 0 : i32
    %dma_start3A_142 = tpu.memref_slice %arg2[%dma_start3A_141] : memref<15283200xf32, #tpu.memory_space<hbm>> -> memref<15283200xf32, #tpu.memory_space<hbm>>
    tpu.enqueue_indirect_dma source(%dma_start3A_142 : memref<15283200xf32, #tpu.memory_space<hbm>>) target(%arg6 : memref<16384xf32, #tpu.memory_space<vmem>>) offsets(%arg5 : memref<16384xi32, #tpu.memory_space<vmem>>) semaphore(%arg7 : memref<!tpu.dma_semaphore, #tpu.memory_space<semaphore_mem>>)
    %dma_wait3A_143 = arith.constant 0 : i32
    %dma_wait3A_144 = tpu.memref_slice %arg2[%dma_wait3A_143] : memref<15283200xf32, #tpu.memory_space<hbm>> -> memref<15283200xf32, #tpu.memory_space<hbm>>
    tpu.wait_indirect_dma semaphore(%arg7 : memref<!tpu.dma_semaphore, #tpu.memory_space<semaphore_mem>>) src(%dma_wait3A_144 : memref<15283200xf32, #tpu.memory_space<hbm>>) dst(%arg6 : memref<16384xf32, #tpu.memory_space<vmem>>)
    "tpu.region"() ({
      %run_scoped3A = tpu.sem_alloc : memref<!tpu.dma_semaphore, #tpu.memory_space<semaphore_mem>>
      %dma_start3A_189 = tpu.memref_slice %arg4[%add3A_140] : memref<15283200xf32, #tpu.memory_space<hbm>> -> memref<16384xf32, #tpu.memory_space<hbm>>
      %dma_start3A_190 = tpu.memref_slice %arg4[%add3A_140] : memref<15283200xf32, #tpu.memory_space<hbm>> -> memref<16384xf32, #tpu.memory_space<hbm>>
      tpu.enqueue_dma source(%arg6 : memref<16384xf32, #tpu.memory_space<vmem>>) target(%dma_start3A_190 : memref<16384xf32, #tpu.memory_space<hbm>>) target_semaphore(%run_scoped3A : memref<!tpu.dma_semaphore, #tpu.memory_space<semaphore_mem>>)
      %dma_wait3A_191 = tpu.memref_slice %arg4[%add3A_140] : memref<15283200xf32, #tpu.memory_space<hbm>> -> memref<16384xf32, #tpu.memory_space<hbm>>
      %dma_wait3A_192 = tpu.memref_slice %arg4[%add3A_140] : memref<15283200xf32, #tpu.memory_space<hbm>> -> memref<16384xf32, #tpu.memory_space<hbm>>
      tpu.wait_dma2 semaphore(%run_scoped3A : memref<!tpu.dma_semaphore, #tpu.memory_space<semaphore_mem>>) src(%arg6 : memref<16384xf32, #tpu.memory_space<vmem>>) dst(%dma_wait3A_192 : memref<16384xf32, #tpu.memory_space<hbm>>)
      tpu.yield
    }) : () -> ()
    %add3A_145 = arith.constant 393216 : i32
    %add3A_146 = arith.addi %mul3A_2, %add3A_145 : i32
    "tpu.region"() ({
      %run_scoped3A = tpu.sem_alloc : memref<!tpu.dma_semaphore, #tpu.memory_space<semaphore_mem>>
      %dma_start3A_189 = tpu.memref_slice %arg3[%add3A_146] : memref<15283200xi32, #tpu.memory_space<hbm>> -> memref<16384xi32, #tpu.memory_space<hbm>>
      %dma_start3A_190 = tpu.memref_slice %arg3[%add3A_146] : memref<15283200xi32, #tpu.memory_space<hbm>> -> memref<16384xi32, #tpu.memory_space<hbm>>
      tpu.enqueue_dma source(%dma_start3A_190 : memref<16384xi32, #tpu.memory_space<hbm>>) target(%arg5 : memref<16384xi32, #tpu.memory_space<vmem>>) target_semaphore(%run_scoped3A : memref<!tpu.dma_semaphore, #tpu.memory_space<semaphore_mem>>)
      %dma_wait3A_191 = tpu.memref_slice %arg3[%add3A_146] : memref<15283200xi32, #tpu.memory_space<hbm>> -> memref<16384xi32, #tpu.memory_space<hbm>>
      %dma_wait3A_192 = tpu.memref_slice %arg3[%add3A_146] : memref<15283200xi32, #tpu.memory_space<hbm>> -> memref<16384xi32, #tpu.memory_space<hbm>>
      tpu.wait_dma2 semaphore(%run_scoped3A : memref<!tpu.dma_semaphore, #tpu.memory_space<semaphore_mem>>) src(%dma_wait3A_192 : memref<16384xi32, #tpu.memory_space<hbm>>) dst(%arg5 : memref<16384xi32, #tpu.memory_space<vmem>>)
      tpu.yield
    }) : () -> ()
    %dma_start3A_147 = arith.constant 0 : i32
    %dma_start3A_148 = tpu.memref_slice %arg2[%dma_start3A_147] : memref<15283200xf32, #tpu.memory_space<hbm>> -> memref<15283200xf32, #tpu.memory_space<hbm>>
    tpu.enqueue_indirect_dma source(%dma_start3A_148 : memref<15283200xf32, #tpu.memory_space<hbm>>) target(%arg6 : memref<16384xf32, #tpu.memory_space<vmem>>) offsets(%arg5 : memref<16384xi32, #tpu.memory_space<vmem>>) semaphore(%arg7 : memref<!tpu.dma_semaphore, #tpu.memory_space<semaphore_mem>>)
    %dma_wait3A_149 = arith.constant 0 : i32
    %dma_wait3A_150 = tpu.memref_slice %arg2[%dma_wait3A_149] : memref<15283200xf32, #tpu.memory_space<hbm>> -> memref<15283200xf32, #tpu.memory_space<hbm>>
    tpu.wait_indirect_dma semaphore(%arg7 : memref<!tpu.dma_semaphore, #tpu.memory_space<semaphore_mem>>) src(%dma_wait3A_150 : memref<15283200xf32, #tpu.memory_space<hbm>>) dst(%arg6 : memref<16384xf32, #tpu.memory_space<vmem>>)
    "tpu.region"() ({
      %run_scoped3A = tpu.sem_alloc : memref<!tpu.dma_semaphore, #tpu.memory_space<semaphore_mem>>
      %dma_start3A_189 = tpu.memref_slice %arg4[%add3A_146] : memref<15283200xf32, #tpu.memory_space<hbm>> -> memref<16384xf32, #tpu.memory_space<hbm>>
      %dma_start3A_190 = tpu.memref_slice %arg4[%add3A_146] : memref<15283200xf32, #tpu.memory_space<hbm>> -> memref<16384xf32, #tpu.memory_space<hbm>>
      tpu.enqueue_dma source(%arg6 : memref<16384xf32, #tpu.memory_space<vmem>>) target(%dma_start3A_190 : memref<16384xf32, #tpu.memory_space<hbm>>) target_semaphore(%run_scoped3A : memref<!tpu.dma_semaphore, #tpu.memory_space<semaphore_mem>>)
      %dma_wait3A_191 = tpu.memref_slice %arg4[%add3A_146] : memref<15283200xf32, #tpu.memory_space<hbm>> -> memref<16384xf32, #tpu.memory_space<hbm>>
      %dma_wait3A_192 = tpu.memref_slice %arg4[%add3A_146] : memref<15283200xf32, #tpu.memory_space<hbm>> -> memref<16384xf32, #tpu.memory_space<hbm>>
      tpu.wait_dma2 semaphore(%run_scoped3A : memref<!tpu.dma_semaphore, #tpu.memory_space<semaphore_mem>>) src(%arg6 : memref<16384xf32, #tpu.memory_space<vmem>>) dst(%dma_wait3A_192 : memref<16384xf32, #tpu.memory_space<hbm>>)
      tpu.yield
    }) : () -> ()
    %add3A_151 = arith.constant 409600 : i32
    %add3A_152 = arith.addi %mul3A_2, %add3A_151 : i32
    "tpu.region"() ({
      %run_scoped3A = tpu.sem_alloc : memref<!tpu.dma_semaphore, #tpu.memory_space<semaphore_mem>>
      %dma_start3A_189 = tpu.memref_slice %arg3[%add3A_152] : memref<15283200xi32, #tpu.memory_space<hbm>> -> memref<16384xi32, #tpu.memory_space<hbm>>
      %dma_start3A_190 = tpu.memref_slice %arg3[%add3A_152] : memref<15283200xi32, #tpu.memory_space<hbm>> -> memref<16384xi32, #tpu.memory_space<hbm>>
      tpu.enqueue_dma source(%dma_start3A_190 : memref<16384xi32, #tpu.memory_space<hbm>>) target(%arg5 : memref<16384xi32, #tpu.memory_space<vmem>>) target_semaphore(%run_scoped3A : memref<!tpu.dma_semaphore, #tpu.memory_space<semaphore_mem>>)
      %dma_wait3A_191 = tpu.memref_slice %arg3[%add3A_152] : memref<15283200xi32, #tpu.memory_space<hbm>> -> memref<16384xi32, #tpu.memory_space<hbm>>
      %dma_wait3A_192 = tpu.memref_slice %arg3[%add3A_152] : memref<15283200xi32, #tpu.memory_space<hbm>> -> memref<16384xi32, #tpu.memory_space<hbm>>
      tpu.wait_dma2 semaphore(%run_scoped3A : memref<!tpu.dma_semaphore, #tpu.memory_space<semaphore_mem>>) src(%dma_wait3A_192 : memref<16384xi32, #tpu.memory_space<hbm>>) dst(%arg5 : memref<16384xi32, #tpu.memory_space<vmem>>)
      tpu.yield
    }) : () -> ()
    %dma_start3A_153 = arith.constant 0 : i32
    %dma_start3A_154 = tpu.memref_slice %arg2[%dma_start3A_153] : memref<15283200xf32, #tpu.memory_space<hbm>> -> memref<15283200xf32, #tpu.memory_space<hbm>>
    tpu.enqueue_indirect_dma source(%dma_start3A_154 : memref<15283200xf32, #tpu.memory_space<hbm>>) target(%arg6 : memref<16384xf32, #tpu.memory_space<vmem>>) offsets(%arg5 : memref<16384xi32, #tpu.memory_space<vmem>>) semaphore(%arg7 : memref<!tpu.dma_semaphore, #tpu.memory_space<semaphore_mem>>)
    %dma_wait3A_155 = arith.constant 0 : i32
    %dma_wait3A_156 = tpu.memref_slice %arg2[%dma_wait3A_155] : memref<15283200xf32, #tpu.memory_space<hbm>> -> memref<15283200xf32, #tpu.memory_space<hbm>>
    tpu.wait_indirect_dma semaphore(%arg7 : memref<!tpu.dma_semaphore, #tpu.memory_space<semaphore_mem>>) src(%dma_wait3A_156 : memref<15283200xf32, #tpu.memory_space<hbm>>) dst(%arg6 : memref<16384xf32, #tpu.memory_space<vmem>>)
    "tpu.region"() ({
      %run_scoped3A = tpu.sem_alloc : memref<!tpu.dma_semaphore, #tpu.memory_space<semaphore_mem>>
      %dma_start3A_189 = tpu.memref_slice %arg4[%add3A_152] : memref<15283200xf32, #tpu.memory_space<hbm>> -> memref<16384xf32, #tpu.memory_space<hbm>>
      %dma_start3A_190 = tpu.memref_slice %arg4[%add3A_152] : memref<15283200xf32, #tpu.memory_space<hbm>> -> memref<16384xf32, #tpu.memory_space<hbm>>
      tpu.enqueue_dma source(%arg6 : memref<16384xf32, #tpu.memory_space<vmem>>) target(%dma_start3A_190 : memref<16384xf32, #tpu.memory_space<hbm>>) target_semaphore(%run_scoped3A : memref<!tpu.dma_semaphore, #tpu.memory_space<semaphore_mem>>)
      %dma_wait3A_191 = tpu.memref_slice %arg4[%add3A_152] : memref<15283200xf32, #tpu.memory_space<hbm>> -> memref<16384xf32, #tpu.memory_space<hbm>>
      %dma_wait3A_192 = tpu.memref_slice %arg4[%add3A_152] : memref<15283200xf32, #tpu.memory_space<hbm>> -> memref<16384xf32, #tpu.memory_space<hbm>>
      tpu.wait_dma2 semaphore(%run_scoped3A : memref<!tpu.dma_semaphore, #tpu.memory_space<semaphore_mem>>) src(%arg6 : memref<16384xf32, #tpu.memory_space<vmem>>) dst(%dma_wait3A_192 : memref<16384xf32, #tpu.memory_space<hbm>>)
      tpu.yield
    }) : () -> ()
    %add3A_157 = arith.constant 425984 : i32
    %add3A_158 = arith.addi %mul3A_2, %add3A_157 : i32
    "tpu.region"() ({
      %run_scoped3A = tpu.sem_alloc : memref<!tpu.dma_semaphore, #tpu.memory_space<semaphore_mem>>
      %dma_start3A_189 = tpu.memref_slice %arg3[%add3A_158] : memref<15283200xi32, #tpu.memory_space<hbm>> -> memref<16384xi32, #tpu.memory_space<hbm>>
      %dma_start3A_190 = tpu.memref_slice %arg3[%add3A_158] : memref<15283200xi32, #tpu.memory_space<hbm>> -> memref<16384xi32, #tpu.memory_space<hbm>>
      tpu.enqueue_dma source(%dma_start3A_190 : memref<16384xi32, #tpu.memory_space<hbm>>) target(%arg5 : memref<16384xi32, #tpu.memory_space<vmem>>) target_semaphore(%run_scoped3A : memref<!tpu.dma_semaphore, #tpu.memory_space<semaphore_mem>>)
      %dma_wait3A_191 = tpu.memref_slice %arg3[%add3A_158] : memref<15283200xi32, #tpu.memory_space<hbm>> -> memref<16384xi32, #tpu.memory_space<hbm>>
      %dma_wait3A_192 = tpu.memref_slice %arg3[%add3A_158] : memref<15283200xi32, #tpu.memory_space<hbm>> -> memref<16384xi32, #tpu.memory_space<hbm>>
      tpu.wait_dma2 semaphore(%run_scoped3A : memref<!tpu.dma_semaphore, #tpu.memory_space<semaphore_mem>>) src(%dma_wait3A_192 : memref<16384xi32, #tpu.memory_space<hbm>>) dst(%arg5 : memref<16384xi32, #tpu.memory_space<vmem>>)
      tpu.yield
    }) : () -> ()
    %dma_start3A_159 = arith.constant 0 : i32
    %dma_start3A_160 = tpu.memref_slice %arg2[%dma_start3A_159] : memref<15283200xf32, #tpu.memory_space<hbm>> -> memref<15283200xf32, #tpu.memory_space<hbm>>
    tpu.enqueue_indirect_dma source(%dma_start3A_160 : memref<15283200xf32, #tpu.memory_space<hbm>>) target(%arg6 : memref<16384xf32, #tpu.memory_space<vmem>>) offsets(%arg5 : memref<16384xi32, #tpu.memory_space<vmem>>) semaphore(%arg7 : memref<!tpu.dma_semaphore, #tpu.memory_space<semaphore_mem>>)
    %dma_wait3A_161 = arith.constant 0 : i32
    %dma_wait3A_162 = tpu.memref_slice %arg2[%dma_wait3A_161] : memref<15283200xf32, #tpu.memory_space<hbm>> -> memref<15283200xf32, #tpu.memory_space<hbm>>
    tpu.wait_indirect_dma semaphore(%arg7 : memref<!tpu.dma_semaphore, #tpu.memory_space<semaphore_mem>>) src(%dma_wait3A_162 : memref<15283200xf32, #tpu.memory_space<hbm>>) dst(%arg6 : memref<16384xf32, #tpu.memory_space<vmem>>)
    "tpu.region"() ({
      %run_scoped3A = tpu.sem_alloc : memref<!tpu.dma_semaphore, #tpu.memory_space<semaphore_mem>>
      %dma_start3A_189 = tpu.memref_slice %arg4[%add3A_158] : memref<15283200xf32, #tpu.memory_space<hbm>> -> memref<16384xf32, #tpu.memory_space<hbm>>
      %dma_start3A_190 = tpu.memref_slice %arg4[%add3A_158] : memref<15283200xf32, #tpu.memory_space<hbm>> -> memref<16384xf32, #tpu.memory_space<hbm>>
      tpu.enqueue_dma source(%arg6 : memref<16384xf32, #tpu.memory_space<vmem>>) target(%dma_start3A_190 : memref<16384xf32, #tpu.memory_space<hbm>>) target_semaphore(%run_scoped3A : memref<!tpu.dma_semaphore, #tpu.memory_space<semaphore_mem>>)
      %dma_wait3A_191 = tpu.memref_slice %arg4[%add3A_158] : memref<15283200xf32, #tpu.memory_space<hbm>> -> memref<16384xf32, #tpu.memory_space<hbm>>
      %dma_wait3A_192 = tpu.memref_slice %arg4[%add3A_158] : memref<15283200xf32, #tpu.memory_space<hbm>> -> memref<16384xf32, #tpu.memory_space<hbm>>
      tpu.wait_dma2 semaphore(%run_scoped3A : memref<!tpu.dma_semaphore, #tpu.memory_space<semaphore_mem>>) src(%arg6 : memref<16384xf32, #tpu.memory_space<vmem>>) dst(%dma_wait3A_192 : memref<16384xf32, #tpu.memory_space<hbm>>)
      tpu.yield
    }) : () -> ()
    %add3A_163 = arith.constant 442368 : i32
    %add3A_164 = arith.addi %mul3A_2, %add3A_163 : i32
    "tpu.region"() ({
      %run_scoped3A = tpu.sem_alloc : memref<!tpu.dma_semaphore, #tpu.memory_space<semaphore_mem>>
      %dma_start3A_189 = tpu.memref_slice %arg3[%add3A_164] : memref<15283200xi32, #tpu.memory_space<hbm>> -> memref<16384xi32, #tpu.memory_space<hbm>>
      %dma_start3A_190 = tpu.memref_slice %arg3[%add3A_164] : memref<15283200xi32, #tpu.memory_space<hbm>> -> memref<16384xi32, #tpu.memory_space<hbm>>
      tpu.enqueue_dma source(%dma_start3A_190 : memref<16384xi32, #tpu.memory_space<hbm>>) target(%arg5 : memref<16384xi32, #tpu.memory_space<vmem>>) target_semaphore(%run_scoped3A : memref<!tpu.dma_semaphore, #tpu.memory_space<semaphore_mem>>)
      %dma_wait3A_191 = tpu.memref_slice %arg3[%add3A_164] : memref<15283200xi32, #tpu.memory_space<hbm>> -> memref<16384xi32, #tpu.memory_space<hbm>>
      %dma_wait3A_192 = tpu.memref_slice %arg3[%add3A_164] : memref<15283200xi32, #tpu.memory_space<hbm>> -> memref<16384xi32, #tpu.memory_space<hbm>>
      tpu.wait_dma2 semaphore(%run_scoped3A : memref<!tpu.dma_semaphore, #tpu.memory_space<semaphore_mem>>) src(%dma_wait3A_192 : memref<16384xi32, #tpu.memory_space<hbm>>) dst(%arg5 : memref<16384xi32, #tpu.memory_space<vmem>>)
      tpu.yield
    }) : () -> ()
    %dma_start3A_165 = arith.constant 0 : i32
    %dma_start3A_166 = tpu.memref_slice %arg2[%dma_start3A_165] : memref<15283200xf32, #tpu.memory_space<hbm>> -> memref<15283200xf32, #tpu.memory_space<hbm>>
    tpu.enqueue_indirect_dma source(%dma_start3A_166 : memref<15283200xf32, #tpu.memory_space<hbm>>) target(%arg6 : memref<16384xf32, #tpu.memory_space<vmem>>) offsets(%arg5 : memref<16384xi32, #tpu.memory_space<vmem>>) semaphore(%arg7 : memref<!tpu.dma_semaphore, #tpu.memory_space<semaphore_mem>>)
    %dma_wait3A_167 = arith.constant 0 : i32
    %dma_wait3A_168 = tpu.memref_slice %arg2[%dma_wait3A_167] : memref<15283200xf32, #tpu.memory_space<hbm>> -> memref<15283200xf32, #tpu.memory_space<hbm>>
    tpu.wait_indirect_dma semaphore(%arg7 : memref<!tpu.dma_semaphore, #tpu.memory_space<semaphore_mem>>) src(%dma_wait3A_168 : memref<15283200xf32, #tpu.memory_space<hbm>>) dst(%arg6 : memref<16384xf32, #tpu.memory_space<vmem>>)
    "tpu.region"() ({
      %run_scoped3A = tpu.sem_alloc : memref<!tpu.dma_semaphore, #tpu.memory_space<semaphore_mem>>
      %dma_start3A_189 = tpu.memref_slice %arg4[%add3A_164] : memref<15283200xf32, #tpu.memory_space<hbm>> -> memref<16384xf32, #tpu.memory_space<hbm>>
      %dma_start3A_190 = tpu.memref_slice %arg4[%add3A_164] : memref<15283200xf32, #tpu.memory_space<hbm>> -> memref<16384xf32, #tpu.memory_space<hbm>>
      tpu.enqueue_dma source(%arg6 : memref<16384xf32, #tpu.memory_space<vmem>>) target(%dma_start3A_190 : memref<16384xf32, #tpu.memory_space<hbm>>) target_semaphore(%run_scoped3A : memref<!tpu.dma_semaphore, #tpu.memory_space<semaphore_mem>>)
      %dma_wait3A_191 = tpu.memref_slice %arg4[%add3A_164] : memref<15283200xf32, #tpu.memory_space<hbm>> -> memref<16384xf32, #tpu.memory_space<hbm>>
      %dma_wait3A_192 = tpu.memref_slice %arg4[%add3A_164] : memref<15283200xf32, #tpu.memory_space<hbm>> -> memref<16384xf32, #tpu.memory_space<hbm>>
      tpu.wait_dma2 semaphore(%run_scoped3A : memref<!tpu.dma_semaphore, #tpu.memory_space<semaphore_mem>>) src(%arg6 : memref<16384xf32, #tpu.memory_space<vmem>>) dst(%dma_wait3A_192 : memref<16384xf32, #tpu.memory_space<hbm>>)
      tpu.yield
    }) : () -> ()
    %add3A_169 = arith.constant 458752 : i32
    %add3A_170 = arith.addi %mul3A_2, %add3A_169 : i32
    "tpu.region"() ({
      %run_scoped3A = tpu.sem_alloc : memref<!tpu.dma_semaphore, #tpu.memory_space<semaphore_mem>>
      %dma_start3A_189 = tpu.memref_slice %arg3[%add3A_170] : memref<15283200xi32, #tpu.memory_space<hbm>> -> memref<16384xi32, #tpu.memory_space<hbm>>
      %dma_start3A_190 = tpu.memref_slice %arg3[%add3A_170] : memref<15283200xi32, #tpu.memory_space<hbm>> -> memref<16384xi32, #tpu.memory_space<hbm>>
      tpu.enqueue_dma source(%dma_start3A_190 : memref<16384xi32, #tpu.memory_space<hbm>>) target(%arg5 : memref<16384xi32, #tpu.memory_space<vmem>>) target_semaphore(%run_scoped3A : memref<!tpu.dma_semaphore, #tpu.memory_space<semaphore_mem>>)
      %dma_wait3A_191 = tpu.memref_slice %arg3[%add3A_170] : memref<15283200xi32, #tpu.memory_space<hbm>> -> memref<16384xi32, #tpu.memory_space<hbm>>
      %dma_wait3A_192 = tpu.memref_slice %arg3[%add3A_170] : memref<15283200xi32, #tpu.memory_space<hbm>> -> memref<16384xi32, #tpu.memory_space<hbm>>
      tpu.wait_dma2 semaphore(%run_scoped3A : memref<!tpu.dma_semaphore, #tpu.memory_space<semaphore_mem>>) src(%dma_wait3A_192 : memref<16384xi32, #tpu.memory_space<hbm>>) dst(%arg5 : memref<16384xi32, #tpu.memory_space<vmem>>)
      tpu.yield
    }) : () -> ()
    %dma_start3A_171 = arith.constant 0 : i32
    %dma_start3A_172 = tpu.memref_slice %arg2[%dma_start3A_171] : memref<15283200xf32, #tpu.memory_space<hbm>> -> memref<15283200xf32, #tpu.memory_space<hbm>>
    tpu.enqueue_indirect_dma source(%dma_start3A_172 : memref<15283200xf32, #tpu.memory_space<hbm>>) target(%arg6 : memref<16384xf32, #tpu.memory_space<vmem>>) offsets(%arg5 : memref<16384xi32, #tpu.memory_space<vmem>>) semaphore(%arg7 : memref<!tpu.dma_semaphore, #tpu.memory_space<semaphore_mem>>)
    %dma_wait3A_173 = arith.constant 0 : i32
    %dma_wait3A_174 = tpu.memref_slice %arg2[%dma_wait3A_173] : memref<15283200xf32, #tpu.memory_space<hbm>> -> memref<15283200xf32, #tpu.memory_space<hbm>>
    tpu.wait_indirect_dma semaphore(%arg7 : memref<!tpu.dma_semaphore, #tpu.memory_space<semaphore_mem>>) src(%dma_wait3A_174 : memref<15283200xf32, #tpu.memory_space<hbm>>) dst(%arg6 : memref<16384xf32, #tpu.memory_space<vmem>>)
    "tpu.region"() ({
      %run_scoped3A = tpu.sem_alloc : memref<!tpu.dma_semaphore, #tpu.memory_space<semaphore_mem>>
      %dma_start3A_189 = tpu.memref_slice %arg4[%add3A_170] : memref<15283200xf32, #tpu.memory_space<hbm>> -> memref<16384xf32, #tpu.memory_space<hbm>>
      %dma_start3A_190 = tpu.memref_slice %arg4[%add3A_170] : memref<15283200xf32, #tpu.memory_space<hbm>> -> memref<16384xf32, #tpu.memory_space<hbm>>
      tpu.enqueue_dma source(%arg6 : memref<16384xf32, #tpu.memory_space<vmem>>) target(%dma_start3A_190 : memref<16384xf32, #tpu.memory_space<hbm>>) target_semaphore(%run_scoped3A : memref<!tpu.dma_semaphore, #tpu.memory_space<semaphore_mem>>)
      %dma_wait3A_191 = tpu.memref_slice %arg4[%add3A_170] : memref<15283200xf32, #tpu.memory_space<hbm>> -> memref<16384xf32, #tpu.memory_space<hbm>>
      %dma_wait3A_192 = tpu.memref_slice %arg4[%add3A_170] : memref<15283200xf32, #tpu.memory_space<hbm>> -> memref<16384xf32, #tpu.memory_space<hbm>>
      tpu.wait_dma2 semaphore(%run_scoped3A : memref<!tpu.dma_semaphore, #tpu.memory_space<semaphore_mem>>) src(%arg6 : memref<16384xf32, #tpu.memory_space<vmem>>) dst(%dma_wait3A_192 : memref<16384xf32, #tpu.memory_space<hbm>>)
      tpu.yield
    }) : () -> ()
    %add3A_175 = arith.constant 475136 : i32
    %add3A_176 = arith.addi %mul3A_2, %add3A_175 : i32
    "tpu.region"() ({
      %run_scoped3A = tpu.sem_alloc : memref<!tpu.dma_semaphore, #tpu.memory_space<semaphore_mem>>
      %dma_start3A_189 = arith.constant 0 : i32
      %dma_start3A_190 = tpu.memref_slice %arg5[%dma_start3A_189] : memref<16384xi32, #tpu.memory_space<vmem>> -> memref<2464xi32, #tpu.memory_space<vmem>>
      %dma_start3A_191 = tpu.memref_slice %arg3[%add3A_176] : memref<15283200xi32, #tpu.memory_space<hbm>> -> memref<2464xi32, #tpu.memory_space<hbm>>
      %dma_start3A_192 = arith.constant 0 : i32
      %dma_start3A_193 = tpu.memref_slice %arg5[%dma_start3A_192] : memref<16384xi32, #tpu.memory_space<vmem>> -> memref<2464xi32, #tpu.memory_space<vmem>>
      %dma_start3A_194 = tpu.memref_slice %arg3[%add3A_176] : memref<15283200xi32, #tpu.memory_space<hbm>> -> memref<2464xi32, #tpu.memory_space<hbm>>
      tpu.enqueue_dma source(%dma_start3A_194 : memref<2464xi32, #tpu.memory_space<hbm>>) target(%dma_start3A_193 : memref<2464xi32, #tpu.memory_space<vmem>>) target_semaphore(%run_scoped3A : memref<!tpu.dma_semaphore, #tpu.memory_space<semaphore_mem>>)
      %dma_wait3A_195 = arith.constant 0 : i32
      %dma_wait3A_196 = tpu.memref_slice %arg5[%dma_wait3A_195] : memref<16384xi32, #tpu.memory_space<vmem>> -> memref<2464xi32, #tpu.memory_space<vmem>>
      %dma_wait3A_197 = tpu.memref_slice %arg3[%add3A_176] : memref<15283200xi32, #tpu.memory_space<hbm>> -> memref<2464xi32, #tpu.memory_space<hbm>>
      %dma_wait3A_198 = arith.constant 0 : i32
      %dma_wait3A_199 = tpu.memref_slice %arg5[%dma_wait3A_198] : memref<16384xi32, #tpu.memory_space<vmem>> -> memref<2464xi32, #tpu.memory_space<vmem>>
      %dma_wait3A_200 = tpu.memref_slice %arg3[%add3A_176] : memref<15283200xi32, #tpu.memory_space<hbm>> -> memref<2464xi32, #tpu.memory_space<hbm>>
      tpu.wait_dma2 semaphore(%run_scoped3A : memref<!tpu.dma_semaphore, #tpu.memory_space<semaphore_mem>>) src(%dma_wait3A_200 : memref<2464xi32, #tpu.memory_space<hbm>>) dst(%dma_wait3A_199 : memref<2464xi32, #tpu.memory_space<vmem>>)
      tpu.yield
    }) : () -> ()
    %dma_start3A_177 = arith.constant 0 : i32
    %dma_start3A_178 = tpu.memref_slice %arg6[%dma_start3A_177] : memref<16384xf32, #tpu.memory_space<vmem>> -> memref<2464xf32, #tpu.memory_space<vmem>>
    %dma_start3A_179 = arith.constant 0 : i32
    %dma_start3A_180 = tpu.memref_slice %arg5[%dma_start3A_179] : memref<16384xi32, #tpu.memory_space<vmem>> -> memref<2464xi32, #tpu.memory_space<vmem>>
    %dma_start3A_181 = arith.constant 0 : i32
    %dma_start3A_182 = tpu.memref_slice %arg2[%dma_start3A_181] : memref<15283200xf32, #tpu.memory_space<hbm>> -> memref<15283200xf32, #tpu.memory_space<hbm>>
    tpu.enqueue_indirect_dma source(%dma_start3A_182 : memref<15283200xf32, #tpu.memory_space<hbm>>) target(%dma_start3A_178 : memref<2464xf32, #tpu.memory_space<vmem>>) offsets(%dma_start3A_180 : memref<2464xi32, #tpu.memory_space<vmem>>) semaphore(%arg7 : memref<!tpu.dma_semaphore, #tpu.memory_space<semaphore_mem>>)
    %dma_wait3A_183 = arith.constant 0 : i32
    %dma_wait3A_184 = tpu.memref_slice %arg6[%dma_wait3A_183] : memref<16384xf32, #tpu.memory_space<vmem>> -> memref<2464xf32, #tpu.memory_space<vmem>>
    %dma_wait3A_185 = arith.constant 0 : i32
    %dma_wait3A_186 = tpu.memref_slice %arg5[%dma_wait3A_185] : memref<16384xi32, #tpu.memory_space<vmem>> -> memref<2464xi32, #tpu.memory_space<vmem>>
    %dma_wait3A_187 = arith.constant 0 : i32
    %dma_wait3A_188 = tpu.memref_slice %arg2[%dma_wait3A_187] : memref<15283200xf32, #tpu.memory_space<hbm>> -> memref<15283200xf32, #tpu.memory_space<hbm>>
    tpu.wait_indirect_dma semaphore(%arg7 : memref<!tpu.dma_semaphore, #tpu.memory_space<semaphore_mem>>) src(%dma_wait3A_188 : memref<15283200xf32, #tpu.memory_space<hbm>>) dst(%dma_wait3A_184 : memref<2464xf32, #tpu.memory_space<vmem>>)
    "tpu.region"() ({
      %run_scoped3A = tpu.sem_alloc : memref<!tpu.dma_semaphore, #tpu.memory_space<semaphore_mem>>
      %dma_start3A_189 = arith.constant 0 : i32
      %dma_start3A_190 = tpu.memref_slice %arg6[%dma_start3A_189] : memref<16384xf32, #tpu.memory_space<vmem>> -> memref<2464xf32, #tpu.memory_space<vmem>>
      %dma_start3A_191 = tpu.memref_slice %arg4[%add3A_176] : memref<15283200xf32, #tpu.memory_space<hbm>> -> memref<2464xf32, #tpu.memory_space<hbm>>
      %dma_start3A_192 = tpu.memref_slice %arg4[%add3A_176] : memref<15283200xf32, #tpu.memory_space<hbm>> -> memref<2464xf32, #tpu.memory_space<hbm>>
      %dma_start3A_193 = arith.constant 0 : i32
      %dma_start3A_194 = tpu.memref_slice %arg6[%dma_start3A_193] : memref<16384xf32, #tpu.memory_space<vmem>> -> memref<2464xf32, #tpu.memory_space<vmem>>
      tpu.enqueue_dma source(%dma_start3A_194 : memref<2464xf32, #tpu.memory_space<vmem>>) target(%dma_start3A_192 : memref<2464xf32, #tpu.memory_space<hbm>>) target_semaphore(%run_scoped3A : memref<!tpu.dma_semaphore, #tpu.memory_space<semaphore_mem>>)
      %dma_wait3A_195 = arith.constant 0 : i32
      %dma_wait3A_196 = tpu.memref_slice %arg6[%dma_wait3A_195] : memref<16384xf32, #tpu.memory_space<vmem>> -> memref<2464xf32, #tpu.memory_space<vmem>>
      %dma_wait3A_197 = tpu.memref_slice %arg4[%add3A_176] : memref<15283200xf32, #tpu.memory_space<hbm>> -> memref<2464xf32, #tpu.memory_space<hbm>>
      %dma_wait3A_198 = tpu.memref_slice %arg4[%add3A_176] : memref<15283200xf32, #tpu.memory_space<hbm>> -> memref<2464xf32, #tpu.memory_space<hbm>>
      %dma_wait3A_199 = arith.constant 0 : i32
      %dma_wait3A_200 = tpu.memref_slice %arg6[%dma_wait3A_199] : memref<16384xf32, #tpu.memory_space<vmem>> -> memref<2464xf32, #tpu.memory_space<vmem>>
      tpu.wait_dma2 semaphore(%run_scoped3A : memref<!tpu.dma_semaphore, #tpu.memory_space<semaphore_mem>>) src(%dma_wait3A_200 : memref<2464xf32, #tpu.memory_space<vmem>>) dst(%dma_wait3A_198 : memref<2464xf32, #tpu.memory_space<hbm>>)
      tpu.yield
    }) : () -> ()
    return
  }
}

#map = affine_map<(d0, d1) -> (0)>
module attributes {stable_mosaic.version = 14 : i64} {
  func.func @k(%arg0: i32, %arg1: i32, %arg2: memref<15283200xi32, #tpu.memory_space<hbm>>, %arg3: memref<5094400xi32, #tpu.memory_space<hbm>>, %arg4: memref<5094400xi32, #tpu.memory_space<hbm>>, %arg5: memref<16384xi32, #tpu.memory_space<vmem>>, %arg6: memref<16384xi32, #tpu.memory_space<vmem>>, %arg7: memref<!tpu.dma_semaphore, #tpu.memory_space<semaphore_mem>>) attributes {dimension_semantics = [#tpu.dimension_semantics<core_parallel>, #tpu.dimension_semantics<subcore_parallel>], iteration_bounds = array<i64: 2, 16>, scalar_prefetch = 0 : i64, scratch_operands = 3 : i64, tpu.core_type = #tpu.core_type<sc_vector_subcore>, window_params = [{transform_indices = #map}, {transform_indices = #map}, {transform_indices = #map}]} {
    %mul3A = arith.constant 2 : i32
    %mul3A_0 = arith.muli %arg1, %mul3A : i32
    %add3A = arith.addi %mul3A_0, %arg0 : i32
    %mul3A_1 = arith.constant 159200 : i32
    %mul3A_2 = arith.muli %add3A, %mul3A_1 : i32
    %add3A_3 = arith.constant 0 : i32
    %add3A_4 = arith.addi %mul3A_2, %add3A_3 : i32
    "tpu.region"() ({
      %run_scoped3A = tpu.sem_alloc : memref<!tpu.dma_semaphore, #tpu.memory_space<semaphore_mem>>
      %dma_start3A_69 = tpu.memref_slice %arg3[%add3A_4] : memref<5094400xi32, #tpu.memory_space<hbm>> -> memref<16384xi32, #tpu.memory_space<hbm>>
      %dma_start3A_70 = tpu.memref_slice %arg3[%add3A_4] : memref<5094400xi32, #tpu.memory_space<hbm>> -> memref<16384xi32, #tpu.memory_space<hbm>>
      tpu.enqueue_dma source(%dma_start3A_70 : memref<16384xi32, #tpu.memory_space<hbm>>) target(%arg5 : memref<16384xi32, #tpu.memory_space<vmem>>) target_semaphore(%run_scoped3A : memref<!tpu.dma_semaphore, #tpu.memory_space<semaphore_mem>>)
      %dma_wait3A_71 = tpu.memref_slice %arg3[%add3A_4] : memref<5094400xi32, #tpu.memory_space<hbm>> -> memref<16384xi32, #tpu.memory_space<hbm>>
      %dma_wait3A_72 = tpu.memref_slice %arg3[%add3A_4] : memref<5094400xi32, #tpu.memory_space<hbm>> -> memref<16384xi32, #tpu.memory_space<hbm>>
      tpu.wait_dma2 semaphore(%run_scoped3A : memref<!tpu.dma_semaphore, #tpu.memory_space<semaphore_mem>>) src(%dma_wait3A_72 : memref<16384xi32, #tpu.memory_space<hbm>>) dst(%arg5 : memref<16384xi32, #tpu.memory_space<vmem>>)
      tpu.yield
    }) : () -> ()
    %dma_start3A = arith.constant 0 : i32
    %dma_start3A_5 = tpu.memref_slice %arg2[%dma_start3A] : memref<15283200xi32, #tpu.memory_space<hbm>> -> memref<15283200xi32, #tpu.memory_space<hbm>>
    tpu.enqueue_indirect_dma source(%dma_start3A_5 : memref<15283200xi32, #tpu.memory_space<hbm>>) target(%arg6 : memref<16384xi32, #tpu.memory_space<vmem>>) offsets(%arg5 : memref<16384xi32, #tpu.memory_space<vmem>>) semaphore(%arg7 : memref<!tpu.dma_semaphore, #tpu.memory_space<semaphore_mem>>)
    %dma_wait3A = arith.constant 0 : i32
    %dma_wait3A_6 = tpu.memref_slice %arg2[%dma_wait3A] : memref<15283200xi32, #tpu.memory_space<hbm>> -> memref<15283200xi32, #tpu.memory_space<hbm>>
    tpu.wait_indirect_dma semaphore(%arg7 : memref<!tpu.dma_semaphore, #tpu.memory_space<semaphore_mem>>) src(%dma_wait3A_6 : memref<15283200xi32, #tpu.memory_space<hbm>>) dst(%arg6 : memref<16384xi32, #tpu.memory_space<vmem>>)
    "tpu.region"() ({
      %run_scoped3A = tpu.sem_alloc : memref<!tpu.dma_semaphore, #tpu.memory_space<semaphore_mem>>
      %dma_start3A_69 = tpu.memref_slice %arg4[%add3A_4] : memref<5094400xi32, #tpu.memory_space<hbm>> -> memref<16384xi32, #tpu.memory_space<hbm>>
      %dma_start3A_70 = tpu.memref_slice %arg4[%add3A_4] : memref<5094400xi32, #tpu.memory_space<hbm>> -> memref<16384xi32, #tpu.memory_space<hbm>>
      tpu.enqueue_dma source(%arg6 : memref<16384xi32, #tpu.memory_space<vmem>>) target(%dma_start3A_70 : memref<16384xi32, #tpu.memory_space<hbm>>) target_semaphore(%run_scoped3A : memref<!tpu.dma_semaphore, #tpu.memory_space<semaphore_mem>>)
      %dma_wait3A_71 = tpu.memref_slice %arg4[%add3A_4] : memref<5094400xi32, #tpu.memory_space<hbm>> -> memref<16384xi32, #tpu.memory_space<hbm>>
      %dma_wait3A_72 = tpu.memref_slice %arg4[%add3A_4] : memref<5094400xi32, #tpu.memory_space<hbm>> -> memref<16384xi32, #tpu.memory_space<hbm>>
      tpu.wait_dma2 semaphore(%run_scoped3A : memref<!tpu.dma_semaphore, #tpu.memory_space<semaphore_mem>>) src(%arg6 : memref<16384xi32, #tpu.memory_space<vmem>>) dst(%dma_wait3A_72 : memref<16384xi32, #tpu.memory_space<hbm>>)
      tpu.yield
    }) : () -> ()
    %add3A_7 = arith.constant 16384 : i32
    %add3A_8 = arith.addi %mul3A_2, %add3A_7 : i32
    "tpu.region"() ({
      %run_scoped3A = tpu.sem_alloc : memref<!tpu.dma_semaphore, #tpu.memory_space<semaphore_mem>>
      %dma_start3A_69 = tpu.memref_slice %arg3[%add3A_8] : memref<5094400xi32, #tpu.memory_space<hbm>> -> memref<16384xi32, #tpu.memory_space<hbm>>
      %dma_start3A_70 = tpu.memref_slice %arg3[%add3A_8] : memref<5094400xi32, #tpu.memory_space<hbm>> -> memref<16384xi32, #tpu.memory_space<hbm>>
      tpu.enqueue_dma source(%dma_start3A_70 : memref<16384xi32, #tpu.memory_space<hbm>>) target(%arg5 : memref<16384xi32, #tpu.memory_space<vmem>>) target_semaphore(%run_scoped3A : memref<!tpu.dma_semaphore, #tpu.memory_space<semaphore_mem>>)
      %dma_wait3A_71 = tpu.memref_slice %arg3[%add3A_8] : memref<5094400xi32, #tpu.memory_space<hbm>> -> memref<16384xi32, #tpu.memory_space<hbm>>
      %dma_wait3A_72 = tpu.memref_slice %arg3[%add3A_8] : memref<5094400xi32, #tpu.memory_space<hbm>> -> memref<16384xi32, #tpu.memory_space<hbm>>
      tpu.wait_dma2 semaphore(%run_scoped3A : memref<!tpu.dma_semaphore, #tpu.memory_space<semaphore_mem>>) src(%dma_wait3A_72 : memref<16384xi32, #tpu.memory_space<hbm>>) dst(%arg5 : memref<16384xi32, #tpu.memory_space<vmem>>)
      tpu.yield
    }) : () -> ()
    %dma_start3A_9 = arith.constant 0 : i32
    %dma_start3A_10 = tpu.memref_slice %arg2[%dma_start3A_9] : memref<15283200xi32, #tpu.memory_space<hbm>> -> memref<15283200xi32, #tpu.memory_space<hbm>>
    tpu.enqueue_indirect_dma source(%dma_start3A_10 : memref<15283200xi32, #tpu.memory_space<hbm>>) target(%arg6 : memref<16384xi32, #tpu.memory_space<vmem>>) offsets(%arg5 : memref<16384xi32, #tpu.memory_space<vmem>>) semaphore(%arg7 : memref<!tpu.dma_semaphore, #tpu.memory_space<semaphore_mem>>)
    %dma_wait3A_11 = arith.constant 0 : i32
    %dma_wait3A_12 = tpu.memref_slice %arg2[%dma_wait3A_11] : memref<15283200xi32, #tpu.memory_space<hbm>> -> memref<15283200xi32, #tpu.memory_space<hbm>>
    tpu.wait_indirect_dma semaphore(%arg7 : memref<!tpu.dma_semaphore, #tpu.memory_space<semaphore_mem>>) src(%dma_wait3A_12 : memref<15283200xi32, #tpu.memory_space<hbm>>) dst(%arg6 : memref<16384xi32, #tpu.memory_space<vmem>>)
    "tpu.region"() ({
      %run_scoped3A = tpu.sem_alloc : memref<!tpu.dma_semaphore, #tpu.memory_space<semaphore_mem>>
      %dma_start3A_69 = tpu.memref_slice %arg4[%add3A_8] : memref<5094400xi32, #tpu.memory_space<hbm>> -> memref<16384xi32, #tpu.memory_space<hbm>>
      %dma_start3A_70 = tpu.memref_slice %arg4[%add3A_8] : memref<5094400xi32, #tpu.memory_space<hbm>> -> memref<16384xi32, #tpu.memory_space<hbm>>
      tpu.enqueue_dma source(%arg6 : memref<16384xi32, #tpu.memory_space<vmem>>) target(%dma_start3A_70 : memref<16384xi32, #tpu.memory_space<hbm>>) target_semaphore(%run_scoped3A : memref<!tpu.dma_semaphore, #tpu.memory_space<semaphore_mem>>)
      %dma_wait3A_71 = tpu.memref_slice %arg4[%add3A_8] : memref<5094400xi32, #tpu.memory_space<hbm>> -> memref<16384xi32, #tpu.memory_space<hbm>>
      %dma_wait3A_72 = tpu.memref_slice %arg4[%add3A_8] : memref<5094400xi32, #tpu.memory_space<hbm>> -> memref<16384xi32, #tpu.memory_space<hbm>>
      tpu.wait_dma2 semaphore(%run_scoped3A : memref<!tpu.dma_semaphore, #tpu.memory_space<semaphore_mem>>) src(%arg6 : memref<16384xi32, #tpu.memory_space<vmem>>) dst(%dma_wait3A_72 : memref<16384xi32, #tpu.memory_space<hbm>>)
      tpu.yield
    }) : () -> ()
    %add3A_13 = arith.constant 32768 : i32
    %add3A_14 = arith.addi %mul3A_2, %add3A_13 : i32
    "tpu.region"() ({
      %run_scoped3A = tpu.sem_alloc : memref<!tpu.dma_semaphore, #tpu.memory_space<semaphore_mem>>
      %dma_start3A_69 = tpu.memref_slice %arg3[%add3A_14] : memref<5094400xi32, #tpu.memory_space<hbm>> -> memref<16384xi32, #tpu.memory_space<hbm>>
      %dma_start3A_70 = tpu.memref_slice %arg3[%add3A_14] : memref<5094400xi32, #tpu.memory_space<hbm>> -> memref<16384xi32, #tpu.memory_space<hbm>>
      tpu.enqueue_dma source(%dma_start3A_70 : memref<16384xi32, #tpu.memory_space<hbm>>) target(%arg5 : memref<16384xi32, #tpu.memory_space<vmem>>) target_semaphore(%run_scoped3A : memref<!tpu.dma_semaphore, #tpu.memory_space<semaphore_mem>>)
      %dma_wait3A_71 = tpu.memref_slice %arg3[%add3A_14] : memref<5094400xi32, #tpu.memory_space<hbm>> -> memref<16384xi32, #tpu.memory_space<hbm>>
      %dma_wait3A_72 = tpu.memref_slice %arg3[%add3A_14] : memref<5094400xi32, #tpu.memory_space<hbm>> -> memref<16384xi32, #tpu.memory_space<hbm>>
      tpu.wait_dma2 semaphore(%run_scoped3A : memref<!tpu.dma_semaphore, #tpu.memory_space<semaphore_mem>>) src(%dma_wait3A_72 : memref<16384xi32, #tpu.memory_space<hbm>>) dst(%arg5 : memref<16384xi32, #tpu.memory_space<vmem>>)
      tpu.yield
    }) : () -> ()
    %dma_start3A_15 = arith.constant 0 : i32
    %dma_start3A_16 = tpu.memref_slice %arg2[%dma_start3A_15] : memref<15283200xi32, #tpu.memory_space<hbm>> -> memref<15283200xi32, #tpu.memory_space<hbm>>
    tpu.enqueue_indirect_dma source(%dma_start3A_16 : memref<15283200xi32, #tpu.memory_space<hbm>>) target(%arg6 : memref<16384xi32, #tpu.memory_space<vmem>>) offsets(%arg5 : memref<16384xi32, #tpu.memory_space<vmem>>) semaphore(%arg7 : memref<!tpu.dma_semaphore, #tpu.memory_space<semaphore_mem>>)
    %dma_wait3A_17 = arith.constant 0 : i32
    %dma_wait3A_18 = tpu.memref_slice %arg2[%dma_wait3A_17] : memref<15283200xi32, #tpu.memory_space<hbm>> -> memref<15283200xi32, #tpu.memory_space<hbm>>
    tpu.wait_indirect_dma semaphore(%arg7 : memref<!tpu.dma_semaphore, #tpu.memory_space<semaphore_mem>>) src(%dma_wait3A_18 : memref<15283200xi32, #tpu.memory_space<hbm>>) dst(%arg6 : memref<16384xi32, #tpu.memory_space<vmem>>)
    "tpu.region"() ({
      %run_scoped3A = tpu.sem_alloc : memref<!tpu.dma_semaphore, #tpu.memory_space<semaphore_mem>>
      %dma_start3A_69 = tpu.memref_slice %arg4[%add3A_14] : memref<5094400xi32, #tpu.memory_space<hbm>> -> memref<16384xi32, #tpu.memory_space<hbm>>
      %dma_start3A_70 = tpu.memref_slice %arg4[%add3A_14] : memref<5094400xi32, #tpu.memory_space<hbm>> -> memref<16384xi32, #tpu.memory_space<hbm>>
      tpu.enqueue_dma source(%arg6 : memref<16384xi32, #tpu.memory_space<vmem>>) target(%dma_start3A_70 : memref<16384xi32, #tpu.memory_space<hbm>>) target_semaphore(%run_scoped3A : memref<!tpu.dma_semaphore, #tpu.memory_space<semaphore_mem>>)
      %dma_wait3A_71 = tpu.memref_slice %arg4[%add3A_14] : memref<5094400xi32, #tpu.memory_space<hbm>> -> memref<16384xi32, #tpu.memory_space<hbm>>
      %dma_wait3A_72 = tpu.memref_slice %arg4[%add3A_14] : memref<5094400xi32, #tpu.memory_space<hbm>> -> memref<16384xi32, #tpu.memory_space<hbm>>
      tpu.wait_dma2 semaphore(%run_scoped3A : memref<!tpu.dma_semaphore, #tpu.memory_space<semaphore_mem>>) src(%arg6 : memref<16384xi32, #tpu.memory_space<vmem>>) dst(%dma_wait3A_72 : memref<16384xi32, #tpu.memory_space<hbm>>)
      tpu.yield
    }) : () -> ()
    %add3A_19 = arith.constant 49152 : i32
    %add3A_20 = arith.addi %mul3A_2, %add3A_19 : i32
    "tpu.region"() ({
      %run_scoped3A = tpu.sem_alloc : memref<!tpu.dma_semaphore, #tpu.memory_space<semaphore_mem>>
      %dma_start3A_69 = tpu.memref_slice %arg3[%add3A_20] : memref<5094400xi32, #tpu.memory_space<hbm>> -> memref<16384xi32, #tpu.memory_space<hbm>>
      %dma_start3A_70 = tpu.memref_slice %arg3[%add3A_20] : memref<5094400xi32, #tpu.memory_space<hbm>> -> memref<16384xi32, #tpu.memory_space<hbm>>
      tpu.enqueue_dma source(%dma_start3A_70 : memref<16384xi32, #tpu.memory_space<hbm>>) target(%arg5 : memref<16384xi32, #tpu.memory_space<vmem>>) target_semaphore(%run_scoped3A : memref<!tpu.dma_semaphore, #tpu.memory_space<semaphore_mem>>)
      %dma_wait3A_71 = tpu.memref_slice %arg3[%add3A_20] : memref<5094400xi32, #tpu.memory_space<hbm>> -> memref<16384xi32, #tpu.memory_space<hbm>>
      %dma_wait3A_72 = tpu.memref_slice %arg3[%add3A_20] : memref<5094400xi32, #tpu.memory_space<hbm>> -> memref<16384xi32, #tpu.memory_space<hbm>>
      tpu.wait_dma2 semaphore(%run_scoped3A : memref<!tpu.dma_semaphore, #tpu.memory_space<semaphore_mem>>) src(%dma_wait3A_72 : memref<16384xi32, #tpu.memory_space<hbm>>) dst(%arg5 : memref<16384xi32, #tpu.memory_space<vmem>>)
      tpu.yield
    }) : () -> ()
    %dma_start3A_21 = arith.constant 0 : i32
    %dma_start3A_22 = tpu.memref_slice %arg2[%dma_start3A_21] : memref<15283200xi32, #tpu.memory_space<hbm>> -> memref<15283200xi32, #tpu.memory_space<hbm>>
    tpu.enqueue_indirect_dma source(%dma_start3A_22 : memref<15283200xi32, #tpu.memory_space<hbm>>) target(%arg6 : memref<16384xi32, #tpu.memory_space<vmem>>) offsets(%arg5 : memref<16384xi32, #tpu.memory_space<vmem>>) semaphore(%arg7 : memref<!tpu.dma_semaphore, #tpu.memory_space<semaphore_mem>>)
    %dma_wait3A_23 = arith.constant 0 : i32
    %dma_wait3A_24 = tpu.memref_slice %arg2[%dma_wait3A_23] : memref<15283200xi32, #tpu.memory_space<hbm>> -> memref<15283200xi32, #tpu.memory_space<hbm>>
    tpu.wait_indirect_dma semaphore(%arg7 : memref<!tpu.dma_semaphore, #tpu.memory_space<semaphore_mem>>) src(%dma_wait3A_24 : memref<15283200xi32, #tpu.memory_space<hbm>>) dst(%arg6 : memref<16384xi32, #tpu.memory_space<vmem>>)
    "tpu.region"() ({
      %run_scoped3A = tpu.sem_alloc : memref<!tpu.dma_semaphore, #tpu.memory_space<semaphore_mem>>
      %dma_start3A_69 = tpu.memref_slice %arg4[%add3A_20] : memref<5094400xi32, #tpu.memory_space<hbm>> -> memref<16384xi32, #tpu.memory_space<hbm>>
      %dma_start3A_70 = tpu.memref_slice %arg4[%add3A_20] : memref<5094400xi32, #tpu.memory_space<hbm>> -> memref<16384xi32, #tpu.memory_space<hbm>>
      tpu.enqueue_dma source(%arg6 : memref<16384xi32, #tpu.memory_space<vmem>>) target(%dma_start3A_70 : memref<16384xi32, #tpu.memory_space<hbm>>) target_semaphore(%run_scoped3A : memref<!tpu.dma_semaphore, #tpu.memory_space<semaphore_mem>>)
      %dma_wait3A_71 = tpu.memref_slice %arg4[%add3A_20] : memref<5094400xi32, #tpu.memory_space<hbm>> -> memref<16384xi32, #tpu.memory_space<hbm>>
      %dma_wait3A_72 = tpu.memref_slice %arg4[%add3A_20] : memref<5094400xi32, #tpu.memory_space<hbm>> -> memref<16384xi32, #tpu.memory_space<hbm>>
      tpu.wait_dma2 semaphore(%run_scoped3A : memref<!tpu.dma_semaphore, #tpu.memory_space<semaphore_mem>>) src(%arg6 : memref<16384xi32, #tpu.memory_space<vmem>>) dst(%dma_wait3A_72 : memref<16384xi32, #tpu.memory_space<hbm>>)
      tpu.yield
    }) : () -> ()
    %add3A_25 = arith.constant 65536 : i32
    %add3A_26 = arith.addi %mul3A_2, %add3A_25 : i32
    "tpu.region"() ({
      %run_scoped3A = tpu.sem_alloc : memref<!tpu.dma_semaphore, #tpu.memory_space<semaphore_mem>>
      %dma_start3A_69 = tpu.memref_slice %arg3[%add3A_26] : memref<5094400xi32, #tpu.memory_space<hbm>> -> memref<16384xi32, #tpu.memory_space<hbm>>
      %dma_start3A_70 = tpu.memref_slice %arg3[%add3A_26] : memref<5094400xi32, #tpu.memory_space<hbm>> -> memref<16384xi32, #tpu.memory_space<hbm>>
      tpu.enqueue_dma source(%dma_start3A_70 : memref<16384xi32, #tpu.memory_space<hbm>>) target(%arg5 : memref<16384xi32, #tpu.memory_space<vmem>>) target_semaphore(%run_scoped3A : memref<!tpu.dma_semaphore, #tpu.memory_space<semaphore_mem>>)
      %dma_wait3A_71 = tpu.memref_slice %arg3[%add3A_26] : memref<5094400xi32, #tpu.memory_space<hbm>> -> memref<16384xi32, #tpu.memory_space<hbm>>
      %dma_wait3A_72 = tpu.memref_slice %arg3[%add3A_26] : memref<5094400xi32, #tpu.memory_space<hbm>> -> memref<16384xi32, #tpu.memory_space<hbm>>
      tpu.wait_dma2 semaphore(%run_scoped3A : memref<!tpu.dma_semaphore, #tpu.memory_space<semaphore_mem>>) src(%dma_wait3A_72 : memref<16384xi32, #tpu.memory_space<hbm>>) dst(%arg5 : memref<16384xi32, #tpu.memory_space<vmem>>)
      tpu.yield
    }) : () -> ()
    %dma_start3A_27 = arith.constant 0 : i32
    %dma_start3A_28 = tpu.memref_slice %arg2[%dma_start3A_27] : memref<15283200xi32, #tpu.memory_space<hbm>> -> memref<15283200xi32, #tpu.memory_space<hbm>>
    tpu.enqueue_indirect_dma source(%dma_start3A_28 : memref<15283200xi32, #tpu.memory_space<hbm>>) target(%arg6 : memref<16384xi32, #tpu.memory_space<vmem>>) offsets(%arg5 : memref<16384xi32, #tpu.memory_space<vmem>>) semaphore(%arg7 : memref<!tpu.dma_semaphore, #tpu.memory_space<semaphore_mem>>)
    %dma_wait3A_29 = arith.constant 0 : i32
    %dma_wait3A_30 = tpu.memref_slice %arg2[%dma_wait3A_29] : memref<15283200xi32, #tpu.memory_space<hbm>> -> memref<15283200xi32, #tpu.memory_space<hbm>>
    tpu.wait_indirect_dma semaphore(%arg7 : memref<!tpu.dma_semaphore, #tpu.memory_space<semaphore_mem>>) src(%dma_wait3A_30 : memref<15283200xi32, #tpu.memory_space<hbm>>) dst(%arg6 : memref<16384xi32, #tpu.memory_space<vmem>>)
    "tpu.region"() ({
      %run_scoped3A = tpu.sem_alloc : memref<!tpu.dma_semaphore, #tpu.memory_space<semaphore_mem>>
      %dma_start3A_69 = tpu.memref_slice %arg4[%add3A_26] : memref<5094400xi32, #tpu.memory_space<hbm>> -> memref<16384xi32, #tpu.memory_space<hbm>>
      %dma_start3A_70 = tpu.memref_slice %arg4[%add3A_26] : memref<5094400xi32, #tpu.memory_space<hbm>> -> memref<16384xi32, #tpu.memory_space<hbm>>
      tpu.enqueue_dma source(%arg6 : memref<16384xi32, #tpu.memory_space<vmem>>) target(%dma_start3A_70 : memref<16384xi32, #tpu.memory_space<hbm>>) target_semaphore(%run_scoped3A : memref<!tpu.dma_semaphore, #tpu.memory_space<semaphore_mem>>)
      %dma_wait3A_71 = tpu.memref_slice %arg4[%add3A_26] : memref<5094400xi32, #tpu.memory_space<hbm>> -> memref<16384xi32, #tpu.memory_space<hbm>>
      %dma_wait3A_72 = tpu.memref_slice %arg4[%add3A_26] : memref<5094400xi32, #tpu.memory_space<hbm>> -> memref<16384xi32, #tpu.memory_space<hbm>>
      tpu.wait_dma2 semaphore(%run_scoped3A : memref<!tpu.dma_semaphore, #tpu.memory_space<semaphore_mem>>) src(%arg6 : memref<16384xi32, #tpu.memory_space<vmem>>) dst(%dma_wait3A_72 : memref<16384xi32, #tpu.memory_space<hbm>>)
      tpu.yield
    }) : () -> ()
    %add3A_31 = arith.constant 81920 : i32
    %add3A_32 = arith.addi %mul3A_2, %add3A_31 : i32
    "tpu.region"() ({
      %run_scoped3A = tpu.sem_alloc : memref<!tpu.dma_semaphore, #tpu.memory_space<semaphore_mem>>
      %dma_start3A_69 = tpu.memref_slice %arg3[%add3A_32] : memref<5094400xi32, #tpu.memory_space<hbm>> -> memref<16384xi32, #tpu.memory_space<hbm>>
      %dma_start3A_70 = tpu.memref_slice %arg3[%add3A_32] : memref<5094400xi32, #tpu.memory_space<hbm>> -> memref<16384xi32, #tpu.memory_space<hbm>>
      tpu.enqueue_dma source(%dma_start3A_70 : memref<16384xi32, #tpu.memory_space<hbm>>) target(%arg5 : memref<16384xi32, #tpu.memory_space<vmem>>) target_semaphore(%run_scoped3A : memref<!tpu.dma_semaphore, #tpu.memory_space<semaphore_mem>>)
      %dma_wait3A_71 = tpu.memref_slice %arg3[%add3A_32] : memref<5094400xi32, #tpu.memory_space<hbm>> -> memref<16384xi32, #tpu.memory_space<hbm>>
      %dma_wait3A_72 = tpu.memref_slice %arg3[%add3A_32] : memref<5094400xi32, #tpu.memory_space<hbm>> -> memref<16384xi32, #tpu.memory_space<hbm>>
      tpu.wait_dma2 semaphore(%run_scoped3A : memref<!tpu.dma_semaphore, #tpu.memory_space<semaphore_mem>>) src(%dma_wait3A_72 : memref<16384xi32, #tpu.memory_space<hbm>>) dst(%arg5 : memref<16384xi32, #tpu.memory_space<vmem>>)
      tpu.yield
    }) : () -> ()
    %dma_start3A_33 = arith.constant 0 : i32
    %dma_start3A_34 = tpu.memref_slice %arg2[%dma_start3A_33] : memref<15283200xi32, #tpu.memory_space<hbm>> -> memref<15283200xi32, #tpu.memory_space<hbm>>
    tpu.enqueue_indirect_dma source(%dma_start3A_34 : memref<15283200xi32, #tpu.memory_space<hbm>>) target(%arg6 : memref<16384xi32, #tpu.memory_space<vmem>>) offsets(%arg5 : memref<16384xi32, #tpu.memory_space<vmem>>) semaphore(%arg7 : memref<!tpu.dma_semaphore, #tpu.memory_space<semaphore_mem>>)
    %dma_wait3A_35 = arith.constant 0 : i32
    %dma_wait3A_36 = tpu.memref_slice %arg2[%dma_wait3A_35] : memref<15283200xi32, #tpu.memory_space<hbm>> -> memref<15283200xi32, #tpu.memory_space<hbm>>
    tpu.wait_indirect_dma semaphore(%arg7 : memref<!tpu.dma_semaphore, #tpu.memory_space<semaphore_mem>>) src(%dma_wait3A_36 : memref<15283200xi32, #tpu.memory_space<hbm>>) dst(%arg6 : memref<16384xi32, #tpu.memory_space<vmem>>)
    "tpu.region"() ({
      %run_scoped3A = tpu.sem_alloc : memref<!tpu.dma_semaphore, #tpu.memory_space<semaphore_mem>>
      %dma_start3A_69 = tpu.memref_slice %arg4[%add3A_32] : memref<5094400xi32, #tpu.memory_space<hbm>> -> memref<16384xi32, #tpu.memory_space<hbm>>
      %dma_start3A_70 = tpu.memref_slice %arg4[%add3A_32] : memref<5094400xi32, #tpu.memory_space<hbm>> -> memref<16384xi32, #tpu.memory_space<hbm>>
      tpu.enqueue_dma source(%arg6 : memref<16384xi32, #tpu.memory_space<vmem>>) target(%dma_start3A_70 : memref<16384xi32, #tpu.memory_space<hbm>>) target_semaphore(%run_scoped3A : memref<!tpu.dma_semaphore, #tpu.memory_space<semaphore_mem>>)
      %dma_wait3A_71 = tpu.memref_slice %arg4[%add3A_32] : memref<5094400xi32, #tpu.memory_space<hbm>> -> memref<16384xi32, #tpu.memory_space<hbm>>
      %dma_wait3A_72 = tpu.memref_slice %arg4[%add3A_32] : memref<5094400xi32, #tpu.memory_space<hbm>> -> memref<16384xi32, #tpu.memory_space<hbm>>
      tpu.wait_dma2 semaphore(%run_scoped3A : memref<!tpu.dma_semaphore, #tpu.memory_space<semaphore_mem>>) src(%arg6 : memref<16384xi32, #tpu.memory_space<vmem>>) dst(%dma_wait3A_72 : memref<16384xi32, #tpu.memory_space<hbm>>)
      tpu.yield
    }) : () -> ()
    %add3A_37 = arith.constant 98304 : i32
    %add3A_38 = arith.addi %mul3A_2, %add3A_37 : i32
    "tpu.region"() ({
      %run_scoped3A = tpu.sem_alloc : memref<!tpu.dma_semaphore, #tpu.memory_space<semaphore_mem>>
      %dma_start3A_69 = tpu.memref_slice %arg3[%add3A_38] : memref<5094400xi32, #tpu.memory_space<hbm>> -> memref<16384xi32, #tpu.memory_space<hbm>>
      %dma_start3A_70 = tpu.memref_slice %arg3[%add3A_38] : memref<5094400xi32, #tpu.memory_space<hbm>> -> memref<16384xi32, #tpu.memory_space<hbm>>
      tpu.enqueue_dma source(%dma_start3A_70 : memref<16384xi32, #tpu.memory_space<hbm>>) target(%arg5 : memref<16384xi32, #tpu.memory_space<vmem>>) target_semaphore(%run_scoped3A : memref<!tpu.dma_semaphore, #tpu.memory_space<semaphore_mem>>)
      %dma_wait3A_71 = tpu.memref_slice %arg3[%add3A_38] : memref<5094400xi32, #tpu.memory_space<hbm>> -> memref<16384xi32, #tpu.memory_space<hbm>>
      %dma_wait3A_72 = tpu.memref_slice %arg3[%add3A_38] : memref<5094400xi32, #tpu.memory_space<hbm>> -> memref<16384xi32, #tpu.memory_space<hbm>>
      tpu.wait_dma2 semaphore(%run_scoped3A : memref<!tpu.dma_semaphore, #tpu.memory_space<semaphore_mem>>) src(%dma_wait3A_72 : memref<16384xi32, #tpu.memory_space<hbm>>) dst(%arg5 : memref<16384xi32, #tpu.memory_space<vmem>>)
      tpu.yield
    }) : () -> ()
    %dma_start3A_39 = arith.constant 0 : i32
    %dma_start3A_40 = tpu.memref_slice %arg2[%dma_start3A_39] : memref<15283200xi32, #tpu.memory_space<hbm>> -> memref<15283200xi32, #tpu.memory_space<hbm>>
    tpu.enqueue_indirect_dma source(%dma_start3A_40 : memref<15283200xi32, #tpu.memory_space<hbm>>) target(%arg6 : memref<16384xi32, #tpu.memory_space<vmem>>) offsets(%arg5 : memref<16384xi32, #tpu.memory_space<vmem>>) semaphore(%arg7 : memref<!tpu.dma_semaphore, #tpu.memory_space<semaphore_mem>>)
    %dma_wait3A_41 = arith.constant 0 : i32
    %dma_wait3A_42 = tpu.memref_slice %arg2[%dma_wait3A_41] : memref<15283200xi32, #tpu.memory_space<hbm>> -> memref<15283200xi32, #tpu.memory_space<hbm>>
    tpu.wait_indirect_dma semaphore(%arg7 : memref<!tpu.dma_semaphore, #tpu.memory_space<semaphore_mem>>) src(%dma_wait3A_42 : memref<15283200xi32, #tpu.memory_space<hbm>>) dst(%arg6 : memref<16384xi32, #tpu.memory_space<vmem>>)
    "tpu.region"() ({
      %run_scoped3A = tpu.sem_alloc : memref<!tpu.dma_semaphore, #tpu.memory_space<semaphore_mem>>
      %dma_start3A_69 = tpu.memref_slice %arg4[%add3A_38] : memref<5094400xi32, #tpu.memory_space<hbm>> -> memref<16384xi32, #tpu.memory_space<hbm>>
      %dma_start3A_70 = tpu.memref_slice %arg4[%add3A_38] : memref<5094400xi32, #tpu.memory_space<hbm>> -> memref<16384xi32, #tpu.memory_space<hbm>>
      tpu.enqueue_dma source(%arg6 : memref<16384xi32, #tpu.memory_space<vmem>>) target(%dma_start3A_70 : memref<16384xi32, #tpu.memory_space<hbm>>) target_semaphore(%run_scoped3A : memref<!tpu.dma_semaphore, #tpu.memory_space<semaphore_mem>>)
      %dma_wait3A_71 = tpu.memref_slice %arg4[%add3A_38] : memref<5094400xi32, #tpu.memory_space<hbm>> -> memref<16384xi32, #tpu.memory_space<hbm>>
      %dma_wait3A_72 = tpu.memref_slice %arg4[%add3A_38] : memref<5094400xi32, #tpu.memory_space<hbm>> -> memref<16384xi32, #tpu.memory_space<hbm>>
      tpu.wait_dma2 semaphore(%run_scoped3A : memref<!tpu.dma_semaphore, #tpu.memory_space<semaphore_mem>>) src(%arg6 : memref<16384xi32, #tpu.memory_space<vmem>>) dst(%dma_wait3A_72 : memref<16384xi32, #tpu.memory_space<hbm>>)
      tpu.yield
    }) : () -> ()
    %add3A_43 = arith.constant 114688 : i32
    %add3A_44 = arith.addi %mul3A_2, %add3A_43 : i32
    "tpu.region"() ({
      %run_scoped3A = tpu.sem_alloc : memref<!tpu.dma_semaphore, #tpu.memory_space<semaphore_mem>>
      %dma_start3A_69 = tpu.memref_slice %arg3[%add3A_44] : memref<5094400xi32, #tpu.memory_space<hbm>> -> memref<16384xi32, #tpu.memory_space<hbm>>
      %dma_start3A_70 = tpu.memref_slice %arg3[%add3A_44] : memref<5094400xi32, #tpu.memory_space<hbm>> -> memref<16384xi32, #tpu.memory_space<hbm>>
      tpu.enqueue_dma source(%dma_start3A_70 : memref<16384xi32, #tpu.memory_space<hbm>>) target(%arg5 : memref<16384xi32, #tpu.memory_space<vmem>>) target_semaphore(%run_scoped3A : memref<!tpu.dma_semaphore, #tpu.memory_space<semaphore_mem>>)
      %dma_wait3A_71 = tpu.memref_slice %arg3[%add3A_44] : memref<5094400xi32, #tpu.memory_space<hbm>> -> memref<16384xi32, #tpu.memory_space<hbm>>
      %dma_wait3A_72 = tpu.memref_slice %arg3[%add3A_44] : memref<5094400xi32, #tpu.memory_space<hbm>> -> memref<16384xi32, #tpu.memory_space<hbm>>
      tpu.wait_dma2 semaphore(%run_scoped3A : memref<!tpu.dma_semaphore, #tpu.memory_space<semaphore_mem>>) src(%dma_wait3A_72 : memref<16384xi32, #tpu.memory_space<hbm>>) dst(%arg5 : memref<16384xi32, #tpu.memory_space<vmem>>)
      tpu.yield
    }) : () -> ()
    %dma_start3A_45 = arith.constant 0 : i32
    %dma_start3A_46 = tpu.memref_slice %arg2[%dma_start3A_45] : memref<15283200xi32, #tpu.memory_space<hbm>> -> memref<15283200xi32, #tpu.memory_space<hbm>>
    tpu.enqueue_indirect_dma source(%dma_start3A_46 : memref<15283200xi32, #tpu.memory_space<hbm>>) target(%arg6 : memref<16384xi32, #tpu.memory_space<vmem>>) offsets(%arg5 : memref<16384xi32, #tpu.memory_space<vmem>>) semaphore(%arg7 : memref<!tpu.dma_semaphore, #tpu.memory_space<semaphore_mem>>)
    %dma_wait3A_47 = arith.constant 0 : i32
    %dma_wait3A_48 = tpu.memref_slice %arg2[%dma_wait3A_47] : memref<15283200xi32, #tpu.memory_space<hbm>> -> memref<15283200xi32, #tpu.memory_space<hbm>>
    tpu.wait_indirect_dma semaphore(%arg7 : memref<!tpu.dma_semaphore, #tpu.memory_space<semaphore_mem>>) src(%dma_wait3A_48 : memref<15283200xi32, #tpu.memory_space<hbm>>) dst(%arg6 : memref<16384xi32, #tpu.memory_space<vmem>>)
    "tpu.region"() ({
      %run_scoped3A = tpu.sem_alloc : memref<!tpu.dma_semaphore, #tpu.memory_space<semaphore_mem>>
      %dma_start3A_69 = tpu.memref_slice %arg4[%add3A_44] : memref<5094400xi32, #tpu.memory_space<hbm>> -> memref<16384xi32, #tpu.memory_space<hbm>>
      %dma_start3A_70 = tpu.memref_slice %arg4[%add3A_44] : memref<5094400xi32, #tpu.memory_space<hbm>> -> memref<16384xi32, #tpu.memory_space<hbm>>
      tpu.enqueue_dma source(%arg6 : memref<16384xi32, #tpu.memory_space<vmem>>) target(%dma_start3A_70 : memref<16384xi32, #tpu.memory_space<hbm>>) target_semaphore(%run_scoped3A : memref<!tpu.dma_semaphore, #tpu.memory_space<semaphore_mem>>)
      %dma_wait3A_71 = tpu.memref_slice %arg4[%add3A_44] : memref<5094400xi32, #tpu.memory_space<hbm>> -> memref<16384xi32, #tpu.memory_space<hbm>>
      %dma_wait3A_72 = tpu.memref_slice %arg4[%add3A_44] : memref<5094400xi32, #tpu.memory_space<hbm>> -> memref<16384xi32, #tpu.memory_space<hbm>>
      tpu.wait_dma2 semaphore(%run_scoped3A : memref<!tpu.dma_semaphore, #tpu.memory_space<semaphore_mem>>) src(%arg6 : memref<16384xi32, #tpu.memory_space<vmem>>) dst(%dma_wait3A_72 : memref<16384xi32, #tpu.memory_space<hbm>>)
      tpu.yield
    }) : () -> ()
    %add3A_49 = arith.constant 131072 : i32
    %add3A_50 = arith.addi %mul3A_2, %add3A_49 : i32
    "tpu.region"() ({
      %run_scoped3A = tpu.sem_alloc : memref<!tpu.dma_semaphore, #tpu.memory_space<semaphore_mem>>
      %dma_start3A_69 = tpu.memref_slice %arg3[%add3A_50] : memref<5094400xi32, #tpu.memory_space<hbm>> -> memref<16384xi32, #tpu.memory_space<hbm>>
      %dma_start3A_70 = tpu.memref_slice %arg3[%add3A_50] : memref<5094400xi32, #tpu.memory_space<hbm>> -> memref<16384xi32, #tpu.memory_space<hbm>>
      tpu.enqueue_dma source(%dma_start3A_70 : memref<16384xi32, #tpu.memory_space<hbm>>) target(%arg5 : memref<16384xi32, #tpu.memory_space<vmem>>) target_semaphore(%run_scoped3A : memref<!tpu.dma_semaphore, #tpu.memory_space<semaphore_mem>>)
      %dma_wait3A_71 = tpu.memref_slice %arg3[%add3A_50] : memref<5094400xi32, #tpu.memory_space<hbm>> -> memref<16384xi32, #tpu.memory_space<hbm>>
      %dma_wait3A_72 = tpu.memref_slice %arg3[%add3A_50] : memref<5094400xi32, #tpu.memory_space<hbm>> -> memref<16384xi32, #tpu.memory_space<hbm>>
      tpu.wait_dma2 semaphore(%run_scoped3A : memref<!tpu.dma_semaphore, #tpu.memory_space<semaphore_mem>>) src(%dma_wait3A_72 : memref<16384xi32, #tpu.memory_space<hbm>>) dst(%arg5 : memref<16384xi32, #tpu.memory_space<vmem>>)
      tpu.yield
    }) : () -> ()
    %dma_start3A_51 = arith.constant 0 : i32
    %dma_start3A_52 = tpu.memref_slice %arg2[%dma_start3A_51] : memref<15283200xi32, #tpu.memory_space<hbm>> -> memref<15283200xi32, #tpu.memory_space<hbm>>
    tpu.enqueue_indirect_dma source(%dma_start3A_52 : memref<15283200xi32, #tpu.memory_space<hbm>>) target(%arg6 : memref<16384xi32, #tpu.memory_space<vmem>>) offsets(%arg5 : memref<16384xi32, #tpu.memory_space<vmem>>) semaphore(%arg7 : memref<!tpu.dma_semaphore, #tpu.memory_space<semaphore_mem>>)
    %dma_wait3A_53 = arith.constant 0 : i32
    %dma_wait3A_54 = tpu.memref_slice %arg2[%dma_wait3A_53] : memref<15283200xi32, #tpu.memory_space<hbm>> -> memref<15283200xi32, #tpu.memory_space<hbm>>
    tpu.wait_indirect_dma semaphore(%arg7 : memref<!tpu.dma_semaphore, #tpu.memory_space<semaphore_mem>>) src(%dma_wait3A_54 : memref<15283200xi32, #tpu.memory_space<hbm>>) dst(%arg6 : memref<16384xi32, #tpu.memory_space<vmem>>)
    "tpu.region"() ({
      %run_scoped3A = tpu.sem_alloc : memref<!tpu.dma_semaphore, #tpu.memory_space<semaphore_mem>>
      %dma_start3A_69 = tpu.memref_slice %arg4[%add3A_50] : memref<5094400xi32, #tpu.memory_space<hbm>> -> memref<16384xi32, #tpu.memory_space<hbm>>
      %dma_start3A_70 = tpu.memref_slice %arg4[%add3A_50] : memref<5094400xi32, #tpu.memory_space<hbm>> -> memref<16384xi32, #tpu.memory_space<hbm>>
      tpu.enqueue_dma source(%arg6 : memref<16384xi32, #tpu.memory_space<vmem>>) target(%dma_start3A_70 : memref<16384xi32, #tpu.memory_space<hbm>>) target_semaphore(%run_scoped3A : memref<!tpu.dma_semaphore, #tpu.memory_space<semaphore_mem>>)
      %dma_wait3A_71 = tpu.memref_slice %arg4[%add3A_50] : memref<5094400xi32, #tpu.memory_space<hbm>> -> memref<16384xi32, #tpu.memory_space<hbm>>
      %dma_wait3A_72 = tpu.memref_slice %arg4[%add3A_50] : memref<5094400xi32, #tpu.memory_space<hbm>> -> memref<16384xi32, #tpu.memory_space<hbm>>
      tpu.wait_dma2 semaphore(%run_scoped3A : memref<!tpu.dma_semaphore, #tpu.memory_space<semaphore_mem>>) src(%arg6 : memref<16384xi32, #tpu.memory_space<vmem>>) dst(%dma_wait3A_72 : memref<16384xi32, #tpu.memory_space<hbm>>)
      tpu.yield
    }) : () -> ()
    %add3A_55 = arith.constant 147456 : i32
    %add3A_56 = arith.addi %mul3A_2, %add3A_55 : i32
    "tpu.region"() ({
      %run_scoped3A = tpu.sem_alloc : memref<!tpu.dma_semaphore, #tpu.memory_space<semaphore_mem>>
      %dma_start3A_69 = arith.constant 0 : i32
      %dma_start3A_70 = tpu.memref_slice %arg5[%dma_start3A_69] : memref<16384xi32, #tpu.memory_space<vmem>> -> memref<11744xi32, #tpu.memory_space<vmem>>
      %dma_start3A_71 = tpu.memref_slice %arg3[%add3A_56] : memref<5094400xi32, #tpu.memory_space<hbm>> -> memref<11744xi32, #tpu.memory_space<hbm>>
      %dma_start3A_72 = arith.constant 0 : i32
      %dma_start3A_73 = tpu.memref_slice %arg5[%dma_start3A_72] : memref<16384xi32, #tpu.memory_space<vmem>> -> memref<11744xi32, #tpu.memory_space<vmem>>
      %dma_start3A_74 = tpu.memref_slice %arg3[%add3A_56] : memref<5094400xi32, #tpu.memory_space<hbm>> -> memref<11744xi32, #tpu.memory_space<hbm>>
      tpu.enqueue_dma source(%dma_start3A_74 : memref<11744xi32, #tpu.memory_space<hbm>>) target(%dma_start3A_73 : memref<11744xi32, #tpu.memory_space<vmem>>) target_semaphore(%run_scoped3A : memref<!tpu.dma_semaphore, #tpu.memory_space<semaphore_mem>>)
      %dma_wait3A_75 = arith.constant 0 : i32
      %dma_wait3A_76 = tpu.memref_slice %arg5[%dma_wait3A_75] : memref<16384xi32, #tpu.memory_space<vmem>> -> memref<11744xi32, #tpu.memory_space<vmem>>
      %dma_wait3A_77 = tpu.memref_slice %arg3[%add3A_56] : memref<5094400xi32, #tpu.memory_space<hbm>> -> memref<11744xi32, #tpu.memory_space<hbm>>
      %dma_wait3A_78 = arith.constant 0 : i32
      %dma_wait3A_79 = tpu.memref_slice %arg5[%dma_wait3A_78] : memref<16384xi32, #tpu.memory_space<vmem>> -> memref<11744xi32, #tpu.memory_space<vmem>>
      %dma_wait3A_80 = tpu.memref_slice %arg3[%add3A_56] : memref<5094400xi32, #tpu.memory_space<hbm>> -> memref<11744xi32, #tpu.memory_space<hbm>>
      tpu.wait_dma2 semaphore(%run_scoped3A : memref<!tpu.dma_semaphore, #tpu.memory_space<semaphore_mem>>) src(%dma_wait3A_80 : memref<11744xi32, #tpu.memory_space<hbm>>) dst(%dma_wait3A_79 : memref<11744xi32, #tpu.memory_space<vmem>>)
      tpu.yield
    }) : () -> ()
    %dma_start3A_57 = arith.constant 0 : i32
    %dma_start3A_58 = tpu.memref_slice %arg6[%dma_start3A_57] : memref<16384xi32, #tpu.memory_space<vmem>> -> memref<11744xi32, #tpu.memory_space<vmem>>
    %dma_start3A_59 = arith.constant 0 : i32
    %dma_start3A_60 = tpu.memref_slice %arg5[%dma_start3A_59] : memref<16384xi32, #tpu.memory_space<vmem>> -> memref<11744xi32, #tpu.memory_space<vmem>>
    %dma_start3A_61 = arith.constant 0 : i32
    %dma_start3A_62 = tpu.memref_slice %arg2[%dma_start3A_61] : memref<15283200xi32, #tpu.memory_space<hbm>> -> memref<15283200xi32, #tpu.memory_space<hbm>>
    tpu.enqueue_indirect_dma source(%dma_start3A_62 : memref<15283200xi32, #tpu.memory_space<hbm>>) target(%dma_start3A_58 : memref<11744xi32, #tpu.memory_space<vmem>>) offsets(%dma_start3A_60 : memref<11744xi32, #tpu.memory_space<vmem>>) semaphore(%arg7 : memref<!tpu.dma_semaphore, #tpu.memory_space<semaphore_mem>>)
    %dma_wait3A_63 = arith.constant 0 : i32
    %dma_wait3A_64 = tpu.memref_slice %arg6[%dma_wait3A_63] : memref<16384xi32, #tpu.memory_space<vmem>> -> memref<11744xi32, #tpu.memory_space<vmem>>
    %dma_wait3A_65 = arith.constant 0 : i32
    %dma_wait3A_66 = tpu.memref_slice %arg5[%dma_wait3A_65] : memref<16384xi32, #tpu.memory_space<vmem>> -> memref<11744xi32, #tpu.memory_space<vmem>>
    %dma_wait3A_67 = arith.constant 0 : i32
    %dma_wait3A_68 = tpu.memref_slice %arg2[%dma_wait3A_67] : memref<15283200xi32, #tpu.memory_space<hbm>> -> memref<15283200xi32, #tpu.memory_space<hbm>>
    tpu.wait_indirect_dma semaphore(%arg7 : memref<!tpu.dma_semaphore, #tpu.memory_space<semaphore_mem>>) src(%dma_wait3A_68 : memref<15283200xi32, #tpu.memory_space<hbm>>) dst(%dma_wait3A_64 : memref<11744xi32, #tpu.memory_space<vmem>>)
    "tpu.region"() ({
      %run_scoped3A = tpu.sem_alloc : memref<!tpu.dma_semaphore, #tpu.memory_space<semaphore_mem>>
      %dma_start3A_69 = arith.constant 0 : i32
      %dma_start3A_70 = tpu.memref_slice %arg6[%dma_start3A_69] : memref<16384xi32, #tpu.memory_space<vmem>> -> memref<11744xi32, #tpu.memory_space<vmem>>
      %dma_start3A_71 = tpu.memref_slice %arg4[%add3A_56] : memref<5094400xi32, #tpu.memory_space<hbm>> -> memref<11744xi32, #tpu.memory_space<hbm>>
      %dma_start3A_72 = tpu.memref_slice %arg4[%add3A_56] : memref<5094400xi32, #tpu.memory_space<hbm>> -> memref<11744xi32, #tpu.memory_space<hbm>>
      %dma_start3A_73 = arith.constant 0 : i32
      %dma_start3A_74 = tpu.memref_slice %arg6[%dma_start3A_73] : memref<16384xi32, #tpu.memory_space<vmem>> -> memref<11744xi32, #tpu.memory_space<vmem>>
      tpu.enqueue_dma source(%dma_start3A_74 : memref<11744xi32, #tpu.memory_space<vmem>>) target(%dma_start3A_72 : memref<11744xi32, #tpu.memory_space<hbm>>) target_semaphore(%run_scoped3A : memref<!tpu.dma_semaphore, #tpu.memory_space<semaphore_mem>>)
      %dma_wait3A_75 = arith.constant 0 : i32
      %dma_wait3A_76 = tpu.memref_slice %arg6[%dma_wait3A_75] : memref<16384xi32, #tpu.memory_space<vmem>> -> memref<11744xi32, #tpu.memory_space<vmem>>
      %dma_wait3A_77 = tpu.memref_slice %arg4[%add3A_56] : memref<5094400xi32, #tpu.memory_space<hbm>> -> memref<11744xi32, #tpu.memory_space<hbm>>
      %dma_wait3A_78 = tpu.memref_slice %arg4[%add3A_56] : memref<5094400xi32, #tpu.memory_space<hbm>> -> memref<11744xi32, #tpu.memory_space<hbm>>
      %dma_wait3A_79 = arith.constant 0 : i32
      %dma_wait3A_80 = tpu.memref_slice %arg6[%dma_wait3A_79] : memref<16384xi32, #tpu.memory_space<vmem>> -> memref<11744xi32, #tpu.memory_space<vmem>>
      tpu.wait_dma2 semaphore(%run_scoped3A : memref<!tpu.dma_semaphore, #tpu.memory_space<semaphore_mem>>) src(%dma_wait3A_80 : memref<11744xi32, #tpu.memory_space<vmem>>) dst(%dma_wait3A_78 : memref<11744xi32, #tpu.memory_space<hbm>>)
      tpu.yield
    }) : () -> ()
    return
  }
}

#map = affine_map<(d0, d1) -> (0)>
module attributes {stable_mosaic.version = 14 : i64} {
  func.func @k(%arg0: i32, %arg1: i32, %arg2: memref<15283200xf32, #tpu.memory_space<hbm>>, %arg3: memref<5094400xi32, #tpu.memory_space<hbm>>, %arg4: memref<5094400xf32, #tpu.memory_space<hbm>>, %arg5: memref<16384xi32, #tpu.memory_space<vmem>>, %arg6: memref<16384xf32, #tpu.memory_space<vmem>>, %arg7: memref<!tpu.dma_semaphore, #tpu.memory_space<semaphore_mem>>) attributes {dimension_semantics = [#tpu.dimension_semantics<core_parallel>, #tpu.dimension_semantics<subcore_parallel>], iteration_bounds = array<i64: 2, 16>, scalar_prefetch = 0 : i64, scratch_operands = 3 : i64, tpu.core_type = #tpu.core_type<sc_vector_subcore>, window_params = [{transform_indices = #map}, {transform_indices = #map}, {transform_indices = #map}]} {
    %mul3A = arith.constant 2 : i32
    %mul3A_0 = arith.muli %arg1, %mul3A : i32
    %add3A = arith.addi %mul3A_0, %arg0 : i32
    %mul3A_1 = arith.constant 159200 : i32
    %mul3A_2 = arith.muli %add3A, %mul3A_1 : i32
    %add3A_3 = arith.constant 0 : i32
    %add3A_4 = arith.addi %mul3A_2, %add3A_3 : i32
    "tpu.region"() ({
      %run_scoped3A = tpu.sem_alloc : memref<!tpu.dma_semaphore, #tpu.memory_space<semaphore_mem>>
      %dma_start3A_69 = tpu.memref_slice %arg3[%add3A_4] : memref<5094400xi32, #tpu.memory_space<hbm>> -> memref<16384xi32, #tpu.memory_space<hbm>>
      %dma_start3A_70 = tpu.memref_slice %arg3[%add3A_4] : memref<5094400xi32, #tpu.memory_space<hbm>> -> memref<16384xi32, #tpu.memory_space<hbm>>
      tpu.enqueue_dma source(%dma_start3A_70 : memref<16384xi32, #tpu.memory_space<hbm>>) target(%arg5 : memref<16384xi32, #tpu.memory_space<vmem>>) target_semaphore(%run_scoped3A : memref<!tpu.dma_semaphore, #tpu.memory_space<semaphore_mem>>)
      %dma_wait3A_71 = tpu.memref_slice %arg3[%add3A_4] : memref<5094400xi32, #tpu.memory_space<hbm>> -> memref<16384xi32, #tpu.memory_space<hbm>>
      %dma_wait3A_72 = tpu.memref_slice %arg3[%add3A_4] : memref<5094400xi32, #tpu.memory_space<hbm>> -> memref<16384xi32, #tpu.memory_space<hbm>>
      tpu.wait_dma2 semaphore(%run_scoped3A : memref<!tpu.dma_semaphore, #tpu.memory_space<semaphore_mem>>) src(%dma_wait3A_72 : memref<16384xi32, #tpu.memory_space<hbm>>) dst(%arg5 : memref<16384xi32, #tpu.memory_space<vmem>>)
      tpu.yield
    }) : () -> ()
    %dma_start3A = arith.constant 0 : i32
    %dma_start3A_5 = tpu.memref_slice %arg2[%dma_start3A] : memref<15283200xf32, #tpu.memory_space<hbm>> -> memref<15283200xf32, #tpu.memory_space<hbm>>
    tpu.enqueue_indirect_dma source(%dma_start3A_5 : memref<15283200xf32, #tpu.memory_space<hbm>>) target(%arg6 : memref<16384xf32, #tpu.memory_space<vmem>>) offsets(%arg5 : memref<16384xi32, #tpu.memory_space<vmem>>) semaphore(%arg7 : memref<!tpu.dma_semaphore, #tpu.memory_space<semaphore_mem>>)
    %dma_wait3A = arith.constant 0 : i32
    %dma_wait3A_6 = tpu.memref_slice %arg2[%dma_wait3A] : memref<15283200xf32, #tpu.memory_space<hbm>> -> memref<15283200xf32, #tpu.memory_space<hbm>>
    tpu.wait_indirect_dma semaphore(%arg7 : memref<!tpu.dma_semaphore, #tpu.memory_space<semaphore_mem>>) src(%dma_wait3A_6 : memref<15283200xf32, #tpu.memory_space<hbm>>) dst(%arg6 : memref<16384xf32, #tpu.memory_space<vmem>>)
    "tpu.region"() ({
      %run_scoped3A = tpu.sem_alloc : memref<!tpu.dma_semaphore, #tpu.memory_space<semaphore_mem>>
      %dma_start3A_69 = tpu.memref_slice %arg4[%add3A_4] : memref<5094400xf32, #tpu.memory_space<hbm>> -> memref<16384xf32, #tpu.memory_space<hbm>>
      %dma_start3A_70 = tpu.memref_slice %arg4[%add3A_4] : memref<5094400xf32, #tpu.memory_space<hbm>> -> memref<16384xf32, #tpu.memory_space<hbm>>
      tpu.enqueue_dma source(%arg6 : memref<16384xf32, #tpu.memory_space<vmem>>) target(%dma_start3A_70 : memref<16384xf32, #tpu.memory_space<hbm>>) target_semaphore(%run_scoped3A : memref<!tpu.dma_semaphore, #tpu.memory_space<semaphore_mem>>)
      %dma_wait3A_71 = tpu.memref_slice %arg4[%add3A_4] : memref<5094400xf32, #tpu.memory_space<hbm>> -> memref<16384xf32, #tpu.memory_space<hbm>>
      %dma_wait3A_72 = tpu.memref_slice %arg4[%add3A_4] : memref<5094400xf32, #tpu.memory_space<hbm>> -> memref<16384xf32, #tpu.memory_space<hbm>>
      tpu.wait_dma2 semaphore(%run_scoped3A : memref<!tpu.dma_semaphore, #tpu.memory_space<semaphore_mem>>) src(%arg6 : memref<16384xf32, #tpu.memory_space<vmem>>) dst(%dma_wait3A_72 : memref<16384xf32, #tpu.memory_space<hbm>>)
      tpu.yield
    }) : () -> ()
    %add3A_7 = arith.constant 16384 : i32
    %add3A_8 = arith.addi %mul3A_2, %add3A_7 : i32
    "tpu.region"() ({
      %run_scoped3A = tpu.sem_alloc : memref<!tpu.dma_semaphore, #tpu.memory_space<semaphore_mem>>
      %dma_start3A_69 = tpu.memref_slice %arg3[%add3A_8] : memref<5094400xi32, #tpu.memory_space<hbm>> -> memref<16384xi32, #tpu.memory_space<hbm>>
      %dma_start3A_70 = tpu.memref_slice %arg3[%add3A_8] : memref<5094400xi32, #tpu.memory_space<hbm>> -> memref<16384xi32, #tpu.memory_space<hbm>>
      tpu.enqueue_dma source(%dma_start3A_70 : memref<16384xi32, #tpu.memory_space<hbm>>) target(%arg5 : memref<16384xi32, #tpu.memory_space<vmem>>) target_semaphore(%run_scoped3A : memref<!tpu.dma_semaphore, #tpu.memory_space<semaphore_mem>>)
      %dma_wait3A_71 = tpu.memref_slice %arg3[%add3A_8] : memref<5094400xi32, #tpu.memory_space<hbm>> -> memref<16384xi32, #tpu.memory_space<hbm>>
      %dma_wait3A_72 = tpu.memref_slice %arg3[%add3A_8] : memref<5094400xi32, #tpu.memory_space<hbm>> -> memref<16384xi32, #tpu.memory_space<hbm>>
      tpu.wait_dma2 semaphore(%run_scoped3A : memref<!tpu.dma_semaphore, #tpu.memory_space<semaphore_mem>>) src(%dma_wait3A_72 : memref<16384xi32, #tpu.memory_space<hbm>>) dst(%arg5 : memref<16384xi32, #tpu.memory_space<vmem>>)
      tpu.yield
    }) : () -> ()
    %dma_start3A_9 = arith.constant 0 : i32
    %dma_start3A_10 = tpu.memref_slice %arg2[%dma_start3A_9] : memref<15283200xf32, #tpu.memory_space<hbm>> -> memref<15283200xf32, #tpu.memory_space<hbm>>
    tpu.enqueue_indirect_dma source(%dma_start3A_10 : memref<15283200xf32, #tpu.memory_space<hbm>>) target(%arg6 : memref<16384xf32, #tpu.memory_space<vmem>>) offsets(%arg5 : memref<16384xi32, #tpu.memory_space<vmem>>) semaphore(%arg7 : memref<!tpu.dma_semaphore, #tpu.memory_space<semaphore_mem>>)
    %dma_wait3A_11 = arith.constant 0 : i32
    %dma_wait3A_12 = tpu.memref_slice %arg2[%dma_wait3A_11] : memref<15283200xf32, #tpu.memory_space<hbm>> -> memref<15283200xf32, #tpu.memory_space<hbm>>
    tpu.wait_indirect_dma semaphore(%arg7 : memref<!tpu.dma_semaphore, #tpu.memory_space<semaphore_mem>>) src(%dma_wait3A_12 : memref<15283200xf32, #tpu.memory_space<hbm>>) dst(%arg6 : memref<16384xf32, #tpu.memory_space<vmem>>)
    "tpu.region"() ({
      %run_scoped3A = tpu.sem_alloc : memref<!tpu.dma_semaphore, #tpu.memory_space<semaphore_mem>>
      %dma_start3A_69 = tpu.memref_slice %arg4[%add3A_8] : memref<5094400xf32, #tpu.memory_space<hbm>> -> memref<16384xf32, #tpu.memory_space<hbm>>
      %dma_start3A_70 = tpu.memref_slice %arg4[%add3A_8] : memref<5094400xf32, #tpu.memory_space<hbm>> -> memref<16384xf32, #tpu.memory_space<hbm>>
      tpu.enqueue_dma source(%arg6 : memref<16384xf32, #tpu.memory_space<vmem>>) target(%dma_start3A_70 : memref<16384xf32, #tpu.memory_space<hbm>>) target_semaphore(%run_scoped3A : memref<!tpu.dma_semaphore, #tpu.memory_space<semaphore_mem>>)
      %dma_wait3A_71 = tpu.memref_slice %arg4[%add3A_8] : memref<5094400xf32, #tpu.memory_space<hbm>> -> memref<16384xf32, #tpu.memory_space<hbm>>
      %dma_wait3A_72 = tpu.memref_slice %arg4[%add3A_8] : memref<5094400xf32, #tpu.memory_space<hbm>> -> memref<16384xf32, #tpu.memory_space<hbm>>
      tpu.wait_dma2 semaphore(%run_scoped3A : memref<!tpu.dma_semaphore, #tpu.memory_space<semaphore_mem>>) src(%arg6 : memref<16384xf32, #tpu.memory_space<vmem>>) dst(%dma_wait3A_72 : memref<16384xf32, #tpu.memory_space<hbm>>)
      tpu.yield
    }) : () -> ()
    %add3A_13 = arith.constant 32768 : i32
    %add3A_14 = arith.addi %mul3A_2, %add3A_13 : i32
    "tpu.region"() ({
      %run_scoped3A = tpu.sem_alloc : memref<!tpu.dma_semaphore, #tpu.memory_space<semaphore_mem>>
      %dma_start3A_69 = tpu.memref_slice %arg3[%add3A_14] : memref<5094400xi32, #tpu.memory_space<hbm>> -> memref<16384xi32, #tpu.memory_space<hbm>>
      %dma_start3A_70 = tpu.memref_slice %arg3[%add3A_14] : memref<5094400xi32, #tpu.memory_space<hbm>> -> memref<16384xi32, #tpu.memory_space<hbm>>
      tpu.enqueue_dma source(%dma_start3A_70 : memref<16384xi32, #tpu.memory_space<hbm>>) target(%arg5 : memref<16384xi32, #tpu.memory_space<vmem>>) target_semaphore(%run_scoped3A : memref<!tpu.dma_semaphore, #tpu.memory_space<semaphore_mem>>)
      %dma_wait3A_71 = tpu.memref_slice %arg3[%add3A_14] : memref<5094400xi32, #tpu.memory_space<hbm>> -> memref<16384xi32, #tpu.memory_space<hbm>>
      %dma_wait3A_72 = tpu.memref_slice %arg3[%add3A_14] : memref<5094400xi32, #tpu.memory_space<hbm>> -> memref<16384xi32, #tpu.memory_space<hbm>>
      tpu.wait_dma2 semaphore(%run_scoped3A : memref<!tpu.dma_semaphore, #tpu.memory_space<semaphore_mem>>) src(%dma_wait3A_72 : memref<16384xi32, #tpu.memory_space<hbm>>) dst(%arg5 : memref<16384xi32, #tpu.memory_space<vmem>>)
      tpu.yield
    }) : () -> ()
    %dma_start3A_15 = arith.constant 0 : i32
    %dma_start3A_16 = tpu.memref_slice %arg2[%dma_start3A_15] : memref<15283200xf32, #tpu.memory_space<hbm>> -> memref<15283200xf32, #tpu.memory_space<hbm>>
    tpu.enqueue_indirect_dma source(%dma_start3A_16 : memref<15283200xf32, #tpu.memory_space<hbm>>) target(%arg6 : memref<16384xf32, #tpu.memory_space<vmem>>) offsets(%arg5 : memref<16384xi32, #tpu.memory_space<vmem>>) semaphore(%arg7 : memref<!tpu.dma_semaphore, #tpu.memory_space<semaphore_mem>>)
    %dma_wait3A_17 = arith.constant 0 : i32
    %dma_wait3A_18 = tpu.memref_slice %arg2[%dma_wait3A_17] : memref<15283200xf32, #tpu.memory_space<hbm>> -> memref<15283200xf32, #tpu.memory_space<hbm>>
    tpu.wait_indirect_dma semaphore(%arg7 : memref<!tpu.dma_semaphore, #tpu.memory_space<semaphore_mem>>) src(%dma_wait3A_18 : memref<15283200xf32, #tpu.memory_space<hbm>>) dst(%arg6 : memref<16384xf32, #tpu.memory_space<vmem>>)
    "tpu.region"() ({
      %run_scoped3A = tpu.sem_alloc : memref<!tpu.dma_semaphore, #tpu.memory_space<semaphore_mem>>
      %dma_start3A_69 = tpu.memref_slice %arg4[%add3A_14] : memref<5094400xf32, #tpu.memory_space<hbm>> -> memref<16384xf32, #tpu.memory_space<hbm>>
      %dma_start3A_70 = tpu.memref_slice %arg4[%add3A_14] : memref<5094400xf32, #tpu.memory_space<hbm>> -> memref<16384xf32, #tpu.memory_space<hbm>>
      tpu.enqueue_dma source(%arg6 : memref<16384xf32, #tpu.memory_space<vmem>>) target(%dma_start3A_70 : memref<16384xf32, #tpu.memory_space<hbm>>) target_semaphore(%run_scoped3A : memref<!tpu.dma_semaphore, #tpu.memory_space<semaphore_mem>>)
      %dma_wait3A_71 = tpu.memref_slice %arg4[%add3A_14] : memref<5094400xf32, #tpu.memory_space<hbm>> -> memref<16384xf32, #tpu.memory_space<hbm>>
      %dma_wait3A_72 = tpu.memref_slice %arg4[%add3A_14] : memref<5094400xf32, #tpu.memory_space<hbm>> -> memref<16384xf32, #tpu.memory_space<hbm>>
      tpu.wait_dma2 semaphore(%run_scoped3A : memref<!tpu.dma_semaphore, #tpu.memory_space<semaphore_mem>>) src(%arg6 : memref<16384xf32, #tpu.memory_space<vmem>>) dst(%dma_wait3A_72 : memref<16384xf32, #tpu.memory_space<hbm>>)
      tpu.yield
    }) : () -> ()
    %add3A_19 = arith.constant 49152 : i32
    %add3A_20 = arith.addi %mul3A_2, %add3A_19 : i32
    "tpu.region"() ({
      %run_scoped3A = tpu.sem_alloc : memref<!tpu.dma_semaphore, #tpu.memory_space<semaphore_mem>>
      %dma_start3A_69 = tpu.memref_slice %arg3[%add3A_20] : memref<5094400xi32, #tpu.memory_space<hbm>> -> memref<16384xi32, #tpu.memory_space<hbm>>
      %dma_start3A_70 = tpu.memref_slice %arg3[%add3A_20] : memref<5094400xi32, #tpu.memory_space<hbm>> -> memref<16384xi32, #tpu.memory_space<hbm>>
      tpu.enqueue_dma source(%dma_start3A_70 : memref<16384xi32, #tpu.memory_space<hbm>>) target(%arg5 : memref<16384xi32, #tpu.memory_space<vmem>>) target_semaphore(%run_scoped3A : memref<!tpu.dma_semaphore, #tpu.memory_space<semaphore_mem>>)
      %dma_wait3A_71 = tpu.memref_slice %arg3[%add3A_20] : memref<5094400xi32, #tpu.memory_space<hbm>> -> memref<16384xi32, #tpu.memory_space<hbm>>
      %dma_wait3A_72 = tpu.memref_slice %arg3[%add3A_20] : memref<5094400xi32, #tpu.memory_space<hbm>> -> memref<16384xi32, #tpu.memory_space<hbm>>
      tpu.wait_dma2 semaphore(%run_scoped3A : memref<!tpu.dma_semaphore, #tpu.memory_space<semaphore_mem>>) src(%dma_wait3A_72 : memref<16384xi32, #tpu.memory_space<hbm>>) dst(%arg5 : memref<16384xi32, #tpu.memory_space<vmem>>)
      tpu.yield
    }) : () -> ()
    %dma_start3A_21 = arith.constant 0 : i32
    %dma_start3A_22 = tpu.memref_slice %arg2[%dma_start3A_21] : memref<15283200xf32, #tpu.memory_space<hbm>> -> memref<15283200xf32, #tpu.memory_space<hbm>>
    tpu.enqueue_indirect_dma source(%dma_start3A_22 : memref<15283200xf32, #tpu.memory_space<hbm>>) target(%arg6 : memref<16384xf32, #tpu.memory_space<vmem>>) offsets(%arg5 : memref<16384xi32, #tpu.memory_space<vmem>>) semaphore(%arg7 : memref<!tpu.dma_semaphore, #tpu.memory_space<semaphore_mem>>)
    %dma_wait3A_23 = arith.constant 0 : i32
    %dma_wait3A_24 = tpu.memref_slice %arg2[%dma_wait3A_23] : memref<15283200xf32, #tpu.memory_space<hbm>> -> memref<15283200xf32, #tpu.memory_space<hbm>>
    tpu.wait_indirect_dma semaphore(%arg7 : memref<!tpu.dma_semaphore, #tpu.memory_space<semaphore_mem>>) src(%dma_wait3A_24 : memref<15283200xf32, #tpu.memory_space<hbm>>) dst(%arg6 : memref<16384xf32, #tpu.memory_space<vmem>>)
    "tpu.region"() ({
      %run_scoped3A = tpu.sem_alloc : memref<!tpu.dma_semaphore, #tpu.memory_space<semaphore_mem>>
      %dma_start3A_69 = tpu.memref_slice %arg4[%add3A_20] : memref<5094400xf32, #tpu.memory_space<hbm>> -> memref<16384xf32, #tpu.memory_space<hbm>>
      %dma_start3A_70 = tpu.memref_slice %arg4[%add3A_20] : memref<5094400xf32, #tpu.memory_space<hbm>> -> memref<16384xf32, #tpu.memory_space<hbm>>
      tpu.enqueue_dma source(%arg6 : memref<16384xf32, #tpu.memory_space<vmem>>) target(%dma_start3A_70 : memref<16384xf32, #tpu.memory_space<hbm>>) target_semaphore(%run_scoped3A : memref<!tpu.dma_semaphore, #tpu.memory_space<semaphore_mem>>)
      %dma_wait3A_71 = tpu.memref_slice %arg4[%add3A_20] : memref<5094400xf32, #tpu.memory_space<hbm>> -> memref<16384xf32, #tpu.memory_space<hbm>>
      %dma_wait3A_72 = tpu.memref_slice %arg4[%add3A_20] : memref<5094400xf32, #tpu.memory_space<hbm>> -> memref<16384xf32, #tpu.memory_space<hbm>>
      tpu.wait_dma2 semaphore(%run_scoped3A : memref<!tpu.dma_semaphore, #tpu.memory_space<semaphore_mem>>) src(%arg6 : memref<16384xf32, #tpu.memory_space<vmem>>) dst(%dma_wait3A_72 : memref<16384xf32, #tpu.memory_space<hbm>>)
      tpu.yield
    }) : () -> ()
    %add3A_25 = arith.constant 65536 : i32
    %add3A_26 = arith.addi %mul3A_2, %add3A_25 : i32
    "tpu.region"() ({
      %run_scoped3A = tpu.sem_alloc : memref<!tpu.dma_semaphore, #tpu.memory_space<semaphore_mem>>
      %dma_start3A_69 = tpu.memref_slice %arg3[%add3A_26] : memref<5094400xi32, #tpu.memory_space<hbm>> -> memref<16384xi32, #tpu.memory_space<hbm>>
      %dma_start3A_70 = tpu.memref_slice %arg3[%add3A_26] : memref<5094400xi32, #tpu.memory_space<hbm>> -> memref<16384xi32, #tpu.memory_space<hbm>>
      tpu.enqueue_dma source(%dma_start3A_70 : memref<16384xi32, #tpu.memory_space<hbm>>) target(%arg5 : memref<16384xi32, #tpu.memory_space<vmem>>) target_semaphore(%run_scoped3A : memref<!tpu.dma_semaphore, #tpu.memory_space<semaphore_mem>>)
      %dma_wait3A_71 = tpu.memref_slice %arg3[%add3A_26] : memref<5094400xi32, #tpu.memory_space<hbm>> -> memref<16384xi32, #tpu.memory_space<hbm>>
      %dma_wait3A_72 = tpu.memref_slice %arg3[%add3A_26] : memref<5094400xi32, #tpu.memory_space<hbm>> -> memref<16384xi32, #tpu.memory_space<hbm>>
      tpu.wait_dma2 semaphore(%run_scoped3A : memref<!tpu.dma_semaphore, #tpu.memory_space<semaphore_mem>>) src(%dma_wait3A_72 : memref<16384xi32, #tpu.memory_space<hbm>>) dst(%arg5 : memref<16384xi32, #tpu.memory_space<vmem>>)
      tpu.yield
    }) : () -> ()
    %dma_start3A_27 = arith.constant 0 : i32
    %dma_start3A_28 = tpu.memref_slice %arg2[%dma_start3A_27] : memref<15283200xf32, #tpu.memory_space<hbm>> -> memref<15283200xf32, #tpu.memory_space<hbm>>
    tpu.enqueue_indirect_dma source(%dma_start3A_28 : memref<15283200xf32, #tpu.memory_space<hbm>>) target(%arg6 : memref<16384xf32, #tpu.memory_space<vmem>>) offsets(%arg5 : memref<16384xi32, #tpu.memory_space<vmem>>) semaphore(%arg7 : memref<!tpu.dma_semaphore, #tpu.memory_space<semaphore_mem>>)
    %dma_wait3A_29 = arith.constant 0 : i32
    %dma_wait3A_30 = tpu.memref_slice %arg2[%dma_wait3A_29] : memref<15283200xf32, #tpu.memory_space<hbm>> -> memref<15283200xf32, #tpu.memory_space<hbm>>
    tpu.wait_indirect_dma semaphore(%arg7 : memref<!tpu.dma_semaphore, #tpu.memory_space<semaphore_mem>>) src(%dma_wait3A_30 : memref<15283200xf32, #tpu.memory_space<hbm>>) dst(%arg6 : memref<16384xf32, #tpu.memory_space<vmem>>)
    "tpu.region"() ({
      %run_scoped3A = tpu.sem_alloc : memref<!tpu.dma_semaphore, #tpu.memory_space<semaphore_mem>>
      %dma_start3A_69 = tpu.memref_slice %arg4[%add3A_26] : memref<5094400xf32, #tpu.memory_space<hbm>> -> memref<16384xf32, #tpu.memory_space<hbm>>
      %dma_start3A_70 = tpu.memref_slice %arg4[%add3A_26] : memref<5094400xf32, #tpu.memory_space<hbm>> -> memref<16384xf32, #tpu.memory_space<hbm>>
      tpu.enqueue_dma source(%arg6 : memref<16384xf32, #tpu.memory_space<vmem>>) target(%dma_start3A_70 : memref<16384xf32, #tpu.memory_space<hbm>>) target_semaphore(%run_scoped3A : memref<!tpu.dma_semaphore, #tpu.memory_space<semaphore_mem>>)
      %dma_wait3A_71 = tpu.memref_slice %arg4[%add3A_26] : memref<5094400xf32, #tpu.memory_space<hbm>> -> memref<16384xf32, #tpu.memory_space<hbm>>
      %dma_wait3A_72 = tpu.memref_slice %arg4[%add3A_26] : memref<5094400xf32, #tpu.memory_space<hbm>> -> memref<16384xf32, #tpu.memory_space<hbm>>
      tpu.wait_dma2 semaphore(%run_scoped3A : memref<!tpu.dma_semaphore, #tpu.memory_space<semaphore_mem>>) src(%arg6 : memref<16384xf32, #tpu.memory_space<vmem>>) dst(%dma_wait3A_72 : memref<16384xf32, #tpu.memory_space<hbm>>)
      tpu.yield
    }) : () -> ()
    %add3A_31 = arith.constant 81920 : i32
    %add3A_32 = arith.addi %mul3A_2, %add3A_31 : i32
    "tpu.region"() ({
      %run_scoped3A = tpu.sem_alloc : memref<!tpu.dma_semaphore, #tpu.memory_space<semaphore_mem>>
      %dma_start3A_69 = tpu.memref_slice %arg3[%add3A_32] : memref<5094400xi32, #tpu.memory_space<hbm>> -> memref<16384xi32, #tpu.memory_space<hbm>>
      %dma_start3A_70 = tpu.memref_slice %arg3[%add3A_32] : memref<5094400xi32, #tpu.memory_space<hbm>> -> memref<16384xi32, #tpu.memory_space<hbm>>
      tpu.enqueue_dma source(%dma_start3A_70 : memref<16384xi32, #tpu.memory_space<hbm>>) target(%arg5 : memref<16384xi32, #tpu.memory_space<vmem>>) target_semaphore(%run_scoped3A : memref<!tpu.dma_semaphore, #tpu.memory_space<semaphore_mem>>)
      %dma_wait3A_71 = tpu.memref_slice %arg3[%add3A_32] : memref<5094400xi32, #tpu.memory_space<hbm>> -> memref<16384xi32, #tpu.memory_space<hbm>>
      %dma_wait3A_72 = tpu.memref_slice %arg3[%add3A_32] : memref<5094400xi32, #tpu.memory_space<hbm>> -> memref<16384xi32, #tpu.memory_space<hbm>>
      tpu.wait_dma2 semaphore(%run_scoped3A : memref<!tpu.dma_semaphore, #tpu.memory_space<semaphore_mem>>) src(%dma_wait3A_72 : memref<16384xi32, #tpu.memory_space<hbm>>) dst(%arg5 : memref<16384xi32, #tpu.memory_space<vmem>>)
      tpu.yield
    }) : () -> ()
    %dma_start3A_33 = arith.constant 0 : i32
    %dma_start3A_34 = tpu.memref_slice %arg2[%dma_start3A_33] : memref<15283200xf32, #tpu.memory_space<hbm>> -> memref<15283200xf32, #tpu.memory_space<hbm>>
    tpu.enqueue_indirect_dma source(%dma_start3A_34 : memref<15283200xf32, #tpu.memory_space<hbm>>) target(%arg6 : memref<16384xf32, #tpu.memory_space<vmem>>) offsets(%arg5 : memref<16384xi32, #tpu.memory_space<vmem>>) semaphore(%arg7 : memref<!tpu.dma_semaphore, #tpu.memory_space<semaphore_mem>>)
    %dma_wait3A_35 = arith.constant 0 : i32
    %dma_wait3A_36 = tpu.memref_slice %arg2[%dma_wait3A_35] : memref<15283200xf32, #tpu.memory_space<hbm>> -> memref<15283200xf32, #tpu.memory_space<hbm>>
    tpu.wait_indirect_dma semaphore(%arg7 : memref<!tpu.dma_semaphore, #tpu.memory_space<semaphore_mem>>) src(%dma_wait3A_36 : memref<15283200xf32, #tpu.memory_space<hbm>>) dst(%arg6 : memref<16384xf32, #tpu.memory_space<vmem>>)
    "tpu.region"() ({
      %run_scoped3A = tpu.sem_alloc : memref<!tpu.dma_semaphore, #tpu.memory_space<semaphore_mem>>
      %dma_start3A_69 = tpu.memref_slice %arg4[%add3A_32] : memref<5094400xf32, #tpu.memory_space<hbm>> -> memref<16384xf32, #tpu.memory_space<hbm>>
      %dma_start3A_70 = tpu.memref_slice %arg4[%add3A_32] : memref<5094400xf32, #tpu.memory_space<hbm>> -> memref<16384xf32, #tpu.memory_space<hbm>>
      tpu.enqueue_dma source(%arg6 : memref<16384xf32, #tpu.memory_space<vmem>>) target(%dma_start3A_70 : memref<16384xf32, #tpu.memory_space<hbm>>) target_semaphore(%run_scoped3A : memref<!tpu.dma_semaphore, #tpu.memory_space<semaphore_mem>>)
      %dma_wait3A_71 = tpu.memref_slice %arg4[%add3A_32] : memref<5094400xf32, #tpu.memory_space<hbm>> -> memref<16384xf32, #tpu.memory_space<hbm>>
      %dma_wait3A_72 = tpu.memref_slice %arg4[%add3A_32] : memref<5094400xf32, #tpu.memory_space<hbm>> -> memref<16384xf32, #tpu.memory_space<hbm>>
      tpu.wait_dma2 semaphore(%run_scoped3A : memref<!tpu.dma_semaphore, #tpu.memory_space<semaphore_mem>>) src(%arg6 : memref<16384xf32, #tpu.memory_space<vmem>>) dst(%dma_wait3A_72 : memref<16384xf32, #tpu.memory_space<hbm>>)
      tpu.yield
    }) : () -> ()
    %add3A_37 = arith.constant 98304 : i32
    %add3A_38 = arith.addi %mul3A_2, %add3A_37 : i32
    "tpu.region"() ({
      %run_scoped3A = tpu.sem_alloc : memref<!tpu.dma_semaphore, #tpu.memory_space<semaphore_mem>>
      %dma_start3A_69 = tpu.memref_slice %arg3[%add3A_38] : memref<5094400xi32, #tpu.memory_space<hbm>> -> memref<16384xi32, #tpu.memory_space<hbm>>
      %dma_start3A_70 = tpu.memref_slice %arg3[%add3A_38] : memref<5094400xi32, #tpu.memory_space<hbm>> -> memref<16384xi32, #tpu.memory_space<hbm>>
      tpu.enqueue_dma source(%dma_start3A_70 : memref<16384xi32, #tpu.memory_space<hbm>>) target(%arg5 : memref<16384xi32, #tpu.memory_space<vmem>>) target_semaphore(%run_scoped3A : memref<!tpu.dma_semaphore, #tpu.memory_space<semaphore_mem>>)
      %dma_wait3A_71 = tpu.memref_slice %arg3[%add3A_38] : memref<5094400xi32, #tpu.memory_space<hbm>> -> memref<16384xi32, #tpu.memory_space<hbm>>
      %dma_wait3A_72 = tpu.memref_slice %arg3[%add3A_38] : memref<5094400xi32, #tpu.memory_space<hbm>> -> memref<16384xi32, #tpu.memory_space<hbm>>
      tpu.wait_dma2 semaphore(%run_scoped3A : memref<!tpu.dma_semaphore, #tpu.memory_space<semaphore_mem>>) src(%dma_wait3A_72 : memref<16384xi32, #tpu.memory_space<hbm>>) dst(%arg5 : memref<16384xi32, #tpu.memory_space<vmem>>)
      tpu.yield
    }) : () -> ()
    %dma_start3A_39 = arith.constant 0 : i32
    %dma_start3A_40 = tpu.memref_slice %arg2[%dma_start3A_39] : memref<15283200xf32, #tpu.memory_space<hbm>> -> memref<15283200xf32, #tpu.memory_space<hbm>>
    tpu.enqueue_indirect_dma source(%dma_start3A_40 : memref<15283200xf32, #tpu.memory_space<hbm>>) target(%arg6 : memref<16384xf32, #tpu.memory_space<vmem>>) offsets(%arg5 : memref<16384xi32, #tpu.memory_space<vmem>>) semaphore(%arg7 : memref<!tpu.dma_semaphore, #tpu.memory_space<semaphore_mem>>)
    %dma_wait3A_41 = arith.constant 0 : i32
    %dma_wait3A_42 = tpu.memref_slice %arg2[%dma_wait3A_41] : memref<15283200xf32, #tpu.memory_space<hbm>> -> memref<15283200xf32, #tpu.memory_space<hbm>>
    tpu.wait_indirect_dma semaphore(%arg7 : memref<!tpu.dma_semaphore, #tpu.memory_space<semaphore_mem>>) src(%dma_wait3A_42 : memref<15283200xf32, #tpu.memory_space<hbm>>) dst(%arg6 : memref<16384xf32, #tpu.memory_space<vmem>>)
    "tpu.region"() ({
      %run_scoped3A = tpu.sem_alloc : memref<!tpu.dma_semaphore, #tpu.memory_space<semaphore_mem>>
      %dma_start3A_69 = tpu.memref_slice %arg4[%add3A_38] : memref<5094400xf32, #tpu.memory_space<hbm>> -> memref<16384xf32, #tpu.memory_space<hbm>>
      %dma_start3A_70 = tpu.memref_slice %arg4[%add3A_38] : memref<5094400xf32, #tpu.memory_space<hbm>> -> memref<16384xf32, #tpu.memory_space<hbm>>
      tpu.enqueue_dma source(%arg6 : memref<16384xf32, #tpu.memory_space<vmem>>) target(%dma_start3A_70 : memref<16384xf32, #tpu.memory_space<hbm>>) target_semaphore(%run_scoped3A : memref<!tpu.dma_semaphore, #tpu.memory_space<semaphore_mem>>)
      %dma_wait3A_71 = tpu.memref_slice %arg4[%add3A_38] : memref<5094400xf32, #tpu.memory_space<hbm>> -> memref<16384xf32, #tpu.memory_space<hbm>>
      %dma_wait3A_72 = tpu.memref_slice %arg4[%add3A_38] : memref<5094400xf32, #tpu.memory_space<hbm>> -> memref<16384xf32, #tpu.memory_space<hbm>>
      tpu.wait_dma2 semaphore(%run_scoped3A : memref<!tpu.dma_semaphore, #tpu.memory_space<semaphore_mem>>) src(%arg6 : memref<16384xf32, #tpu.memory_space<vmem>>) dst(%dma_wait3A_72 : memref<16384xf32, #tpu.memory_space<hbm>>)
      tpu.yield
    }) : () -> ()
    %add3A_43 = arith.constant 114688 : i32
    %add3A_44 = arith.addi %mul3A_2, %add3A_43 : i32
    "tpu.region"() ({
      %run_scoped3A = tpu.sem_alloc : memref<!tpu.dma_semaphore, #tpu.memory_space<semaphore_mem>>
      %dma_start3A_69 = tpu.memref_slice %arg3[%add3A_44] : memref<5094400xi32, #tpu.memory_space<hbm>> -> memref<16384xi32, #tpu.memory_space<hbm>>
      %dma_start3A_70 = tpu.memref_slice %arg3[%add3A_44] : memref<5094400xi32, #tpu.memory_space<hbm>> -> memref<16384xi32, #tpu.memory_space<hbm>>
      tpu.enqueue_dma source(%dma_start3A_70 : memref<16384xi32, #tpu.memory_space<hbm>>) target(%arg5 : memref<16384xi32, #tpu.memory_space<vmem>>) target_semaphore(%run_scoped3A : memref<!tpu.dma_semaphore, #tpu.memory_space<semaphore_mem>>)
      %dma_wait3A_71 = tpu.memref_slice %arg3[%add3A_44] : memref<5094400xi32, #tpu.memory_space<hbm>> -> memref<16384xi32, #tpu.memory_space<hbm>>
      %dma_wait3A_72 = tpu.memref_slice %arg3[%add3A_44] : memref<5094400xi32, #tpu.memory_space<hbm>> -> memref<16384xi32, #tpu.memory_space<hbm>>
      tpu.wait_dma2 semaphore(%run_scoped3A : memref<!tpu.dma_semaphore, #tpu.memory_space<semaphore_mem>>) src(%dma_wait3A_72 : memref<16384xi32, #tpu.memory_space<hbm>>) dst(%arg5 : memref<16384xi32, #tpu.memory_space<vmem>>)
      tpu.yield
    }) : () -> ()
    %dma_start3A_45 = arith.constant 0 : i32
    %dma_start3A_46 = tpu.memref_slice %arg2[%dma_start3A_45] : memref<15283200xf32, #tpu.memory_space<hbm>> -> memref<15283200xf32, #tpu.memory_space<hbm>>
    tpu.enqueue_indirect_dma source(%dma_start3A_46 : memref<15283200xf32, #tpu.memory_space<hbm>>) target(%arg6 : memref<16384xf32, #tpu.memory_space<vmem>>) offsets(%arg5 : memref<16384xi32, #tpu.memory_space<vmem>>) semaphore(%arg7 : memref<!tpu.dma_semaphore, #tpu.memory_space<semaphore_mem>>)
    %dma_wait3A_47 = arith.constant 0 : i32
    %dma_wait3A_48 = tpu.memref_slice %arg2[%dma_wait3A_47] : memref<15283200xf32, #tpu.memory_space<hbm>> -> memref<15283200xf32, #tpu.memory_space<hbm>>
    tpu.wait_indirect_dma semaphore(%arg7 : memref<!tpu.dma_semaphore, #tpu.memory_space<semaphore_mem>>) src(%dma_wait3A_48 : memref<15283200xf32, #tpu.memory_space<hbm>>) dst(%arg6 : memref<16384xf32, #tpu.memory_space<vmem>>)
    "tpu.region"() ({
      %run_scoped3A = tpu.sem_alloc : memref<!tpu.dma_semaphore, #tpu.memory_space<semaphore_mem>>
      %dma_start3A_69 = tpu.memref_slice %arg4[%add3A_44] : memref<5094400xf32, #tpu.memory_space<hbm>> -> memref<16384xf32, #tpu.memory_space<hbm>>
      %dma_start3A_70 = tpu.memref_slice %arg4[%add3A_44] : memref<5094400xf32, #tpu.memory_space<hbm>> -> memref<16384xf32, #tpu.memory_space<hbm>>
      tpu.enqueue_dma source(%arg6 : memref<16384xf32, #tpu.memory_space<vmem>>) target(%dma_start3A_70 : memref<16384xf32, #tpu.memory_space<hbm>>) target_semaphore(%run_scoped3A : memref<!tpu.dma_semaphore, #tpu.memory_space<semaphore_mem>>)
      %dma_wait3A_71 = tpu.memref_slice %arg4[%add3A_44] : memref<5094400xf32, #tpu.memory_space<hbm>> -> memref<16384xf32, #tpu.memory_space<hbm>>
      %dma_wait3A_72 = tpu.memref_slice %arg4[%add3A_44] : memref<5094400xf32, #tpu.memory_space<hbm>> -> memref<16384xf32, #tpu.memory_space<hbm>>
      tpu.wait_dma2 semaphore(%run_scoped3A : memref<!tpu.dma_semaphore, #tpu.memory_space<semaphore_mem>>) src(%arg6 : memref<16384xf32, #tpu.memory_space<vmem>>) dst(%dma_wait3A_72 : memref<16384xf32, #tpu.memory_space<hbm>>)
      tpu.yield
    }) : () -> ()
    %add3A_49 = arith.constant 131072 : i32
    %add3A_50 = arith.addi %mul3A_2, %add3A_49 : i32
    "tpu.region"() ({
      %run_scoped3A = tpu.sem_alloc : memref<!tpu.dma_semaphore, #tpu.memory_space<semaphore_mem>>
      %dma_start3A_69 = tpu.memref_slice %arg3[%add3A_50] : memref<5094400xi32, #tpu.memory_space<hbm>> -> memref<16384xi32, #tpu.memory_space<hbm>>
      %dma_start3A_70 = tpu.memref_slice %arg3[%add3A_50] : memref<5094400xi32, #tpu.memory_space<hbm>> -> memref<16384xi32, #tpu.memory_space<hbm>>
      tpu.enqueue_dma source(%dma_start3A_70 : memref<16384xi32, #tpu.memory_space<hbm>>) target(%arg5 : memref<16384xi32, #tpu.memory_space<vmem>>) target_semaphore(%run_scoped3A : memref<!tpu.dma_semaphore, #tpu.memory_space<semaphore_mem>>)
      %dma_wait3A_71 = tpu.memref_slice %arg3[%add3A_50] : memref<5094400xi32, #tpu.memory_space<hbm>> -> memref<16384xi32, #tpu.memory_space<hbm>>
      %dma_wait3A_72 = tpu.memref_slice %arg3[%add3A_50] : memref<5094400xi32, #tpu.memory_space<hbm>> -> memref<16384xi32, #tpu.memory_space<hbm>>
      tpu.wait_dma2 semaphore(%run_scoped3A : memref<!tpu.dma_semaphore, #tpu.memory_space<semaphore_mem>>) src(%dma_wait3A_72 : memref<16384xi32, #tpu.memory_space<hbm>>) dst(%arg5 : memref<16384xi32, #tpu.memory_space<vmem>>)
      tpu.yield
    }) : () -> ()
    %dma_start3A_51 = arith.constant 0 : i32
    %dma_start3A_52 = tpu.memref_slice %arg2[%dma_start3A_51] : memref<15283200xf32, #tpu.memory_space<hbm>> -> memref<15283200xf32, #tpu.memory_space<hbm>>
    tpu.enqueue_indirect_dma source(%dma_start3A_52 : memref<15283200xf32, #tpu.memory_space<hbm>>) target(%arg6 : memref<16384xf32, #tpu.memory_space<vmem>>) offsets(%arg5 : memref<16384xi32, #tpu.memory_space<vmem>>) semaphore(%arg7 : memref<!tpu.dma_semaphore, #tpu.memory_space<semaphore_mem>>)
    %dma_wait3A_53 = arith.constant 0 : i32
    %dma_wait3A_54 = tpu.memref_slice %arg2[%dma_wait3A_53] : memref<15283200xf32, #tpu.memory_space<hbm>> -> memref<15283200xf32, #tpu.memory_space<hbm>>
    tpu.wait_indirect_dma semaphore(%arg7 : memref<!tpu.dma_semaphore, #tpu.memory_space<semaphore_mem>>) src(%dma_wait3A_54 : memref<15283200xf32, #tpu.memory_space<hbm>>) dst(%arg6 : memref<16384xf32, #tpu.memory_space<vmem>>)
    "tpu.region"() ({
      %run_scoped3A = tpu.sem_alloc : memref<!tpu.dma_semaphore, #tpu.memory_space<semaphore_mem>>
      %dma_start3A_69 = tpu.memref_slice %arg4[%add3A_50] : memref<5094400xf32, #tpu.memory_space<hbm>> -> memref<16384xf32, #tpu.memory_space<hbm>>
      %dma_start3A_70 = tpu.memref_slice %arg4[%add3A_50] : memref<5094400xf32, #tpu.memory_space<hbm>> -> memref<16384xf32, #tpu.memory_space<hbm>>
      tpu.enqueue_dma source(%arg6 : memref<16384xf32, #tpu.memory_space<vmem>>) target(%dma_start3A_70 : memref<16384xf32, #tpu.memory_space<hbm>>) target_semaphore(%run_scoped3A : memref<!tpu.dma_semaphore, #tpu.memory_space<semaphore_mem>>)
      %dma_wait3A_71 = tpu.memref_slice %arg4[%add3A_50] : memref<5094400xf32, #tpu.memory_space<hbm>> -> memref<16384xf32, #tpu.memory_space<hbm>>
      %dma_wait3A_72 = tpu.memref_slice %arg4[%add3A_50] : memref<5094400xf32, #tpu.memory_space<hbm>> -> memref<16384xf32, #tpu.memory_space<hbm>>
      tpu.wait_dma2 semaphore(%run_scoped3A : memref<!tpu.dma_semaphore, #tpu.memory_space<semaphore_mem>>) src(%arg6 : memref<16384xf32, #tpu.memory_space<vmem>>) dst(%dma_wait3A_72 : memref<16384xf32, #tpu.memory_space<hbm>>)
      tpu.yield
    }) : () -> ()
    %add3A_55 = arith.constant 147456 : i32
    %add3A_56 = arith.addi %mul3A_2, %add3A_55 : i32
    "tpu.region"() ({
      %run_scoped3A = tpu.sem_alloc : memref<!tpu.dma_semaphore, #tpu.memory_space<semaphore_mem>>
      %dma_start3A_69 = arith.constant 0 : i32
      %dma_start3A_70 = tpu.memref_slice %arg5[%dma_start3A_69] : memref<16384xi32, #tpu.memory_space<vmem>> -> memref<11744xi32, #tpu.memory_space<vmem>>
      %dma_start3A_71 = tpu.memref_slice %arg3[%add3A_56] : memref<5094400xi32, #tpu.memory_space<hbm>> -> memref<11744xi32, #tpu.memory_space<hbm>>
      %dma_start3A_72 = arith.constant 0 : i32
      %dma_start3A_73 = tpu.memref_slice %arg5[%dma_start3A_72] : memref<16384xi32, #tpu.memory_space<vmem>> -> memref<11744xi32, #tpu.memory_space<vmem>>
      %dma_start3A_74 = tpu.memref_slice %arg3[%add3A_56] : memref<5094400xi32, #tpu.memory_space<hbm>> -> memref<11744xi32, #tpu.memory_space<hbm>>
      tpu.enqueue_dma source(%dma_start3A_74 : memref<11744xi32, #tpu.memory_space<hbm>>) target(%dma_start3A_73 : memref<11744xi32, #tpu.memory_space<vmem>>) target_semaphore(%run_scoped3A : memref<!tpu.dma_semaphore, #tpu.memory_space<semaphore_mem>>)
      %dma_wait3A_75 = arith.constant 0 : i32
      %dma_wait3A_76 = tpu.memref_slice %arg5[%dma_wait3A_75] : memref<16384xi32, #tpu.memory_space<vmem>> -> memref<11744xi32, #tpu.memory_space<vmem>>
      %dma_wait3A_77 = tpu.memref_slice %arg3[%add3A_56] : memref<5094400xi32, #tpu.memory_space<hbm>> -> memref<11744xi32, #tpu.memory_space<hbm>>
      %dma_wait3A_78 = arith.constant 0 : i32
      %dma_wait3A_79 = tpu.memref_slice %arg5[%dma_wait3A_78] : memref<16384xi32, #tpu.memory_space<vmem>> -> memref<11744xi32, #tpu.memory_space<vmem>>
      %dma_wait3A_80 = tpu.memref_slice %arg3[%add3A_56] : memref<5094400xi32, #tpu.memory_space<hbm>> -> memref<11744xi32, #tpu.memory_space<hbm>>
      tpu.wait_dma2 semaphore(%run_scoped3A : memref<!tpu.dma_semaphore, #tpu.memory_space<semaphore_mem>>) src(%dma_wait3A_80 : memref<11744xi32, #tpu.memory_space<hbm>>) dst(%dma_wait3A_79 : memref<11744xi32, #tpu.memory_space<vmem>>)
      tpu.yield
    }) : () -> ()
    %dma_start3A_57 = arith.constant 0 : i32
    %dma_start3A_58 = tpu.memref_slice %arg6[%dma_start3A_57] : memref<16384xf32, #tpu.memory_space<vmem>> -> memref<11744xf32, #tpu.memory_space<vmem>>
    %dma_start3A_59 = arith.constant 0 : i32
    %dma_start3A_60 = tpu.memref_slice %arg5[%dma_start3A_59] : memref<16384xi32, #tpu.memory_space<vmem>> -> memref<11744xi32, #tpu.memory_space<vmem>>
    %dma_start3A_61 = arith.constant 0 : i32
    %dma_start3A_62 = tpu.memref_slice %arg2[%dma_start3A_61] : memref<15283200xf32, #tpu.memory_space<hbm>> -> memref<15283200xf32, #tpu.memory_space<hbm>>
    tpu.enqueue_indirect_dma source(%dma_start3A_62 : memref<15283200xf32, #tpu.memory_space<hbm>>) target(%dma_start3A_58 : memref<11744xf32, #tpu.memory_space<vmem>>) offsets(%dma_start3A_60 : memref<11744xi32, #tpu.memory_space<vmem>>) semaphore(%arg7 : memref<!tpu.dma_semaphore, #tpu.memory_space<semaphore_mem>>)
    %dma_wait3A_63 = arith.constant 0 : i32
    %dma_wait3A_64 = tpu.memref_slice %arg6[%dma_wait3A_63] : memref<16384xf32, #tpu.memory_space<vmem>> -> memref<11744xf32, #tpu.memory_space<vmem>>
    %dma_wait3A_65 = arith.constant 0 : i32
    %dma_wait3A_66 = tpu.memref_slice %arg5[%dma_wait3A_65] : memref<16384xi32, #tpu.memory_space<vmem>> -> memref<11744xi32, #tpu.memory_space<vmem>>
    %dma_wait3A_67 = arith.constant 0 : i32
    %dma_wait3A_68 = tpu.memref_slice %arg2[%dma_wait3A_67] : memref<15283200xf32, #tpu.memory_space<hbm>> -> memref<15283200xf32, #tpu.memory_space<hbm>>
    tpu.wait_indirect_dma semaphore(%arg7 : memref<!tpu.dma_semaphore, #tpu.memory_space<semaphore_mem>>) src(%dma_wait3A_68 : memref<15283200xf32, #tpu.memory_space<hbm>>) dst(%dma_wait3A_64 : memref<11744xf32, #tpu.memory_space<vmem>>)
    "tpu.region"() ({
      %run_scoped3A = tpu.sem_alloc : memref<!tpu.dma_semaphore, #tpu.memory_space<semaphore_mem>>
      %dma_start3A_69 = arith.constant 0 : i32
      %dma_start3A_70 = tpu.memref_slice %arg6[%dma_start3A_69] : memref<16384xf32, #tpu.memory_space<vmem>> -> memref<11744xf32, #tpu.memory_space<vmem>>
      %dma_start3A_71 = tpu.memref_slice %arg4[%add3A_56] : memref<5094400xf32, #tpu.memory_space<hbm>> -> memref<11744xf32, #tpu.memory_space<hbm>>
      %dma_start3A_72 = tpu.memref_slice %arg4[%add3A_56] : memref<5094400xf32, #tpu.memory_space<hbm>> -> memref<11744xf32, #tpu.memory_space<hbm>>
      %dma_start3A_73 = arith.constant 0 : i32
      %dma_start3A_74 = tpu.memref_slice %arg6[%dma_start3A_73] : memref<16384xf32, #tpu.memory_space<vmem>> -> memref<11744xf32, #tpu.memory_space<vmem>>
      tpu.enqueue_dma source(%dma_start3A_74 : memref<11744xf32, #tpu.memory_space<vmem>>) target(%dma_start3A_72 : memref<11744xf32, #tpu.memory_space<hbm>>) target_semaphore(%run_scoped3A : memref<!tpu.dma_semaphore, #tpu.memory_space<semaphore_mem>>)
      %dma_wait3A_75 = arith.constant 0 : i32
      %dma_wait3A_76 = tpu.memref_slice %arg6[%dma_wait3A_75] : memref<16384xf32, #tpu.memory_space<vmem>> -> memref<11744xf32, #tpu.memory_space<vmem>>
      %dma_wait3A_77 = tpu.memref_slice %arg4[%add3A_56] : memref<5094400xf32, #tpu.memory_space<hbm>> -> memref<11744xf32, #tpu.memory_space<hbm>>
      %dma_wait3A_78 = tpu.memref_slice %arg4[%add3A_56] : memref<5094400xf32, #tpu.memory_space<hbm>> -> memref<11744xf32, #tpu.memory_space<hbm>>
      %dma_wait3A_79 = arith.constant 0 : i32
      %dma_wait3A_80 = tpu.memref_slice %arg6[%dma_wait3A_79] : memref<16384xf32, #tpu.memory_space<vmem>> -> memref<11744xf32, #tpu.memory_space<vmem>>
      tpu.wait_dma2 semaphore(%run_scoped3A : memref<!tpu.dma_semaphore, #tpu.memory_space<semaphore_mem>>) src(%dma_wait3A_80 : memref<11744xf32, #tpu.memory_space<vmem>>) dst(%dma_wait3A_78 : memref<11744xf32, #tpu.memory_space<hbm>>)
      tpu.yield
    }) : () -> ()
    return
  }
}

module attributes {stable_mosaic.version = 14 : i64} {
  func.func @_winner_body(%arg0: i32, %arg1: memref<3x200x128xf32, #tpu.memory_space<vmem>>, %arg2: memref<3x200x128xf32, #tpu.memory_space<vmem>>, %arg3: memref<200x128xi32, #tpu.memory_space<vmem>>) attributes {dimension_semantics = [#tpu.dimension_semantics<arbitrary>], iteration_bounds = array<i64: 199>, scalar_prefetch = 0 : i64, scratch_operands = 0 : i64, tpu.core_type = #tpu.core_type<tc>, window_params = [{transform_indices = @transform_0, window_bounds = array<i64: 3, 200, 128>}, {transform_indices = @transform_1, window_bounds = array<i64: 3, 200, 128>}, {transform_indices = @transform_2, window_bounds = array<i64: 200, 128>}]} {
    %get3A = arith.constant 0 : index
    %get3A_0 = arith.constant 0 : index
    %get3A_1 = arith.constant 0 : index
    %get3A_2 = vector.load %arg1[%get3A, %get3A_0, %get3A_1] : memref<3x200x128xf32, #tpu.memory_space<vmem>>, vector<1x200x128xf32>
    %get3A_3 = vector.shape_cast %get3A_2 : vector<1x200x128xf32> to vector<200x128xf32>
    %max3A = arith.constant 9.99999968E-21 : f32
    %max3A_4 = vector.broadcast %max3A : f32 to vector<200x128xf32>
    %max3A_5 = arith.maximumf %get3A_3, %max3A_4 : vector<200x128xf32>
    %log3A = math.log %max3A_5 : vector<200x128xf32>
    %get3A_6 = arith.constant 0 : index
    %get3A_7 = arith.constant 0 : index
    %get3A_8 = arith.constant 0 : index
    %get3A_9 = vector.load %arg2[%get3A_6, %get3A_7, %get3A_8] : memref<3x200x128xf32, #tpu.memory_space<vmem>>, vector<1x200x128xf32>
    %get3A_10 = vector.shape_cast %get3A_9 : vector<1x200x128xf32> to vector<200x128xf32>
    %add3A = arith.addf %log3A, %get3A_10 : vector<200x128xf32>
    %get3A_11 = arith.constant 1 : index
    %get3A_12 = arith.constant 0 : index
    %get3A_13 = arith.constant 0 : index
    %get3A_14 = vector.load %arg1[%get3A_11, %get3A_12, %get3A_13] : memref<3x200x128xf32, #tpu.memory_space<vmem>>, vector<1x200x128xf32>
    %get3A_15 = vector.shape_cast %get3A_14 : vector<1x200x128xf32> to vector<200x128xf32>
    %max3A_16 = arith.constant 9.99999968E-21 : f32
    %max3A_17 = vector.broadcast %max3A_16 : f32 to vector<200x128xf32>
    %max3A_18 = arith.maximumf %get3A_15, %max3A_17 : vector<200x128xf32>
    %log3A_19 = math.log %max3A_18 : vector<200x128xf32>
    %get3A_20 = arith.constant 1 : index
    %get3A_21 = arith.constant 0 : index
    %get3A_22 = arith.constant 0 : index
    %get3A_23 = vector.load %arg2[%get3A_20, %get3A_21, %get3A_22] : memref<3x200x128xf32, #tpu.memory_space<vmem>>, vector<1x200x128xf32>
    %get3A_24 = vector.shape_cast %get3A_23 : vector<1x200x128xf32> to vector<200x128xf32>
    %add3A_25 = arith.addf %log3A_19, %get3A_24 : vector<200x128xf32>
    %get3A_26 = arith.constant 2 : index
    %get3A_27 = arith.constant 0 : index
    %get3A_28 = arith.constant 0 : index
    %get3A_29 = vector.load %arg1[%get3A_26, %get3A_27, %get3A_28] : memref<3x200x128xf32, #tpu.memory_space<vmem>>, vector<1x200x128xf32>
    %get3A_30 = vector.shape_cast %get3A_29 : vector<1x200x128xf32> to vector<200x128xf32>
    %max3A_31 = arith.constant 9.99999968E-21 : f32
    %max3A_32 = vector.broadcast %max3A_31 : f32 to vector<200x128xf32>
    %max3A_33 = arith.maximumf %get3A_30, %max3A_32 : vector<200x128xf32>
    %log3A_34 = math.log %max3A_33 : vector<200x128xf32>
    %get3A_35 = arith.constant 2 : index
    %get3A_36 = arith.constant 0 : index
    %get3A_37 = arith.constant 0 : index
    %get3A_38 = vector.load %arg2[%get3A_35, %get3A_36, %get3A_37] : memref<3x200x128xf32, #tpu.memory_space<vmem>>, vector<1x200x128xf32>
    %get3A_39 = vector.shape_cast %get3A_38 : vector<1x200x128xf32> to vector<200x128xf32>
    %add3A_40 = arith.addf %log3A_34, %get3A_39 : vector<200x128xf32>
    %ge3A = arith.cmpf oge, %add3A, %add3A_25 : vector<200x128xf32>
    %ge3A_41 = arith.cmpf oge, %add3A, %add3A_40 : vector<200x128xf32>
    %and3A = arith.andi %ge3A, %ge3A_41 : vector<200x128xi1>
    %ge3A_42 = arith.cmpf oge, %add3A_25, %add3A_40 : vector<200x128xf32>
    %jit3A = arith.constant 1 : i32
    %jit3A_43 = arith.constant 2 : i32
    %broadcast_in_dim3A = vector.broadcast %jit3A : i32 to vector<200x128xi32>
    %broadcast_in_dim3A_44 = vector.broadcast %jit3A_43 : i32 to vector<200x128xi32>
    %select_n3A = arith.select %ge3A_42, %broadcast_in_dim3A, %broadcast_in_dim3A_44 : vector<200x128xi1>, vector<200x128xi32>
    %jit3A_45 = arith.constant 0 : i32
    %broadcast_in_dim3A_46 = vector.broadcast %jit3A_45 : i32 to vector<200x128xi32>
    %select_n3A_47 = arith.select %and3A, %broadcast_in_dim3A_46, %select_n3A : vector<200x128xi1>, vector<200x128xi32>
    %iota3A = tpu.iota {dimensions = array<i32: 0>} : vector<200x128xi32>
    %iota3A_48 = tpu.iota {dimensions = array<i32: 1>} : vector<200x128xi32>
    %mul3A = arith.constant 200 : i32
    %mul3A_49 = arith.muli %arg0, %mul3A : i32
    %add3A_50 = vector.broadcast %mul3A_49 : i32 to vector<200x128xi32>
    %add3A_51 = arith.addi %add3A_50, %iota3A : vector<200x128xi32>
    %mul3A_52 = arith.constant 128 : i32
    %mul3A_53 = vector.broadcast %mul3A_52 : i32 to vector<200x128xi32>
    %mul3A_54 = arith.muli %add3A_51, %mul3A_53 : vector<200x128xi32>
    %add3A_55 = arith.addi %mul3A_54, %iota3A_48 : vector<200x128xi32>
    %mul3A_56 = arith.constant 5094400 : i32
    %mul3A_57 = vector.broadcast %mul3A_56 : i32 to vector<200x128xi32>
    %mul3A_58 = arith.muli %select_n3A_47, %mul3A_57 : vector<200x128xi32>
    %add3A_59 = arith.addi %mul3A_58, %add3A_55 : vector<200x128xi32>
    %swap3A = arith.constant 0 : index
    %swap3A_60 = arith.constant 0 : index
    %swap3A_61 = vector.load %arg3[%swap3A, %swap3A_60] : memref<200x128xi32, #tpu.memory_space<vmem>>, vector<200x128xi32>
    tpu.vector_store %arg3[%swap3A, %swap3A_60], %add3A_59 {strides = array<i32>} : memref<200x128xi32, #tpu.memory_space<vmem>>, vector<200x128xi32>,
    return
  }
  func.func @transform_0(%arg0: i32) -> (i32, i32, i32) {
    %c0_i32 = arith.constant 0 : i32
    %c0_i32_0 = arith.constant 0 : i32
    %c0_i32_1 = arith.constant 0 : i32
    return %c0_i32, %arg0, %c0_i32_0 : i32, i32, i32
  }
  func.func @transform_1(%arg0: i32) -> (i32, i32, i32) {
    %c0_i32 = arith.constant 0 : i32
    %c0_i32_0 = arith.constant 0 : i32
    %c0_i32_1 = arith.constant 0 : i32
    return %c0_i32, %arg0, %c0_i32_0 : i32, i32, i32
  }
  func.func @transform_2(%arg0: i32) -> (i32, i32) {
    %c0_i32 = arith.constant 0 : i32
    %c0_i32_0 = arith.constant 0 : i32
    return %arg0, %c0_i32 : i32, i32
  }
}

</mosaic_0001>

<sc_bundles>
// kernel: kernel.12.cloned.1.call-start
scs
__scs_entry_jumppad:
0x0: {  	(pc) =	sbr.rel $0x88, $3  }
0x1: {  	(tag) =	ssettag $0x0;
	lr =	simm.s32 $0x1  }
0x2: {  	[smem:$0x3F9F] =	sst lr;
	_ =	strace $0xD0000000  }
0x3: {  	_ = 	snop  }
0x4: {  	_ = 	snop  }
0x5: {  	_ = 	snop  }
0x6: {  	_ = 	snop  }
0x7: {  	_ = 	snop  }
__scs_overlays_trampoline_lowered:
0x8: {  	[smem:$0x3FAE] =	sst s0  }
0x9: {  	[smem:$0x3FAF] =	sst s1  }
0xa: {  	[smem:$0x3FB0] =	sst s2  }
0xb: {  	[smem:$0x3FB1] =	sst s3  }
0xc: {  	[smem:$0x3FB2] =	sst s4  }
0xd: {  	[smem:$0x3FB3] =	sst s5  }
0xe: {  	[smem:$0x3FB4] =	sst s6  }
0xf: {  	[smem:$0x3FB5] =	sst s7  }
0x10: {  	[smem:$0x3FB6] =	sst s8  }
0x11: {  	[smem:$0x3FB7] =	sst s9;
	s0 =	simm.s32 @!p0 $0x0  }
0x12: {  	s1 =	sld [smem:$0x3F9D];
	s0 =	simm.s32 @p0 $0x1  }
0x13: {  	[smem:$0x3FB8] =	sst s0;
	s0 =	simm.s32 @!p1 $0x0  }
0x14: {  	s2 =	sld [smem:$0x3F9C];
	s0 =	simm.s32 @p1 $0x1  }
0x15: {  	[smem:$0x3FB9] =	sst s0;
	s0 =	simm.s32 @!p2 $0x0  }
0x16: {  	s3 =	sld [smem:$0x3FDB];
	s0 =	simm.s32 @p2 $0x1  }
0x17: {  	s4 =	simm.s32 $0x1BF5;
	[smem:$0x3FBB] =	sst s0  }
0x18: {  	s0 =	sld [smem:$0x3F9E];
	_ =	swait.ge [sflag:s4], $0x0  }
0x19: {  	s7 =	sld [smem:$0x3F9F]  }
0x1a: {  	s8 =	sadd.s32 $0xFFFFE003, lr  }
0x1b: {  	s9 =	sadd.s32 $0xFFFFFEF7, lr;
	s5 =	simm.s32 $0xFFFFFFFF;
	p2 =	slt.u32 s8, $0xFFFFF086  }
0x1c: {  	p1 =	slt.u32 s9, $0xF7A;
	s5 =	simm.s32 @!p2 $0x0  }
0x1d: {  	s5 =	simm.s32 @p1 $0x1;
	p0 =	seq.s32 s7, s2  }
0x1e: {  	s7 =	smul.u32 @!p0 $0xF7A, s2;
	p2 =	seq.s32 @!p0 s5, $0x0  }
0x1f: {  	s9 =	smul.u32 $0xF7A, s1;
	s8 =	simm.s32 @!p0 $0x1BF5;
	p2 =	por !p2, p0  }
0x20: {  	[sflag:s8] =	ssyncset.s32 @!p0 $0xFFFFF086;
	s6 =	sadd.s32 @!p0 s3, s7;
	s7 =	simm.s32 @!p0 $0x108  }
0x21: {  	s3 =	sadd.s32 s3, s9;
	s6 =	sadd.s32 @!p0 $0x88, s6;
	s7 =	simm.s32 @p2 $0x1082  }
0x22: {  	[simem:s7], [sflag:s8] =	dma.local @!p0 [hbm:s6], $0xF7A  }
0x23: {  	s9 =	sor.u32 $0xD0000000, s2;
	s6 =	simm.s32 $0x108;
	_ =	swait.ge @!p0 [sflag:s8], $0x0  }
0x24: {  	s3 =	sadd.s32 $0x88, s3;
	s6 =	simm.s32 @!p1 $0x1082;
	[sflag:s4] =	ssyncset.s32 $0xFFFFF086  }
0x25: {  	[simem:s6], [sflag:s4] =	dma.local [hbm:s3], $0xF7A  }
0x26: {  	[smem:$0x3F9F] =	sst s1;
	(tag) =	ssettag s2;
	_ =	strace s9  }
0x27: {  	s1 =	sld [smem:$0x3FAF]  }
0x28: {  	s2 =	sld [smem:$0x3FB0]  }
0x29: {  	s4 =	sld [smem:$0x3FB2]  }
0x2a: {  	p0 =	seq.s32 s5, $0x0;
	s5 =	sld [smem:$0x3FB3]  }
0x2b: {  	s6 =	sld [smem:$0x3FB4]  }
0x2c: {  	s7 =	sld [smem:$0x3FB5]  }
0x2d: {  	s3 =	simm.s32 $0x108;
	s8 =	sld [smem:$0x3FB6]  }
0x2e: {  	s3 =	simm.s32 @!p0 $0x1082;
	s9 =	sld [smem:$0x3FB7]  }
0x2f: {  	lr =	sadd.s32 s0, s3;
	s0 =	sld [smem:$0x3FAE]  }
0x30: {  	s3 =	sld [smem:$0x3FB1]  }
0x31: {  	[smem:$0x3FBA] =	sst s10  }
0x32: {  	s10 =	sld [smem:$0x3FB8];
	_ =	sdelay $0x3  }
0x33: {  	p0 =	seq.s32 s10, $0x1;
	s10 =	sld [smem:$0x3FBA];
	_ =	sdelay $0x3  }
0x34: {  	[smem:$0x3FBA] =	sst s10  }
0x35: {  	s10 =	sld [smem:$0x3FB9];
	_ =	sdelay $0x3  }
0x36: {  	p1 =	seq.s32 s10, $0x1;
	s10 =	sld [smem:$0x3FBA];
	_ =	sdelay $0x3  }
0x37: {  	[smem:$0x3FBA] =	sst s10  }
0x38: {  	s10 =	sld [smem:$0x3FBB]  }
0x39: {  	_ = 	snop;
	(pc) =	sbr.ind lr, $3  }
0x3a: {  	_ = 	snop  }
0x3b: {  	_ = 	snop  }
0x3c: {  	p2 =	seq.s32 s10, $0x1;
	s10 =	sld [smem:$0x3FBA]  }
0x3d: {  	_ =	shalt  }
0x3e: {  	_ =	shalt  }
0x3f: {  	_ =	shalt  }
0x40: {  	_ =	shalt  }
0x41: {  	_ =	shalt  }
0x42: {  	_ =	shalt  }
0x43: {  	_ =	shalt  }
0x44: {  	_ =	shalt  }
0x45: {  	_ =	shalt  }
0x46: {  	_ =	shalt  }
0x47: {  	_ =	shalt  }
0x48: {  	_ =	shalt  }
0x49: {  	_ =	shalt  }
0x4a: {  	_ =	shalt  }
0x4b: {  	_ =	shalt  }
0x4c: {  	_ =	shalt  }
0x4d: {  	_ =	shalt  }
0x4e: {  	_ =	shalt  }
0x4f: {  	_ =	shalt  }
0x50: {  	_ =	shalt  }
0x51: {  	_ =	shalt  }
0x52: {  	_ =	shalt  }
0x53: {  	_ =	shalt  }
0x54: {  	_ =	shalt  }
0x55: {  	_ =	shalt  }
0x56: {  	_ =	shalt  }
0x57: {  	_ =	shalt  }
0x58: {  	_ =	shalt  }
0x59: {  	_ =	shalt  }
0x5a: {  	_ =	shalt  }
0x5b: {  	_ =	shalt  }
0x5c: {  	_ =	shalt  }
0x5d: {  	_ =	shalt  }
0x5e: {  	_ =	shalt  }
0x5f: {  	_ =	shalt  }
0x60: {  	_ =	shalt  }
0x61: {  	_ =	shalt  }
0x62: {  	_ =	shalt  }
0x63: {  	_ =	shalt  }
0x64: {  	_ =	shalt  }
0x65: {  	_ =	shalt  }
0x66: {  	_ =	shalt  }
0x67: {  	_ =	shalt  }
0x68: {  	_ =	shalt  }
0x69: {  	_ =	shalt  }
0x6a: {  	_ =	shalt  }
0x6b: {  	_ =	shalt  }
0x6c: {  	_ =	shalt  }
0x6d: {  	_ =	shalt  }
0x6e: {  	_ =	shalt  }
0x6f: {  	_ =	shalt  }
0x70: {  	_ =	shalt  }
0x71: {  	_ =	shalt  }
0x72: {  	_ =	shalt  }
0x73: {  	_ =	shalt  }
0x74: {  	_ =	shalt  }
0x75: {  	_ =	shalt  }
0x76: {  	_ =	shalt  }
0x77: {  	_ =	shalt  }
0x78: {  	_ =	shalt  }
0x79: {  	_ =	shalt  }
0x7a: {  	_ =	shalt  }
0x7b: {  	_ =	shalt  }
0x7c: {  	_ =	shalt  }
0x7d: {  	_ =	shalt  }
0x7e: {  	_ =	shalt  }
0x7f: {  	_ =	shalt  }
0x80: {  	_ =	shalt  }
0x81: {  	_ =	shalt  }
0x82: {  	_ =	shalt  }
0x83: {  	_ =	shalt  }
0x84: {  	_ =	shalt  }
0x85: {  	_ =	shalt  }
0x86: {  	_ =	shalt  }
0x87: {  	_ =	shalt  }
.Lfunc_end0:
.L_simem_size_0:
called_computation.3_lowered:
.L_overlay_start_0:
0x88: {  	s2 =	sld [smem:$0x3FD9]  }
0x89: {  	s3 =	sld [smem:$0x3FFE];
	_ =	sdelay $0x1  }
0x8a: {  	s1 =	srdreg.scid  }
0x8b: {  	s0 =	sand.u32 $0x1, s1  }
0x8c: {  	s14 =	sshll.u32 s0, $0xA;
	s2 =	sadd.s32 s3, s2  }
0x8d: {  	s2 =	sadd.s32 s2, s14  }
0x8e: {  	[smem:$0x3FC6] =	sst s2  }
0x8f: {  	_ = 	snop  }
0x90: {  	s2 =	sld [smem:$0x3FD0];
	_ =	sdelay $0x2  }
0x91: {  	s4 =	simm.s32 $0xA;
	s5 =	simm.s32 $0x10;
	s15 =	sld [smem:$0x3FC9]  }
0x92: {  	[smem:s5], [sflag:s4] =	dma.local [hbm:s2], $0x1  }
0x93: {  	_ =	swait.eq [sflag:s4], $0x1  }
0x94: {  	[sflag:s4] =	ssyncset.done $0x0  }
0x95: {  	[sflag:s4] =	ssyncadd.s32 $0xFFFFFFFF  }
0x96: {  	s16 =	sld [smem:$0x11];
	(tm) =	ssettm $0x1  }
0x97: {  	s17 =	sld [smem:$0x3FFB];
	_ =	sdelay $0x3  }
0x98: {  	_ =	strace s17  }
0x99: {  	s4 =	sld [smem:$0x3FFC];
	_ =	sdelay $0x3  }
0x9a: {  	_ =	strace s4  }
0x9b: {  	s4 =	sld [smem:$0x3FFD];
	_ =	sdelay $0x3  }
0x9c: {  	_ =	strace s4  }
0x9d: {  	_ =	strace $0x8FFFFFFF  }
0x9e: {  	s18 =	sld [smem:$0x3FDB];
	_ =	sdelay $0x1  }
0x9f: {  	s19 =	simm.s32 $_scs_section_size  }
0xa0: {  	s6 =	simm.s32 $_size__tile_overlayer_lowered;
	s7 =	simm.s32 $_tile_overlayer_lowered  }
0xa1: {  	s22 =	simm.s32 $0x1BFF;
	s21 =	sshll.u32 s7, $0x1;
	s4 =	sadd.s32 s19, s18  }
0xa2: {  	s8 =	simm.s32 $0x0;
	s20 =	sshll.u32 s6, $0x1;
	s6 =	sadd.s32 s21, s4  }
0xa3: {  	[timem:s8], [sflag:s22] =	dma.local [hbm:s6], s20  }
0xa4: {  	_ =	swait.ge [sflag:s22], s20  }
0xa5: {  	s5 =	ssub.s32 $0x0, s20;
	[sflag:s22] =	ssyncset.done $0x0  }
0xa6: {  	[sflag:s22] =	ssyncadd.s32 s5;
	_ =	sdelay $0x1  }
0xa7: {  	s23 =	simm.s32 $0x1B8B  }
0xa8: {  	_ =	swait.ge [sflag:s23], $0x1  }
0xa9: {  	[sflag:s23] =	ssyncset.done $0x0  }
0xaa: {  	s25 =	simm.s32 $0x1B8E;
	s24 =	sld [smem:$0x3FFE];
	[sflag:s23] =	ssyncadd.s32 $0xFFFFFFFF  }
0xab: {  	s26 =	simm.s32 $execute0_lowered;
	[smem:$0x3FD2] =	sst s25  }
0xac: {  	s6 =	sshll.u32 s26, $0x1;
	_ =	strace $0x8000004F;
	[dreg:$0x1] =	wrdreg $0xFFFFFFFF  }
0xad: {  	s28 =	simm.s32 $_size_execute0_lowered;
	s4 =	sadd.s32 s4, s6;
	[dreg:$0x0] =	wrdreg $0x0  }
0xae: {  	s6 =	sshll.u32 s28, $0x1;
	[dreg:$0x2] =	wrdreg s4  }
0xaf: {  	[dreg:$0x3] =	wrdreg s6  }
0xb0: {  	[dreg:$0x4] =	wrdreg $0xC0  }
0xb1: {  	_ =	task [dreg:s8], $0x5FFFF  }
0xb2: {  	[dreg:$0x1] =	wrdreg $0xFFFFFFFF  }
0xb3: {  	[dreg:$0x0] =	wrdreg $0x60  }
0xb4: {  	[dreg:$0x2] =	wrdreg s15  }
0xb5: {  	[dreg:$0x3] =	wrdreg s24  }
0xb6: {  	[dreg:$0x4] =	wrdreg s16  }
0xb7: {  	[dreg:$0x5] =	wrdreg $0x9  }
0xb8: {  	_ =	task.clear_ibuf [dreg:s8], $0x6FFFF;
	_ =	strace $0x9000004F  }
0xb9: {  	s29 =	simm.s32 $0x9;
	_ =	strace $0x80000051  }
0xba: {  	_ =	swait.ge [sflag:s29], $0x1  }
0xbb: {  	[sflag:s29] =	ssyncadd.s32 $0xFFFFFFFF  }
0xbc: {  	_ =	strace $0x90000051  }
0xbd: {  	_ =	sfence  }
0xbe: {  	s30 =	sld [smem:$0x0];
	_ =	sdelay $0x2  }
0xbf: {  	s31 =	sshll.u32 s1, $0xD;
	s1 =	sshrl.u32 s1, $0x2  }
0xc0: {  	s3 =	sand.u32 $0x4000, s31;
	s1 =	sadd.s32 s1, s30  }
0xc1: {  	s0 =	sor.u32 s3, s0;
	s1 =	sshll.u32 s1, $0x11  }
0xc2: {  	s0 =	sor.u32 s1, s0  }
0xc3: {  	s0 =	sadd.s32 $0x8F2B, s0  }
0xc4: {  	[sflag:s0] =	ssyncadd.remote.s32 $0x1  }
0xc5: {  	_ =	sfence.sel $0xFFFF  }
0xc6: {  	[dreg:$0x0] =	wrdreg $0xFFFFFFFF;
	(pc) =	sbr.abs _section_cstart, $3  }
0xc7: {  	[dreg:$0x1] =	wrdreg $0xFFFFFFFF  }
0xc8: {  	_ =	task.clear_ibuf [dreg:s8], $0x2FFFF;
	_ =	strace $0x9FFFFFFF  }
0xc9: {  	(tm) =	ssettm $0x7FFFFFFF  }
tec
execute0_lowered:
.L_overlay_start_1:
0x0: {  	(tag) =	ssettag $0x1  }
0x1: {  	s1 =	srdreg.scid;
	s0 =	stileid.u32  }
0x2: {  	s2 =	rddreg [dreg:$0x0];
	s26 =	sand.u32 $0x1, s1;
	s31 =	sshll.u32 s0, $0x1  }
0x3: {  	s25 =	rddreg [dreg:$0x1];
	s1 =	sor.u32 s26, s31  }
0x4: {  	s28 =	rddreg [dreg:$0x2];
	s3 =	simm.s32 $0x0;
	s4 =	smul.u32 $0x26DE0, s1  }
0x5: {  	[smem:$0x7FF] =	sst s3  }
0x6: {  	s1 =	rddreg [dreg:$0x3];
	s29 =	sshrl.u32 s4, $0x3  }
0x7: {  	_ =	strace $0x80000050;
	s4 =	simm.s32 $0x2;
	s5 =	sadd.s32 s25, s29  }
0x8: {  	[tilespmem:s3], [sflag:$0x2] =	stream.linear.gather [hbm4b:s5+s3], $0x4000, $0x38;
	[tilespmem:$0x8000] =	vst v63  }
0x9: {  	_ =	swait.ge [sflag:s4], $0x4000  }
0xa: {  	[sflag:s4] =	ssyncset.done $0x0  }
0xb: {  	s6 =	simm.s32 $0x4000;
	s7 =	simm.s32 $0x1;
	[sflag:s4] =	ssyncadd.s32 $0xFFFFC000  }
0xc: {  	[tilespmem:s6], [sflag:$0x1] =	stream.indirect.gather [hbm4b:s2+s6], $0x1, s3, s6, $0xb8;
	[tilespmem:$0x8000] =	vst v63  }
0xd: {  	_ =	swait.ge [sflag:s7], $0x4000  }
0xe: {  	[sflag:s7] =	ssyncset.done $0x0  }
0xf: {  	s8 =	sadd.s32 s28, s29;
	[sflag:s7] =	ssyncadd.s32 $0xFFFFC000  }
0x10: {  	[hbm4b:s8+s3] =	stream.linear.scatter [tilespmem:s6], [sflag:$0x2], $0x4000, $0x38;
	[tilespmem:$0x8000] =	vst v63  }
0x11: {  	_ =	swait.ge [sflag:s4], $0x4000  }
0x12: {  	s10 =	sadd.s32 $0x800, s29;
	[sflag:s4] =	ssyncset.done $0x0  }
0x13: {  	s9 =	sadd.s32 s25, s10;
	[sflag:s4] =	ssyncadd.s32 $0xFFFFC000  }
0x14: {  	[tilespmem:s3], [sflag:$0x2] =	stream.linear.gather [hbm4b:s9+s3], $0x4000, $0x38;
	[tilespmem:$0x8000] =	vst v63  }
0x15: {  	_ =	swait.ge [sflag:s4], $0x4000  }
0x16: {  	[sflag:s4] =	ssyncset.done $0x0  }
0x17: {  	[sflag:s4] =	ssyncadd.s32 $0xFFFFC000  }
0x18: {  	[tilespmem:s6], [sflag:$0x1] =	stream.indirect.gather [hbm4b:s2+s6], $0x1, s3, s6, $0xb8;
	[tilespmem:$0x8000] =	vst v63  }
0x19: {  	_ =	swait.ge [sflag:s7], $0x4000  }
0x1a: {  	[sflag:s7] =	ssyncset.done $0x0  }
0x1b: {  	s10 =	sadd.s32 s28, s10;
	[sflag:s7] =	ssyncadd.s32 $0xFFFFC000  }
0x1c: {  	[hbm4b:s10+s3] =	stream.linear.scatter [tilespmem:s6], [sflag:$0x2], $0x4000, $0x38;
	[tilespmem:$0x8000] =	vst v63  }
0x1d: {  	_ =	swait.ge [sflag:s4], $0x4000  }
0x1e: {  	s12 =	sadd.s32 $0x1000, s29;
	[sflag:s4] =	ssyncset.done $0x0  }
0x1f: {  	s11 =	sadd.s32 s25, s12;
	[sflag:s4] =	ssyncadd.s32 $0xFFFFC000  }
0x20: {  	[tilespmem:s3], [sflag:$0x2] =	stream.linear.gather [hbm4b:s11+s3], $0x4000, $0x38;
	[tilespmem:$0x8000] =	vst v63  }
0x21: {  	_ =	swait.ge [sflag:s4], $0x4000  }
0x22: {  	[sflag:s4] =	ssyncset.done $0x0  }
0x23: {  	[sflag:s4] =	ssyncadd.s32 $0xFFFFC000  }
0x24: {  	[tilespmem:s6], [sflag:$0x1] =	stream.indirect.gather [hbm4b:s2+s6], $0x1, s3, s6, $0xb8;
	[tilespmem:$0x8000] =	vst v63  }
0x25: {  	_ =	swait.ge [sflag:s7], $0x4000  }
0x26: {  	[sflag:s7] =	ssyncset.done $0x0  }
0x27: {  	s12 =	sadd.s32 s28, s12;
	[sflag:s7] =	ssyncadd.s32 $0xFFFFC000  }
0x28: {  	[hbm4b:s12+s3] =	stream.linear.scatter [tilespmem:s6], [sflag:$0x2], $0x4000, $0x38;
	[tilespmem:$0x8000] =	vst v63  }
0x29: {  	_ =	swait.ge [sflag:s4], $0x4000  }
0x2a: {  	s14 =	sadd.s32 $0x1800, s29;
	[sflag:s4] =	ssyncset.done $0x0  }
0x2b: {  	s13 =	sadd.s32 s25, s14;
	[sflag:s4] =	ssyncadd.s32 $0xFFFFC000  }
0x2c: {  	[tilespmem:s3], [sflag:$0x2] =	stream.linear.gather [hbm4b:s13+s3], $0x4000, $0x38;
	[tilespmem:$0x8000] =	vst v63  }
0x2d: {  	_ =	swait.ge [sflag:s4], $0x4000  }
0x2e: {  	[sflag:s4] =	ssyncset.done $0x0  }
0x2f: {  	[sflag:s4] =	ssyncadd.s32 $0xFFFFC000  }
0x30: {  	[tilespmem:s6], [sflag:$0x1] =	stream.indirect.gather [hbm4b:s2+s6], $0x1, s3, s6, $0xb8;
	[tilespmem:$0x8000] =	vst v63  }
0x31: {  	_ =	swait.ge [sflag:s7], $0x4000  }
0x32: {  	[sflag:s7] =	ssyncset.done $0x0  }
0x33: {  	s14 =	sadd.s32 s28, s14;
	[sflag:s7] =	ssyncadd.s32 $0xFFFFC000  }
0x34: {  	[hbm4b:s14+s3] =	stream.linear.scatter [tilespmem:s6], [sflag:$0x2], $0x4000, $0x38;
	[tilespmem:$0x8000] =	vst v63  }
0x35: {  	_ =	swait.ge [sflag:s4], $0x4000  }
0x36: {  	s16 =	sadd.s32 $0x2000, s29;
	[sflag:s4] =	ssyncset.done $0x0  }
0x37: {  	s15 =	sadd.s32 s25, s16;
	[sflag:s4] =	ssyncadd.s32 $0xFFFFC000  }
0x38: {  	[tilespmem:s3], [sflag:$0x2] =	stream.linear.gather [hbm4b:s15+s3], $0x4000, $0x38;
	[tilespmem:$0x8000] =	vst v63  }
0x39: {  	_ =	swait.ge [sflag:s4], $0x4000  }
0x3a: {  	[sflag:s4] =	ssyncset.done $0x0  }
0x3b: {  	[sflag:s4] =	ssyncadd.s32 $0xFFFFC000  }
0x3c: {  	[tilespmem:s6], [sflag:$0x1] =	stream.indirect.gather [hbm4b:s2+s6], $0x1, s3, s6, $0xb8;
	[tilespmem:$0x8000] =	vst v63  }
0x3d: {  	_ =	swait.ge [sflag:s7], $0x4000  }
0x3e: {  	[sflag:s7] =	ssyncset.done $0x0  }
0x3f: {  	s16 =	sadd.s32 s28, s16;
	[sflag:s7] =	ssyncadd.s32 $0xFFFFC000  }
0x40: {  	[hbm4b:s16+s3] =	stream.linear.scatter [tilespmem:s6], [sflag:$0x2], $0x4000, $0x38;
	[tilespmem:$0x8000] =	vst v63  }
0x41: {  	_ =	swait.ge [sflag:s4], $0x4000  }
0x42: {  	s18 =	sadd.s32 $0x2800, s29;
	[sflag:s4] =	ssyncset.done $0x0  }
0x43: {  	s17 =	sadd.s32 s25, s18;
	[sflag:s4] =	ssyncadd.s32 $0xFFFFC000  }
0x44: {  	[tilespmem:s3], [sflag:$0x2] =	stream.linear.gather [hbm4b:s17+s3], $0x4000, $0x38;
	[tilespmem:$0x8000] =	vst v63  }
0x45: {  	_ =	swait.ge [sflag:s4], $0x4000  }
0x46: {  	[sflag:s4] =	ssyncset.done $0x0  }
0x47: {  	[sflag:s4] =	ssyncadd.s32 $0xFFFFC000  }
0x48: {  	[tilespmem:s6], [sflag:$0x1] =	stream.indirect.gather [hbm4b:s2+s6], $0x1, s3, s6, $0xb8;
	[tilespmem:$0x8000] =	vst v63  }
0x49: {  	_ =	swait.ge [sflag:s7], $0x4000  }
0x4a: {  	[sflag:s7] =	ssyncset.done $0x0  }
0x4b: {  	s18 =	sadd.s32 s28, s18;
	[sflag:s7] =	ssyncadd.s32 $0xFFFFC000  }
0x4c: {  	[hbm4b:s18+s3] =	stream.linear.scatter [tilespmem:s6], [sflag:$0x2], $0x4000, $0x38;
	[tilespmem:$0x8000] =	vst v63  }
0x4d: {  	_ =	swait.ge [sflag:s4], $0x4000  }
0x4e: {  	s20 =	sadd.s32 $0x3000, s29;
	[sflag:s4] =	ssyncset.done $0x0  }
0x4f: {  	s19 =	sadd.s32 s25, s20;
	[sflag:s4] =	ssyncadd.s32 $0xFFFFC000  }
0x50: {  	[tilespmem:s3], [sflag:$0x2] =	stream.linear.gather [hbm4b:s19+s3], $0x4000, $0x38;
	[tilespmem:$0x8000] =	vst v63  }
0x51: {  	_ =	swait.ge [sflag:s4], $0x4000  }
0x52: {  	[sflag:s4] =	ssyncset.done $0x0  }
0x53: {  	[sflag:s4] =	ssyncadd.s32 $0xFFFFC000  }
0x54: {  	[tilespmem:s6], [sflag:$0x1] =	stream.indirect.gather [hbm4b:s2+s6], $0x1, s3, s6, $0xb8;
	[tilespmem:$0x8000] =	vst v63  }
0x55: {  	_ =	swait.ge [sflag:s7], $0x4000  }
0x56: {  	[sflag:s7] =	ssyncset.done $0x0  }
0x57: {  	s20 =	sadd.s32 s28, s20;
	[sflag:s7] =	ssyncadd.s32 $0xFFFFC000  }
0x58: {  	[hbm4b:s20+s3] =	stream.linear.scatter [tilespmem:s6], [sflag:$0x2], $0x4000, $0x38;
	[tilespmem:$0x8000] =	vst v63  }
0x59: {  	_ =	swait.ge [sflag:s4], $0x4000  }
0x5a: {  	s22 =	sadd.s32 $0x3800, s29;
	[sflag:s4] =	ssyncset.done $0x0  }
0x5b: {  	s21 =	sadd.s32 s25, s22;
	[sflag:s4] =	ssyncadd.s32 $0xFFFFC000  }
0x5c: {  	[tilespmem:s3], [sflag:$0x2] =	stream.linear.gather [hbm4b:s21+s3], $0x4000, $0x38;
	[tilespmem:$0x8000] =	vst v63  }
0x5d: {  	_ =	swait.ge [sflag:s4], $0x4000  }
0x5e: {  	[sflag:s4] =	ssyncset.done $0x0  }
0x5f: {  	[sflag:s4] =	ssyncadd.s32 $0xFFFFC000  }
0x60: {  	[tilespmem:s6], [sflag:$0x1] =	stream.indirect.gather [hbm4b:s2+s6], $0x1, s3, s6, $0xb8;
	[tilespmem:$0x8000] =	vst v63  }
0x61: {  	_ =	swait.ge [sflag:s7], $0x4000  }
0x62: {  	[sflag:s7] =	ssyncset.done $0x0  }
0x63: {  	s22 =	sadd.s32 s28, s22;
	[sflag:s7] =	ssyncadd.s32 $0xFFFFC000  }
0x64: {  	[hbm4b:s22+s3] =	stream.linear.scatter [tilespmem:s6], [sflag:$0x2], $0x4000, $0x38;
	[tilespmem:$0x8000] =	vst v63  }
0x65: {  	_ =	swait.ge [sflag:s4], $0x4000  }
0x66: {  	s24 =	sadd.s32 $0x4000, s29;
	[sflag:s4] =	ssyncset.done $0x0  }
0x67: {  	s23 =	sadd.s32 s25, s24;
	[sflag:s4] =	ssyncadd.s32 $0xFFFFC000  }
0x68: {  	[tilespmem:s3], [sflag:$0x2] =	stream.linear.gather [hbm4b:s23+s3], $0x4000, $0x38;
	[tilespmem:$0x8000] =	vst v63  }
0x69: {  	_ =	swait.ge [sflag:s4], $0x4000  }
0x6a: {  	[sflag:s4] =	ssyncset.done $0x0  }
0x6b: {  	[sflag:s4] =	ssyncadd.s32 $0xFFFFC000  }
0x6c: {  	[tilespmem:s6], [sflag:$0x1] =	stream.indirect.gather [hbm4b:s2+s6], $0x1, s3, s6, $0xb8;
	[tilespmem:$0x8000] =	vst v63  }
0x6d: {  	_ =	swait.ge [sflag:s7], $0x4000  }
0x6e: {  	[sflag:s7] =	ssyncset.done $0x0  }
0x6f: {  	s24 =	sadd.s32 s28, s24;
	[sflag:s7] =	ssyncadd.s32 $0xFFFFC000  }
0x70: {  	[hbm4b:s24+s3] =	stream.linear.scatter [tilespmem:s6], [sflag:$0x2], $0x4000, $0x38;
	[tilespmem:$0x8000] =	vst v63  }
0x71: {  	_ =	swait.ge [sflag:s4], $0x4000  }
0x72: {  	s29 =	sadd.s32 $0x4800, s29;
	[sflag:s4] =	ssyncset.done $0x0  }
0x73: {  	s30 =	ssub.s32 $0x2, s26;
	s25 =	sadd.s32 s25, s29;
	[sflag:s4] =	ssyncadd.s32 $0xFFFFC000  }
0x74: {  	[tilespmem:s3], [sflag:$0x2] =	stream.linear.gather [hbm4b:s25+s3], $0x2DE0, $0x38;
	[tilespmem:$0x8000] =	vst v63  }
0x75: {  	s31 =	sshrl.u32 s30, $0x1;
	_ =	swait.ge [sflag:s4], $0x2DE0  }
0x76: {  	s26 =	simm.s32 $0x2DE0;
	s30 =	ssub.s32 s30, s31;
	[sflag:s4] =	ssyncset.done $0x0  }
0x77: {  	s28 =	sadd.s32 s28, s29;
	s29 =	smax.u32 s30, $0x1;
	[sflag:s4] =	ssyncadd.s32 $0xFFFFD220  }
0x78: {  	[tilespmem:s6], [sflag:$0x1] =	stream.indirect.gather [hbm4b:s2+s26], $0x1, s3, s26, $0xb8;
	[tilespmem:$0x8000] =	vst v63  }
0x79: {  	p0 =	sne.s32 s29, $0x1;
	_ =	swait.ge [sflag:s7], $0x2DE0  }
.Ltmp0:
0x7a: {  	[sflag:s7] =	ssyncset.done $0x0;
	(pc) =	sbr.rel @!p0 .LBB2_2-.Ltmp0, $4  }
0x7b: {  	[sflag:s7] =	ssyncadd.s32 $0xFFFFD220  }
0x7c: {  	[hbm4b:s28+s3] =	stream.linear.scatter [tilespmem:s6], [sflag:$0x2], $0x2DE0, $0x38;
	[tilespmem:$0x8000] =	vst v63  }
0x7d: {  	_ =	swait.ge [sflag:s4], $0x2DE0  }
0x7e: {  	s29 =	sadd.s32 $0xFFFFFFFF, s29;
	[sflag:s4] =	ssyncset.done $0x0  }
.LBB2_1:
0x7f: {  	p0 =	sne.s32 s29, $0x1;
	s29 =	sadd.s32 $0xFFFFFFFF, s29;
	[sflag:s4] =	ssyncadd.s32 $0xFFFFD220  }
0x80: {  	[tilespmem:s3], [sflag:$0x2] =	stream.linear.gather [hbm4b:s5+s3], $0x4000, $0x38;
	[tilespmem:$0x8000] =	vst v63  }
0x81: {  	_ =	swait.ge [sflag:s4], $0x4000  }
0x82: {  	[sflag:s4] =	ssyncset.done $0x0  }
0x83: {  	[sflag:s4] =	ssyncadd.s32 $0xFFFFC000  }
0x84: {  	[tilespmem:s6], [sflag:$0x1] =	stream.indirect.gather [hbm4b:s2+s6], $0x1, s3, s6, $0xb8;
	[tilespmem:$0x8000] =	vst v63  }
0x85: {  	_ =	swait.ge [sflag:s7], $0x4000  }
0x86: {  	[sflag:s7] =	ssyncset.done $0x0  }
0x87: {  	[sflag:s7] =	ssyncadd.s32 $0xFFFFC000  }
0x88: {  	[hbm4b:s8+s3] =	stream.linear.scatter [tilespmem:s6], [sflag:$0x2], $0x4000, $0x38;
	[tilespmem:$0x8000] =	vst v63  }
0x89: {  	_ =	swait.ge [sflag:s4], $0x4000  }
0x8a: {  	[sflag:s4] =	ssyncset.done $0x0  }
0x8b: {  	[sflag:s4] =	ssyncadd.s32 $0xFFFFC000  }
0x8c: {  	[tilespmem:s3], [sflag:$0x2] =	stream.linear.gather [hbm4b:s9+s3], $0x4000, $0x38;
	[tilespmem:$0x8000] =	vst v63  }
0x8d: {  	_ =	swait.ge [sflag:s4], $0x4000  }
0x8e: {  	[sflag:s4] =	ssyncset.done $0x0  }
0x8f: {  	[sflag:s4] =	ssyncadd.s32 $0xFFFFC000  }
0x90: {  	[tilespmem:s6], [sflag:$0x1] =	stream.indirect.gather [hbm4b:s2+s6], $0x1, s3, s6, $0xb8;
	[tilespmem:$0x8000] =	vst v63  }
0x91: {  	_ =	swait.ge [sflag:s7], $0x4000  }
0x92: {  	[sflag:s7] =	ssyncset.done $0x0  }
0x93: {  	[sflag:s7] =	ssyncadd.s32 $0xFFFFC000  }
0x94: {  	[hbm4b:s10+s3] =	stream.linear.scatter [tilespmem:s6], [sflag:$0x2], $0x4000, $0x38;
	[tilespmem:$0x8000] =	vst v63  }
0x95: {  	_ =	swait.ge [sflag:s4], $0x4000  }
0x96: {  	[sflag:s4] =	ssyncset.done $0x0  }
0x97: {  	[sflag:s4] =	ssyncadd.s32 $0xFFFFC000  }
0x98: {  	[tilespmem:s3], [sflag:$0x2] =	stream.linear.gather [hbm4b:s11+s3], $0x4000, $0x38;
	[tilespmem:$0x8000] =	vst v63  }
0x99: {  	_ =	swait.ge [sflag:s4], $0x4000  }
0x9a: {  	[sflag:s4] =	ssyncset.done $0x0  }
0x9b: {  	[sflag:s4] =	ssyncadd.s32 $0xFFFFC000  }
0x9c: {  	[tilespmem:s6], [sflag:$0x1] =	stream.indirect.gather [hbm4b:s2+s6], $0x1, s3, s6, $0xb8;
	[tilespmem:$0x8000] =	vst v63  }
0x9d: {  	_ =	swait.ge [sflag:s7], $0x4000  }
0x9e: {  	[sflag:s7] =	ssyncset.done $0x0  }
0x9f: {  	[sflag:s7] =	ssyncadd.s32 $0xFFFFC000  }
0xa0: {  	[hbm4b:s12+s3] =	stream.linear.scatter [tilespmem:s6], [sflag:$0x2], $0x4000, $0x38;
	[tilespmem:$0x8000] =	vst v63  }
0xa1: {  	_ =	swait.ge [sflag:s4], $0x4000  }
0xa2: {  	[sflag:s4] =	ssyncset.done $0x0  }
0xa3: {  	[sflag:s4] =	ssyncadd.s32 $0xFFFFC000  }
0xa4: {  	[tilespmem:s3], [sflag:$0x2] =	stream.linear.gather [hbm4b:s13+s3], $0x4000, $0x38;
	[tilespmem:$0x8000] =	vst v63  }
0xa5: {  	_ =	swait.ge [sflag:s4], $0x4000  }
0xa6: {  	[sflag:s4] =	ssyncset.done $0x0  }
0xa7: {  	[sflag:s4] =	ssyncadd.s32 $0xFFFFC000  }
0xa8: {  	[tilespmem:s6], [sflag:$0x1] =	stream.indirect.gather [hbm4b:s2+s6], $0x1, s3, s6, $0xb8;
	[tilespmem:$0x8000] =	vst v63  }
0xa9: {  	_ =	swait.ge [sflag:s7], $0x4000  }
0xaa: {  	[sflag:s7] =	ssyncset.done $0x0  }
0xab: {  	[sflag:s7] =	ssyncadd.s32 $0xFFFFC000  }
0xac: {  	[hbm4b:s14+s3] =	stream.linear.scatter [tilespmem:s6], [sflag:$0x2], $0x4000, $0x38;
	[tilespmem:$0x8000] =	vst v63  }
0xad: {  	_ =	swait.ge [sflag:s4], $0x4000  }
0xae: {  	[sflag:s4] =	ssyncset.done $0x0  }
0xaf: {  	[sflag:s4] =	ssyncadd.s32 $0xFFFFC000  }
0xb0: {  	[tilespmem:s3], [sflag:$0x2] =	stream.linear.gather [hbm4b:s15+s3], $0x4000, $0x38;
	[tilespmem:$0x8000] =	vst v63  }
0xb1: {  	_ =	swait.ge [sflag:s4], $0x4000  }
0xb2: {  	[sflag:s4] =	ssyncset.done $0x0  }
0xb3: {  	[sflag:s4] =	ssyncadd.s32 $0xFFFFC000  }
0xb4: {  	[tilespmem:s6], [sflag:$0x1] =	stream.indirect.gather [hbm4b:s2+s6], $0x1, s3, s6, $0xb8;
	[tilespmem:$0x8000] =	vst v63  }
0xb5: {  	_ =	swait.ge [sflag:s7], $0x4000  }
0xb6: {  	[sflag:s7] =	ssyncset.done $0x0  }
0xb7: {  	[sflag:s7] =	ssyncadd.s32 $0xFFFFC000  }
0xb8: {  	[hbm4b:s16+s3] =	stream.linear.scatter [tilespmem:s6], [sflag:$0x2], $0x4000, $0x38;
	[tilespmem:$0x8000] =	vst v63  }
0xb9: {  	_ =	swait.ge [sflag:s4], $0x4000  }
0xba: {  	[sflag:s4] =	ssyncset.done $0x0  }
0xbb: {  	[sflag:s4] =	ssyncadd.s32 $0xFFFFC000  }
0xbc: {  	[tilespmem:s3], [sflag:$0x2] =	stream.linear.gather [hbm4b:s17+s3], $0x4000, $0x38;
	[tilespmem:$0x8000] =	vst v63  }
0xbd: {  	_ =	swait.ge [sflag:s4], $0x4000  }
0xbe: {  	[sflag:s4] =	ssyncset.done $0x0  }
0xbf: {  	[sflag:s4] =	ssyncadd.s32 $0xFFFFC000  }
0xc0: {  	[tilespmem:s6], [sflag:$0x1] =	stream.indirect.gather [hbm4b:s2+s6], $0x1, s3, s6, $0xb8;
	[tilespmem:$0x8000] =	vst v63  }
0xc1: {  	_ =	swait.ge [sflag:s7], $0x4000  }
0xc2: {  	[sflag:s7] =	ssyncset.done $0x0  }
0xc3: {  	[sflag:s7] =	ssyncadd.s32 $0xFFFFC000  }
0xc4: {  	[hbm4b:s18+s3] =	stream.linear.scatter [tilespmem:s6], [sflag:$0x2], $0x4000, $0x38;
	[tilespmem:$0x8000] =	vst v63  }
0xc5: {  	_ =	swait.ge [sflag:s4], $0x4000  }
0xc6: {  	[sflag:s4] =	ssyncset.done $0x0  }
0xc7: {  	[sflag:s4] =	ssyncadd.s32 $0xFFFFC000  }
0xc8: {  	[tilespmem:s3], [sflag:$0x2] =	stream.linear.gather [hbm4b:s19+s3], $0x4000, $0x38;
	[tilespmem:$0x8000] =	vst v63  }
0xc9: {  	_ =	swait.ge [sflag:s4], $0x4000  }
0xca: {  	[sflag:s4] =	ssyncset.done $0x0  }
0xcb: {  	[sflag:s4] =	ssyncadd.s32 $0xFFFFC000  }
0xcc: {  	[tilespmem:s6], [sflag:$0x1] =	stream.indirect.gather [hbm4b:s2+s6], $0x1, s3, s6, $0xb8;
	[tilespmem:$0x8000] =	vst v63  }
0xcd: {  	_ =	swait.ge [sflag:s7], $0x4000  }
0xce: {  	[sflag:s7] =	ssyncset.done $0x0  }
0xcf: {  	[sflag:s7] =	ssyncadd.s32 $0xFFFFC000  }
0xd0: {  	[hbm4b:s20+s3] =	stream.linear.scatter [tilespmem:s6], [sflag:$0x2], $0x4000, $0x38;
	[tilespmem:$0x8000] =	vst v63  }
0xd1: {  	_ =	swait.ge [sflag:s4], $0x4000  }
0xd2: {  	[sflag:s4] =	ssyncset.done $0x0  }
0xd3: {  	[sflag:s4] =	ssyncadd.s32 $0xFFFFC000  }
0xd4: {  	[tilespmem:s3], [sflag:$0x2] =	stream.linear.gather [hbm4b:s21+s3], $0x4000, $0x38;
	[tilespmem:$0x8000] =	vst v63  }
0xd5: {  	_ =	swait.ge [sflag:s4], $0x4000  }
0xd6: {  	[sflag:s4] =	ssyncset.done $0x0  }
0xd7: {  	[sflag:s4] =	ssyncadd.s32 $0xFFFFC000  }
0xd8: {  	[tilespmem:s6], [sflag:$0x1] =	stream.indirect.gather [hbm4b:s2+s6], $0x1, s3, s6, $0xb8;
	[tilespmem:$0x8000] =	vst v63  }
0xd9: {  	_ =	swait.ge [sflag:s7], $0x4000  }
0xda: {  	[sflag:s7] =	ssyncset.done $0x0  }
0xdb: {  	[sflag:s7] =	ssyncadd.s32 $0xFFFFC000  }
0xdc: {  	[hbm4b:s22+s3] =	stream.linear.scatter [tilespmem:s6], [sflag:$0x2], $0x4000, $0x38;
	[tilespmem:$0x8000] =	vst v63  }
0xdd: {  	_ =	swait.ge [sflag:s4], $0x4000  }
0xde: {  	[sflag:s4] =	ssyncset.done $0x0  }
0xdf: {  	[sflag:s4] =	ssyncadd.s32 $0xFFFFC000  }
0xe0: {  	[tilespmem:s3], [sflag:$0x2] =	stream.linear.gather [hbm4b:s23+s3], $0x4000, $0x38;
	[tilespmem:$0x8000] =	vst v63  }
0xe1: {  	_ =	swait.ge [sflag:s4], $0x4000  }
0xe2: {  	[sflag:s4] =	ssyncset.done $0x0  }
0xe3: {  	[sflag:s4] =	ssyncadd.s32 $0xFFFFC000  }
0xe4: {  	[tilespmem:s6], [sflag:$0x1] =	stream.indirect.gather [hbm4b:s2+s6], $0x1, s3, s6, $0xb8;
	[tilespmem:$0x8000] =	vst v63  }
0xe5: {  	_ =	swait.ge [sflag:s7], $0x4000  }
0xe6: {  	[sflag:s7] =	ssyncset.done $0x0  }
0xe7: {  	[sflag:s7] =	ssyncadd.s32 $0xFFFFC000  }
0xe8: {  	[hbm4b:s24+s3] =	stream.linear.scatter [tilespmem:s6], [sflag:$0x2], $0x4000, $0x38;
	[tilespmem:$0x8000] =	vst v63  }
0xe9: {  	_ =	swait.ge [sflag:s4], $0x4000  }
0xea: {  	[sflag:s4] =	ssyncset.done $0x0  }
0xeb: {  	[sflag:s4] =	ssyncadd.s32 $0xFFFFC000  }
0xec: {  	[tilespmem:s3], [sflag:$0x2] =	stream.linear.gather [hbm4b:s25+s3], $0x2DE0, $0x38;
	[tilespmem:$0x8000] =	vst v63  }
0xed: {  	_ =	swait.ge [sflag:s4], $0x2DE0  }
0xee: {  	[sflag:s4] =	ssyncset.done $0x0  }
0xef: {  	[sflag:s4] =	ssyncadd.s32 $0xFFFFD220  }
0xf0: {  	[tilespmem:s6], [sflag:$0x1] =	stream.indirect.gather [hbm4b:s2+s26], $0x1, s3, s26, $0xb8;
	[tilespmem:$0x8000] =	vst v63  }
0xf1: {  	_ =	swait.ge [sflag:s7], $0x2DE0  }
.Ltmp1:
0xf2: {  	[sflag:s7] =	ssyncset.done $0x0;
	(pc) =	sbr.rel @p0 .LBB2_1-.Ltmp1, $4  }
0xf3: {  	[sflag:s7] =	ssyncadd.s32 $0xFFFFD220  }
0xf4: {  	[hbm4b:s28+s3] =	stream.linear.scatter [tilespmem:s6], [sflag:$0x2], $0x2DE0, $0x38;
	[tilespmem:$0x8000] =	vst v63  }
0xf5: {  	_ =	swait.ge [sflag:s4], $0x2DE0  }
0xf6: {  	[sflag:s4] =	ssyncset.done $0x0  }
.LBB2_2:
0xf7: {  	[sflag:s4] =	ssyncadd.s32 $0xFFFFD220  }
0xf8: {  	_ =	sfence.sel $0x180000  }
0xf9: {  	[bflag:$0x0] =	sbarrier.arrive $0xFFFF  }
0xfa: {  	p0 =	sne.s32 s0, $0x0;
	_ =	strace $0x90000050  }
0xfb: {  	s0 =	sadd.s32 @!p0 $0x100000, s1;
	[bflag:$0x2] =	sbarrier.arrive $0xFFFF  }
0xfc: {  	[sflag:s0] =	ssyncadd.tile.s32 @!p0 $0x1;
	_ =	shalt  }
.Lfunc_end2:
_tile_overlayer_lowered:
.L_overlay_start_2:
0xfd: {  	(tag) =	ssettag $0x2  }
0xfe: {  	s0 =	rddreg [dreg:$0x0];
	s2 =	stileid.u32  }
0xff: {  	s1 =	rddreg [dreg:$0x1];
	p0 =	sne.s32 s2, $0x0  }
0x100: {  	s3 =	rddreg [dreg:$0x2];
	[bflag:$0x3] =	sbarrier.arrive $0xFFFF;
	s2 =	simm.s32 @!p0 $0x1C02  }
0x101: {  	[timem:s3], [sflag:s2] =	dma.local @!p0 [hbm:s0], s1  }
0x102: {  	s0 =	simm.s32 @!p0 $0x2  }
0x103: {  	_ =	swait.ge @!p0 [sflag:s0], s1  }
0x104: {  	s1 =	ssub.s32 @!p0 $0x0, s1;
	[sflag:s0] =	ssyncset.done @!p0 $0x0  }
0x105: {  	[sflag:s0] =	ssyncadd.s32 @!p0 s1  }
0x106: {  	[bflag:$0x3] =	sbarrier.arrive $0xFFFF  }
0x107: {  	_ =	shalt  }

// kernel: kernel.6.cloned.1.call-start
scs
__scs_entry_jumppad:
0x0: {  	(pc) =	sbr.rel $0x88, $3  }
0x1: {  	(tag) =	ssettag $0x0;
	lr =	simm.s32 $0x1  }
0x2: {  	[smem:$0x3F9F] =	sst lr;
	_ =	strace $0xD0000000  }
0x3: {  	_ = 	snop  }
0x4: {  	_ = 	snop  }
0x5: {  	_ = 	snop  }
0x6: {  	_ = 	snop  }
0x7: {  	_ = 	snop  }
__scs_overlays_trampoline_lowered:
0x8: {  	[smem:$0x3FAE] =	sst s0  }
0x9: {  	[smem:$0x3FAF] =	sst s1  }
0xa: {  	[smem:$0x3FB0] =	sst s2  }
0xb: {  	[smem:$0x3FB1] =	sst s3  }
0xc: {  	[smem:$0x3FB2] =	sst s4  }
0xd: {  	[smem:$0x3FB3] =	sst s5  }
0xe: {  	[smem:$0x3FB4] =	sst s6  }
0xf: {  	[smem:$0x3FB5] =	sst s7  }
0x10: {  	[smem:$0x3FB6] =	sst s8  }
0x11: {  	[smem:$0x3FB7] =	sst s9;
	s0 =	simm.s32 @!p0 $0x0  }
0x12: {  	s1 =	sld [smem:$0x3F9D];
	s0 =	simm.s32 @p0 $0x1  }
0x13: {  	[smem:$0x3FB8] =	sst s0;
	s0 =	simm.s32 @!p1 $0x0  }
0x14: {  	s2 =	sld [smem:$0x3F9C];
	s0 =	simm.s32 @p1 $0x1  }
0x15: {  	[smem:$0x3FB9] =	sst s0;
	s0 =	simm.s32 @!p2 $0x0  }
0x16: {  	s3 =	sld [smem:$0x3FDB];
	s0 =	simm.s32 @p2 $0x1  }
0x17: {  	s4 =	simm.s32 $0x1BF5;
	[smem:$0x3FBB] =	sst s0  }
0x18: {  	s0 =	sld [smem:$0x3F9E];
	_ =	swait.ge [sflag:s4], $0x0  }
0x19: {  	s7 =	sld [smem:$0x3F9F]  }
0x1a: {  	s8 =	sadd.s32 $0xFFFFE003, lr  }
0x1b: {  	s9 =	sadd.s32 $0xFFFFFEF7, lr;
	s5 =	simm.s32 $0xFFFFFFFF;
	p2 =	slt.u32 s8, $0xFFFFF086  }
0x1c: {  	p1 =	slt.u32 s9, $0xF7A;
	s5 =	simm.s32 @!p2 $0x0  }
0x1d: {  	s5 =	simm.s32 @p1 $0x1;
	p0 =	seq.s32 s7, s2  }
0x1e: {  	s7 =	smul.u32 @!p0 $0xF7A, s2;
	p2 =	seq.s32 @!p0 s5, $0x0  }
0x1f: {  	s9 =	smul.u32 $0xF7A, s1;
	s8 =	simm.s32 @!p0 $0x1BF5;
	p2 =	por !p2, p0  }
0x20: {  	[sflag:s8] =	ssyncset.s32 @!p0 $0xFFFFF086;
	s6 =	sadd.s32 @!p0 s3, s7;
	s7 =	simm.s32 @!p0 $0x108  }
0x21: {  	s3 =	sadd.s32 s3, s9;
	s6 =	sadd.s32 @!p0 $0x88, s6;
	s7 =	simm.s32 @p2 $0x1082  }
0x22: {  	[simem:s7], [sflag:s8] =	dma.local @!p0 [hbm:s6], $0xF7A  }
0x23: {  	s9 =	sor.u32 $0xD0000000, s2;
	s6 =	simm.s32 $0x108;
	_ =	swait.ge @!p0 [sflag:s8], $0x0  }
0x24: {  	s3 =	sadd.s32 $0x88, s3;
	s6 =	simm.s32 @!p1 $0x1082;
	[sflag:s4] =	ssyncset.s32 $0xFFFFF086  }
0x25: {  	[simem:s6], [sflag:s4] =	dma.local [hbm:s3], $0xF7A  }
0x26: {  	[smem:$0x3F9F] =	sst s1;
	(tag) =	ssettag s2;
	_ =	strace s9  }
0x27: {  	s1 =	sld [smem:$0x3FAF]  }
0x28: {  	s2 =	sld [smem:$0x3FB0]  }
0x29: {  	s4 =	sld [smem:$0x3FB2]  }
0x2a: {  	p0 =	seq.s32 s5, $0x0;
	s5 =	sld [smem:$0x3FB3]  }
0x2b: {  	s6 =	sld [smem:$0x3FB4]  }
0x2c: {  	s7 =	sld [smem:$0x3FB5]  }
0x2d: {  	s3 =	simm.s32 $0x108;
	s8 =	sld [smem:$0x3FB6]  }
0x2e: {  	s3 =	simm.s32 @!p0 $0x1082;
	s9 =	sld [smem:$0x3FB7]  }
0x2f: {  	lr =	sadd.s32 s0, s3;
	s0 =	sld [smem:$0x3FAE]  }
0x30: {  	s3 =	sld [smem:$0x3FB1]  }
0x31: {  	[smem:$0x3FBA] =	sst s10  }
0x32: {  	s10 =	sld [smem:$0x3FB8];
	_ =	sdelay $0x3  }
0x33: {  	p0 =	seq.s32 s10, $0x1;
	s10 =	sld [smem:$0x3FBA];
	_ =	sdelay $0x3  }
0x34: {  	[smem:$0x3FBA] =	sst s10  }
0x35: {  	s10 =	sld [smem:$0x3FB9];
	_ =	sdelay $0x3  }
0x36: {  	p1 =	seq.s32 s10, $0x1;
	s10 =	sld [smem:$0x3FBA];
	_ =	sdelay $0x3  }
0x37: {  	[smem:$0x3FBA] =	sst s10  }
0x38: {  	s10 =	sld [smem:$0x3FBB]  }
0x39: {  	_ = 	snop;
	(pc) =	sbr.ind lr, $3  }
0x3a: {  	_ = 	snop  }
0x3b: {  	_ = 	snop  }
0x3c: {  	p2 =	seq.s32 s10, $0x1;
	s10 =	sld [smem:$0x3FBA]  }
0x3d: {  	_ =	shalt  }
0x3e: {  	_ =	shalt  }
0x3f: {  	_ =	shalt  }
0x40: {  	_ =	shalt  }
0x41: {  	_ =	shalt  }
0x42: {  	_ =	shalt  }
0x43: {  	_ =	shalt  }
0x44: {  	_ =	shalt  }
0x45: {  	_ =	shalt  }
0x46: {  	_ =	shalt  }
0x47: {  	_ =	shalt  }
0x48: {  	_ =	shalt  }
0x49: {  	_ =	shalt  }
0x4a: {  	_ =	shalt  }
0x4b: {  	_ =	shalt  }
0x4c: {  	_ =	shalt  }
0x4d: {  	_ =	shalt  }
0x4e: {  	_ =	shalt  }
0x4f: {  	_ =	shalt  }
0x50: {  	_ =	shalt  }
0x51: {  	_ =	shalt  }
0x52: {  	_ =	shalt  }
0x53: {  	_ =	shalt  }
0x54: {  	_ =	shalt  }
0x55: {  	_ =	shalt  }
0x56: {  	_ =	shalt  }
0x57: {  	_ =	shalt  }
0x58: {  	_ =	shalt  }
0x59: {  	_ =	shalt  }
0x5a: {  	_ =	shalt  }
0x5b: {  	_ =	shalt  }
0x5c: {  	_ =	shalt  }
0x5d: {  	_ =	shalt  }
0x5e: {  	_ =	shalt  }
0x5f: {  	_ =	shalt  }
0x60: {  	_ =	shalt  }
0x61: {  	_ =	shalt  }
0x62: {  	_ =	shalt  }
0x63: {  	_ =	shalt  }
0x64: {  	_ =	shalt  }
0x65: {  	_ =	shalt  }
0x66: {  	_ =	shalt  }
0x67: {  	_ =	shalt  }
0x68: {  	_ =	shalt  }
0x69: {  	_ =	shalt  }
0x6a: {  	_ =	shalt  }
0x6b: {  	_ =	shalt  }
0x6c: {  	_ =	shalt  }
0x6d: {  	_ =	shalt  }
0x6e: {  	_ =	shalt  }
0x6f: {  	_ =	shalt  }
0x70: {  	_ =	shalt  }
0x71: {  	_ =	shalt  }
0x72: {  	_ =	shalt  }
0x73: {  	_ =	shalt  }
0x74: {  	_ =	shalt  }
0x75: {  	_ =	shalt  }
0x76: {  	_ =	shalt  }
0x77: {  	_ =	shalt  }
0x78: {  	_ =	shalt  }
0x79: {  	_ =	shalt  }
0x7a: {  	_ =	shalt  }
0x7b: {  	_ =	shalt  }
0x7c: {  	_ =	shalt  }
0x7d: {  	_ =	shalt  }
0x7e: {  	_ =	shalt  }
0x7f: {  	_ =	shalt  }
0x80: {  	_ =	shalt  }
0x81: {  	_ =	shalt  }
0x82: {  	_ =	shalt  }
0x83: {  	_ =	shalt  }
0x84: {  	_ =	shalt  }
0x85: {  	_ =	shalt  }
0x86: {  	_ =	shalt  }
0x87: {  	_ =	shalt  }
.Lfunc_end0:
.L_simem_size_0:
called_computation.1_lowered:
.L_overlay_start_0:
0x88: {  	s2 =	sld [smem:$0x3FD9]  }
0x89: {  	s3 =	sld [smem:$0x3FFE];
	_ =	sdelay $0x1  }
0x8a: {  	s1 =	srdreg.scid  }
0x8b: {  	s0 =	sand.u32 $0x1, s1  }
0x8c: {  	s17 =	sshll.u32 s0, $0xA;
	s2 =	sadd.s32 s3, s2  }
0x8d: {  	s2 =	sadd.s32 s2, s17  }
0x8e: {  	[smem:$0x3FC6] =	sst s2  }
0x8f: {  	_ = 	snop  }
0x90: {  	s2 =	sld [smem:$0x3FC9];
	(tm) =	ssettm $0x1  }
0x91: {  	s18 =	sld [smem:$0x3FFB];
	_ =	sdelay $0x3  }
0x92: {  	_ =	strace s18  }
0x93: {  	s3 =	sld [smem:$0x3FFC];
	_ =	sdelay $0x3  }
0x94: {  	_ =	strace s3  }
0x95: {  	s3 =	sld [smem:$0x3FFD];
	_ =	sdelay $0x3  }
0x96: {  	_ =	strace s3  }
0x97: {  	_ =	strace $0x8FFFFFFF  }
0x98: {  	s19 =	sld [smem:$0x3FDB];
	_ =	sdelay $0x1  }
0x99: {  	s4 =	simm.s32 $_scs_section_size  }
0x9a: {  	s5 =	simm.s32 $_size__tile_overlayer_lowered;
	s6 =	simm.s32 $_tile_overlayer_lowered  }
0x9b: {  	s22 =	simm.s32 $0x1BFF;
	s21 =	sshll.u32 s6, $0x1;
	s3 =	sadd.s32 s4, s19  }
0x9c: {  	s7 =	simm.s32 $0x0;
	s20 =	sshll.u32 s5, $0x1;
	s5 =	sadd.s32 s21, s3  }
0x9d: {  	[timem:s7], [sflag:s22] =	dma.local [hbm:s5], s20  }
0x9e: {  	_ =	swait.ge [sflag:s22], s20  }
0x9f: {  	s4 =	ssub.s32 $0x0, s20;
	[sflag:s22] =	ssyncset.done $0x0  }
0xa0: {  	[sflag:s22] =	ssyncadd.s32 s4;
	_ =	sdelay $0x1  }
0xa1: {  	s23 =	simm.s32 $0x1B8B  }
0xa2: {  	_ =	swait.ge [sflag:s23], $0x1  }
0xa3: {  	[sflag:s23] =	ssyncset.done $0x0  }
0xa4: {  	s25 =	simm.s32 $0x1B8E;
	s24 =	sld [smem:$0x3FFE];
	[sflag:s23] =	ssyncadd.s32 $0xFFFFFFFF  }
0xa5: {  	s26 =	simm.s32 $execute0_lowered;
	[smem:$0x3FD2] =	sst s25  }
0xa6: {  	s5 =	sshll.u32 s26, $0x1;
	_ =	strace $0x80000049;
	[dreg:$0x1] =	wrdreg $0xFFFFFFFF  }
0xa7: {  	s28 =	simm.s32 $_size_execute0_lowered;
	s3 =	sadd.s32 s3, s5;
	[dreg:$0x0] =	wrdreg $0x0  }
0xa8: {  	s5 =	sshll.u32 s28, $0x1;
	[dreg:$0x2] =	wrdreg s3  }
0xa9: {  	[dreg:$0x3] =	wrdreg s5  }
0xaa: {  	[dreg:$0x4] =	wrdreg $0xC0  }
0xab: {  	_ =	task [dreg:s7], $0x5FFFF  }
0xac: {  	[dreg:$0x1] =	wrdreg $0xFFFFFFFF  }
0xad: {  	[dreg:$0x0] =	wrdreg $0x60  }
0xae: {  	[dreg:$0x2] =	wrdreg s2  }
0xaf: {  	[dreg:$0x3] =	wrdreg s24  }
0xb0: {  	[dreg:$0x4] =	wrdreg $0x9  }
0xb1: {  	_ =	task.clear_ibuf [dreg:s7], $0x5FFFF;
	_ =	strace $0x90000049  }
0xb2: {  	s29 =	simm.s32 $0x9;
	_ =	strace $0x8000004B  }
0xb3: {  	_ =	swait.ge [sflag:s29], $0x1  }
0xb4: {  	[sflag:s29] =	ssyncadd.s32 $0xFFFFFFFF  }
0xb5: {  	_ =	strace $0x9000004B  }
0xb6: {  	_ =	sfence  }
0xb7: {  	s30 =	sld [smem:$0x0];
	_ =	sdelay $0x2  }
0xb8: {  	s31 =	sshll.u32 s1, $0xD;
	s1 =	sshrl.u32 s1, $0x2  }
0xb9: {  	s3 =	sand.u32 $0x4000, s31;
	s1 =	sadd.s32 s1, s30  }
0xba: {  	s0 =	sor.u32 s3, s0;
	s1 =	sshll.u32 s1, $0x11  }
0xbb: {  	s0 =	sor.u32 s1, s0  }
0xbc: {  	s0 =	sadd.s32 $0x8F2B, s0  }
0xbd: {  	[sflag:s0] =	ssyncadd.remote.s32 $0x1  }
0xbe: {  	_ =	sfence.sel $0xFFFF  }
0xbf: {  	[dreg:$0x0] =	wrdreg $0xFFFFFFFF;
	(pc) =	sbr.abs _section_cstart, $3  }
0xc0: {  	[dreg:$0x1] =	wrdreg $0xFFFFFFFF  }
0xc1: {  	_ =	task.clear_ibuf [dreg:s7], $0x2FFFF;
	_ =	strace $0x9FFFFFFF  }
0xc2: {  	(tm) =	ssettm $0x7FFFFFFF  }
0xc3: {  	_ =	shalt  }
tec
execute0_lowered:
.L_overlay_start_1:
0x0: {  	(tag) =	ssettag $0x1  }
0x1: {  	s1 =	srdreg.scid;
	s0 =	stileid.u32  }
0x2: {  	s30 =	sand.u32 $0x1, s1;
	s25 =	sshll.u32 s0, $0x1  }
0x3: {  	s3 =	sor.u32 s30, s25  }
0x4: {  	s4 =	smul.u32 $0x749A0, s3  }
0x5: {  	s0 =	rddreg [dreg:$0x1];
	s3 =	simm.s32 $0x0  }
0x6: {  	s29 =	sadd.s32 $0x5161000, s0;
	[smem:$0x7FF] =	sst s3;
	s31 =	sshrl.u32 s4, $0x3  }
0x7: {  	s2 =	rddreg [dreg:$0x0];
	_ =	strace $0x8000004A;
	s4 =	sadd.s32 s29, s31  }
0x8: {  	s26 =	sadd.s32 s0, s31;
	s5 =	sadd.s32 $0x800, s31;
	[dreg:$0x3] =	wrdreg s4  }
0x9: {  	[dreg:$0x4] =	wrdreg s26;
	s1 =	sadd.s32 s29, s5  }
0xa: {  	s6 =	sadd.s32 $0x1000, s31;
	s5 =	sadd.s32 s0, s5;
	[dreg:$0x5] =	wrdreg s1  }
0xb: {  	s7 =	sadd.s32 s29, s6;
	[dreg:$0x6] =	wrdreg s5  }
0xc: {  	s9 =	sadd.s32 $0x1800, s31;
	s8 =	sadd.s32 s0, s6;
	[dreg:$0x7] =	wrdreg s7  }
0xd: {  	s10 =	sadd.s32 s29, s9;
	[dreg:$0x8] =	wrdreg s8  }
0xe: {  	s12 =	sadd.s32 $0x2000, s31;
	s11 =	sadd.s32 s0, s9;
	[dreg:$0x9] =	wrdreg s10  }
0xf: {  	s13 =	sadd.s32 s29, s12;
	[dreg:$0xa] =	wrdreg s11  }
0x10: {  	s15 =	sadd.s32 $0x2800, s31;
	s14 =	sadd.s32 s0, s12;
	[dreg:$0xb] =	wrdreg s13  }
0x11: {  	s16 =	sadd.s32 s29, s15;
	[dreg:$0xc] =	wrdreg s14  }
0x12: {  	s18 =	sadd.s32 $0x3000, s31;
	s17 =	sadd.s32 s0, s15;
	[dreg:$0xd] =	wrdreg s16  }
0x13: {  	s19 =	sadd.s32 s29, s18;
	[dreg:$0xe] =	wrdreg s17  }
0x14: {  	s21 =	sadd.s32 $0x3800, s31;
	s20 =	sadd.s32 s0, s18;
	[dreg:$0xf] =	wrdreg s19  }
0x15: {  	s22 =	sadd.s32 s29, s21;
	[dreg:$0x10] =	wrdreg s20  }
0x16: {  	s24 =	sadd.s32 $0x4000, s31;
	s23 =	sadd.s32 s0, s21;
	[dreg:$0x11] =	wrdreg s22  }
0x17: {  	s25 =	sadd.s32 s29, s24;
	[dreg:$0x12] =	wrdreg s23  }
0x18: {  	s26 =	sadd.s32 s0, s24;
	[dreg:$0x13] =	wrdreg s25;
	s1 =	sadd.s32 $0x4800, s31  }
0x19: {  	[dreg:$0x14] =	wrdreg s26;
	s6 =	sadd.s32 s29, s1  }
0x1a: {  	s8 =	sadd.s32 $0x5000, s31;
	s7 =	sadd.s32 s0, s1;
	[dreg:$0x15] =	wrdreg s6  }
0x1b: {  	s9 =	sadd.s32 s29, s8;
	[dreg:$0x16] =	wrdreg s7  }
0x1c: {  	s11 =	sadd.s32 $0x5800, s31;
	s10 =	sadd.s32 s0, s8;
	[dreg:$0x17] =	wrdreg s9  }
0x1d: {  	s12 =	sadd.s32 s29, s11;
	[dreg:$0x18] =	wrdreg s10  }
0x1e: {  	s14 =	sadd.s32 $0x6000, s31;
	s13 =	sadd.s32 s0, s11;
	[dreg:$0x19] =	wrdreg s12  }
0x1f: {  	s15 =	sadd.s32 s29, s14;
	[dreg:$0x1a] =	wrdreg s13  }
0x20: {  	s17 =	sadd.s32 $0x6800, s31;
	s16 =	sadd.s32 s0, s14;
	[dreg:$0x1b] =	wrdreg s15  }
0x21: {  	s18 =	sadd.s32 s29, s17;
	[dreg:$0x1c] =	wrdreg s16  }
0x22: {  	s20 =	sadd.s32 $0x7000, s31;
	s19 =	sadd.s32 s0, s17;
	[dreg:$0x1d] =	wrdreg s18  }
0x23: {  	s21 =	sadd.s32 s29, s20;
	[dreg:$0x1e] =	wrdreg s19  }
0x24: {  	s23 =	sadd.s32 $0x7800, s31;
	s22 =	sadd.s32 s0, s20;
	[dreg:$0x1f] =	wrdreg s21  }
0x25: {  	s24 =	sadd.s32 s29, s23;
	[smem:$0x7F6] =	sst s22  }
0x26: {  	s26 =	sadd.s32 $0x8000, s31;
	s25 =	sadd.s32 s0, s23;
	[smem:$0x7F7] =	sst s24  }
0x27: {  	s1 =	sadd.s32 s29, s26;
	[smem:$0x7F8] =	sst s25  }
0x28: {  	s5 =	sadd.s32 s0, s26;
	[smem:$0x7F9] =	sst s1  }
0x29: {  	s6 =	sadd.s32 $0x8800, s31;
	[smem:$0x7FA] =	sst s5  }
0x2a: {  	s9 =	rddreg [dreg:$0x3];
	s7 =	sadd.s32 s29, s6  }
0x2b: {  	[tilespmem:s3], [sflag:$0x2] =	stream.linear.gather [hbm4b:s9+s3], $0x4000, $0x38;
	[tilespmem:$0x8000] =	vst v63  }
0x2c: {  	s8 =	sadd.s32 s0, s6;
	[smem:$0x7FB] =	sst s7;
	s7 =	sadd.s32 $0x9000, s31  }
0x2d: {  	[smem:$0x7FC] =	sst s8;
	s10 =	sadd.s32 s29, s7  }
0x2e: {  	s4 =	simm.s32 $0x2;
	[smem:$0x7FD] =	sst s10  }
0x2f: {  	_ =	swait.ge [sflag:s4], $0x4000  }
0x30: {  	[sflag:s4] =	ssyncset.done $0x0  }
0x31: {  	s5 =	simm.s32 $0x4000;
	s6 =	simm.s32 $0x1;
	[sflag:s4] =	ssyncadd.s32 $0xFFFFC000  }
0x32: {  	[tilespmem:s5], [sflag:$0x1] =	stream.indirect.gather [hbm4b:s2+s5], $0x1, s3, s5, $0xb8;
	[tilespmem:$0x8000] =	vst v63  }
0x33: {  	_ =	swait.ge [sflag:s6], $0x4000  }
0x34: {  	[sflag:s6] =	ssyncset.done $0x0  }
0x35: {  	s8 =	rddreg [dreg:$0x4];
	[sflag:s6] =	ssyncadd.s32 $0xFFFFC000  }
0x36: {  	[hbm4b:s8+s3] =	stream.linear.scatter [tilespmem:s5], [sflag:$0x2], $0x4000, $0x38;
	[tilespmem:$0x8000] =	vst v63  }
0x37: {  	_ =	swait.ge [sflag:s4], $0x4000  }
0x38: {  	[sflag:s4] =	ssyncset.done $0x0  }
0x39: {  	s11 =	rddreg [dreg:$0x5];
	[sflag:s4] =	ssyncadd.s32 $0xFFFFC000  }
0x3a: {  	[tilespmem:s3], [sflag:$0x2] =	stream.linear.gather [hbm4b:s11+s3], $0x4000, $0x38;
	[tilespmem:$0x8000] =	vst v63  }
0x3b: {  	_ =	swait.ge [sflag:s4], $0x4000  }
0x3c: {  	[sflag:s4] =	ssyncset.done $0x0  }
0x3d: {  	[sflag:s4] =	ssyncadd.s32 $0xFFFFC000  }
0x3e: {  	[tilespmem:s5], [sflag:$0x1] =	stream.indirect.gather [hbm4b:s2+s5], $0x1, s3, s5, $0xb8;
	[tilespmem:$0x8000] =	vst v63  }
0x3f: {  	_ =	swait.ge [sflag:s6], $0x4000  }
0x40: {  	[sflag:s6] =	ssyncset.done $0x0  }
0x41: {  	s12 =	rddreg [dreg:$0x6];
	[sflag:s6] =	ssyncadd.s32 $0xFFFFC000  }
0x42: {  	[hbm4b:s12+s3] =	stream.linear.scatter [tilespmem:s5], [sflag:$0x2], $0x4000, $0x38;
	[tilespmem:$0x8000] =	vst v63  }
0x43: {  	_ =	swait.ge [sflag:s4], $0x4000  }
0x44: {  	[sflag:s4] =	ssyncset.done $0x0  }
0x45: {  	s13 =	rddreg [dreg:$0x7];
	[sflag:s4] =	ssyncadd.s32 $0xFFFFC000  }
0x46: {  	[tilespmem:s3], [sflag:$0x2] =	stream.linear.gather [hbm4b:s13+s3], $0x4000, $0x38;
	[tilespmem:$0x8000] =	vst v63  }
0x47: {  	_ =	swait.ge [sflag:s4], $0x4000  }
0x48: {  	[sflag:s4] =	ssyncset.done $0x0  }
0x49: {  	[sflag:s4] =	ssyncadd.s32 $0xFFFFC000  }
0x4a: {  	[tilespmem:s5], [sflag:$0x1] =	stream.indirect.gather [hbm4b:s2+s5], $0x1, s3, s5, $0xb8;
	[tilespmem:$0x8000] =	vst v63  }
0x4b: {  	_ =	swait.ge [sflag:s6], $0x4000  }
0x4c: {  	[sflag:s6] =	ssyncset.done $0x0  }
0x4d: {  	s14 =	rddreg [dreg:$0x8];
	[sflag:s6] =	ssyncadd.s32 $0xFFFFC000  }
0x4e: {  	[hbm4b:s14+s3] =	stream.linear.scatter [tilespmem:s5], [sflag:$0x2], $0x4000, $0x38;
	[tilespmem:$0x8000] =	vst v63  }
0x4f: {  	_ =	swait.ge [sflag:s4], $0x4000  }
0x50: {  	[sflag:s4] =	ssyncset.done $0x0  }
0x51: {  	s15 =	rddreg [dreg:$0x9];
	[sflag:s4] =	ssyncadd.s32 $0xFFFFC000  }
0x52: {  	[tilespmem:s3], [sflag:$0x2] =	stream.linear.gather [hbm4b:s15+s3], $0x4000, $0x38;
	[tilespmem:$0x8000] =	vst v63  }
0x53: {  	_ =	swait.ge [sflag:s4], $0x4000  }
0x54: {  	[sflag:s4] =	ssyncset.done $0x0  }
0x55: {  	[sflag:s4] =	ssyncadd.s32 $0xFFFFC000  }
0x56: {  	[tilespmem:s5], [sflag:$0x1] =	stream.indirect.gather [hbm4b:s2+s5], $0x1, s3, s5, $0xb8;
	[tilespmem:$0x8000] =	vst v63  }
0x57: {  	_ =	swait.ge [sflag:s6], $0x4000  }
0x58: {  	[sflag:s6] =	ssyncset.done $0x0  }
0x59: {  	s16 =	rddreg [dreg:$0xa];
	[sflag:s6] =	ssyncadd.s32 $0xFFFFC000  }
0x5a: {  	[hbm4b:s16+s3] =	stream.linear.scatter [tilespmem:s5], [sflag:$0x2], $0x4000, $0x38;
	[tilespmem:$0x8000] =	vst v63  }
0x5b: {  	_ =	swait.ge [sflag:s4], $0x4000  }
0x5c: {  	[sflag:s4] =	ssyncset.done $0x0  }
0x5d: {  	s17 =	rddreg [dreg:$0xb];
	[sflag:s4] =	ssyncadd.s32 $0xFFFFC000  }
0x5e: {  	[tilespmem:s3], [sflag:$0x2] =	stream.linear.gather [hbm4b:s17+s3], $0x4000, $0x38;
	[tilespmem:$0x8000] =	vst v63  }
0x5f: {  	_ =	swait.ge [sflag:s4], $0x4000  }
0x60: {  	[sflag:s4] =	ssyncset.done $0x0  }
0x61: {  	[sflag:s4] =	ssyncadd.s32 $0xFFFFC000  }
0x62: {  	[tilespmem:s5], [sflag:$0x1] =	stream.indirect.gather [hbm4b:s2+s5], $0x1, s3, s5, $0xb8;
	[tilespmem:$0x8000] =	vst v63  }
0x63: {  	_ =	swait.ge [sflag:s6], $0x4000  }
0x64: {  	[sflag:s6] =	ssyncset.done $0x0  }
0x65: {  	s18 =	rddreg [dreg:$0xc];
	[sflag:s6] =	ssyncadd.s32 $0xFFFFC000  }
0x66: {  	[hbm4b:s18+s3] =	stream.linear.scatter [tilespmem:s5], [sflag:$0x2], $0x4000, $0x38;
	[tilespmem:$0x8000] =	vst v63  }
0x67: {  	_ =	swait.ge [sflag:s4], $0x4000  }
0x68: {  	[sflag:s4] =	ssyncset.done $0x0  }
0x69: {  	s19 =	rddreg [dreg:$0xd];
	[sflag:s4] =	ssyncadd.s32 $0xFFFFC000  }
0x6a: {  	[tilespmem:s3], [sflag:$0x2] =	stream.linear.gather [hbm4b:s19+s3], $0x4000, $0x38;
	[tilespmem:$0x8000] =	vst v63  }
0x6b: {  	_ =	swait.ge [sflag:s4], $0x4000  }
0x6c: {  	[sflag:s4] =	ssyncset.done $0x0  }
0x6d: {  	[sflag:s4] =	ssyncadd.s32 $0xFFFFC000  }
0x6e: {  	[tilespmem:s5], [sflag:$0x1] =	stream.indirect.gather [hbm4b:s2+s5], $0x1, s3, s5, $0xb8;
	[tilespmem:$0x8000] =	vst v63  }
0x6f: {  	_ =	swait.ge [sflag:s6], $0x4000  }
0x70: {  	[sflag:s6] =	ssyncset.done $0x0  }
0x71: {  	s20 =	rddreg [dreg:$0xe];
	[sflag:s6] =	ssyncadd.s32 $0xFFFFC000  }
0x72: {  	[hbm4b:s20+s3] =	stream.linear.scatter [tilespmem:s5], [sflag:$0x2], $0x4000, $0x38;
	[tilespmem:$0x8000] =	vst v63  }
0x73: {  	_ =	swait.ge [sflag:s4], $0x4000  }
0x74: {  	[sflag:s4] =	ssyncset.done $0x0  }
0x75: {  	s21 =	rddreg [dreg:$0xf];
	[sflag:s4] =	ssyncadd.s32 $0xFFFFC000  }
0x76: {  	[tilespmem:s3], [sflag:$0x2] =	stream.linear.gather [hbm4b:s21+s3], $0x4000, $0x38;
	[tilespmem:$0x8000] =	vst v63  }
0x77: {  	_ =	swait.ge [sflag:s4], $0x4000  }
0x78: {  	[sflag:s4] =	ssyncset.done $0x0  }
0x79: {  	[sflag:s4] =	ssyncadd.s32 $0xFFFFC000  }
0x7a: {  	[tilespmem:s5], [sflag:$0x1] =	stream.indirect.gather [hbm4b:s2+s5], $0x1, s3, s5, $0xb8;
	[tilespmem:$0x8000] =	vst v63  }
0x7b: {  	_ =	swait.ge [sflag:s6], $0x4000  }
0x7c: {  	[sflag:s6] =	ssyncset.done $0x0  }
0x7d: {  	s22 =	rddreg [dreg:$0x10];
	[sflag:s6] =	ssyncadd.s32 $0xFFFFC000  }
0x7e: {  	[hbm4b:s22+s3] =	stream.linear.scatter [tilespmem:s5], [sflag:$0x2], $0x4000, $0x38;
	[tilespmem:$0x8000] =	vst v63  }
0x7f: {  	_ =	swait.ge [sflag:s4], $0x4000  }
0x80: {  	[sflag:s4] =	ssyncset.done $0x0  }
0x81: {  	s23 =	rddreg [dreg:$0x11];
	[sflag:s4] =	ssyncadd.s32 $0xFFFFC000  }
0x82: {  	[tilespmem:s3], [sflag:$0x2] =	stream.linear.gather [hbm4b:s23+s3], $0x4000, $0x38;
	[tilespmem:$0x8000] =	vst v63  }
0x83: {  	_ =	swait.ge [sflag:s4], $0x4000  }
0x84: {  	[sflag:s4] =	ssyncset.done $0x0  }
0x85: {  	[sflag:s4] =	ssyncadd.s32 $0xFFFFC000  }
0x86: {  	[tilespmem:s5], [sflag:$0x1] =	stream.indirect.gather [hbm4b:s2+s5], $0x1, s3, s5, $0xb8;
	[tilespmem:$0x8000] =	vst v63  }
0x87: {  	_ =	swait.ge [sflag:s6], $0x4000  }
0x88: {  	[sflag:s6] =	ssyncset.done $0x0  }
0x89: {  	s24 =	rddreg [dreg:$0x12];
	[sflag:s6] =	ssyncadd.s32 $0xFFFFC000  }
0x8a: {  	[hbm4b:s24+s3] =	stream.linear.scatter [tilespmem:s5], [sflag:$0x2], $0x4000, $0x38;
	[tilespmem:$0x8000] =	vst v63  }
0x8b: {  	_ =	swait.ge [sflag:s4], $0x4000  }
0x8c: {  	[sflag:s4] =	ssyncset.done $0x0  }
0x8d: {  	s25 =	rddreg [dreg:$0x13];
	[sflag:s4] =	ssyncadd.s32 $0xFFFFC000  }
0x8e: {  	[tilespmem:s3], [sflag:$0x2] =	stream.linear.gather [hbm4b:s25+s3], $0x4000, $0x38;
	[tilespmem:$0x8000] =	vst v63  }
0x8f: {  	_ =	swait.ge [sflag:s4], $0x4000  }
0x90: {  	[sflag:s4] =	ssyncset.done $0x0  }
0x91: {  	[sflag:s4] =	ssyncadd.s32 $0xFFFFC000  }
0x92: {  	[tilespmem:s5], [sflag:$0x1] =	stream.indirect.gather [hbm4b:s2+s5], $0x1, s3, s5, $0xb8;
	[tilespmem:$0x8000] =	vst v63  }
0x93: {  	_ =	swait.ge [sflag:s6], $0x4000  }
0x94: {  	[sflag:s6] =	ssyncset.done $0x0  }
0x95: {  	s26 =	rddreg [dreg:$0x14];
	[sflag:s6] =	ssyncadd.s32 $0xFFFFC000  }
0x96: {  	[hbm4b:s26+s3] =	stream.linear.scatter [tilespmem:s5], [sflag:$0x2], $0x4000, $0x38;
	[tilespmem:$0x8000] =	vst v63  }
0x97: {  	_ =	swait.ge [sflag:s4], $0x4000  }
0x98: {  	[sflag:s4] =	ssyncset.done $0x0  }
0x99: {  	s1 =	rddreg [dreg:$0x15];
	[sflag:s4] =	ssyncadd.s32 $0xFFFFC000  }
0x9a: {  	[tilespmem:s3], [sflag:$0x2] =	stream.linear.gather [hbm4b:s1+s3], $0x4000, $0x38;
	[tilespmem:$0x8000] =	vst v63  }
0x9b: {  	_ =	swait.ge [sflag:s4], $0x4000  }
0x9c: {  	[sflag:s4] =	ssyncset.done $0x0  }
0x9d: {  	[sflag:s4] =	ssyncadd.s32 $0xFFFFC000  }
0x9e: {  	[tilespmem:s5], [sflag:$0x1] =	stream.indirect.gather [hbm4b:s2+s5], $0x1, s3, s5, $0xb8;
	[tilespmem:$0x8000] =	vst v63  }
0x9f: {  	_ =	swait.ge [sflag:s6], $0x4000  }
0xa0: {  	[sflag:s6] =	ssyncset.done $0x0  }
0xa1: {  	s9 =	rddreg [dreg:$0x16];
	[sflag:s6] =	ssyncadd.s32 $0xFFFFC000  }
0xa2: {  	[hbm4b:s9+s3] =	stream.linear.scatter [tilespmem:s5], [sflag:$0x2], $0x4000, $0x38;
	[tilespmem:$0x8000] =	vst v63  }
0xa3: {  	_ =	swait.ge [sflag:s4], $0x4000  }
0xa4: {  	[sflag:s4] =	ssyncset.done $0x0  }
0xa5: {  	s10 =	rddreg [dreg:$0x17];
	[sflag:s4] =	ssyncadd.s32 $0xFFFFC000  }
0xa6: {  	[tilespmem:s3], [sflag:$0x2] =	stream.linear.gather [hbm4b:s10+s3], $0x4000, $0x38;
	[tilespmem:$0x8000] =	vst v63  }
0xa7: {  	_ =	swait.ge [sflag:s4], $0x4000  }
0xa8: {  	[sflag:s4] =	ssyncset.done $0x0  }
0xa9: {  	[sflag:s4] =	ssyncadd.s32 $0xFFFFC000  }
0xaa: {  	[tilespmem:s5], [sflag:$0x1] =	stream.indirect.gather [hbm4b:s2+s5], $0x1, s3, s5, $0xb8;
	[tilespmem:$0x8000] =	vst v63  }
0xab: {  	_ =	swait.ge [sflag:s6], $0x4000  }
0xac: {  	[sflag:s6] =	ssyncset.done $0x0  }
0xad: {  	s11 =	rddreg [dreg:$0x18];
	[sflag:s6] =	ssyncadd.s32 $0xFFFFC000  }
0xae: {  	[hbm4b:s11+s3] =	stream.linear.scatter [tilespmem:s5], [sflag:$0x2], $0x4000, $0x38;
	[tilespmem:$0x8000] =	vst v63  }
0xaf: {  	_ =	swait.ge [sflag:s4], $0x4000  }
0xb0: {  	[sflag:s4] =	ssyncset.done $0x0  }
0xb1: {  	s12 =	rddreg [dreg:$0x19];
	[sflag:s4] =	ssyncadd.s32 $0xFFFFC000  }
0xb2: {  	[tilespmem:s3], [sflag:$0x2] =	stream.linear.gather [hbm4b:s12+s3], $0x4000, $0x38;
	[tilespmem:$0x8000] =	vst v63  }
0xb3: {  	_ =	swait.ge [sflag:s4], $0x4000  }
0xb4: {  	[sflag:s4] =	ssyncset.done $0x0  }
0xb5: {  	[sflag:s4] =	ssyncadd.s32 $0xFFFFC000  }
0xb6: {  	[tilespmem:s5], [sflag:$0x1] =	stream.indirect.gather [hbm4b:s2+s5], $0x1, s3, s5, $0xb8;
	[tilespmem:$0x8000] =	vst v63  }
0xb7: {  	_ =	swait.ge [sflag:s6], $0x4000  }
0xb8: {  	[sflag:s6] =	ssyncset.done $0x0  }
0xb9: {  	s13 =	rddreg [dreg:$0x1a];
	[sflag:s6] =	ssyncadd.s32 $0xFFFFC000  }
0xba: {  	[hbm4b:s13+s3] =	stream.linear.scatter [tilespmem:s5], [sflag:$0x2], $0x4000, $0x38;
	[tilespmem:$0x8000] =	vst v63  }
0xbb: {  	_ =	swait.ge [sflag:s4], $0x4000  }
0xbc: {  	[sflag:s4] =	ssyncset.done $0x0  }
0xbd: {  	s14 =	rddreg [dreg:$0x1b];
	[sflag:s4] =	ssyncadd.s32 $0xFFFFC000  }
0xbe: {  	[tilespmem:s3], [sflag:$0x2] =	stream.linear.gather [hbm4b:s14+s3], $0x4000, $0x38;
	[tilespmem:$0x8000] =	vst v63  }
0xbf: {  	_ =	swait.ge [sflag:s4], $0x4000  }
0xc0: {  	[sflag:s4] =	ssyncset.done $0x0  }
0xc1: {  	[sflag:s4] =	ssyncadd.s32 $0xFFFFC000  }
0xc2: {  	[tilespmem:s5], [sflag:$0x1] =	stream.indirect.gather [hbm4b:s2+s5], $0x1, s3, s5, $0xb8;
	[tilespmem:$0x8000] =	vst v63  }
0xc3: {  	_ =	swait.ge [sflag:s6], $0x4000  }
0xc4: {  	[sflag:s6] =	ssyncset.done $0x0  }
0xc5: {  	s15 =	rddreg [dreg:$0x1c];
	[sflag:s6] =	ssyncadd.s32 $0xFFFFC000  }
0xc6: {  	[hbm4b:s15+s3] =	stream.linear.scatter [tilespmem:s5], [sflag:$0x2], $0x4000, $0x38;
	[tilespmem:$0x8000] =	vst v63  }
0xc7: {  	_ =	swait.ge [sflag:s4], $0x4000  }
0xc8: {  	[sflag:s4] =	ssyncset.done $0x0  }
0xc9: {  	s16 =	rddreg [dreg:$0x1d];
	[sflag:s4] =	ssyncadd.s32 $0xFFFFC000  }
0xca: {  	[tilespmem:s3], [sflag:$0x2] =	stream.linear.gather [hbm4b:s16+s3], $0x4000, $0x38;
	[tilespmem:$0x8000] =	vst v63  }
0xcb: {  	_ =	swait.ge [sflag:s4], $0x4000  }
0xcc: {  	[sflag:s4] =	ssyncset.done $0x0  }
0xcd: {  	[sflag:s4] =	ssyncadd.s32 $0xFFFFC000  }
0xce: {  	[tilespmem:s5], [sflag:$0x1] =	stream.indirect.gather [hbm4b:s2+s5], $0x1, s3, s5, $0xb8;
	[tilespmem:$0x8000] =	vst v63  }
0xcf: {  	_ =	swait.ge [sflag:s6], $0x4000  }
0xd0: {  	[sflag:s6] =	ssyncset.done $0x0  }
0xd1: {  	s17 =	rddreg [dreg:$0x1e];
	[sflag:s6] =	ssyncadd.s32 $0xFFFFC000  }
0xd2: {  	[hbm4b:s17+s3] =	stream.linear.scatter [tilespmem:s5], [sflag:$0x2], $0x4000, $0x38;
	[tilespmem:$0x8000] =	vst v63  }
0xd3: {  	_ =	swait.ge [sflag:s4], $0x4000  }
0xd4: {  	[sflag:s4] =	ssyncset.done $0x0  }
0xd5: {  	s18 =	rddreg [dreg:$0x1f];
	[sflag:s4] =	ssyncadd.s32 $0xFFFFC000  }
0xd6: {  	[tilespmem:s3], [sflag:$0x2] =	stream.linear.gather [hbm4b:s18+s3], $0x4000, $0x38;
	[tilespmem:$0x8000] =	vst v63  }
0xd7: {  	_ =	swait.ge [sflag:s4], $0x4000  }
0xd8: {  	[sflag:s4] =	ssyncset.done $0x0  }
0xd9: {  	[sflag:s4] =	ssyncadd.s32 $0xFFFFC000  }
0xda: {  	[tilespmem:s5], [sflag:$0x1] =	stream.indirect.gather [hbm4b:s2+s5], $0x1, s3, s5, $0xb8;
	[tilespmem:$0x8000] =	vst v63  }
0xdb: {  	_ =	swait.ge [sflag:s6], $0x4000  }
0xdc: {  	s19 =	sld [smem:$0x7F6]  }
0xdd: {  	[sflag:s6] =	ssyncset.done $0x0  }
0xde: {  	[sflag:s6] =	ssyncadd.s32 $0xFFFFC000  }
0xdf: {  	[hbm4b:s19+s3] =	stream.linear.scatter [tilespmem:s5], [sflag:$0x2], $0x4000, $0x38;
	[tilespmem:$0x8000] =	vst v63  }
0xe0: {  	_ =	swait.ge [sflag:s4], $0x4000  }
0xe1: {  	s20 =	sld [smem:$0x7F7]  }
0xe2: {  	[sflag:s4] =	ssyncset.done $0x0  }
0xe3: {  	[sflag:s4] =	ssyncadd.s32 $0xFFFFC000  }
0xe4: {  	[tilespmem:s3], [sflag:$0x2] =	stream.linear.gather [hbm4b:s20+s3], $0x4000, $0x38;
	[tilespmem:$0x8000] =	vst v63  }
0xe5: {  	_ =	swait.ge [sflag:s4], $0x4000  }
0xe6: {  	[sflag:s4] =	ssyncset.done $0x0  }
0xe7: {  	[sflag:s4] =	ssyncadd.s32 $0xFFFFC000  }
0xe8: {  	[tilespmem:s5], [sflag:$0x1] =	stream.indirect.gather [hbm4b:s2+s5], $0x1, s3, s5, $0xb8;
	[tilespmem:$0x8000] =	vst v63  }
0xe9: {  	_ =	swait.ge [sflag:s6], $0x4000  }
0xea: {  	s21 =	sld [smem:$0x7F8]  }
0xeb: {  	[sflag:s6] =	ssyncset.done $0x0  }
0xec: {  	[sflag:s6] =	ssyncadd.s32 $0xFFFFC000  }
0xed: {  	[hbm4b:s21+s3] =	stream.linear.scatter [tilespmem:s5], [sflag:$0x2], $0x4000, $0x38;
	[tilespmem:$0x8000] =	vst v63  }
0xee: {  	_ =	swait.ge [sflag:s4], $0x4000  }
0xef: {  	s22 =	sld [smem:$0x7F9]  }
0xf0: {  	[sflag:s4] =	ssyncset.done $0x0  }
0xf1: {  	[sflag:s4] =	ssyncadd.s32 $0xFFFFC000  }
0xf2: {  	[tilespmem:s3], [sflag:$0x2] =	stream.linear.gather [hbm4b:s22+s3], $0x4000, $0x38;
	[tilespmem:$0x8000] =	vst v63  }
0xf3: {  	_ =	swait.ge [sflag:s4], $0x4000  }
0xf4: {  	[sflag:s4] =	ssyncset.done $0x0  }
0xf5: {  	[sflag:s4] =	ssyncadd.s32 $0xFFFFC000  }
0xf6: {  	[tilespmem:s5], [sflag:$0x1] =	stream.indirect.gather [hbm4b:s2+s5], $0x1, s3, s5, $0xb8;
	[tilespmem:$0x8000] =	vst v63  }
0xf7: {  	_ =	swait.ge [sflag:s6], $0x4000  }
0xf8: {  	s23 =	sld [smem:$0x7FA]  }
0xf9: {  	[sflag:s6] =	ssyncset.done $0x0  }
0xfa: {  	[sflag:s6] =	ssyncadd.s32 $0xFFFFC000  }
0xfb: {  	[hbm4b:s23+s3] =	stream.linear.scatter [tilespmem:s5], [sflag:$0x2], $0x4000, $0x38;
	[tilespmem:$0x8000] =	vst v63  }
0xfc: {  	_ =	swait.ge [sflag:s4], $0x4000  }
0xfd: {  	s24 =	sld [smem:$0x7FB]  }
0xfe: {  	[sflag:s4] =	ssyncset.done $0x0  }
0xff: {  	[sflag:s4] =	ssyncadd.s32 $0xFFFFC000  }
0x100: {  	[tilespmem:s3], [sflag:$0x2] =	stream.linear.gather [hbm4b:s24+s3], $0x4000, $0x38;
	[tilespmem:$0x8000] =	vst v63  }
0x101: {  	_ =	swait.ge [sflag:s4], $0x4000  }
0x102: {  	[sflag:s4] =	ssyncset.done $0x0  }
0x103: {  	[sflag:s4] =	ssyncadd.s32 $0xFFFFC000  }
0x104: {  	[tilespmem:s5], [sflag:$0x1] =	stream.indirect.gather [hbm4b:s2+s5], $0x1, s3, s5, $0xb8;
	[tilespmem:$0x8000] =	vst v63  }
0x105: {  	_ =	swait.ge [sflag:s6], $0x4000  }
0x106: {  	s25 =	sld [smem:$0x7FC]  }
0x107: {  	[sflag:s6] =	ssyncset.done $0x0  }
0x108: {  	[sflag:s6] =	ssyncadd.s32 $0xFFFFC000  }
0x109: {  	[hbm4b:s25+s3] =	stream.linear.scatter [tilespmem:s5], [sflag:$0x2], $0x4000, $0x38;
	[tilespmem:$0x8000] =	vst v63  }
0x10a: {  	_ =	swait.ge [sflag:s4], $0x4000  }
0x10b: {  	s26 =	sld [smem:$0x7FD]  }
0x10c: {  	[sflag:s4] =	ssyncset.done $0x0  }
0x10d: {  	[sflag:s4] =	ssyncadd.s32 $0xFFFFC000  }
0x10e: {  	[tilespmem:s3], [sflag:$0x2] =	stream.linear.gather [hbm4b:s26+s3], $0x4000, $0x38;
	[tilespmem:$0x8000] =	vst v63  }
0x10f: {  	_ =	swait.ge [sflag:s4], $0x4000  }
0x110: {  	[sflag:s4] =	ssyncset.done $0x0  }
0x111: {  	[sflag:s4] =	ssyncadd.s32 $0xFFFFC000  }
0x112: {  	[tilespmem:s5], [sflag:$0x1] =	stream.indirect.gather [hbm4b:s2+s5], $0x1, s3, s5, $0xb8;
	[tilespmem:$0x8000] =	vst v63  }
0x113: {  	_ =	swait.ge [sflag:s6], $0x4000  }
0x114: {  	[sflag:s6] =	ssyncset.done $0x0  }
0x115: {  	s7 =	sadd.s32 s0, s7;
	[sflag:s6] =	ssyncadd.s32 $0xFFFFC000  }
0x116: {  	[hbm4b:s7+s3] =	stream.linear.scatter [tilespmem:s5], [sflag:$0x2], $0x4000, $0x38;
	[tilespmem:$0x8000] =	vst v63  }
0x117: {  	_ =	swait.ge [sflag:s4], $0x4000  }
0x118: {  	s9 =	sadd.s32 $0x9800, s31;
	[sflag:s4] =	ssyncset.done $0x0  }
0x119: {  	s8 =	sadd.s32 s29, s9;
	[sflag:s4] =	ssyncadd.s32 $0xFFFFC000  }
0x11a: {  	[tilespmem:s3], [sflag:$0x2] =	stream.linear.gather [hbm4b:s8+s3], $0x4000, $0x38;
	[tilespmem:$0x8000] =	vst v63  }
0x11b: {  	_ =	swait.ge [sflag:s4], $0x4000  }
0x11c: {  	[sflag:s4] =	ssyncset.done $0x0  }
0x11d: {  	[sflag:s4] =	ssyncadd.s32 $0xFFFFC000  }
0x11e: {  	[tilespmem:s5], [sflag:$0x1] =	stream.indirect.gather [hbm4b:s2+s5], $0x1, s3, s5, $0xb8;
	[tilespmem:$0x8000] =	vst v63  }
0x11f: {  	_ =	swait.ge [sflag:s6], $0x4000  }
0x120: {  	[sflag:s6] =	ssyncset.done $0x0  }
0x121: {  	s9 =	sadd.s32 s0, s9;
	[sflag:s6] =	ssyncadd.s32 $0xFFFFC000  }
0x122: {  	[hbm4b:s9+s3] =	stream.linear.scatter [tilespmem:s5], [sflag:$0x2], $0x4000, $0x38;
	[tilespmem:$0x8000] =	vst v63  }
0x123: {  	_ =	swait.ge [sflag:s4], $0x4000  }
0x124: {  	s11 =	sadd.s32 $0xA000, s31;
	[sflag:s4] =	ssyncset.done $0x0  }
0x125: {  	s10 =	sadd.s32 s29, s11;
	[sflag:s4] =	ssyncadd.s32 $0xFFFFC000  }
0x126: {  	[tilespmem:s3], [sflag:$0x2] =	stream.linear.gather [hbm4b:s10+s3], $0x4000, $0x38;
	[tilespmem:$0x8000] =	vst v63  }
0x127: {  	_ =	swait.ge [sflag:s4], $0x4000  }
0x128: {  	[sflag:s4] =	ssyncset.done $0x0  }
0x129: {  	[sflag:s4] =	ssyncadd.s32 $0xFFFFC000  }
0x12a: {  	[tilespmem:s5], [sflag:$0x1] =	stream.indirect.gather [hbm4b:s2+s5], $0x1, s3, s5, $0xb8;
	[tilespmem:$0x8000] =	vst v63  }
0x12b: {  	_ =	swait.ge [sflag:s6], $0x4000  }
0x12c: {  	[sflag:s6] =	ssyncset.done $0x0  }
0x12d: {  	s11 =	sadd.s32 s0, s11;
	[sflag:s6] =	ssyncadd.s32 $0xFFFFC000  }
0x12e: {  	[hbm4b:s11+s3] =	stream.linear.scatter [tilespmem:s5], [sflag:$0x2], $0x4000, $0x38;
	[tilespmem:$0x8000] =	vst v63  }
0x12f: {  	_ =	swait.ge [sflag:s4], $0x4000  }
0x130: {  	s13 =	sadd.s32 $0xA800, s31;
	[sflag:s4] =	ssyncset.done $0x0  }
0x131: {  	s12 =	sadd.s32 s29, s13;
	[sflag:s4] =	ssyncadd.s32 $0xFFFFC000  }
0x132: {  	[tilespmem:s3], [sflag:$0x2] =	stream.linear.gather [hbm4b:s12+s3], $0x4000, $0x38;
	[tilespmem:$0x8000] =	vst v63  }
0x133: {  	_ =	swait.ge [sflag:s4], $0x4000  }
0x134: {  	[sflag:s4] =	ssyncset.done $0x0  }
0x135: {  	[sflag:s4] =	ssyncadd.s32 $0xFFFFC000  }
0x136: {  	[tilespmem:s5], [sflag:$0x1] =	stream.indirect.gather [hbm4b:s2+s5], $0x1, s3, s5, $0xb8;
	[tilespmem:$0x8000] =	vst v63  }
0x137: {  	_ =	swait.ge [sflag:s6], $0x4000  }
0x138: {  	[sflag:s6] =	ssyncset.done $0x0  }
0x139: {  	s13 =	sadd.s32 s0, s13;
	[sflag:s6] =	ssyncadd.s32 $0xFFFFC000  }
0x13a: {  	[hbm4b:s13+s3] =	stream.linear.scatter [tilespmem:s5], [sflag:$0x2], $0x4000, $0x38;
	[tilespmem:$0x8000] =	vst v63  }
0x13b: {  	_ =	swait.ge [sflag:s4], $0x4000  }
0x13c: {  	s15 =	sadd.s32 $0xB000, s31;
	[sflag:s4] =	ssyncset.done $0x0  }
0x13d: {  	s14 =	sadd.s32 s29, s15;
	[sflag:s4] =	ssyncadd.s32 $0xFFFFC000  }
0x13e: {  	[tilespmem:s3], [sflag:$0x2] =	stream.linear.gather [hbm4b:s14+s3], $0x4000, $0x38;
	[tilespmem:$0x8000] =	vst v63  }
0x13f: {  	_ =	swait.ge [sflag:s4], $0x4000  }
0x140: {  	[sflag:s4] =	ssyncset.done $0x0  }
0x141: {  	[sflag:s4] =	ssyncadd.s32 $0xFFFFC000  }
0x142: {  	[tilespmem:s5], [sflag:$0x1] =	stream.indirect.gather [hbm4b:s2+s5], $0x1, s3, s5, $0xb8;
	[tilespmem:$0x8000] =	vst v63  }
0x143: {  	_ =	swait.ge [sflag:s6], $0x4000  }
0x144: {  	[sflag:s6] =	ssyncset.done $0x0  }
0x145: {  	s15 =	sadd.s32 s0, s15;
	[sflag:s6] =	ssyncadd.s32 $0xFFFFC000  }
0x146: {  	[hbm4b:s15+s3] =	stream.linear.scatter [tilespmem:s5], [sflag:$0x2], $0x4000, $0x38;
	[tilespmem:$0x8000] =	vst v63  }
0x147: {  	_ =	swait.ge [sflag:s4], $0x4000  }
0x148: {  	s17 =	sadd.s32 $0xB800, s31;
	[sflag:s4] =	ssyncset.done $0x0  }
0x149: {  	s16 =	sadd.s32 s29, s17;
	[sflag:s4] =	ssyncadd.s32 $0xFFFFC000  }
0x14a: {  	[tilespmem:s3], [sflag:$0x2] =	stream.linear.gather [hbm4b:s16+s3], $0x4000, $0x38;
	[tilespmem:$0x8000] =	vst v63  }
0x14b: {  	_ =	swait.ge [sflag:s4], $0x4000  }
0x14c: {  	[sflag:s4] =	ssyncset.done $0x0  }
0x14d: {  	[sflag:s4] =	ssyncadd.s32 $0xFFFFC000  }
0x14e: {  	[tilespmem:s5], [sflag:$0x1] =	stream.indirect.gather [hbm4b:s2+s5], $0x1, s3, s5, $0xb8;
	[tilespmem:$0x8000] =	vst v63  }
0x14f: {  	_ =	swait.ge [sflag:s6], $0x4000  }
0x150: {  	[sflag:s6] =	ssyncset.done $0x0  }
0x151: {  	s17 =	sadd.s32 s0, s17;
	[sflag:s6] =	ssyncadd.s32 $0xFFFFC000  }
0x152: {  	[hbm4b:s17+s3] =	stream.linear.scatter [tilespmem:s5], [sflag:$0x2], $0x4000, $0x38;
	[tilespmem:$0x8000] =	vst v63  }
0x153: {  	_ =	swait.ge [sflag:s4], $0x4000  }
0x154: {  	s19 =	sadd.s32 $0xC000, s31;
	[sflag:s4] =	ssyncset.done $0x0  }
0x155: {  	s18 =	sadd.s32 s29, s19;
	[sflag:s4] =	ssyncadd.s32 $0xFFFFC000  }
0x156: {  	[tilespmem:s3], [sflag:$0x2] =	stream.linear.gather [hbm4b:s18+s3], $0x4000, $0x38;
	[tilespmem:$0x8000] =	vst v63  }
0x157: {  	_ =	swait.ge [sflag:s4], $0x4000  }
0x158: {  	[sflag:s4] =	ssyncset.done $0x0  }
0x159: {  	[sflag:s4] =	ssyncadd.s32 $0xFFFFC000  }
0x15a: {  	[tilespmem:s5], [sflag:$0x1] =	stream.indirect.gather [hbm4b:s2+s5], $0x1, s3, s5, $0xb8;
	[tilespmem:$0x8000] =	vst v63  }
0x15b: {  	_ =	swait.ge [sflag:s6], $0x4000  }
0x15c: {  	[sflag:s6] =	ssyncset.done $0x0  }
0x15d: {  	s19 =	sadd.s32 s0, s19;
	[sflag:s6] =	ssyncadd.s32 $0xFFFFC000  }
0x15e: {  	[hbm4b:s19+s3] =	stream.linear.scatter [tilespmem:s5], [sflag:$0x2], $0x4000, $0x38;
	[tilespmem:$0x8000] =	vst v63  }
0x15f: {  	_ =	swait.ge [sflag:s4], $0x4000  }
0x160: {  	s21 =	sadd.s32 $0xC800, s31;
	[sflag:s4] =	ssyncset.done $0x0  }
0x161: {  	s20 =	sadd.s32 s29, s21;
	[sflag:s4] =	ssyncadd.s32 $0xFFFFC000  }
0x162: {  	[tilespmem:s3], [sflag:$0x2] =	stream.linear.gather [hbm4b:s20+s3], $0x4000, $0x38;
	[tilespmem:$0x8000] =	vst v63  }
0x163: {  	_ =	swait.ge [sflag:s4], $0x4000  }
0x164: {  	[sflag:s4] =	ssyncset.done $0x0  }
0x165: {  	[sflag:s4] =	ssyncadd.s32 $0xFFFFC000  }
0x166: {  	[tilespmem:s5], [sflag:$0x1] =	stream.indirect.gather [hbm4b:s2+s5], $0x1, s3, s5, $0xb8;
	[tilespmem:$0x8000] =	vst v63  }
0x167: {  	_ =	swait.ge [sflag:s6], $0x4000  }
0x168: {  	[sflag:s6] =	ssyncset.done $0x0  }
0x169: {  	s21 =	sadd.s32 s0, s21;
	[sflag:s6] =	ssyncadd.s32 $0xFFFFC000  }
0x16a: {  	[hbm4b:s21+s3] =	stream.linear.scatter [tilespmem:s5], [sflag:$0x2], $0x4000, $0x38;
	[tilespmem:$0x8000] =	vst v63  }
0x16b: {  	_ =	swait.ge [sflag:s4], $0x4000  }
0x16c: {  	s23 =	sadd.s32 $0xD000, s31;
	[sflag:s4] =	ssyncset.done $0x0  }
0x16d: {  	s22 =	sadd.s32 s29, s23;
	[sflag:s4] =	ssyncadd.s32 $0xFFFFC000  }
0x16e: {  	[tilespmem:s3], [sflag:$0x2] =	stream.linear.gather [hbm4b:s22+s3], $0x4000, $0x38;
	[tilespmem:$0x8000] =	vst v63  }
0x16f: {  	_ =	swait.ge [sflag:s4], $0x4000  }
0x170: {  	[sflag:s4] =	ssyncset.done $0x0  }
0x171: {  	[sflag:s4] =	ssyncadd.s32 $0xFFFFC000  }
0x172: {  	[tilespmem:s5], [sflag:$0x1] =	stream.indirect.gather [hbm4b:s2+s5], $0x1, s3, s5, $0xb8;
	[tilespmem:$0x8000] =	vst v63  }
0x173: {  	_ =	swait.ge [sflag:s6], $0x4000  }
0x174: {  	[sflag:s6] =	ssyncset.done $0x0  }
0x175: {  	s23 =	sadd.s32 s0, s23;
	[sflag:s6] =	ssyncadd.s32 $0xFFFFC000  }
0x176: {  	[hbm4b:s23+s3] =	stream.linear.scatter [tilespmem:s5], [sflag:$0x2], $0x4000, $0x38;
	[tilespmem:$0x8000] =	vst v63  }
0x177: {  	_ =	swait.ge [sflag:s4], $0x4000  }
0x178: {  	s25 =	sadd.s32 $0xD800, s31;
	[sflag:s4] =	ssyncset.done $0x0  }
0x179: {  	s24 =	sadd.s32 s29, s25;
	[sflag:s4] =	ssyncadd.s32 $0xFFFFC000  }
0x17a: {  	[tilespmem:s3], [sflag:$0x2] =	stream.linear.gather [hbm4b:s24+s3], $0x4000, $0x38;
	[tilespmem:$0x8000] =	vst v63  }
0x17b: {  	_ =	swait.ge [sflag:s4], $0x4000  }
0x17c: {  	[sflag:s4] =	ssyncset.done $0x0  }
0x17d: {  	[sflag:s4] =	ssyncadd.s32 $0xFFFFC000  }
0x17e: {  	[tilespmem:s5], [sflag:$0x1] =	stream.indirect.gather [hbm4b:s2+s5], $0x1, s3, s5, $0xb8;
	[tilespmem:$0x8000] =	vst v63  }
0x17f: {  	_ =	swait.ge [sflag:s6], $0x4000  }
0x180: {  	[sflag:s6] =	ssyncset.done $0x0  }
0x181: {  	s25 =	sadd.s32 s0, s25;
	[sflag:s6] =	ssyncadd.s32 $0xFFFFC000  }
0x182: {  	[hbm4b:s25+s3] =	stream.linear.scatter [tilespmem:s5], [sflag:$0x2], $0x4000, $0x38;
	[tilespmem:$0x8000] =	vst v63  }
0x183: {  	_ =	swait.ge [sflag:s4], $0x4000  }
0x184: {  	s28 =	sadd.s32 $0xE000, s31;
	[sflag:s4] =	ssyncset.done $0x0  }
0x185: {  	s26 =	sadd.s32 s29, s28;
	[sflag:s4] =	ssyncadd.s32 $0xFFFFC000  }
0x186: {  	[tilespmem:s3], [sflag:$0x2] =	stream.linear.gather [hbm4b:s26+s3], $0x4000, $0x38;
	[tilespmem:$0x8000] =	vst v63  }
0x187: {  	_ =	swait.ge [sflag:s4], $0x4000  }
0x188: {  	[sflag:s4] =	ssyncset.done $0x0  }
0x189: {  	[sflag:s4] =	ssyncadd.s32 $0xFFFFC000  }
0x18a: {  	[tilespmem:s5], [sflag:$0x1] =	stream.indirect.gather [hbm4b:s2+s5], $0x1, s3, s5, $0xb8;
	[tilespmem:$0x8000] =	vst v63  }
0x18b: {  	_ =	swait.ge [sflag:s6], $0x4000  }
0x18c: {  	[sflag:s6] =	ssyncset.done $0x0  }
0x18d: {  	s28 =	sadd.s32 s0, s28;
	[sflag:s6] =	ssyncadd.s32 $0xFFFFC000  }
0x18e: {  	[hbm4b:s28+s3] =	stream.linear.scatter [tilespmem:s5], [sflag:$0x2], $0x4000, $0x38;
	[tilespmem:$0x8000] =	vst v63  }
0x18f: {  	_ =	swait.ge [sflag:s4], $0x4000  }
0x190: {  	s31 =	sadd.s32 $0xE800, s31;
	[sflag:s4] =	ssyncset.done $0x0  }
0x191: {  	s29 =	sadd.s32 s29, s31;
	s0 =	ssub.s32 $0x2, s30;
	[sflag:s4] =	ssyncadd.s32 $0xFFFFC000  }
0x192: {  	[tilespmem:s3], [sflag:$0x2] =	stream.linear.gather [hbm4b:s29+s3], $0x9A0, $0x38;
	[tilespmem:$0x8000] =	vst v63  }
0x193: {  	s1 =	sshrl.u32 s0, $0x1;
	_ =	swait.ge [sflag:s4], $0x9A0  }
0x194: {  	s0 =	ssub.s32 s0, s1;
	[sflag:s4] =	ssyncset.done $0x0  }
0x195: {  	s30 =	simm.s32 $0x9A0;
	s0 =	smax.u32 s0, $0x1;
	[sflag:s4] =	ssyncadd.s32 $0xFFFFF660  }
0x196: {  	[tilespmem:s5], [sflag:$0x1] =	stream.indirect.gather [hbm4b:s2+s30], $0x1, s3, s30, $0xb8;
	[tilespmem:$0x8000] =	vst v63  }
0x197: {  	p0 =	sne.s32 s0, $0x1;
	_ =	swait.ge [sflag:s6], $0x9A0  }
.Ltmp0:
0x198: {  	[sflag:s6] =	ssyncset.done $0x0;
	(pc) =	sbr.rel @!p0 .LBB2_2-.Ltmp0, $4  }
0x199: {  	s1 =	rddreg [dreg:$0x1]  }
0x19a: {  	[sflag:s6] =	ssyncadd.s32 $0xFFFFF660;
	s31 =	sadd.s32 s1, s31  }
0x19b: {  	[hbm4b:s31+s3] =	stream.linear.scatter [tilespmem:s5], [sflag:$0x2], $0x9A0, $0x38;
	[tilespmem:$0x8000] =	vst v63  }
0x19c: {  	s1 =	sadd.s32 $0xFFFFFFFF, s0;
	_ =	swait.ge [sflag:s4], $0x9A0  }
.LBB2_1:
0x19d: {  	[sflag:s4] =	ssyncset.done $0x0  }
0x19e: {  	s0 =	rddreg [dreg:$0x3];
	[sflag:s4] =	ssyncadd.s32 $0xFFFFF660  }
0x19f: {  	[tilespmem:s3], [sflag:$0x2] =	stream.linear.gather [hbm4b:s0+s3], $0x4000, $0x38;
	[tilespmem:$0x8000] =	vst v63  }
0x1a0: {  	_ =	swait.ge [sflag:s4], $0x4000  }
0x1a1: {  	[sflag:s4] =	ssyncset.done $0x0  }
0x1a2: {  	[sflag:s4] =	ssyncadd.s32 $0xFFFFC000  }
0x1a3: {  	[tilespmem:s5], [sflag:$0x1] =	stream.indirect.gather [hbm4b:s2+s5], $0x1, s3, s5, $0xb8;
	[tilespmem:$0x8000] =	vst v63  }
0x1a4: {  	_ =	swait.ge [sflag:s6], $0x4000  }
0x1a5: {  	[sflag:s6] =	ssyncset.done $0x0  }
0x1a6: {  	s0 =	rddreg [dreg:$0x4];
	[sflag:s6] =	ssyncadd.s32 $0xFFFFC000  }
0x1a7: {  	[hbm4b:s0+s3] =	stream.linear.scatter [tilespmem:s5], [sflag:$0x2], $0x4000, $0x38;
	[tilespmem:$0x8000] =	vst v63  }
0x1a8: {  	_ =	swait.ge [sflag:s4], $0x4000  }
0x1a9: {  	[sflag:s4] =	ssyncset.done $0x0  }
0x1aa: {  	s0 =	rddreg [dreg:$0x5];
	[sflag:s4] =	ssyncadd.s32 $0xFFFFC000  }
0x1ab: {  	[tilespmem:s3], [sflag:$0x2] =	stream.linear.gather [hbm4b:s0+s3], $0x4000, $0x38;
	[tilespmem:$0x8000] =	vst v63  }
0x1ac: {  	_ =	swait.ge [sflag:s4], $0x4000  }
0x1ad: {  	[sflag:s4] =	ssyncset.done $0x0  }
0x1ae: {  	[sflag:s4] =	ssyncadd.s32 $0xFFFFC000  }
0x1af: {  	[tilespmem:s5], [sflag:$0x1] =	stream.indirect.gather [hbm4b:s2+s5], $0x1, s3, s5, $0xb8;
	[tilespmem:$0x8000] =	vst v63  }
0x1b0: {  	_ =	swait.ge [sflag:s6], $0x4000  }
0x1b1: {  	[sflag:s6] =	ssyncset.done $0x0  }
0x1b2: {  	s0 =	rddreg [dreg:$0x6];
	[sflag:s6] =	ssyncadd.s32 $0xFFFFC000  }
0x1b3: {  	[hbm4b:s0+s3] =	stream.linear.scatter [tilespmem:s5], [sflag:$0x2], $0x4000, $0x38;
	[tilespmem:$0x8000] =	vst v63  }
0x1b4: {  	_ =	swait.ge [sflag:s4], $0x4000  }
0x1b5: {  	[sflag:s4] =	ssyncset.done $0x0  }
0x1b6: {  	s0 =	rddreg [dreg:$0x7];
	[sflag:s4] =	ssyncadd.s32 $0xFFFFC000  }
0x1b7: {  	[tilespmem:s3], [sflag:$0x2] =	stream.linear.gather [hbm4b:s0+s3], $0x4000, $0x38;
	[tilespmem:$0x8000] =	vst v63  }
0x1b8: {  	_ =	swait.ge [sflag:s4], $0x4000  }
0x1b9: {  	[sflag:s4] =	ssyncset.done $0x0  }
0x1ba: {  	[sflag:s4] =	ssyncadd.s32 $0xFFFFC000  }
0x1bb: {  	[tilespmem:s5], [sflag:$0x1] =	stream.indirect.gather [hbm4b:s2+s5], $0x1, s3, s5, $0xb8;
	[tilespmem:$0x8000] =	vst v63  }
0x1bc: {  	_ =	swait.ge [sflag:s6], $0x4000  }
0x1bd: {  	[sflag:s6] =	ssyncset.done $0x0  }
0x1be: {  	s0 =	rddreg [dreg:$0x8];
	[sflag:s6] =	ssyncadd.s32 $0xFFFFC000  }
0x1bf: {  	[hbm4b:s0+s3] =	stream.linear.scatter [tilespmem:s5], [sflag:$0x2], $0x4000, $0x38;
	[tilespmem:$0x8000] =	vst v63  }
0x1c0: {  	_ =	swait.ge [sflag:s4], $0x4000  }
0x1c1: {  	[sflag:s4] =	ssyncset.done $0x0  }
0x1c2: {  	s0 =	rddreg [dreg:$0x9];
	[sflag:s4] =	ssyncadd.s32 $0xFFFFC000  }
0x1c3: {  	[tilespmem:s3], [sflag:$0x2] =	stream.linear.gather [hbm4b:s0+s3], $0x4000, $0x38;
	[tilespmem:$0x8000] =	vst v63  }
0x1c4: {  	_ =	swait.ge [sflag:s4], $0x4000  }
0x1c5: {  	[sflag:s4] =	ssyncset.done $0x0  }
0x1c6: {  	[sflag:s4] =	ssyncadd.s32 $0xFFFFC000  }
0x1c7: {  	[tilespmem:s5], [sflag:$0x1] =	stream.indirect.gather [hbm4b:s2+s5], $0x1, s3, s5, $0xb8;
	[tilespmem:$0x8000] =	vst v63  }
0x1c8: {  	_ =	swait.ge [sflag:s6], $0x4000  }
0x1c9: {  	[sflag:s6] =	ssyncset.done $0x0  }
0x1ca: {  	s0 =	rddreg [dreg:$0xa];
	[sflag:s6] =	ssyncadd.s32 $0xFFFFC000  }
0x1cb: {  	[hbm4b:s0+s3] =	stream.linear.scatter [tilespmem:s5], [sflag:$0x2], $0x4000, $0x38;
	[tilespmem:$0x8000] =	vst v63  }
0x1cc: {  	_ =	swait.ge [sflag:s4], $0x4000  }
0x1cd: {  	[sflag:s4] =	ssyncset.done $0x0  }
0x1ce: {  	s0 =	rddreg [dreg:$0xb];
	[sflag:s4] =	ssyncadd.s32 $0xFFFFC000  }
0x1cf: {  	[tilespmem:s3], [sflag:$0x2] =	stream.linear.gather [hbm4b:s0+s3], $0x4000, $0x38;
	[tilespmem:$0x8000] =	vst v63  }
0x1d0: {  	_ =	swait.ge [sflag:s4], $0x4000  }
0x1d1: {  	[sflag:s4] =	ssyncset.done $0x0  }
0x1d2: {  	[sflag:s4] =	ssyncadd.s32 $0xFFFFC000  }
0x1d3: {  	[tilespmem:s5], [sflag:$0x1] =	stream.indirect.gather [hbm4b:s2+s5], $0x1, s3, s5, $0xb8;
	[tilespmem:$0x8000] =	vst v63  }
0x1d4: {  	_ =	swait.ge [sflag:s6], $0x4000  }
0x1d5: {  	[sflag:s6] =	ssyncset.done $0x0  }
0x1d6: {  	s0 =	rddreg [dreg:$0xc];
	[sflag:s6] =	ssyncadd.s32 $0xFFFFC000  }
0x1d7: {  	[hbm4b:s0+s3] =	stream.linear.scatter [tilespmem:s5], [sflag:$0x2], $0x4000, $0x38;
	[tilespmem:$0x8000] =	vst v63  }
0x1d8: {  	_ =	swait.ge [sflag:s4], $0x4000  }
0x1d9: {  	[sflag:s4] =	ssyncset.done $0x0  }
0x1da: {  	s0 =	rddreg [dreg:$0xd];
	[sflag:s4] =	ssyncadd.s32 $0xFFFFC000  }
0x1db: {  	[tilespmem:s3], [sflag:$0x2] =	stream.linear.gather [hbm4b:s0+s3], $0x4000, $0x38;
	[tilespmem:$0x8000] =	vst v63  }
0x1dc: {  	_ =	swait.ge [sflag:s4], $0x4000  }
0x1dd: {  	[sflag:s4] =	ssyncset.done $0x0  }
0x1de: {  	[sflag:s4] =	ssyncadd.s32 $0xFFFFC000  }
0x1df: {  	[tilespmem:s5], [sflag:$0x1] =	stream.indirect.gather [hbm4b:s2+s5], $0x1, s3, s5, $0xb8;
	[tilespmem:$0x8000] =	vst v63  }
0x1e0: {  	_ =	swait.ge [sflag:s6], $0x4000  }
0x1e1: {  	[sflag:s6] =	ssyncset.done $0x0  }
0x1e2: {  	s0 =	rddreg [dreg:$0xe];
	[sflag:s6] =	ssyncadd.s32 $0xFFFFC000  }
0x1e3: {  	[hbm4b:s0+s3] =	stream.linear.scatter [tilespmem:s5], [sflag:$0x2], $0x4000, $0x38;
	[tilespmem:$0x8000] =	vst v63  }
0x1e4: {  	_ =	swait.ge [sflag:s4], $0x4000  }
0x1e5: {  	[sflag:s4] =	ssyncset.done $0x0  }
0x1e6: {  	s0 =	rddreg [dreg:$0xf];
	[sflag:s4] =	ssyncadd.s32 $0xFFFFC000  }
0x1e7: {  	[tilespmem:s3], [sflag:$0x2] =	stream.linear.gather [hbm4b:s0+s3], $0x4000, $0x38;
	[tilespmem:$0x8000] =	vst v63  }
0x1e8: {  	_ =	swait.ge [sflag:s4], $0x4000  }
0x1e9: {  	[sflag:s4] =	ssyncset.done $0x0  }
0x1ea: {  	[sflag:s4] =	ssyncadd.s32 $0xFFFFC000  }
0x1eb: {  	[tilespmem:s5], [sflag:$0x1] =	stream.indirect.gather [hbm4b:s2+s5], $0x1, s3, s5, $0xb8;
	[tilespmem:$0x8000] =	vst v63  }
0x1ec: {  	_ =	swait.ge [sflag:s6], $0x4000  }
0x1ed: {  	[sflag:s6] =	ssyncset.done $0x0  }
0x1ee: {  	s0 =	rddreg [dreg:$0x10];
	[sflag:s6] =	ssyncadd.s32 $0xFFFFC000  }
0x1ef: {  	[hbm4b:s0+s3] =	stream.linear.scatter [tilespmem:s5], [sflag:$0x2], $0x4000, $0x38;
	[tilespmem:$0x8000] =	vst v63  }
0x1f0: {  	_ =	swait.ge [sflag:s4], $0x4000  }
0x1f1: {  	[sflag:s4] =	ssyncset.done $0x0  }
0x1f2: {  	s0 =	rddreg [dreg:$0x11];
	[sflag:s4] =	ssyncadd.s32 $0xFFFFC000  }
0x1f3: {  	[tilespmem:s3], [sflag:$0x2] =	stream.linear.gather [hbm4b:s0+s3], $0x4000, $0x38;
	[tilespmem:$0x8000] =	vst v63  }
0x1f4: {  	_ =	swait.ge [sflag:s4], $0x4000  }
0x1f5: {  	[sflag:s4] =	ssyncset.done $0x0  }
0x1f6: {  	[sflag:s4] =	ssyncadd.s32 $0xFFFFC000  }
0x1f7: {  	[tilespmem:s5], [sflag:$0x1] =	stream.indirect.gather [hbm4b:s2+s5], $0x1, s3, s5, $0xb8;
	[tilespmem:$0x8000] =	vst v63  }
0x1f8: {  	_ =	swait.ge [sflag:s6], $0x4000  }
0x1f9: {  	[sflag:s6] =	ssyncset.done $0x0  }
0x1fa: {  	s0 =	rddreg [dreg:$0x12];
	[sflag:s6] =	ssyncadd.s32 $0xFFFFC000  }
0x1fb: {  	[hbm4b:s0+s3] =	stream.linear.scatter [tilespmem:s5], [sflag:$0x2], $0x4000, $0x38;
	[tilespmem:$0x8000] =	vst v63  }
0x1fc: {  	_ =	swait.ge [sflag:s4], $0x4000  }
0x1fd: {  	[sflag:s4] =	ssyncset.done $0x0  }
0x1fe: {  	s0 =	rddreg [dreg:$0x13];
	[sflag:s4] =	ssyncadd.s32 $0xFFFFC000  }
0x1ff: {  	[tilespmem:s3], [sflag:$0x2] =	stream.linear.gather [hbm4b:s0+s3], $0x4000, $0x38;
	[tilespmem:$0x8000] =	vst v63  }
0x200: {  	_ =	swait.ge [sflag:s4], $0x4000  }
0x201: {  	[sflag:s4] =	ssyncset.done $0x0  }
0x202: {  	[sflag:s4] =	ssyncadd.s32 $0xFFFFC000  }
0x203: {  	[tilespmem:s5], [sflag:$0x1] =	stream.indirect.gather [hbm4b:s2+s5], $0x1, s3, s5, $0xb8;
	[tilespmem:$0x8000] =	vst v63  }
0x204: {  	_ =	swait.ge [sflag:s6], $0x4000  }
0x205: {  	[sflag:s6] =	ssyncset.done $0x0  }
0x206: {  	s0 =	rddreg [dreg:$0x14];
	[sflag:s6] =	ssyncadd.s32 $0xFFFFC000  }
0x207: {  	[hbm4b:s0+s3] =	stream.linear.scatter [tilespmem:s5], [sflag:$0x2], $0x4000, $0x38;
	[tilespmem:$0x8000] =	vst v63  }
0x208: {  	_ =	swait.ge [sflag:s4], $0x4000  }
0x209: {  	[sflag:s4] =	ssyncset.done $0x0  }
0x20a: {  	s0 =	rddreg [dreg:$0x15];
	[sflag:s4] =	ssyncadd.s32 $0xFFFFC000  }
0x20b: {  	[tilespmem:s3], [sflag:$0x2] =	stream.linear.gather [hbm4b:s0+s3], $0x4000, $0x38;
	[tilespmem:$0x8000] =	vst v63  }
0x20c: {  	_ =	swait.ge [sflag:s4], $0x4000  }
0x20d: {  	[sflag:s4] =	ssyncset.done $0x0  }
0x20e: {  	[sflag:s4] =	ssyncadd.s32 $0xFFFFC000  }
0x20f: {  	[tilespmem:s5], [sflag:$0x1] =	stream.indirect.gather [hbm4b:s2+s5], $0x1, s3, s5, $0xb8;
	[tilespmem:$0x8000] =	vst v63  }
0x210: {  	_ =	swait.ge [sflag:s6], $0x4000  }
0x211: {  	[sflag:s6] =	ssyncset.done $0x0  }
0x212: {  	s0 =	rddreg [dreg:$0x16];
	[sflag:s6] =	ssyncadd.s32 $0xFFFFC000  }
0x213: {  	[hbm4b:s0+s3] =	stream.linear.scatter [tilespmem:s5], [sflag:$0x2], $0x4000, $0x38;
	[tilespmem:$0x8000] =	vst v63  }
0x214: {  	_ =	swait.ge [sflag:s4], $0x4000  }
0x215: {  	[sflag:s4] =	ssyncset.done $0x0  }
0x216: {  	s0 =	rddreg [dreg:$0x17];
	[sflag:s4] =	ssyncadd.s32 $0xFFFFC000  }
0x217: {  	[tilespmem:s3], [sflag:$0x2] =	stream.linear.gather [hbm4b:s0+s3], $0x4000, $0x38;
	[tilespmem:$0x8000] =	vst v63  }
0x218: {  	_ =	swait.ge [sflag:s4], $0x4000  }
0x219: {  	[sflag:s4] =	ssyncset.done $0x0  }
0x21a: {  	[sflag:s4] =	ssyncadd.s32 $0xFFFFC000  }
0x21b: {  	[tilespmem:s5], [sflag:$0x1] =	stream.indirect.gather [hbm4b:s2+s5], $0x1, s3, s5, $0xb8;
	[tilespmem:$0x8000] =	vst v63  }
0x21c: {  	_ =	swait.ge [sflag:s6], $0x4000  }
0x21d: {  	[sflag:s6] =	ssyncset.done $0x0  }
0x21e: {  	s0 =	rddreg [dreg:$0x18];
	[sflag:s6] =	ssyncadd.s32 $0xFFFFC000  }
0x21f: {  	[hbm4b:s0+s3] =	stream.linear.scatter [tilespmem:s5], [sflag:$0x2], $0x4000, $0x38;
	[tilespmem:$0x8000] =	vst v63  }
0x220: {  	_ =	swait.ge [sflag:s4], $0x4000  }
0x221: {  	[sflag:s4] =	ssyncset.done $0x0  }
0x222: {  	s0 =	rddreg [dreg:$0x19];
	[sflag:s4] =	ssyncadd.s32 $0xFFFFC000  }
0x223: {  	[tilespmem:s3], [sflag:$0x2] =	stream.linear.gather [hbm4b:s0+s3], $0x4000, $0x38;
	[tilespmem:$0x8000] =	vst v63  }
0x224: {  	_ =	swait.ge [sflag:s4], $0x4000  }
0x225: {  	[sflag:s4] =	ssyncset.done $0x0  }
0x226: {  	[sflag:s4] =	ssyncadd.s32 $0xFFFFC000  }
0x227: {  	[tilespmem:s5], [sflag:$0x1] =	stream.indirect.gather [hbm4b:s2+s5], $0x1, s3, s5, $0xb8;
	[tilespmem:$0x8000] =	vst v63  }
0x228: {  	_ =	swait.ge [sflag:s6], $0x4000  }
0x229: {  	[sflag:s6] =	ssyncset.done $0x0  }
0x22a: {  	s0 =	rddreg [dreg:$0x1a];
	[sflag:s6] =	ssyncadd.s32 $0xFFFFC000  }
0x22b: {  	[hbm4b:s0+s3] =	stream.linear.scatter [tilespmem:s5], [sflag:$0x2], $0x4000, $0x38;
	[tilespmem:$0x8000] =	vst v63  }
0x22c: {  	_ =	swait.ge [sflag:s4], $0x4000  }
0x22d: {  	[sflag:s4] =	ssyncset.done $0x0  }
0x22e: {  	s0 =	rddreg [dreg:$0x1b];
	[sflag:s4] =	ssyncadd.s32 $0xFFFFC000  }
0x22f: {  	[tilespmem:s3], [sflag:$0x2] =	stream.linear.gather [hbm4b:s0+s3], $0x4000, $0x38;
	[tilespmem:$0x8000] =	vst v63  }
0x230: {  	_ =	swait.ge [sflag:s4], $0x4000  }
0x231: {  	[sflag:s4] =	ssyncset.done $0x0  }
0x232: {  	[sflag:s4] =	ssyncadd.s32 $0xFFFFC000  }
0x233: {  	[tilespmem:s5], [sflag:$0x1] =	stream.indirect.gather [hbm4b:s2+s5], $0x1, s3, s5, $0xb8;
	[tilespmem:$0x8000] =	vst v63  }
0x234: {  	_ =	swait.ge [sflag:s6], $0x4000  }
0x235: {  	[sflag:s6] =	ssyncset.done $0x0  }
0x236: {  	s0 =	rddreg [dreg:$0x1c];
	[sflag:s6] =	ssyncadd.s32 $0xFFFFC000  }
0x237: {  	[hbm4b:s0+s3] =	stream.linear.scatter [tilespmem:s5], [sflag:$0x2], $0x4000, $0x38;
	[tilespmem:$0x8000] =	vst v63  }
0x238: {  	_ =	swait.ge [sflag:s4], $0x4000  }
0x239: {  	[sflag:s4] =	ssyncset.done $0x0  }
0x23a: {  	s0 =	rddreg [dreg:$0x1d];
	[sflag:s4] =	ssyncadd.s32 $0xFFFFC000  }
0x23b: {  	[tilespmem:s3], [sflag:$0x2] =	stream.linear.gather [hbm4b:s0+s3], $0x4000, $0x38;
	[tilespmem:$0x8000] =	vst v63  }
0x23c: {  	_ =	swait.ge [sflag:s4], $0x4000  }
0x23d: {  	[sflag:s4] =	ssyncset.done $0x0  }
0x23e: {  	[sflag:s4] =	ssyncadd.s32 $0xFFFFC000  }
0x23f: {  	[tilespmem:s5], [sflag:$0x1] =	stream.indirect.gather [hbm4b:s2+s5], $0x1, s3, s5, $0xb8;
	[tilespmem:$0x8000] =	vst v63  }
0x240: {  	_ =	swait.ge [sflag:s6], $0x4000  }
0x241: {  	[sflag:s6] =	ssyncset.done $0x0  }
0x242: {  	s0 =	rddreg [dreg:$0x1e];
	[sflag:s6] =	ssyncadd.s32 $0xFFFFC000  }
0x243: {  	[hbm4b:s0+s3] =	stream.linear.scatter [tilespmem:s5], [sflag:$0x2], $0x4000, $0x38;
	[tilespmem:$0x8000] =	vst v63  }
0x244: {  	_ =	swait.ge [sflag:s4], $0x4000  }
0x245: {  	[sflag:s4] =	ssyncset.done $0x0  }
0x246: {  	s0 =	rddreg [dreg:$0x1f];
	[sflag:s4] =	ssyncadd.s32 $0xFFFFC000  }
0x247: {  	[tilespmem:s3], [sflag:$0x2] =	stream.linear.gather [hbm4b:s0+s3], $0x4000, $0x38;
	[tilespmem:$0x8000] =	vst v63  }
0x248: {  	_ =	swait.ge [sflag:s4], $0x4000  }
0x249: {  	[sflag:s4] =	ssyncset.done $0x0  }
0x24a: {  	[sflag:s4] =	ssyncadd.s32 $0xFFFFC000  }
0x24b: {  	[tilespmem:s5], [sflag:$0x1] =	stream.indirect.gather [hbm4b:s2+s5], $0x1, s3, s5, $0xb8;
	[tilespmem:$0x8000] =	vst v63  }
0x24c: {  	_ =	swait.ge [sflag:s6], $0x4000  }
0x24d: {  	s0 =	sld [smem:$0x7F6]  }
0x24e: {  	[sflag:s6] =	ssyncset.done $0x0  }
0x24f: {  	[sflag:s6] =	ssyncadd.s32 $0xFFFFC000  }
0x250: {  	[hbm4b:s0+s3] =	stream.linear.scatter [tilespmem:s5], [sflag:$0x2], $0x4000, $0x38;
	[tilespmem:$0x8000] =	vst v63  }
0x251: {  	_ =	swait.ge [sflag:s4], $0x4000  }
0x252: {  	s0 =	sld [smem:$0x7F7]  }
0x253: {  	[sflag:s4] =	ssyncset.done $0x0  }
0x254: {  	[sflag:s4] =	ssyncadd.s32 $0xFFFFC000  }
0x255: {  	[tilespmem:s3], [sflag:$0x2] =	stream.linear.gather [hbm4b:s0+s3], $0x4000, $0x38;
	[tilespmem:$0x8000] =	vst v63  }
0x256: {  	_ =	swait.ge [sflag:s4], $0x4000  }
0x257: {  	[sflag:s4] =	ssyncset.done $0x0  }
0x258: {  	[sflag:s4] =	ssyncadd.s32 $0xFFFFC000  }
0x259: {  	[tilespmem:s5], [sflag:$0x1] =	stream.indirect.gather [hbm4b:s2+s5], $0x1, s3, s5, $0xb8;
	[tilespmem:$0x8000] =	vst v63  }
0x25a: {  	_ =	swait.ge [sflag:s6], $0x4000  }
0x25b: {  	s0 =	sld [smem:$0x7F8]  }
0x25c: {  	[sflag:s6] =	ssyncset.done $0x0  }
0x25d: {  	[sflag:s6] =	ssyncadd.s32 $0xFFFFC000  }
0x25e: {  	[hbm4b:s0+s3] =	stream.linear.scatter [tilespmem:s5], [sflag:$0x2], $0x4000, $0x38;
	[tilespmem:$0x8000] =	vst v63  }
0x25f: {  	_ =	swait.ge [sflag:s4], $0x4000  }
0x260: {  	s0 =	sld [smem:$0x7F9]  }
0x261: {  	[sflag:s4] =	ssyncset.done $0x0  }
0x262: {  	[sflag:s4] =	ssyncadd.s32 $0xFFFFC000  }
0x263: {  	[tilespmem:s3], [sflag:$0x2] =	stream.linear.gather [hbm4b:s0+s3], $0x4000, $0x38;
	[tilespmem:$0x8000] =	vst v63  }
0x264: {  	_ =	swait.ge [sflag:s4], $0x4000  }
0x265: {  	[sflag:s4] =	ssyncset.done $0x0  }
0x266: {  	[sflag:s4] =	ssyncadd.s32 $0xFFFFC000  }
0x267: {  	[tilespmem:s5], [sflag:$0x1] =	stream.indirect.gather [hbm4b:s2+s5], $0x1, s3, s5, $0xb8;
	[tilespmem:$0x8000] =	vst v63  }
0x268: {  	_ =	swait.ge [sflag:s6], $0x4000  }
0x269: {  	s0 =	sld [smem:$0x7FA]  }
0x26a: {  	[sflag:s6] =	ssyncset.done $0x0  }
0x26b: {  	[sflag:s6] =	ssyncadd.s32 $0xFFFFC000  }
0x26c: {  	[hbm4b:s0+s3] =	stream.linear.scatter [tilespmem:s5], [sflag:$0x2], $0x4000, $0x38;
	[tilespmem:$0x8000] =	vst v63  }
0x26d: {  	_ =	swait.ge [sflag:s4], $0x4000  }
0x26e: {  	s0 =	sld [smem:$0x7FB]  }
0x26f: {  	[sflag:s4] =	ssyncset.done $0x0  }
0x270: {  	[sflag:s4] =	ssyncadd.s32 $0xFFFFC000  }
0x271: {  	[tilespmem:s3], [sflag:$0x2] =	stream.linear.gather [hbm4b:s0+s3], $0x4000, $0x38;
	[tilespmem:$0x8000] =	vst v63  }
0x272: {  	_ =	swait.ge [sflag:s4], $0x4000  }
0x273: {  	[sflag:s4] =	ssyncset.done $0x0  }
0x274: {  	[sflag:s4] =	ssyncadd.s32 $0xFFFFC000  }
0x275: {  	[tilespmem:s5], [sflag:$0x1] =	stream.indirect.gather [hbm4b:s2+s5], $0x1, s3, s5, $0xb8;
	[tilespmem:$0x8000] =	vst v63  }
0x276: {  	_ =	swait.ge [sflag:s6], $0x4000  }
0x277: {  	s0 =	sld [smem:$0x7FC]  }
0x278: {  	[sflag:s6] =	ssyncset.done $0x0  }
0x279: {  	[sflag:s6] =	ssyncadd.s32 $0xFFFFC000  }
0x27a: {  	[hbm4b:s0+s3] =	stream.linear.scatter [tilespmem:s5], [sflag:$0x2], $0x4000, $0x38;
	[tilespmem:$0x8000] =	vst v63  }
0x27b: {  	_ =	swait.ge [sflag:s4], $0x4000  }
0x27c: {  	s0 =	sld [smem:$0x7FD]  }
0x27d: {  	[sflag:s4] =	ssyncset.done $0x0  }
0x27e: {  	[sflag:s4] =	ssyncadd.s32 $0xFFFFC000  }
0x27f: {  	[tilespmem:s3], [sflag:$0x2] =	stream.linear.gather [hbm4b:s0+s3], $0x4000, $0x38;
	[tilespmem:$0x8000] =	vst v63  }
0x280: {  	_ =	swait.ge [sflag:s4], $0x4000  }
0x281: {  	[sflag:s4] =	ssyncset.done $0x0  }
0x282: {  	[sflag:s4] =	ssyncadd.s32 $0xFFFFC000  }
0x283: {  	[tilespmem:s5], [sflag:$0x1] =	stream.indirect.gather [hbm4b:s2+s5], $0x1, s3, s5, $0xb8;
	[tilespmem:$0x8000] =	vst v63  }
0x284: {  	_ =	swait.ge [sflag:s6], $0x4000  }
0x285: {  	[sflag:s6] =	ssyncset.done $0x0  }
0x286: {  	[sflag:s6] =	ssyncadd.s32 $0xFFFFC000  }
0x287: {  	[hbm4b:s7+s3] =	stream.linear.scatter [tilespmem:s5], [sflag:$0x2], $0x4000, $0x38;
	[tilespmem:$0x8000] =	vst v63  }
0x288: {  	_ =	swait.ge [sflag:s4], $0x4000  }
0x289: {  	[sflag:s4] =	ssyncset.done $0x0  }
0x28a: {  	[sflag:s4] =	ssyncadd.s32 $0xFFFFC000  }
0x28b: {  	[tilespmem:s3], [sflag:$0x2] =	stream.linear.gather [hbm4b:s8+s3], $0x4000, $0x38;
	[tilespmem:$0x8000] =	vst v63  }
0x28c: {  	_ =	swait.ge [sflag:s4], $0x4000  }
0x28d: {  	[sflag:s4] =	ssyncset.done $0x0  }
0x28e: {  	[sflag:s4] =	ssyncadd.s32 $0xFFFFC000  }
0x28f: {  	[tilespmem:s5], [sflag:$0x1] =	stream.indirect.gather [hbm4b:s2+s5], $0x1, s3, s5, $0xb8;
	[tilespmem:$0x8000] =	vst v63  }
0x290: {  	_ =	swait.ge [sflag:s6], $0x4000  }
0x291: {  	[sflag:s6] =	ssyncset.done $0x0  }
0x292: {  	[sflag:s6] =	ssyncadd.s32 $0xFFFFC000  }
0x293: {  	[hbm4b:s9+s3] =	stream.linear.scatter [tilespmem:s5], [sflag:$0x2], $0x4000, $0x38;
	[tilespmem:$0x8000] =	vst v63  }
0x294: {  	_ =	swait.ge [sflag:s4], $0x4000  }
0x295: {  	[sflag:s4] =	ssyncset.done $0x0  }
0x296: {  	[sflag:s4] =	ssyncadd.s32 $0xFFFFC000  }
0x297: {  	[tilespmem:s3], [sflag:$0x2] =	stream.linear.gather [hbm4b:s10+s3], $0x4000, $0x38;
	[tilespmem:$0x8000] =	vst v63  }
0x298: {  	_ =	swait.ge [sflag:s4], $0x4000  }
0x299: {  	[sflag:s4] =	ssyncset.done $0x0  }
0x29a: {  	[sflag:s4] =	ssyncadd.s32 $0xFFFFC000  }
0x29b: {  	[tilespmem:s5], [sflag:$0x1] =	stream.indirect.gather [hbm4b:s2+s5], $0x1, s3, s5, $0xb8;
	[tilespmem:$0x8000] =	vst v63  }
0x29c: {  	_ =	swait.ge [sflag:s6], $0x4000  }
0x29d: {  	[sflag:s6] =	ssyncset.done $0x0  }
0x29e: {  	[sflag:s6] =	ssyncadd.s32 $0xFFFFC000  }
0x29f: {  	[hbm4b:s11+s3] =	stream.linear.scatter [tilespmem:s5], [sflag:$0x2], $0x4000, $0x38;
	[tilespmem:$0x8000] =	vst v63  }
0x2a0: {  	_ =	swait.ge [sflag:s4], $0x4000  }
0x2a1: {  	[sflag:s4] =	ssyncset.done $0x0  }
0x2a2: {  	[sflag:s4] =	ssyncadd.s32 $0xFFFFC000  }
0x2a3: {  	[tilespmem:s3], [sflag:$0x2] =	stream.linear.gather [hbm4b:s12+s3], $0x4000, $0x38;
	[tilespmem:$0x8000] =	vst v63  }
0x2a4: {  	_ =	swait.ge [sflag:s4], $0x4000  }
0x2a5: {  	[sflag:s4] =	ssyncset.done $0x0  }
0x2a6: {  	[sflag:s4] =	ssyncadd.s32 $0xFFFFC000  }
0x2a7: {  	[tilespmem:s5], [sflag:$0x1] =	stream.indirect.gather [hbm4b:s2+s5], $0x1, s3, s5, $0xb8;
	[tilespmem:$0x8000] =	vst v63  }
0x2a8: {  	_ =	swait.ge [sflag:s6], $0x4000  }
0x2a9: {  	[sflag:s6] =	ssyncset.done $0x0  }
0x2aa: {  	[sflag:s6] =	ssyncadd.s32 $0xFFFFC000  }
0x2ab: {  	[hbm4b:s13+s3] =	stream.linear.scatter [tilespmem:s5], [sflag:$0x2], $0x4000, $0x38;
	[tilespmem:$0x8000] =	vst v63  }
0x2ac: {  	_ =	swait.ge [sflag:s4], $0x4000  }
0x2ad: {  	[sflag:s4] =	ssyncset.done $0x0  }
0x2ae: {  	[sflag:s4] =	ssyncadd.s32 $0xFFFFC000  }
0x2af: {  	[tilespmem:s3], [sflag:$0x2] =	stream.linear.gather [hbm4b:s14+s3], $0x4000, $0x38;
	[tilespmem:$0x8000] =	vst v63  }
0x2b0: {  	_ =	swait.ge [sflag:s4], $0x4000  }
0x2b1: {  	[sflag:s4] =	ssyncset.done $0x0  }
0x2b2: {  	[sflag:s4] =	ssyncadd.s32 $0xFFFFC000  }
0x2b3: {  	[tilespmem:s5], [sflag:$0x1] =	stream.indirect.gather [hbm4b:s2+s5], $0x1, s3, s5, $0xb8;
	[tilespmem:$0x8000] =	vst v63  }
0x2b4: {  	_ =	swait.ge [sflag:s6], $0x4000  }
0x2b5: {  	[sflag:s6] =	ssyncset.done $0x0  }
0x2b6: {  	[sflag:s6] =	ssyncadd.s32 $0xFFFFC000  }
0x2b7: {  	[hbm4b:s15+s3] =	stream.linear.scatter [tilespmem:s5], [sflag:$0x2], $0x4000, $0x38;
	[tilespmem:$0x8000] =	vst v63  }
0x2b8: {  	_ =	swait.ge [sflag:s4], $0x4000  }
0x2b9: {  	[sflag:s4] =	ssyncset.done $0x0  }
0x2ba: {  	[sflag:s4] =	ssyncadd.s32 $0xFFFFC000  }
0x2bb: {  	[tilespmem:s3], [sflag:$0x2] =	stream.linear.gather [hbm4b:s16+s3], $0x4000, $0x38;
	[tilespmem:$0x8000] =	vst v63  }
0x2bc: {  	_ =	swait.ge [sflag:s4], $0x4000  }
0x2bd: {  	[sflag:s4] =	ssyncset.done $0x0  }
0x2be: {  	[sflag:s4] =	ssyncadd.s32 $0xFFFFC000  }
0x2bf: {  	[tilespmem:s5], [sflag:$0x1] =	stream.indirect.gather [hbm4b:s2+s5], $0x1, s3, s5, $0xb8;
	[tilespmem:$0x8000] =	vst v63  }
0x2c0: {  	_ =	swait.ge [sflag:s6], $0x4000  }
0x2c1: {  	[sflag:s6] =	ssyncset.done $0x0  }
0x2c2: {  	[sflag:s6] =	ssyncadd.s32 $0xFFFFC000  }
0x2c3: {  	[hbm4b:s17+s3] =	stream.linear.scatter [tilespmem:s5], [sflag:$0x2], $0x4000, $0x38;
	[tilespmem:$0x8000] =	vst v63  }
0x2c4: {  	_ =	swait.ge [sflag:s4], $0x4000  }
0x2c5: {  	[sflag:s4] =	ssyncset.done $0x0  }
0x2c6: {  	[sflag:s4] =	ssyncadd.s32 $0xFFFFC000  }
0x2c7: {  	[tilespmem:s3], [sflag:$0x2] =	stream.linear.gather [hbm4b:s18+s3], $0x4000, $0x38;
	[tilespmem:$0x8000] =	vst v63  }
0x2c8: {  	_ =	swait.ge [sflag:s4], $0x4000  }
0x2c9: {  	[sflag:s4] =	ssyncset.done $0x0  }
0x2ca: {  	[sflag:s4] =	ssyncadd.s32 $0xFFFFC000  }
0x2cb: {  	[tilespmem:s5], [sflag:$0x1] =	stream.indirect.gather [hbm4b:s2+s5], $0x1, s3, s5, $0xb8;
	[tilespmem:$0x8000] =	vst v63  }
0x2cc: {  	_ =	swait.ge [sflag:s6], $0x4000  }
0x2cd: {  	[sflag:s6] =	ssyncset.done $0x0  }
0x2ce: {  	[sflag:s6] =	ssyncadd.s32 $0xFFFFC000  }
0x2cf: {  	[hbm4b:s19+s3] =	stream.linear.scatter [tilespmem:s5], [sflag:$0x2], $0x4000, $0x38;
	[tilespmem:$0x8000] =	vst v63  }
0x2d0: {  	_ =	swait.ge [sflag:s4], $0x4000  }
0x2d1: {  	[sflag:s4] =	ssyncset.done $0x0  }
0x2d2: {  	[sflag:s4] =	ssyncadd.s32 $0xFFFFC000  }
0x2d3: {  	[tilespmem:s3], [sflag:$0x2] =	stream.linear.gather [hbm4b:s20+s3], $0x4000, $0x38;
	[tilespmem:$0x8000] =	vst v63  }
0x2d4: {  	_ =	swait.ge [sflag:s4], $0x4000  }
0x2d5: {  	[sflag:s4] =	ssyncset.done $0x0  }
0x2d6: {  	[sflag:s4] =	ssyncadd.s32 $0xFFFFC000  }
0x2d7: {  	[tilespmem:s5], [sflag:$0x1] =	stream.indirect.gather [hbm4b:s2+s5], $0x1, s3, s5, $0xb8;
	[tilespmem:$0x8000] =	vst v63  }
0x2d8: {  	_ =	swait.ge [sflag:s6], $0x4000  }
0x2d9: {  	[sflag:s6] =	ssyncset.done $0x0  }
0x2da: {  	[sflag:s6] =	ssyncadd.s32 $0xFFFFC000  }
0x2db: {  	[hbm4b:s21+s3] =	stream.linear.scatter [tilespmem:s5], [sflag:$0x2], $0x4000, $0x38;
	[tilespmem:$0x8000] =	vst v63  }
0x2dc: {  	_ =	swait.ge [sflag:s4], $0x4000  }
0x2dd: {  	[sflag:s4] =	ssyncset.done $0x0  }
0x2de: {  	[sflag:s4] =	ssyncadd.s32 $0xFFFFC000  }
0x2df: {  	[tilespmem:s3], [sflag:$0x2] =	stream.linear.gather [hbm4b:s22+s3], $0x4000, $0x38;
	[tilespmem:$0x8000] =	vst v63  }
0x2e0: {  	_ =	swait.ge [sflag:s4], $0x4000  }
0x2e1: {  	[sflag:s4] =	ssyncset.done $0x0  }
0x2e2: {  	[sflag:s4] =	ssyncadd.s32 $0xFFFFC000  }
0x2e3: {  	[tilespmem:s5], [sflag:$0x1] =	stream.indirect.gather [hbm4b:s2+s5], $0x1, s3, s5, $0xb8;
	[tilespmem:$0x8000] =	vst v63  }
0x2e4: {  	_ =	swait.ge [sflag:s6], $0x4000  }
0x2e5: {  	[sflag:s6] =	ssyncset.done $0x0  }
0x2e6: {  	[sflag:s6] =	ssyncadd.s32 $0xFFFFC000  }
0x2e7: {  	[hbm4b:s23+s3] =	stream.linear.scatter [tilespmem:s5], [sflag:$0x2], $0x4000, $0x38;
	[tilespmem:$0x8000] =	vst v63  }
0x2e8: {  	_ =	swait.ge [sflag:s4], $0x4000  }
0x2e9: {  	[sflag:s4] =	ssyncset.done $0x0  }
0x2ea: {  	[sflag:s4] =	ssyncadd.s32 $0xFFFFC000  }
0x2eb: {  	[tilespmem:s3], [sflag:$0x2] =	stream.linear.gather [hbm4b:s24+s3], $0x4000, $0x38;
	[tilespmem:$0x8000] =	vst v63  }
0x2ec: {  	_ =	swait.ge [sflag:s4], $0x4000  }
0x2ed: {  	[sflag:s4] =	ssyncset.done $0x0  }
0x2ee: {  	[sflag:s4] =	ssyncadd.s32 $0xFFFFC000  }
0x2ef: {  	[tilespmem:s5], [sflag:$0x1] =	stream.indirect.gather [hbm4b:s2+s5], $0x1, s3, s5, $0xb8;
	[tilespmem:$0x8000] =	vst v63  }
0x2f0: {  	_ =	swait.ge [sflag:s6], $0x4000  }
0x2f1: {  	[sflag:s6] =	ssyncset.done $0x0  }
0x2f2: {  	[sflag:s6] =	ssyncadd.s32 $0xFFFFC000  }
0x2f3: {  	[hbm4b:s25+s3] =	stream.linear.scatter [tilespmem:s5], [sflag:$0x2], $0x4000, $0x38;
	[tilespmem:$0x8000] =	vst v63  }
0x2f4: {  	_ =	swait.ge [sflag:s4], $0x4000  }
0x2f5: {  	[sflag:s4] =	ssyncset.done $0x0  }
0x2f6: {  	[sflag:s4] =	ssyncadd.s32 $0xFFFFC000  }
0x2f7: {  	[tilespmem:s3], [sflag:$0x2] =	stream.linear.gather [hbm4b:s26+s3], $0x4000, $0x38;
	[tilespmem:$0x8000] =	vst v63  }
0x2f8: {  	_ =	swait.ge [sflag:s4], $0x4000  }
0x2f9: {  	[sflag:s4] =	ssyncset.done $0x0  }
0x2fa: {  	[sflag:s4] =	ssyncadd.s32 $0xFFFFC000  }
0x2fb: {  	[tilespmem:s5], [sflag:$0x1] =	stream.indirect.gather [hbm4b:s2+s5], $0x1, s3, s5, $0xb8;
	[tilespmem:$0x8000] =	vst v63  }
0x2fc: {  	_ =	swait.ge [sflag:s6], $0x4000  }
0x2fd: {  	[sflag:s6] =	ssyncset.done $0x0  }
0x2fe: {  	[sflag:s6] =	ssyncadd.s32 $0xFFFFC000  }
0x2ff: {  	[hbm4b:s28+s3] =	stream.linear.scatter [tilespmem:s5], [sflag:$0x2], $0x4000, $0x38;
	[tilespmem:$0x8000] =	vst v63  }
0x300: {  	_ =	swait.ge [sflag:s4], $0x4000  }
0x301: {  	[sflag:s4] =	ssyncset.done $0x0  }
0x302: {  	[sflag:s4] =	ssyncadd.s32 $0xFFFFC000  }
0x303: {  	[tilespmem:s3], [sflag:$0x2] =	stream.linear.gather [hbm4b:s29+s3], $0x9A0, $0x38;
	[tilespmem:$0x8000] =	vst v63  }
0x304: {  	_ =	swait.ge [sflag:s4], $0x9A0  }
0x305: {  	[sflag:s4] =	ssyncset.done $0x0  }
0x306: {  	p0 =	sne.s32 s1, $0x1;
	[sflag:s4] =	ssyncadd.s32 $0xFFFFF660  }
0x307: {  	[tilespmem:s5], [sflag:$0x1] =	stream.indirect.gather [hbm4b:s2+s30], $0x1, s3, s30, $0xb8;
	[tilespmem:$0x8000] =	vst v63  }
.Ltmp1:
0x308: {  	_ =	swait.ge [sflag:s6], $0x9A0;
	(pc) =	sbr.rel @p0 .LBB2_1-.Ltmp1, $4  }
0x309: {  	[sflag:s6] =	ssyncset.done $0x0  }
0x30a: {  	[sflag:s6] =	ssyncadd.s32 $0xFFFFF660  }
0x30b: {  	[hbm4b:s31+s3] =	stream.linear.scatter [tilespmem:s5], [sflag:$0x2], $0x9A0, $0x38;
	[tilespmem:$0x8000] =	vst v63  }
0x30c: {  	s1 =	sadd.s32 $0xFFFFFFFF, s1;
	_ =	swait.ge [sflag:s4], $0x9A0  }
.LBB2_2:
0x30d: {  	[sflag:s4] =	ssyncset.done $0x0  }
0x30e: {  	[sflag:s4] =	ssyncadd.s32 $0xFFFFF660  }
0x30f: {  	_ =	sfence.sel $0x180000  }
0x310: {  	[bflag:$0x0] =	sbarrier.arrive $0xFFFF  }
0x311: {  	_ =	strace $0x9000004A  }
0x312: {  	s0 =	stileid.u32;
	[bflag:$0x2] =	sbarrier.arrive $0xFFFF  }
0x313: {  	p0 =	sne.s32 s0, $0x0;
	s0 =	rddreg [dreg:$0x2]  }
0x314: {  	s0 =	sadd.s32 @!p0 $0x100000, s0  }
0x315: {  	[sflag:s0] =	ssyncadd.tile.s32 @!p0 $0x1;
	_ =	shalt  }
.Lfunc_end2:
_tile_overlayer_lowered:
.L_overlay_start_2:
0x316: {  	(tag) =	ssettag $0x2  }
0x317: {  	s0 =	rddreg [dreg:$0x0];
	s2 =	stileid.u32  }
0x318: {  	s1 =	rddreg [dreg:$0x1];
	p0 =	sne.s32 s2, $0x0  }
0x319: {  	s3 =	rddreg [dreg:$0x2];
	[bflag:$0x3] =	sbarrier.arrive $0xFFFF;
	s2 =	simm.s32 @!p0 $0x1C02  }
0x31a: {  	[timem:s3], [sflag:s2] =	dma.local @!p0 [hbm:s0], s1  }
0x31b: {  	s0 =	simm.s32 @!p0 $0x2  }
0x31c: {  	_ =	swait.ge @!p0 [sflag:s0], s1  }
0x31d: {  	s1 =	ssub.s32 @!p0 $0x0, s1;
	[sflag:s0] =	ssyncset.done @!p0 $0x0  }
0x31e: {  	[sflag:s0] =	ssyncadd.s32 @!p0 s1  }
0x31f: {  	[bflag:$0x3] =	sbarrier.arrive $0xFFFF  }
0x320: {  	_ =	shalt  }

// kernel: kernel.9.cloned.1.call-start
scs
__scs_entry_jumppad:
0x0: {  	(pc) =	sbr.rel $0x88, $3  }
0x1: {  	(tag) =	ssettag $0x0;
	lr =	simm.s32 $0x1  }
0x2: {  	[smem:$0x3F9F] =	sst lr;
	_ =	strace $0xD0000000  }
0x3: {  	_ = 	snop  }
0x4: {  	_ = 	snop  }
0x5: {  	_ = 	snop  }
0x6: {  	_ = 	snop  }
0x7: {  	_ = 	snop  }
__scs_overlays_trampoline_lowered:
0x8: {  	[smem:$0x3FAE] =	sst s0  }
0x9: {  	[smem:$0x3FAF] =	sst s1  }
0xa: {  	[smem:$0x3FB0] =	sst s2  }
0xb: {  	[smem:$0x3FB1] =	sst s3  }
0xc: {  	[smem:$0x3FB2] =	sst s4  }
0xd: {  	[smem:$0x3FB3] =	sst s5  }
0xe: {  	[smem:$0x3FB4] =	sst s6  }
0xf: {  	[smem:$0x3FB5] =	sst s7  }
0x10: {  	[smem:$0x3FB6] =	sst s8  }
0x11: {  	[smem:$0x3FB7] =	sst s9;
	s0 =	simm.s32 @!p0 $0x0  }
0x12: {  	s1 =	sld [smem:$0x3F9D];
	s0 =	simm.s32 @p0 $0x1  }
0x13: {  	[smem:$0x3FB8] =	sst s0;
	s0 =	simm.s32 @!p1 $0x0  }
0x14: {  	s2 =	sld [smem:$0x3F9C];
	s0 =	simm.s32 @p1 $0x1  }
0x15: {  	[smem:$0x3FB9] =	sst s0;
	s0 =	simm.s32 @!p2 $0x0  }
0x16: {  	s3 =	sld [smem:$0x3FDB];
	s0 =	simm.s32 @p2 $0x1  }
0x17: {  	s4 =	simm.s32 $0x1BF5;
	[smem:$0x3FBB] =	sst s0  }
0x18: {  	s0 =	sld [smem:$0x3F9E];
	_ =	swait.ge [sflag:s4], $0x0  }
0x19: {  	s7 =	sld [smem:$0x3F9F]  }
0x1a: {  	s8 =	sadd.s32 $0xFFFFE003, lr  }
0x1b: {  	s9 =	sadd.s32 $0xFFFFFEF7, lr;
	s5 =	simm.s32 $0xFFFFFFFF;
	p2 =	slt.u32 s8, $0xFFFFF086  }
0x1c: {  	p1 =	slt.u32 s9, $0xF7A;
	s5 =	simm.s32 @!p2 $0x0  }
0x1d: {  	s5 =	simm.s32 @p1 $0x1;
	p0 =	seq.s32 s7, s2  }
0x1e: {  	s7 =	smul.u32 @!p0 $0xF7A, s2;
	p2 =	seq.s32 @!p0 s5, $0x0  }
0x1f: {  	s9 =	smul.u32 $0xF7A, s1;
	s8 =	simm.s32 @!p0 $0x1BF5;
	p2 =	por !p2, p0  }
0x20: {  	[sflag:s8] =	ssyncset.s32 @!p0 $0xFFFFF086;
	s6 =	sadd.s32 @!p0 s3, s7;
	s7 =	simm.s32 @!p0 $0x108  }
0x21: {  	s3 =	sadd.s32 s3, s9;
	s6 =	sadd.s32 @!p0 $0x88, s6;
	s7 =	simm.s32 @p2 $0x1082  }
0x22: {  	[simem:s7], [sflag:s8] =	dma.local @!p0 [hbm:s6], $0xF7A  }
0x23: {  	s9 =	sor.u32 $0xD0000000, s2;
	s6 =	simm.s32 $0x108;
	_ =	swait.ge @!p0 [sflag:s8], $0x0  }
0x24: {  	s3 =	sadd.s32 $0x88, s3;
	s6 =	simm.s32 @!p1 $0x1082;
	[sflag:s4] =	ssyncset.s32 $0xFFFFF086  }
0x25: {  	[simem:s6], [sflag:s4] =	dma.local [hbm:s3], $0xF7A  }
0x26: {  	[smem:$0x3F9F] =	sst s1;
	(tag) =	ssettag s2;
	_ =	strace s9  }
0x27: {  	s1 =	sld [smem:$0x3FAF]  }
0x28: {  	s2 =	sld [smem:$0x3FB0]  }
0x29: {  	s4 =	sld [smem:$0x3FB2]  }
0x2a: {  	p0 =	seq.s32 s5, $0x0;
	s5 =	sld [smem:$0x3FB3]  }
0x2b: {  	s6 =	sld [smem:$0x3FB4]  }
0x2c: {  	s7 =	sld [smem:$0x3FB5]  }
0x2d: {  	s3 =	simm.s32 $0x108;
	s8 =	sld [smem:$0x3FB6]  }
0x2e: {  	s3 =	simm.s32 @!p0 $0x1082;
	s9 =	sld [smem:$0x3FB7]  }
0x2f: {  	lr =	sadd.s32 s0, s3;
	s0 =	sld [smem:$0x3FAE]  }
0x30: {  	s3 =	sld [smem:$0x3FB1]  }
0x31: {  	[smem:$0x3FBA] =	sst s10  }
0x32: {  	s10 =	sld [smem:$0x3FB8];
	_ =	sdelay $0x3  }
0x33: {  	p0 =	seq.s32 s10, $0x1;
	s10 =	sld [smem:$0x3FBA];
	_ =	sdelay $0x3  }
0x34: {  	[smem:$0x3FBA] =	sst s10  }
0x35: {  	s10 =	sld [smem:$0x3FB9];
	_ =	sdelay $0x3  }
0x36: {  	p1 =	seq.s32 s10, $0x1;
	s10 =	sld [smem:$0x3FBA];
	_ =	sdelay $0x3  }
0x37: {  	[smem:$0x3FBA] =	sst s10  }
0x38: {  	s10 =	sld [smem:$0x3FBB]  }
0x39: {  	_ = 	snop;
	(pc) =	sbr.ind lr, $3  }
0x3a: {  	_ = 	snop  }
0x3b: {  	_ = 	snop  }
0x3c: {  	p2 =	seq.s32 s10, $0x1;
	s10 =	sld [smem:$0x3FBA]  }
0x3d: {  	_ =	shalt  }
0x3e: {  	_ =	shalt  }
0x3f: {  	_ =	shalt  }
0x40: {  	_ =	shalt  }
0x41: {  	_ =	shalt  }
0x42: {  	_ =	shalt  }
0x43: {  	_ =	shalt  }
0x44: {  	_ =	shalt  }
0x45: {  	_ =	shalt  }
0x46: {  	_ =	shalt  }
0x47: {  	_ =	shalt  }
0x48: {  	_ =	shalt  }
0x49: {  	_ =	shalt  }
0x4a: {  	_ =	shalt  }
0x4b: {  	_ =	shalt  }
0x4c: {  	_ =	shalt  }
0x4d: {  	_ =	shalt  }
0x4e: {  	_ =	shalt  }
0x4f: {  	_ =	shalt  }
0x50: {  	_ =	shalt  }
0x51: {  	_ =	shalt  }
0x52: {  	_ =	shalt  }
0x53: {  	_ =	shalt  }
0x54: {  	_ =	shalt  }
0x55: {  	_ =	shalt  }
0x56: {  	_ =	shalt  }
0x57: {  	_ =	shalt  }
0x58: {  	_ =	shalt  }
0x59: {  	_ =	shalt  }
0x5a: {  	_ =	shalt  }
0x5b: {  	_ =	shalt  }
0x5c: {  	_ =	shalt  }
0x5d: {  	_ =	shalt  }
0x5e: {  	_ =	shalt  }
0x5f: {  	_ =	shalt  }
0x60: {  	_ =	shalt  }
0x61: {  	_ =	shalt  }
0x62: {  	_ =	shalt  }
0x63: {  	_ =	shalt  }
0x64: {  	_ =	shalt  }
0x65: {  	_ =	shalt  }
0x66: {  	_ =	shalt  }
0x67: {  	_ =	shalt  }
0x68: {  	_ =	shalt  }
0x69: {  	_ =	shalt  }
0x6a: {  	_ =	shalt  }
0x6b: {  	_ =	shalt  }
0x6c: {  	_ =	shalt  }
0x6d: {  	_ =	shalt  }
0x6e: {  	_ =	shalt  }
0x6f: {  	_ =	shalt  }
0x70: {  	_ =	shalt  }
0x71: {  	_ =	shalt  }
0x72: {  	_ =	shalt  }
0x73: {  	_ =	shalt  }
0x74: {  	_ =	shalt  }
0x75: {  	_ =	shalt  }
0x76: {  	_ =	shalt  }
0x77: {  	_ =	shalt  }
0x78: {  	_ =	shalt  }
0x79: {  	_ =	shalt  }
0x7a: {  	_ =	shalt  }
0x7b: {  	_ =	shalt  }
0x7c: {  	_ =	shalt  }
0x7d: {  	_ =	shalt  }
0x7e: {  	_ =	shalt  }
0x7f: {  	_ =	shalt  }
0x80: {  	_ =	shalt  }
0x81: {  	_ =	shalt  }
0x82: {  	_ =	shalt  }
0x83: {  	_ =	shalt  }
0x84: {  	_ =	shalt  }
0x85: {  	_ =	shalt  }
0x86: {  	_ =	shalt  }
0x87: {  	_ =	shalt  }
.Lfunc_end0:
.L_simem_size_0:
called_computation.2_lowered:
.L_overlay_start_0:
0x88: {  	s2 =	sld [smem:$0x3FD9]  }
0x89: {  	s3 =	sld [smem:$0x3FFE];
	_ =	sdelay $0x1  }
0x8a: {  	s1 =	srdreg.scid  }
0x8b: {  	s0 =	sand.u32 $0x1, s1  }
0x8c: {  	s14 =	sshll.u32 s0, $0xA;
	s2 =	sadd.s32 s3, s2  }
0x8d: {  	s2 =	sadd.s32 s2, s14  }
0x8e: {  	[smem:$0x3FC6] =	sst s2  }
0x8f: {  	_ = 	snop  }
0x90: {  	s2 =	sld [smem:$0x3FD0];
	_ =	sdelay $0x2  }
0x91: {  	s15 =	simm.s32 $0xA;
	s4 =	simm.s32 $0x10  }
0x92: {  	[smem:s4], [sflag:s15] =	dma.local [hbm:s2], $0x1  }
0x93: {  	_ =	swait.eq [sflag:s15], $0x1  }
0x94: {  	[sflag:s15] =	ssyncset.done $0x0  }
0x95: {  	s16 =	sld [smem:$0x10];
	[sflag:s15] =	ssyncadd.s32 $0xFFFFFFFF  }
0x96: {  	s17 =	sld [smem:$0x11];
	(tm) =	ssettm $0x1  }
0x97: {  	s18 =	sld [smem:$0x3FFB];
	_ =	sdelay $0x3  }
0x98: {  	_ =	strace s18  }
0x99: {  	s4 =	sld [smem:$0x3FFC];
	_ =	sdelay $0x3  }
0x9a: {  	_ =	strace s4  }
0x9b: {  	s4 =	sld [smem:$0x3FFD];
	_ =	sdelay $0x3  }
0x9c: {  	_ =	strace s4  }
0x9d: {  	_ =	strace $0x8FFFFFFF  }
0x9e: {  	s19 =	sld [smem:$0x3FDB];
	_ =	sdelay $0x1  }
0x9f: {  	s5 =	simm.s32 $_scs_section_size  }
0xa0: {  	s6 =	simm.s32 $_size__tile_overlayer_lowered;
	s7 =	simm.s32 $_tile_overlayer_lowered  }
0xa1: {  	s22 =	simm.s32 $0x1BFF;
	s21 =	sshll.u32 s7, $0x1;
	s4 =	sadd.s32 s5, s19  }
0xa2: {  	s8 =	simm.s32 $0x0;
	s20 =	sshll.u32 s6, $0x1;
	s6 =	sadd.s32 s21, s4  }
0xa3: {  	[timem:s8], [sflag:s22] =	dma.local [hbm:s6], s20  }
0xa4: {  	_ =	swait.ge [sflag:s22], s20  }
0xa5: {  	s5 =	ssub.s32 $0x0, s20;
	[sflag:s22] =	ssyncset.done $0x0  }
0xa6: {  	[sflag:s22] =	ssyncadd.s32 s5;
	_ =	sdelay $0x1  }
0xa7: {  	s23 =	simm.s32 $0x1B8B  }
0xa8: {  	_ =	swait.ge [sflag:s23], $0x1  }
0xa9: {  	[sflag:s23] =	ssyncset.done $0x0  }
0xaa: {  	s25 =	simm.s32 $0x1B8E;
	s24 =	sld [smem:$0x3FFE];
	[sflag:s23] =	ssyncadd.s32 $0xFFFFFFFF  }
0xab: {  	s26 =	simm.s32 $execute0_lowered;
	[smem:$0x3FD2] =	sst s25  }
0xac: {  	s6 =	sshll.u32 s26, $0x1;
	_ =	strace $0x8000004C;
	[dreg:$0x1] =	wrdreg $0xFFFFFFFF  }
0xad: {  	s28 =	simm.s32 $_size_execute0_lowered;
	s4 =	sadd.s32 s4, s6;
	[dreg:$0x0] =	wrdreg $0x0  }
0xae: {  	s6 =	sshll.u32 s28, $0x1;
	[dreg:$0x2] =	wrdreg s4  }
0xaf: {  	[dreg:$0x3] =	wrdreg s6  }
0xb0: {  	[dreg:$0x4] =	wrdreg $0xC0  }
0xb1: {  	_ =	task [dreg:s8], $0x5FFFF  }
0xb2: {  	[dreg:$0x1] =	wrdreg $0xFFFFFFFF  }
0xb3: {  	[dreg:$0x0] =	wrdreg $0x60  }
0xb4: {  	[dreg:$0x2] =	wrdreg s24  }
0xb5: {  	[dreg:$0x3] =	wrdreg s17  }
0xb6: {  	[dreg:$0x4] =	wrdreg s16  }
0xb7: {  	[dreg:$0x5] =	wrdreg $0x9  }
0xb8: {  	_ =	task.clear_ibuf [dreg:s8], $0x6FFFF;
	_ =	strace $0x9000004C  }
0xb9: {  	s29 =	simm.s32 $0x9;
	_ =	strace $0x8000004E  }
0xba: {  	_ =	swait.ge [sflag:s29], $0x1  }
0xbb: {  	[sflag:s29] =	ssyncadd.s32 $0xFFFFFFFF  }
0xbc: {  	_ =	strace $0x9000004E  }
0xbd: {  	_ =	sfence  }
0xbe: {  	s30 =	sld [smem:$0x0];
	_ =	sdelay $0x2  }
0xbf: {  	s31 =	sshll.u32 s1, $0xD;
	s1 =	sshrl.u32 s1, $0x2  }
0xc0: {  	s3 =	sand.u32 $0x4000, s31;
	s1 =	sadd.s32 s1, s30  }
0xc1: {  	s0 =	sor.u32 s3, s0;
	s1 =	sshll.u32 s1, $0x11  }
0xc2: {  	s0 =	sor.u32 s1, s0  }
0xc3: {  	s0 =	sadd.s32 $0x8F2B, s0  }
0xc4: {  	[sflag:s0] =	ssyncadd.remote.s32 $0x1  }
0xc5: {  	_ =	sfence.sel $0xFFFF  }
0xc6: {  	[dreg:$0x0] =	wrdreg $0xFFFFFFFF;
	(pc) =	sbr.abs _section_cstart, $3  }
0xc7: {  	[dreg:$0x1] =	wrdreg $0xFFFFFFFF  }
0xc8: {  	_ =	task.clear_ibuf [dreg:s8], $0x2FFFF;
	_ =	strace $0x9FFFFFFF  }
0xc9: {  	(tm) =	ssettm $0x7FFFFFFF  }
tec
execute0_lowered:
.L_overlay_start_1:
0x0: {  	(tag) =	ssettag $0x1  }
0x1: {  	s1 =	srdreg.scid;
	s0 =	stileid.u32  }
0x2: {  	s5 =	rddreg [dreg:$0x0];
	s26 =	sand.u32 $0x1, s1;
	s31 =	sshll.u32 s0, $0x1  }
0x3: {  	s25 =	rddreg [dreg:$0x1];
	s1 =	sor.u32 s26, s31  }
0x4: {  	s28 =	rddreg [dreg:$0x2];
	s2 =	simm.s32 $0x0;
	s3 =	smul.u32 $0x26DE0, s1  }
0x5: {  	[smem:$0x7FF] =	sst s2  }
0x6: {  	s1 =	rddreg [dreg:$0x3];
	s29 =	sshrl.u32 s3, $0x3  }
0x7: {  	_ =	strace $0x8000004D;
	s3 =	simm.s32 $0x2;
	s4 =	sadd.s32 s25, s29  }
0x8: {  	[tilespmem:s2], [sflag:$0x2] =	stream.linear.gather [hbm4b:s4+s2], $0x4000, $0x38;
	[tilespmem:$0x8000] =	vst v63  }
0x9: {  	_ =	swait.ge [sflag:s3], $0x4000  }
0xa: {  	s6 =	simm.s32 $0x4000;
	[sflag:s3] =	ssyncset.done $0x0  }
0xb: {  	s7 =	simm.s32 $0x1;
	s5 =	sadd.s32 $0x5161000, s5;
	[sflag:s3] =	ssyncadd.s32 $0xFFFFC000  }
0xc: {  	[tilespmem:s6], [sflag:$0x1] =	stream.indirect.gather [hbm4b:s5+s6], $0x1, s2, s6, $0xb8;
	[tilespmem:$0x8000] =	vst v63  }
0xd: {  	_ =	swait.ge [sflag:s7], $0x4000  }
0xe: {  	[sflag:s7] =	ssyncset.done $0x0  }
0xf: {  	s8 =	sadd.s32 s28, s29;
	[sflag:s7] =	ssyncadd.s32 $0xFFFFC000  }
0x10: {  	[hbm4b:s8+s2] =	stream.linear.scatter [tilespmem:s6], [sflag:$0x2], $0x4000, $0x38;
	[tilespmem:$0x8000] =	vst v63  }
0x11: {  	_ =	swait.ge [sflag:s3], $0x4000  }
0x12: {  	s10 =	sadd.s32 $0x800, s29;
	[sflag:s3] =	ssyncset.done $0x0  }
0x13: {  	s9 =	sadd.s32 s25, s10;
	[sflag:s3] =	ssyncadd.s32 $0xFFFFC000  }
0x14: {  	[tilespmem:s2], [sflag:$0x2] =	stream.linear.gather [hbm4b:s9+s2], $0x4000, $0x38;
	[tilespmem:$0x8000] =	vst v63  }
0x15: {  	_ =	swait.ge [sflag:s3], $0x4000  }
0x16: {  	[sflag:s3] =	ssyncset.done $0x0  }
0x17: {  	[sflag:s3] =	ssyncadd.s32 $0xFFFFC000  }
0x18: {  	[tilespmem:s6], [sflag:$0x1] =	stream.indirect.gather [hbm4b:s5+s6], $0x1, s2, s6, $0xb8;
	[tilespmem:$0x8000] =	vst v63  }
0x19: {  	_ =	swait.ge [sflag:s7], $0x4000  }
0x1a: {  	[sflag:s7] =	ssyncset.done $0x0  }
0x1b: {  	s10 =	sadd.s32 s28, s10;
	[sflag:s7] =	ssyncadd.s32 $0xFFFFC000  }
0x1c: {  	[hbm4b:s10+s2] =	stream.linear.scatter [tilespmem:s6], [sflag:$0x2], $0x4000, $0x38;
	[tilespmem:$0x8000] =	vst v63  }
0x1d: {  	_ =	swait.ge [sflag:s3], $0x4000  }
0x1e: {  	s12 =	sadd.s32 $0x1000, s29;
	[sflag:s3] =	ssyncset.done $0x0  }
0x1f: {  	s11 =	sadd.s32 s25, s12;
	[sflag:s3] =	ssyncadd.s32 $0xFFFFC000  }
0x20: {  	[tilespmem:s2], [sflag:$0x2] =	stream.linear.gather [hbm4b:s11+s2], $0x4000, $0x38;
	[tilespmem:$0x8000] =	vst v63  }
0x21: {  	_ =	swait.ge [sflag:s3], $0x4000  }
0x22: {  	[sflag:s3] =	ssyncset.done $0x0  }
0x23: {  	[sflag:s3] =	ssyncadd.s32 $0xFFFFC000  }
0x24: {  	[tilespmem:s6], [sflag:$0x1] =	stream.indirect.gather [hbm4b:s5+s6], $0x1, s2, s6, $0xb8;
	[tilespmem:$0x8000] =	vst v63  }
0x25: {  	_ =	swait.ge [sflag:s7], $0x4000  }
0x26: {  	[sflag:s7] =	ssyncset.done $0x0  }
0x27: {  	s12 =	sadd.s32 s28, s12;
	[sflag:s7] =	ssyncadd.s32 $0xFFFFC000  }
0x28: {  	[hbm4b:s12+s2] =	stream.linear.scatter [tilespmem:s6], [sflag:$0x2], $0x4000, $0x38;
	[tilespmem:$0x8000] =	vst v63  }
0x29: {  	_ =	swait.ge [sflag:s3], $0x4000  }
0x2a: {  	s14 =	sadd.s32 $0x1800, s29;
	[sflag:s3] =	ssyncset.done $0x0  }
0x2b: {  	s13 =	sadd.s32 s25, s14;
	[sflag:s3] =	ssyncadd.s32 $0xFFFFC000  }
0x2c: {  	[tilespmem:s2], [sflag:$0x2] =	stream.linear.gather [hbm4b:s13+s2], $0x4000, $0x38;
	[tilespmem:$0x8000] =	vst v63  }
0x2d: {  	_ =	swait.ge [sflag:s3], $0x4000  }
0x2e: {  	[sflag:s3] =	ssyncset.done $0x0  }
0x2f: {  	[sflag:s3] =	ssyncadd.s32 $0xFFFFC000  }
0x30: {  	[tilespmem:s6], [sflag:$0x1] =	stream.indirect.gather [hbm4b:s5+s6], $0x1, s2, s6, $0xb8;
	[tilespmem:$0x8000] =	vst v63  }
0x31: {  	_ =	swait.ge [sflag:s7], $0x4000  }
0x32: {  	[sflag:s7] =	ssyncset.done $0x0  }
0x33: {  	s14 =	sadd.s32 s28, s14;
	[sflag:s7] =	ssyncadd.s32 $0xFFFFC000  }
0x34: {  	[hbm4b:s14+s2] =	stream.linear.scatter [tilespmem:s6], [sflag:$0x2], $0x4000, $0x38;
	[tilespmem:$0x8000] =	vst v63  }
0x35: {  	_ =	swait.ge [sflag:s3], $0x4000  }
0x36: {  	s16 =	sadd.s32 $0x2000, s29;
	[sflag:s3] =	ssyncset.done $0x0  }
0x37: {  	s15 =	sadd.s32 s25, s16;
	[sflag:s3] =	ssyncadd.s32 $0xFFFFC000  }
0x38: {  	[tilespmem:s2], [sflag:$0x2] =	stream.linear.gather [hbm4b:s15+s2], $0x4000, $0x38;
	[tilespmem:$0x8000] =	vst v63  }
0x39: {  	_ =	swait.ge [sflag:s3], $0x4000  }
0x3a: {  	[sflag:s3] =	ssyncset.done $0x0  }
0x3b: {  	[sflag:s3] =	ssyncadd.s32 $0xFFFFC000  }
0x3c: {  	[tilespmem:s6], [sflag:$0x1] =	stream.indirect.gather [hbm4b:s5+s6], $0x1, s2, s6, $0xb8;
	[tilespmem:$0x8000] =	vst v63  }
0x3d: {  	_ =	swait.ge [sflag:s7], $0x4000  }
0x3e: {  	[sflag:s7] =	ssyncset.done $0x0  }
0x3f: {  	s16 =	sadd.s32 s28, s16;
	[sflag:s7] =	ssyncadd.s32 $0xFFFFC000  }
0x40: {  	[hbm4b:s16+s2] =	stream.linear.scatter [tilespmem:s6], [sflag:$0x2], $0x4000, $0x38;
	[tilespmem:$0x8000] =	vst v63  }
0x41: {  	_ =	swait.ge [sflag:s3], $0x4000  }
0x42: {  	s18 =	sadd.s32 $0x2800, s29;
	[sflag:s3] =	ssyncset.done $0x0  }
0x43: {  	s17 =	sadd.s32 s25, s18;
	[sflag:s3] =	ssyncadd.s32 $0xFFFFC000  }
0x44: {  	[tilespmem:s2], [sflag:$0x2] =	stream.linear.gather [hbm4b:s17+s2], $0x4000, $0x38;
	[tilespmem:$0x8000] =	vst v63  }
0x45: {  	_ =	swait.ge [sflag:s3], $0x4000  }
0x46: {  	[sflag:s3] =	ssyncset.done $0x0  }
0x47: {  	[sflag:s3] =	ssyncadd.s32 $0xFFFFC000  }
0x48: {  	[tilespmem:s6], [sflag:$0x1] =	stream.indirect.gather [hbm4b:s5+s6], $0x1, s2, s6, $0xb8;
	[tilespmem:$0x8000] =	vst v63  }
0x49: {  	_ =	swait.ge [sflag:s7], $0x4000  }
0x4a: {  	[sflag:s7] =	ssyncset.done $0x0  }
0x4b: {  	s18 =	sadd.s32 s28, s18;
	[sflag:s7] =	ssyncadd.s32 $0xFFFFC000  }
0x4c: {  	[hbm4b:s18+s2] =	stream.linear.scatter [tilespmem:s6], [sflag:$0x2], $0x4000, $0x38;
	[tilespmem:$0x8000] =	vst v63  }
0x4d: {  	_ =	swait.ge [sflag:s3], $0x4000  }
0x4e: {  	s20 =	sadd.s32 $0x3000, s29;
	[sflag:s3] =	ssyncset.done $0x0  }
0x4f: {  	s19 =	sadd.s32 s25, s20;
	[sflag:s3] =	ssyncadd.s32 $0xFFFFC000  }
0x50: {  	[tilespmem:s2], [sflag:$0x2] =	stream.linear.gather [hbm4b:s19+s2], $0x4000, $0x38;
	[tilespmem:$0x8000] =	vst v63  }
0x51: {  	_ =	swait.ge [sflag:s3], $0x4000  }
0x52: {  	[sflag:s3] =	ssyncset.done $0x0  }
0x53: {  	[sflag:s3] =	ssyncadd.s32 $0xFFFFC000  }
0x54: {  	[tilespmem:s6], [sflag:$0x1] =	stream.indirect.gather [hbm4b:s5+s6], $0x1, s2, s6, $0xb8;
	[tilespmem:$0x8000] =	vst v63  }
0x55: {  	_ =	swait.ge [sflag:s7], $0x4000  }
0x56: {  	[sflag:s7] =	ssyncset.done $0x0  }
0x57: {  	s20 =	sadd.s32 s28, s20;
	[sflag:s7] =	ssyncadd.s32 $0xFFFFC000  }
0x58: {  	[hbm4b:s20+s2] =	stream.linear.scatter [tilespmem:s6], [sflag:$0x2], $0x4000, $0x38;
	[tilespmem:$0x8000] =	vst v63  }
0x59: {  	_ =	swait.ge [sflag:s3], $0x4000  }
0x5a: {  	s22 =	sadd.s32 $0x3800, s29;
	[sflag:s3] =	ssyncset.done $0x0  }
0x5b: {  	s21 =	sadd.s32 s25, s22;
	[sflag:s3] =	ssyncadd.s32 $0xFFFFC000  }
0x5c: {  	[tilespmem:s2], [sflag:$0x2] =	stream.linear.gather [hbm4b:s21+s2], $0x4000, $0x38;
	[tilespmem:$0x8000] =	vst v63  }
0x5d: {  	_ =	swait.ge [sflag:s3], $0x4000  }
0x5e: {  	[sflag:s3] =	ssyncset.done $0x0  }
0x5f: {  	[sflag:s3] =	ssyncadd.s32 $0xFFFFC000  }
0x60: {  	[tilespmem:s6], [sflag:$0x1] =	stream.indirect.gather [hbm4b:s5+s6], $0x1, s2, s6, $0xb8;
	[tilespmem:$0x8000] =	vst v63  }
0x61: {  	_ =	swait.ge [sflag:s7], $0x4000  }
0x62: {  	[sflag:s7] =	ssyncset.done $0x0  }
0x63: {  	s22 =	sadd.s32 s28, s22;
	[sflag:s7] =	ssyncadd.s32 $0xFFFFC000  }
0x64: {  	[hbm4b:s22+s2] =	stream.linear.scatter [tilespmem:s6], [sflag:$0x2], $0x4000, $0x38;
	[tilespmem:$0x8000] =	vst v63  }
0x65: {  	_ =	swait.ge [sflag:s3], $0x4000  }
0x66: {  	s24 =	sadd.s32 $0x4000, s29;
	[sflag:s3] =	ssyncset.done $0x0  }
0x67: {  	s23 =	sadd.s32 s25, s24;
	[sflag:s3] =	ssyncadd.s32 $0xFFFFC000  }
0x68: {  	[tilespmem:s2], [sflag:$0x2] =	stream.linear.gather [hbm4b:s23+s2], $0x4000, $0x38;
	[tilespmem:$0x8000] =	vst v63  }
0x69: {  	_ =	swait.ge [sflag:s3], $0x4000  }
0x6a: {  	[sflag:s3] =	ssyncset.done $0x0  }
0x6b: {  	[sflag:s3] =	ssyncadd.s32 $0xFFFFC000  }
0x6c: {  	[tilespmem:s6], [sflag:$0x1] =	stream.indirect.gather [hbm4b:s5+s6], $0x1, s2, s6, $0xb8;
	[tilespmem:$0x8000] =	vst v63  }
0x6d: {  	_ =	swait.ge [sflag:s7], $0x4000  }
0x6e: {  	[sflag:s7] =	ssyncset.done $0x0  }
0x6f: {  	s24 =	sadd.s32 s28, s24;
	[sflag:s7] =	ssyncadd.s32 $0xFFFFC000  }
0x70: {  	[hbm4b:s24+s2] =	stream.linear.scatter [tilespmem:s6], [sflag:$0x2], $0x4000, $0x38;
	[tilespmem:$0x8000] =	vst v63  }
0x71: {  	_ =	swait.ge [sflag:s3], $0x4000  }
0x72: {  	s29 =	sadd.s32 $0x4800, s29;
	[sflag:s3] =	ssyncset.done $0x0  }
0x73: {  	s30 =	ssub.s32 $0x2, s26;
	s25 =	sadd.s32 s25, s29;
	[sflag:s3] =	ssyncadd.s32 $0xFFFFC000  }
0x74: {  	[tilespmem:s2], [sflag:$0x2] =	stream.linear.gather [hbm4b:s25+s2], $0x2DE0, $0x38;
	[tilespmem:$0x8000] =	vst v63  }
0x75: {  	s31 =	sshrl.u32 s30, $0x1;
	_ =	swait.ge [sflag:s3], $0x2DE0  }
0x76: {  	s26 =	simm.s32 $0x2DE0;
	s30 =	ssub.s32 s30, s31;
	[sflag:s3] =	ssyncset.done $0x0  }
0x77: {  	s28 =	sadd.s32 s28, s29;
	s29 =	smax.u32 s30, $0x1;
	[sflag:s3] =	ssyncadd.s32 $0xFFFFD220  }
0x78: {  	[tilespmem:s6], [sflag:$0x1] =	stream.indirect.gather [hbm4b:s5+s26], $0x1, s2, s26, $0xb8;
	[tilespmem:$0x8000] =	vst v63  }
0x79: {  	p0 =	sne.s32 s29, $0x1;
	_ =	swait.ge [sflag:s7], $0x2DE0  }
.Ltmp0:
0x7a: {  	[sflag:s7] =	ssyncset.done $0x0;
	(pc) =	sbr.rel @!p0 .LBB2_2-.Ltmp0, $4  }
0x7b: {  	[sflag:s7] =	ssyncadd.s32 $0xFFFFD220  }
0x7c: {  	[hbm4b:s28+s2] =	stream.linear.scatter [tilespmem:s6], [sflag:$0x2], $0x2DE0, $0x38;
	[tilespmem:$0x8000] =	vst v63  }
0x7d: {  	_ =	swait.ge [sflag:s3], $0x2DE0  }
0x7e: {  	s29 =	sadd.s32 $0xFFFFFFFF, s29;
	[sflag:s3] =	ssyncset.done $0x0  }
.LBB2_1:
0x7f: {  	p0 =	sne.s32 s29, $0x1;
	s29 =	sadd.s32 $0xFFFFFFFF, s29;
	[sflag:s3] =	ssyncadd.s32 $0xFFFFD220  }
0x80: {  	[tilespmem:s2], [sflag:$0x2] =	stream.linear.gather [hbm4b:s4+s2], $0x4000, $0x38;
	[tilespmem:$0x8000] =	vst v63  }
0x81: {  	_ =	swait.ge [sflag:s3], $0x4000  }
0x82: {  	[sflag:s3] =	ssyncset.done $0x0  }
0x83: {  	[sflag:s3] =	ssyncadd.s32 $0xFFFFC000  }
0x84: {  	[tilespmem:s6], [sflag:$0x1] =	stream.indirect.gather [hbm4b:s5+s6], $0x1, s2, s6, $0xb8;
	[tilespmem:$0x8000] =	vst v63  }
0x85: {  	_ =	swait.ge [sflag:s7], $0x4000  }
0x86: {  	[sflag:s7] =	ssyncset.done $0x0  }
0x87: {  	[sflag:s7] =	ssyncadd.s32 $0xFFFFC000  }
0x88: {  	[hbm4b:s8+s2] =	stream.linear.scatter [tilespmem:s6], [sflag:$0x2], $0x4000, $0x38;
	[tilespmem:$0x8000] =	vst v63  }
0x89: {  	_ =	swait.ge [sflag:s3], $0x4000  }
0x8a: {  	[sflag:s3] =	ssyncset.done $0x0  }
0x8b: {  	[sflag:s3] =	ssyncadd.s32 $0xFFFFC000  }
0x8c: {  	[tilespmem:s2], [sflag:$0x2] =	stream.linear.gather [hbm4b:s9+s2], $0x4000, $0x38;
	[tilespmem:$0x8000] =	vst v63  }
0x8d: {  	_ =	swait.ge [sflag:s3], $0x4000  }
0x8e: {  	[sflag:s3] =	ssyncset.done $0x0  }
0x8f: {  	[sflag:s3] =	ssyncadd.s32 $0xFFFFC000  }
0x90: {  	[tilespmem:s6], [sflag:$0x1] =	stream.indirect.gather [hbm4b:s5+s6], $0x1, s2, s6, $0xb8;
	[tilespmem:$0x8000] =	vst v63  }
0x91: {  	_ =	swait.ge [sflag:s7], $0x4000  }
0x92: {  	[sflag:s7] =	ssyncset.done $0x0  }
0x93: {  	[sflag:s7] =	ssyncadd.s32 $0xFFFFC000  }
0x94: {  	[hbm4b:s10+s2] =	stream.linear.scatter [tilespmem:s6], [sflag:$0x2], $0x4000, $0x38;
	[tilespmem:$0x8000] =	vst v63  }
0x95: {  	_ =	swait.ge [sflag:s3], $0x4000  }
0x96: {  	[sflag:s3] =	ssyncset.done $0x0  }
0x97: {  	[sflag:s3] =	ssyncadd.s32 $0xFFFFC000  }
0x98: {  	[tilespmem:s2], [sflag:$0x2] =	stream.linear.gather [hbm4b:s11+s2], $0x4000, $0x38;
	[tilespmem:$0x8000] =	vst v63  }
0x99: {  	_ =	swait.ge [sflag:s3], $0x4000  }
0x9a: {  	[sflag:s3] =	ssyncset.done $0x0  }
0x9b: {  	[sflag:s3] =	ssyncadd.s32 $0xFFFFC000  }
0x9c: {  	[tilespmem:s6], [sflag:$0x1] =	stream.indirect.gather [hbm4b:s5+s6], $0x1, s2, s6, $0xb8;
	[tilespmem:$0x8000] =	vst v63  }
0x9d: {  	_ =	swait.ge [sflag:s7], $0x4000  }
0x9e: {  	[sflag:s7] =	ssyncset.done $0x0  }
0x9f: {  	[sflag:s7] =	ssyncadd.s32 $0xFFFFC000  }
0xa0: {  	[hbm4b:s12+s2] =	stream.linear.scatter [tilespmem:s6], [sflag:$0x2], $0x4000, $0x38;
	[tilespmem:$0x8000] =	vst v63  }
0xa1: {  	_ =	swait.ge [sflag:s3], $0x4000  }
0xa2: {  	[sflag:s3] =	ssyncset.done $0x0  }
0xa3: {  	[sflag:s3] =	ssyncadd.s32 $0xFFFFC000  }
0xa4: {  	[tilespmem:s2], [sflag:$0x2] =	stream.linear.gather [hbm4b:s13+s2], $0x4000, $0x38;
	[tilespmem:$0x8000] =	vst v63  }
0xa5: {  	_ =	swait.ge [sflag:s3], $0x4000  }
0xa6: {  	[sflag:s3] =	ssyncset.done $0x0  }
0xa7: {  	[sflag:s3] =	ssyncadd.s32 $0xFFFFC000  }
0xa8: {  	[tilespmem:s6], [sflag:$0x1] =	stream.indirect.gather [hbm4b:s5+s6], $0x1, s2, s6, $0xb8;
	[tilespmem:$0x8000] =	vst v63  }
0xa9: {  	_ =	swait.ge [sflag:s7], $0x4000  }
0xaa: {  	[sflag:s7] =	ssyncset.done $0x0  }
0xab: {  	[sflag:s7] =	ssyncadd.s32 $0xFFFFC000  }
0xac: {  	[hbm4b:s14+s2] =	stream.linear.scatter [tilespmem:s6], [sflag:$0x2], $0x4000, $0x38;
	[tilespmem:$0x8000] =	vst v63  }
0xad: {  	_ =	swait.ge [sflag:s3], $0x4000  }
0xae: {  	[sflag:s3] =	ssyncset.done $0x0  }
0xaf: {  	[sflag:s3] =	ssyncadd.s32 $0xFFFFC000  }
0xb0: {  	[tilespmem:s2], [sflag:$0x2] =	stream.linear.gather [hbm4b:s15+s2], $0x4000, $0x38;
	[tilespmem:$0x8000] =	vst v63  }
0xb1: {  	_ =	swait.ge [sflag:s3], $0x4000  }
0xb2: {  	[sflag:s3] =	ssyncset.done $0x0  }
0xb3: {  	[sflag:s3] =	ssyncadd.s32 $0xFFFFC000  }
0xb4: {  	[tilespmem:s6], [sflag:$0x1] =	stream.indirect.gather [hbm4b:s5+s6], $0x1, s2, s6, $0xb8;
	[tilespmem:$0x8000] =	vst v63  }
0xb5: {  	_ =	swait.ge [sflag:s7], $0x4000  }
0xb6: {  	[sflag:s7] =	ssyncset.done $0x0  }
0xb7: {  	[sflag:s7] =	ssyncadd.s32 $0xFFFFC000  }
0xb8: {  	[hbm4b:s16+s2] =	stream.linear.scatter [tilespmem:s6], [sflag:$0x2], $0x4000, $0x38;
	[tilespmem:$0x8000] =	vst v63  }
0xb9: {  	_ =	swait.ge [sflag:s3], $0x4000  }
0xba: {  	[sflag:s3] =	ssyncset.done $0x0  }
0xbb: {  	[sflag:s3] =	ssyncadd.s32 $0xFFFFC000  }
0xbc: {  	[tilespmem:s2], [sflag:$0x2] =	stream.linear.gather [hbm4b:s17+s2], $0x4000, $0x38;
	[tilespmem:$0x8000] =	vst v63  }
0xbd: {  	_ =	swait.ge [sflag:s3], $0x4000  }
0xbe: {  	[sflag:s3] =	ssyncset.done $0x0  }
0xbf: {  	[sflag:s3] =	ssyncadd.s32 $0xFFFFC000  }
0xc0: {  	[tilespmem:s6], [sflag:$0x1] =	stream.indirect.gather [hbm4b:s5+s6], $0x1, s2, s6, $0xb8;
	[tilespmem:$0x8000] =	vst v63  }
0xc1: {  	_ =	swait.ge [sflag:s7], $0x4000  }
0xc2: {  	[sflag:s7] =	ssyncset.done $0x0  }
0xc3: {  	[sflag:s7] =	ssyncadd.s32 $0xFFFFC000  }
0xc4: {  	[hbm4b:s18+s2] =	stream.linear.scatter [tilespmem:s6], [sflag:$0x2], $0x4000, $0x38;
	[tilespmem:$0x8000] =	vst v63  }
0xc5: {  	_ =	swait.ge [sflag:s3], $0x4000  }
0xc6: {  	[sflag:s3] =	ssyncset.done $0x0  }
0xc7: {  	[sflag:s3] =	ssyncadd.s32 $0xFFFFC000  }
0xc8: {  	[tilespmem:s2], [sflag:$0x2] =	stream.linear.gather [hbm4b:s19+s2], $0x4000, $0x38;
	[tilespmem:$0x8000] =	vst v63  }
0xc9: {  	_ =	swait.ge [sflag:s3], $0x4000  }
0xca: {  	[sflag:s3] =	ssyncset.done $0x0  }
0xcb: {  	[sflag:s3] =	ssyncadd.s32 $0xFFFFC000  }
0xcc: {  	[tilespmem:s6], [sflag:$0x1] =	stream.indirect.gather [hbm4b:s5+s6], $0x1, s2, s6, $0xb8;
	[tilespmem:$0x8000] =	vst v63  }
0xcd: {  	_ =	swait.ge [sflag:s7], $0x4000  }
0xce: {  	[sflag:s7] =	ssyncset.done $0x0  }
0xcf: {  	[sflag:s7] =	ssyncadd.s32 $0xFFFFC000  }
0xd0: {  	[hbm4b:s20+s2] =	stream.linear.scatter [tilespmem:s6], [sflag:$0x2], $0x4000, $0x38;
	[tilespmem:$0x8000] =	vst v63  }
0xd1: {  	_ =	swait.ge [sflag:s3], $0x4000  }
0xd2: {  	[sflag:s3] =	ssyncset.done $0x0  }
0xd3: {  	[sflag:s3] =	ssyncadd.s32 $0xFFFFC000  }
0xd4: {  	[tilespmem:s2], [sflag:$0x2] =	stream.linear.gather [hbm4b:s21+s2], $0x4000, $0x38;
	[tilespmem:$0x8000] =	vst v63  }
0xd5: {  	_ =	swait.ge [sflag:s3], $0x4000  }
0xd6: {  	[sflag:s3] =	ssyncset.done $0x0  }
0xd7: {  	[sflag:s3] =	ssyncadd.s32 $0xFFFFC000  }
0xd8: {  	[tilespmem:s6], [sflag:$0x1] =	stream.indirect.gather [hbm4b:s5+s6], $0x1, s2, s6, $0xb8;
	[tilespmem:$0x8000] =	vst v63  }
0xd9: {  	_ =	swait.ge [sflag:s7], $0x4000  }
0xda: {  	[sflag:s7] =	ssyncset.done $0x0  }
0xdb: {  	[sflag:s7] =	ssyncadd.s32 $0xFFFFC000  }
0xdc: {  	[hbm4b:s22+s2] =	stream.linear.scatter [tilespmem:s6], [sflag:$0x2], $0x4000, $0x38;
	[tilespmem:$0x8000] =	vst v63  }
0xdd: {  	_ =	swait.ge [sflag:s3], $0x4000  }
0xde: {  	[sflag:s3] =	ssyncset.done $0x0  }
0xdf: {  	[sflag:s3] =	ssyncadd.s32 $0xFFFFC000  }
0xe0: {  	[tilespmem:s2], [sflag:$0x2] =	stream.linear.gather [hbm4b:s23+s2], $0x4000, $0x38;
	[tilespmem:$0x8000] =	vst v63  }
0xe1: {  	_ =	swait.ge [sflag:s3], $0x4000  }
0xe2: {  	[sflag:s3] =	ssyncset.done $0x0  }
0xe3: {  	[sflag:s3] =	ssyncadd.s32 $0xFFFFC000  }
0xe4: {  	[tilespmem:s6], [sflag:$0x1] =	stream.indirect.gather [hbm4b:s5+s6], $0x1, s2, s6, $0xb8;
	[tilespmem:$0x8000] =	vst v63  }
0xe5: {  	_ =	swait.ge [sflag:s7], $0x4000  }
0xe6: {  	[sflag:s7] =	ssyncset.done $0x0  }
0xe7: {  	[sflag:s7] =	ssyncadd.s32 $0xFFFFC000  }
0xe8: {  	[hbm4b:s24+s2] =	stream.linear.scatter [tilespmem:s6], [sflag:$0x2], $0x4000, $0x38;
	[tilespmem:$0x8000] =	vst v63  }
0xe9: {  	_ =	swait.ge [sflag:s3], $0x4000  }
0xea: {  	[sflag:s3] =	ssyncset.done $0x0  }
0xeb: {  	[sflag:s3] =	ssyncadd.s32 $0xFFFFC000  }
0xec: {  	[tilespmem:s2], [sflag:$0x2] =	stream.linear.gather [hbm4b:s25+s2], $0x2DE0, $0x38;
	[tilespmem:$0x8000] =	vst v63  }
0xed: {  	_ =	swait.ge [sflag:s3], $0x2DE0  }
0xee: {  	[sflag:s3] =	ssyncset.done $0x0  }
0xef: {  	[sflag:s3] =	ssyncadd.s32 $0xFFFFD220  }
0xf0: {  	[tilespmem:s6], [sflag:$0x1] =	stream.indirect.gather [hbm4b:s5+s26], $0x1, s2, s26, $0xb8;
	[tilespmem:$0x8000] =	vst v63  }
0xf1: {  	_ =	swait.ge [sflag:s7], $0x2DE0  }
.Ltmp1:
0xf2: {  	[sflag:s7] =	ssyncset.done $0x0;
	(pc) =	sbr.rel @p0 .LBB2_1-.Ltmp1, $4  }
0xf3: {  	[sflag:s7] =	ssyncadd.s32 $0xFFFFD220  }
0xf4: {  	[hbm4b:s28+s2] =	stream.linear.scatter [tilespmem:s6], [sflag:$0x2], $0x2DE0, $0x38;
	[tilespmem:$0x8000] =	vst v63  }
0xf5: {  	_ =	swait.ge [sflag:s3], $0x2DE0  }
0xf6: {  	[sflag:s3] =	ssyncset.done $0x0  }
.LBB2_2:
0xf7: {  	[sflag:s3] =	ssyncadd.s32 $0xFFFFD220  }
0xf8: {  	_ =	sfence.sel $0x180000  }
0xf9: {  	[bflag:$0x0] =	sbarrier.arrive $0xFFFF  }
0xfa: {  	p0 =	sne.s32 s0, $0x0;
	_ =	strace $0x9000004D  }
0xfb: {  	s0 =	sadd.s32 @!p0 $0x100000, s1;
	[bflag:$0x2] =	sbarrier.arrive $0xFFFF  }
0xfc: {  	[sflag:s0] =	ssyncadd.tile.s32 @!p0 $0x1;
	_ =	shalt  }
.Lfunc_end2:
_tile_overlayer_lowered:
.L_overlay_start_2:
0xfd: {  	(tag) =	ssettag $0x2  }
0xfe: {  	s0 =	rddreg [dreg:$0x0];
	s2 =	stileid.u32  }
0xff: {  	s1 =	rddreg [dreg:$0x1];
	p0 =	sne.s32 s2, $0x0  }
0x100: {  	s3 =	rddreg [dreg:$0x2];
	[bflag:$0x3] =	sbarrier.arrive $0xFFFF;
	s2 =	simm.s32 @!p0 $0x1C02  }
0x101: {  	[timem:s3], [sflag:s2] =	dma.local @!p0 [hbm:s0], s1  }
0x102: {  	s0 =	simm.s32 @!p0 $0x2  }
0x103: {  	_ =	swait.ge @!p0 [sflag:s0], s1  }
0x104: {  	s1 =	ssub.s32 @!p0 $0x0, s1;
	[sflag:s0] =	ssyncset.done @!p0 $0x0  }
0x105: {  	[sflag:s0] =	ssyncadd.s32 @!p0 s1  }
0x106: {  	[bflag:$0x3] =	sbarrier.arrive $0xFFFF  }
0x107: {  	_ =	shalt  }

// kernel: sparse-core-data-format-call.cloned.1.call-start
scs
called_computation_lowered:
.L_overlay_start_0:
0x0: {  	s1 =	sld [smem:$0x3FD9]  }
0x1: {  	s2 =	sld [smem:$0x3FFE];
	_ =	sdelay $0x1  }
0x2: {  	s3 =	srdreg.scid  }
0x3: {  	s0 =	sand.u32 $0x1, s3  }
0x4: {  	s17 =	sshll.u32 s0, $0xA;
	s1 =	sadd.s32 s2, s1  }
0x5: {  	s1 =	sadd.s32 s1, s17  }
0x6: {  	[smem:$0x3FC6] =	sst s1  }
0x7: {  	_ = 	snop  }
0x8: {  	(tm) =	ssettm $0x1  }
0x9: {  	s18 =	sld [smem:$0x3FFB];
	_ =	sdelay $0x3  }
0xa: {  	_ =	strace s18  }
0xb: {  	s1 =	sld [smem:$0x3FFC];
	_ =	sdelay $0x3  }
0xc: {  	_ =	strace s1  }
0xd: {  	s1 =	sld [smem:$0x3FFD];
	_ =	sdelay $0x3  }
0xe: {  	_ =	strace s1  }
0xf: {  	_ =	strace $0x8FFFFFFF  }
0x10: {  	s19 =	sld [smem:$0x3FDB];
	_ =	sdelay $0x1  }
0x11: {  	s20 =	simm.s32 $_scs_section_size  }
0x12: {  	s4 =	simm.s32 $_size__tile_overlayer_lowered;
	s5 =	simm.s32 $_tile_overlayer_lowered  }
0x13: {  	s23 =	simm.s32 $0x1BFF;
	s22 =	sshll.u32 s5, $0x1;
	s1 =	sadd.s32 s20, s19  }
0x14: {  	s6 =	simm.s32 $0x0;
	s21 =	sshll.u32 s4, $0x1;
	s4 =	sadd.s32 s22, s1  }
0x15: {  	[timem:s6], [sflag:s23] =	dma.local [hbm:s4], s21  }
0x16: {  	_ =	swait.ge [sflag:s23], s21  }
0x17: {  	s2 =	ssub.s32 $0x0, s21;
	[sflag:s23] =	ssyncset.done $0x0  }
0x18: {  	[sflag:s23] =	ssyncadd.s32 s2;
	_ =	sdelay $0x1  }
0x19: {  	s24 =	simm.s32 $0x1B8B  }
0x1a: {  	_ =	swait.ge [sflag:s24], $0x1  }
0x1b: {  	[sflag:s24] =	ssyncset.done $0x0  }
0x1c: {  	s26 =	simm.s32 $0x1B8E;
	s25 =	sld [smem:$0x3FFE];
	[sflag:s24] =	ssyncadd.s32 $0xFFFFFFFF  }
0x1d: {  	s27 =	simm.s32 $execute0_lowered;
	[smem:$0x3FD2] =	sst s26  }
0x1e: {  	s4 =	sshll.u32 s27, $0x1;
	_ =	strace $0x80000046;
	[dreg:$0x1] =	wrdreg $0xFFFFFFFF  }
0x1f: {  	s28 =	simm.s32 $_size_execute0_lowered;
	s1 =	sadd.s32 s1, s4;
	[dreg:$0x0] =	wrdreg $0x0  }
0x20: {  	s4 =	sshll.u32 s28, $0x1;
	[dreg:$0x2] =	wrdreg s1  }
0x21: {  	[dreg:$0x3] =	wrdreg s4  }
0x22: {  	[dreg:$0x4] =	wrdreg $0xC0  }
0x23: {  	_ =	task [dreg:s6], $0x5FFFF  }
0x24: {  	[dreg:$0x1] =	wrdreg $0xFFFFFFFF  }
0x25: {  	[dreg:$0x0] =	wrdreg $0x60  }
0x26: {  	[dreg:$0x2] =	wrdreg s25  }
0x27: {  	[dreg:$0x3] =	wrdreg $0x9  }
0x28: {  	_ =	task.clear_ibuf [dreg:s6], $0x4FFFF;
	_ =	strace $0x90000046  }
0x29: {  	s29 =	simm.s32 $0x9;
	_ =	strace $0x80000048  }
0x2a: {  	_ =	swait.ge [sflag:s29], $0x1  }
0x2b: {  	[sflag:s29] =	ssyncadd.s32 $0xFFFFFFFF  }
0x2c: {  	_ =	strace $0x90000048  }
0x2d: {  	_ =	sfence  }
0x2e: {  	s30 =	sld [smem:$0x0];
	_ =	sdelay $0x2  }
0x2f: {  	s31 =	sshll.u32 s3, $0xD;
	s3 =	sshrl.u32 s3, $0x2  }
0x30: {  	s2 =	sand.u32 $0x4000, s31;
	s1 =	sadd.s32 s3, s30  }
0x31: {  	s0 =	sor.u32 s2, s0;
	s1 =	sshll.u32 s1, $0x11  }
0x32: {  	s0 =	sor.u32 s1, s0  }
0x33: {  	s0 =	sadd.s32 $0x8F2B, s0  }
0x34: {  	[sflag:s0] =	ssyncadd.remote.s32 $0x1  }
0x35: {  	_ =	sfence.sel $0xFFFF  }
0x36: {  	[dreg:$0x0] =	wrdreg $0xFFFFFFFF;
	(pc) =	sbr.abs _section_cstart, $3  }
0x37: {  	[dreg:$0x1] =	wrdreg $0xFFFFFFFF  }
0x38: {  	_ =	task.clear_ibuf [dreg:s6], $0x2FFFF;
	_ =	strace $0x9FFFFFFF  }
0x39: {  	(tm) =	ssettm $0x7FFFFFFF  }
tec
execute0_lowered:
.L_overlay_start_1:
0x0: {  	(tag) =	ssettag $0x1  }
0x1: {  	s0 =	srdreg.scid  }
0x2: {  	s1 =	sshll.u32 s0, $0x4  }
0x3: {  	s2 =	rddreg [dreg:$0x0];
	s0 =	stileid.u32;
	s1 =	sand.u32 $0x10, s1  }
0x4: {  	s4 =	simm.s32 $0x1;
	s7 =	simm.s32 $0x2;
	s1 =	sor.u32 s0, s1  }
0x5: {  	s12 =	simm.s32 $0x0;
	s9 =	simm.s32 $0x0;
	s3 =	sshll.u32 s1, $0x7  }
0x6: {  	s11 =	simm.s32 $0x0;
	s1 =	rddreg [dreg:$0x1];
	s5 =	ssub.s32 $0x4DBC00, s3  }
.Ltmp0:
0x7: {  	_ =	strace $0x80000047;
	s6 =	sand.u32 $0xF80, s5;
	(pc) =	sbr.rel .LBB1_1-.Ltmp0, $4  }
0x8: {  	[sflag:s4] =	ssyncpa.u1 $0x0;
	p0 =	sne.s32 s6, $0x0;
	s6 =	simm.s32 $0x1  }
0x9: {  	s10 =	smov.u32 s3;
	s8 =	sshrl.u32 s5, $0xC;
	s6 =	simm.s32 @!p0 $0x0  }
0xa: {  	s5 =	sadd.s32 $0x3A5000, s2;
	[sflag:s7] =	ssyncpa.u1 $0x0;
	s6 =	sadd.s32 s6, s8  }
0xb: {  	p0 =	por $0x0, $0x0;
	s8 =	simm.s32 $0x136F000;
	s7 =	sadd.s32 $0x1, s6  }
.LBB1_4:
0xc: {  	s15 =	sshll.u32 s9, $0x2  }
0xd: {  	s16 =	sand.u32 $0x7F, s9;
	s17 =	sand.u32 $0xFFFFFE00, s15  }
0xe: {  	s15 =	smulhi.u32 $0x69627013, s15;
	s16 =	sor.u32 s16, s17  }
0xf: {  	p1 =	sgt.s32 s9, $0x4DBB80;
	s18 =	smov.u32 s9;
	s17 =	smulhi.u32 $0x69627013, s16  }
0x10: {  	s19 =	sshra.s32 s9, $0x1F;
	s18 =	simm.s32 @!p1 $0x4DBB80  }
0x11: {  	s19 =	sand.u32 s19, s9;
	s15 =	sshrl.u32 s15, $0x15;
	s17 =	sshrl.u32 s17, $0x15  }
0x12: {  	s18 =	ssub.s32 s18, s19;
	s15 =	sand.u32 $0x3, s15;
	s17 =	smul.u32 $0x4DBC00, s17  }
0x13: {  	s18 =	sadd.s32 $0xFFB24480, s18;
	s15 =	smul.u32 $0x9B780, s15  }
0x14: {  	s27 =	sshll.u32 s18, $0x4;
	p1 =	sgt.s32 s18, $0x7F;
	s16 =	ssub.s32 s16, s17  }
0x15: {  	s28 =	ssub.s32 $0x800, s27;
	s15 =	sadd.s32 s2, s15;
	s29 =	sand.u32 $0x7, s16  }
0x16: {  	s17 =	sshrl.u32 s28, $0x2;
	s16 =	sshrl.u32 s16, $0x3;
	s18 =	sshll.u32 s29, $0x12  }
0x17: {  	[tilespmem:s14+$0x0 ss:$0x81] =	vst.msk $0xffff, v0;
	s17 =	simm.s32 @p1 $0x0;
	s30 =	sadd.s32 s16, s15;
	s31 =	sor.u32 $0x200, s18  }
0x18: {  	[hbm4b:s30+s31] =	stream.strided.scatter [tilespmem:s13], [sflag:$0x2], s17, s8, s31, $0x20;
	[tilespmem:$0x4040] =	vst v63  }
.LBB1_5:
0x19: {  	p1 =	slt.u32 s11, $0x2  }
0x1a: {  	p2 =	sgt.s32 @!p1 s12, $0x4DBB80  }
0x1b: {  	s13 =	smov.u32 s12;
	s14 =	sshra.s32 @!p1 s12, $0x1F;
	p2 =	por !p2, p1  }
0x1c: {  	s12 =	sand.u32 @!p1 s14, s12;
	s13 =	simm.s32 @p2 $0x4DBB80  }
0x1d: {  	s12 =	ssub.s32 @!p1 s13, s12  }
0x1e: {  	s12 =	sadd.s32 @!p1 $0xFFB24480, s12  }
0x1f: {  	s13 =	sshll.u32 @!p1 s12, $0x4  }
0x20: {  	p2 =	sgt.s32 @!p1 s12, $0x7F;
	s12 =	ssub.s32 @!p1 $0x800, s13  }
0x21: {  	s14 =	sadd.s32 $0x1000, s10;
	p2 =	por !p2, p1;
	s12 =	sshrl.u32 @!p1 s12, $0x2  }
0x22: {  	s12 =	simm.s32 @!p2 $0x0;
	p2 =	sgt.s32 s14, $0x4DBBFF  }
0x23: {  	s14 =	smov.u32 @p2 s3;
	p2 =	sne.s32 s11, s7  }
.Ltmp1:
0x24: {  	_ = 	snop;
	(pc) =	sbr.rel @!p2 .LBB1_6-.Ltmp1, $4  }
0x25: {  	s13 =	simm.s32 @!p1 $0x2  }
0x26: {  	p0 =	por !p0, !p0;
	_ =	swait.ge @!p1 [sflag:s13], s12;
	s15 =	ssub.s32 @!p1 $0x0, s12  }
0x27: {  	s12 =	smov.u32 s9;
	s11 =	sadd.s32 $0x1, s11;
	[sflag:s13] =	ssyncset.done @!p1 $0x0  }
0x28: {  	s9 =	smov.u32 s10;
	s10 =	smov.u32 s14;
	[sflag:s13] =	ssyncadd.s32 @!p1 s15  }
.LBB1_1:
0x29: {  	p1 =	sge.u32 s11, s6  }
0x2a: {  	s13 =	sand.u32 @!p1 $0x1FFFFFF, s10  }
0x2b: {  	s14 =	smulhi.u32 @!p1 $0x1A589C1, s13;
	_ =	sdelay $0x1  }
0x2c: {  	s14 =	sshrl.u32 @!p1 s14, $0xF  }
0x2d: {  	s14 =	smul.u32 @!p1 $0x4DBC00, s14;
	_ =	sdelay $0x1  }
0x2e: {  	s31 =	sadd.s32 $0xFFFFFFFF, s11;
	s15 =	sxor.u32 @!p1 $0xFFFFFFFF, s11;
	s13 =	ssub.s32 @!p1 s13, s14  }
0x2f: {  	s16 =	simm.s32 @!p1 $0x80;
	s15 =	sshll.u32 @!p1 s15, $0xC;
	s13 =	sshll.u32 @!p1 s13, $0x4  }
0x30: {  	s14 =	sand.u32 @!p1 $0x1000, s15;
	s15 =	simm.s32 @!p1 $0x20;
	s13 =	sadd.s32 @!p1 s5, s13  }
0x31: {  	[tilespmem:s14], [sflag:$0x1] =	stream.strided.gather @!p1 [hbm4b:s13+s15], $0x1000, s16, s15, $0x38;
	[tilespmem:$0x4040] =	vst v63  }
0x32: {  	p1 =	sge.u32 s31, s6  }
.Ltmp2:
0x33: {  	_ = 	snop;
	(pc) =	sbr.rel @p1 .LBB1_5-.Ltmp2, $1  }
0x34: {  	_ =	sdelay $0x3  }
0x35: {  	s13 =	simm.s32 $0x1  }
0x36: {  	_ =	swait.ge [sflag:s4], $0x1000;
	s13 =	simm.s32 @!p0 $0x0  }
0x37: {  	[sflag:s4] =	ssyncset.done $0x0;
	s14 =	sshll.u32 s13, $0xC  }
0x38: {  	[sflag:s4] =	ssyncadd.s32 $0xFFFFF000;
	s17 =	sor.u32 $0x10, s14  }
0x39: {  	s13 =	smul.u32 $0x4080, s13;
	v1 =	vld [tilespmem:s17+$0x0]  }
0x3a: {  	s30 =	sand.u32 $0x1, s11;
	v0 =	vld [tilespmem:s17+$0xFFFFFFF0]  }
0x3b: {  	s14 =	smul.u32 $0x4080, s30;
	s13 =	sshrl.u32 s13, $0x2  }
0x3c: {  	s15 =	sor.u32 $0x2000, s13  }
0x3d: {  	s31 =	sshrl.u32 s14, $0x2;
	s14 =	sadd.s32 $0x0, s15  }
0x3e: {  	s16 =	simm.s32 $0x4;
	s17 =	sadd.s32 $0x20, s17;
	s13 =	sor.u32 $0x2000, s31;
	[tilespmem:s14+$0x810 ss:$0x81] =	vst.msk $0xffff, v1  }
.LBB1_3:
0x3f: {  	v1 =	vld [tilespmem:s17+$0x0];
	p1 =	sne.s32 s16, $0x1FC;
	[tilespmem:s14+$0x0 ss:$0x81] =	vst.msk $0xffff, v0;
	s14 =	smov.u32 s16;
	s16 =	sadd.s32 $0x4, s16  }
.Ltmp3:
0x40: {  	v0 =	vld [tilespmem:s17+$0xFFFFFFF0];
	(pc) =	sbr.rel @p1 .LBB1_3-.Ltmp3, $4  }
0x41: {  	_ = 	snop  }
0x42: {  	s14 =	sshra.s32 s14, $0x2  }
0x43: {  	s14 =	sadd.s32 s14, s15  }
0x44: {  	s17 =	sadd.s32 $0x20, s17;
	[tilespmem:s14+$0x810 ss:$0x81] =	vst.msk $0xffff, v1  }
.Ltmp4:
0x45: {  	_ = 	snop;
	(pc) =	sbr.rel .LBB1_4-.Ltmp4, $1  }
0x46: {  	_ =	sdelay $0x3  }
.LBB1_6:
0x47: {  	_ =	sfence.sel $0x180000  }
0x48: {  	s2 =	simm.s32 $0x1;
	[bflag:$0x0] =	sbarrier.arrive $0xFFFF  }
0x49: {  	s31 =	simm.s32 $0x2;
	[sflag:s2] =	ssyncpa.u1 $0x1  }
0x4a: {  	[sflag:s31] =	ssyncpa.u1 $0x1  }
0x4b: {  	p0 =	sne.s32 s0, $0x0;
	_ =	strace $0x90000047  }
0x4c: {  	s0 =	sadd.s32 @!p0 $0x100000, s1;
	[bflag:$0x2] =	sbarrier.arrive $0xFFFF  }
0x4d: {  	[sflag:s0] =	ssyncadd.tile.s32 @!p0 $0x1;
	_ =	shalt  }
.Lfunc_end1:
_tile_overlayer_lowered:
.L_overlay_start_2:
0x4e: {  	(tag) =	ssettag $0x2  }
0x4f: {  	s0 =	rddreg [dreg:$0x0];
	s2 =	stileid.u32  }
0x50: {  	s1 =	rddreg [dreg:$0x1];
	p0 =	sne.s32 s2, $0x0  }
0x51: {  	s3 =	rddreg [dreg:$0x2];
	[bflag:$0x3] =	sbarrier.arrive $0xFFFF;
	s2 =	simm.s32 @!p0 $0x1C01  }
0x52: {  	[timem:s3], [sflag:s2] =	dma.local @!p0 [hbm:s0], s1  }
0x53: {  	s0 =	simm.s32 @!p0 $0x1  }
0x54: {  	_ =	swait.ge @!p0 [sflag:s0], s1  }
0x55: {  	s1 =	ssub.s32 @!p0 $0x0, s1;
	[sflag:s0] =	ssyncset.done @!p0 $0x0  }
0x56: {  	[sflag:s0] =	ssyncadd.s32 @!p0 s1  }
0x57: {  	[bflag:$0x3] =	sbarrier.arrive $0xFFFF  }
0x58: {  	_ =	shalt  }

</sc_bundles>
